<compile_context>
chip_gen: v7x
topology: tpu7x:2x2x1
jax: 0.10.2.dev20260603
libtpu: 0.0.44.dev20260713+nightly
codegen_flags: <defaults>
</compile_context>

<pallas_src>
import functools

import jax
import jax.numpy as jnp
from jax import lax
from jax.experimental import pallas as pl
from jax.experimental.pallas import tpu as pltpu
from jax.experimental.pallas import tpu_sc as plsc

N = 10000
E = 320000
G = 256
D = 128
RDKIT = 200
HID = 512

NC = 2
NS = 16
NW = NC * NS
EPW = E // NW
KCH = 40
NCHUNK = EPW // KCH
ZR = 40
NZCH = N // ZR

RB = 1000
NBLK = N // RB


def _prelude_body(x_ref, emb_ref, be_ref, h_ref, t_ref):
    xb = x_ref[...]
    iot = lax.broadcasted_iota(jnp.int32, (RB, 128), 1)
    acc = jnp.zeros((RB, D), jnp.float32)
    for i in range(9):
        oh = (iot == xb[:, i:i + 1]).astype(jnp.float32)
        acc = acc + jnp.dot(oh, emb_ref[i], preferred_element_type=jnp.float32)
    h_ref[...] = acc

    @pl.when(pl.program_id(0) == 0)
    def _():
        r = lax.broadcasted_iota(jnp.int32, (4096, 16), 0)
        c = lax.broadcasted_iota(jnp.int32, (4096, 16), 1)
        t = jnp.dot(((r >> 8) == c).astype(jnp.float32), be_ref[0],
                    preferred_element_type=jnp.float32)
        t = t + jnp.dot((((r >> 4) & 15) == c).astype(jnp.float32), be_ref[1],
                        preferred_element_type=jnp.float32)
        t = t + jnp.dot(((r & 15) == c).astype(jnp.float32), be_ref[2],
                        preferred_element_type=jnp.float32)
        t_ref[...] = t


def _prelude(x, emb_pad, bond_emb):
    return pl.pallas_call(
        _prelude_body,
        grid=(NBLK,),
        in_specs=[
            pl.BlockSpec((RB, 9), lambda i: (i, 0)),
            pl.BlockSpec((9, 128, D), lambda i: (0, 0, 0)),
            pl.BlockSpec((3, 16, D), lambda i: (0, 0, 0)),
        ],
        out_specs=[
            pl.BlockSpec((RB, D), lambda i: (i, 0)),
            pl.BlockSpec((4096, D), lambda i: (0, 0)),
        ],
        out_shape=[
            jax.ShapeDtypeStruct((N, D), jnp.float32),
            jax.ShapeDtypeStruct((4096, D), jnp.float32),
        ],
    )(x, emb_pad, bond_emb)


_sc_mesh = plsc.VectorSubcoreMesh(
    core_axis_name="c", subcore_axis_name="s", num_cores=NC, num_subcores=NS)


HS = 4
NCPAD = -(-NCHUNK // HS) * HS


@functools.partial(
    pl.kernel,
    out_type=jax.ShapeDtypeStruct((NC * N, D), jnp.float32),
    mesh=_sc_mesh,
    scratch_types=[
        [pltpu.VMEM((KCH,), jnp.int32) for _ in range(HS)],
        [pltpu.VMEM((KCH,), jnp.int32) for _ in range(HS)],
        [pltpu.VMEM((KCH,), jnp.int32) for _ in range(HS)],
        [pltpu.VMEM((KCH, D), jnp.float32) for _ in range(HS)],
        [pltpu.VMEM((KCH, D), jnp.float32) for _ in range(HS)],
        pltpu.VMEM((8, D), jnp.float32),
        pltpu.VMEM_SHARED((N, D), jnp.float32),
        [pltpu.SemaphoreType.DMA for _ in range(HS)],
        [pltpu.SemaphoreType.DMA for _ in range(HS)],
        [pltpu.SemaphoreType.DMA for _ in range(HS)],
        [pltpu.SemaphoreType.DMA for _ in range(HS)],
        [pltpu.SemaphoreType.DMA for _ in range(HS)],
    ],
)
def _edge_kernel(h_hbm, t_hbm, src_hbm, key_hbm, dst_hbm, out_hbm,
                 sidxb, kidxb, didxb, hbufs, tbufs, zbuf, aggr,
                 isem, dsem, gsh, gst, ssem):
    cid = lax.axis_index("c")
    sid = lax.axis_index("s")
    wid = sid * NC + cid
    ebase = wid * EPW

    zv = jnp.zeros((16,), jnp.float32)

    @pl.loop(0, 8)
    def _zero_zbuf(r):
        for c8 in range(D // 16):
            zbuf[r, pl.ds(c8 * 16, 16)] = zv

    @pl.loop(sid, NZCH, step=NS)
    def _zero_aggr(j):
        zcps = [pltpu.make_async_copy(zbuf, aggr.at[pl.ds(j * ZR + i * 8, 8)],
                                      isem[0]) for i in range(ZR // 8)]
        for cp in zcps:
            cp.start()
        for cp in zcps:
            cp.wait()

    plsc.subcore_barrier()

    def sk_loads(k, s):
        off = ebase + k * KCH
        return (pltpu.make_async_copy(src_hbm.at[pl.ds(off, KCH)],
                                      sidxb[s], isem[s]),
                pltpu.make_async_copy(key_hbm.at[pl.ds(off, KCH)],
                                      kidxb[s], isem[s]))

    def d_load(k, s):
        off = ebase + k * KCH
        return pltpu.make_async_copy(dst_hbm.at[pl.ds(off, KCH)],
                                     didxb[s], dsem[s])

    def h_gather(s):
        return pltpu.make_async_copy(h_hbm.at[sidxb[s]], hbufs[s], gsh[s])

    def t_gather(s):
        return pltpu.make_async_copy(t_hbm.at[kidxb[s]], tbufs[s], gst[s])

    def scatter(s):
        return pltpu.make_async_copy(hbufs[s], aggr.at[didxb[s]], ssem[s])

    for k in range(3):
        for cp in sk_loads(k, k):
            cp.start()
    for k in range(2):
        d_load(k, k).start()
    for k in range(2):
        for cp in sk_loads(k, k):
            cp.wait()
        h_gather(k).start()
        t_gather(k).start()

    @pl.loop(0, NCPAD, step=HS)
    def _chunks(ci):
        for j in range(HS):
            k = ci + j
            s = j
            s2 = (j + 2) % HS
            s3 = (j + 3) % HS

            @pl.when(k >= 2)
            def _(s2=s2):
                scatter(s2).wait()

            @pl.when(k + 2 < NCHUNK)
            def _(k=k, s2=s2):
                d_load(k + 2, s2).start()

            @pl.when(k + 3 < NCHUNK)
            def _(k=k, s3=s3):
                for cp in sk_loads(k + 3, s3):
                    cp.start()

            @pl.when(k + 2 < NCHUNK)
            def _(k=k, s2=s2):
                for cp in sk_loads(k + 2, s2):
                    cp.wait()
                h_gather(s2).start()
                t_gather(s2).start()

            @pl.when(k < NCHUNK)
            def _(k=k, s=s):
                h_gather(s).wait()
                t_gather(s).wait()
                hbuf, tbuf = hbufs[s], tbufs[s]

                @pl.loop(0, KCH)
                def _rows(r):
                    for c8 in range(D // 16):
                        sl = pl.ds(c8 * 16, 16)
                        hbuf[r, sl] = jnp.maximum(hbuf[r, sl] + tbuf[r, sl],
                                                  0.0)

                d_load(k, s).wait()
                scatter(s).start(add=True)

    plsc.subcore_barrier()

    def wb_copy(j):
        return pltpu.make_async_copy(aggr.at[pl.ds(j * ZR, ZR)],
                                     out_hbm.at[pl.ds(cid * N + j * ZR, ZR)],
                                     dsem[0])

    @pl.loop(sid, NZCH, step=NS)
    def _writeback(j):
        wb_copy(j).start()

    @pl.loop(sid, NZCH, step=NS)
    def _writeback_drain(j):
        wb_copy(j).wait()


def _update_body(h_ref, a0_ref, a1_ref, wa_ref, ba_ref, wb_ref, bb_ref, o_ref):
    z = h_ref[...] + a0_ref[0] + a1_ref[0]
    y = jnp.maximum(
        jnp.dot(z, wa_ref[...], preferred_element_type=jnp.float32)
        + ba_ref[...], 0.0)
    o_ref[...] = (jnp.dot(y, wb_ref[...], preferred_element_type=jnp.float32)
                  + bb_ref[...])


def _node_update(h, agg, wa, ba, wb, bb):
    return pl.pallas_call(
        _update_body,
        grid=(NBLK,),
        in_specs=[
            pl.BlockSpec((RB, D), lambda i: (i, 0)),
            pl.BlockSpec((1, RB, D), lambda i: (0, i, 0)),
            pl.BlockSpec((1, RB, D), lambda i: (1, i, 0)),
            pl.BlockSpec((D, D), lambda i: (0, 0)),
            pl.BlockSpec((1, D), lambda i: (0, 0)),
            pl.BlockSpec((D, D), lambda i: (0, 0)),
            pl.BlockSpec((1, D), lambda i: (0, 0)),
        ],
        out_specs=pl.BlockSpec((RB, D), lambda i: (i, 0)),
        out_shape=jax.ShapeDtypeStruct((N, D), jnp.float32),
    )(h, agg, agg, wa, ba, wb, bb)


def _update_pool_body(h_ref, a0_ref, a1_ref, wa_ref, ba_ref, wb_ref, bb_ref,
                      bt_ref, rd_ref, w1a_ref, w1b_ref, b1_ref,
                      w2_ref, b2_ref, w3_ref, b3_ref, o_ref, sums, cnts):
    i = pl.program_id(0)

    z = h_ref[...] + a0_ref[0] + a1_ref[0]
    y = jnp.maximum(
        jnp.dot(z, wa_ref[...], preferred_element_type=jnp.float32)
        + ba_ref[...], 0.0)
    h2 = (jnp.dot(y, wb_ref[...], preferred_element_type=jnp.float32)
          + bb_ref[...])

    @pl.when(i == 0)
    def _():
        sums[...] = jnp.zeros((G, D), jnp.float32)
        cnts[...] = jnp.zeros((G, D), jnp.float32)

    b = bt_ref[0]
    oh = (lax.broadcasted_iota(jnp.int32, (G, RB), 0)
          == jnp.broadcast_to(b, (G, RB))).astype(jnp.float32)
    sums[...] += jnp.dot(oh, h2, preferred_element_type=jnp.float32)
    cnts[...] += jnp.dot(oh, jnp.ones((RB, D), jnp.float32),
                         preferred_element_type=jnp.float32)

    @pl.when(i == NBLK - 1)
    def _():
        pooled = sums[...] / jnp.maximum(cnts[...], 1.0)
        z1 = jnp.maximum(
            jnp.dot(pooled, w1a_ref[...], preferred_element_type=jnp.float32)
            + jnp.dot(rd_ref[...], w1b_ref[...],
                      preferred_element_type=jnp.float32)
            + b1_ref[...], 0.0)
        z2 = jnp.maximum(
            jnp.dot(z1, w2_ref[...], preferred_element_type=jnp.float32)
            + b2_ref[...], 0.0)
        o_ref[...] = (jnp.dot(z2, w3_ref[...],
                              preferred_element_type=jnp.float32)
                      + b3_ref[...])


def _update_pool(h, agg, wa, ba, wb, bb, batch3, rdkit,
                 w1a, w1b, b1, w2, b2, w3p, b3p):
    return pl.pallas_call(
        _update_pool_body,
        grid=(NBLK,),
        in_specs=[
            pl.BlockSpec((RB, D), lambda i: (i, 0)),
            pl.BlockSpec((1, RB, D), lambda i: (0, i, 0)),
            pl.BlockSpec((1, RB, D), lambda i: (1, i, 0)),
            pl.BlockSpec((D, D), lambda i: (0, 0)),
            pl.BlockSpec((1, D), lambda i: (0, 0)),
            pl.BlockSpec((D, D), lambda i: (0, 0)),
            pl.BlockSpec((1, D), lambda i: (0, 0)),
            pl.BlockSpec((1, 1, RB), lambda i: (i, 0, 0)),
            pl.BlockSpec((G, RDKIT), lambda i: (0, 0)),
            pl.BlockSpec((D, HID), lambda i: (0, 0)),
            pl.BlockSpec((RDKIT, HID), lambda i: (0, 0)),
            pl.BlockSpec((1, HID), lambda i: (0, 0)),
            pl.BlockSpec((HID, HID // 2), lambda i: (0, 0)),
            pl.BlockSpec((1, HID // 2), lambda i: (0, 0)),
            pl.BlockSpec((HID // 2, 128), lambda i: (0, 0)),
            pl.BlockSpec((1, 128), lambda i: (0, 0)),
        ],
        out_specs=pl.BlockSpec((G, 128), lambda i: (0, 0)),
        out_shape=jax.ShapeDtypeStruct((G, 128), jnp.float32),
        scratch_shapes=[
            pltpu.VMEM((G, D), jnp.float32),
            pltpu.VMEM((G, D), jnp.float32),
        ],
    )(h, agg, agg, wa, ba, wb, bb, batch3, rdkit,
      w1a, w1b, b1, w2, b2, w3p, b3p)


def kernel(x, edge_index, edge_attr, batch, rdkit_feats, atom_emb, bond_emb,
           W1a, b1a, W1b, b1b, W2a, b2a, W2b, b2b,
           M1W, M1b, M2W, M2b, M3W, M3b):
    emb_pad = jnp.pad(atom_emb, ((0, 0), (0, 128 - 100), (0, 0)))
    h, ttab = _prelude(x, emb_pad, bond_emb)

    src = edge_index[0]
    dst = edge_index[1]
    key = edge_attr[:, 0] * 256 + edge_attr[:, 1] * 16 + edge_attr[:, 2]

    agg = _edge_kernel(h, ttab, src, key, dst).reshape(2, N, D)
    h = _node_update(h, agg, W1a, b1a[None], W1b, b1b[None])
    agg = _edge_kernel(h, ttab, src, key, dst).reshape(2, N, D)

    batch3 = batch.reshape(NBLK, 1, RB)
    w3p = jnp.pad(M3W, ((0, 0), (0, 127)))
    b3p = jnp.pad(M3b[None], ((0, 0), (0, 127)))
    out_full = _update_pool(h, agg, W2a, b2a[None], W2b, b2b[None],
                            batch3, rdkit_feats,
                            M1W[:D], M1W[D:], M1b[None], M2W, M2b[None],
                            w3p, b3p)
    return out_full[:, :1]

# --- scband reference (transcript-rebuilt; emitter-appended) ---
"""Pipeline reference for scband-hybrid-gnn-22162031247392 (READ-ONLY COPY).

The authoritative reference and input builder live on the scoring server;
editing this copy changes nothing except your own understanding.
"""

import jax, jax.numpy as jnp
import numpy as np

N = 10000
E = 320000
G = 256
GNN_DIM = 128
RDKIT_DIM = 200
HIDDEN = 512
ATOM_VOCAB = 100
BOND_VOCAB = 16


def setup_inputs(seed: int = 0) -> dict:
    key = jax.random.key(seed)
    ks = jax.random.split(key, 24)
    s = 0.02
    inp = {}
    inp['x'] = jax.random.randint(ks[0], (N, 9), 0, ATOM_VOCAB, dtype=jnp.int32)
    inp['edge_index'] = jax.random.randint(ks[1], (2, E), 0, N, dtype=jnp.int32)
    inp['edge_attr'] = jax.random.randint(ks[2], (E, 3), 0, BOND_VOCAB, dtype=jnp.int32)
    inp['batch'] = jnp.sort(jax.random.randint(ks[3], (N,), 0, G, dtype=jnp.int32))
    inp['rdkit_feats'] = jax.random.normal(ks[4], (G, RDKIT_DIM), dtype=jnp.float32)
    inp['atom_emb'] = jax.random.normal(ks[5], (9, ATOM_VOCAB, GNN_DIM), dtype=jnp.float32) * s
    inp['bond_emb'] = jax.random.normal(ks[6], (3, BOND_VOCAB, GNN_DIM), dtype=jnp.float32) * s
    inp['W1a'] = jax.random.normal(ks[7], (GNN_DIM, GNN_DIM), dtype=jnp.float32) * s
    inp['b1a'] = jnp.zeros((GNN_DIM,), dtype=jnp.float32)
    inp['W1b'] = jax.random.normal(ks[8], (GNN_DIM, GNN_DIM), dtype=jnp.float32) * s
    inp['b1b'] = jnp.zeros((GNN_DIM,), dtype=jnp.float32)
    inp['W2a'] = jax.random.normal(ks[9], (GNN_DIM, GNN_DIM), dtype=jnp.float32) * s
    inp['b2a'] = jnp.zeros((GNN_DIM,), dtype=jnp.float32)
    inp['W2b'] = jax.random.normal(ks[10], (GNN_DIM, GNN_DIM), dtype=jnp.float32) * s
    inp['b2b'] = jnp.zeros((GNN_DIM,), dtype=jnp.float32)
    inp['M1W'] = jax.random.normal(ks[11], (GNN_DIM + RDKIT_DIM, HIDDEN), dtype=jnp.float32) * s
    inp['M1b'] = jnp.zeros((HIDDEN,), dtype=jnp.float32)
    inp['M2W'] = jax.random.normal(ks[12], (HIDDEN, HIDDEN // 2), dtype=jnp.float32) * s
    inp['M2b'] = jnp.zeros((HIDDEN // 2,), dtype=jnp.float32)
    inp['M3W'] = jax.random.normal(ks[13], (HIDDEN // 2, 1), dtype=jnp.float32) * s
    inp['M3b'] = jnp.zeros((1,), dtype=jnp.float32)
    return inp


def reference(x, edge_index, edge_attr, batch, rdkit_feats, atom_emb, bond_emb,
              W1a, b1a, W1b, b1b, W2a, b2a, W2b, b2b,
              M1W, M1b, M2W, M2b, M3W, M3b):
    # AtomEncoder: sum of per-feature categorical embeddings
    h = atom_emb[0][x[:, 0]]
    for i in range(1, 9):
        h = h + atom_emb[i][x[:, i]]
    # BondEncoder
    e = bond_emb[0][edge_attr[:, 0]]
    for i in range(1, 3):
        e = e + bond_emb[i][edge_attr[:, i]]
    src = edge_index[0]
    dst = edge_index[1]

    def gine(h, Wa, ba, Wb, bb):
        m = jax.nn.relu(h[src] + e)
        aggr = jax.ops.segment_sum(m, dst, num_segments=N)
        z = h + aggr  # (1 + eps) * x with eps = 0
        return jax.nn.relu(z @ Wa + ba) @ Wb + bb

    h = gine(h, W1a, b1a, W1b, b1b)
    h = gine(h, W2a, b2a, W2b, b2b)
    # global_mean_pool
    sums = jax.ops.segment_sum(h, batch, num_segments=G)
    counts = jax.ops.segment_sum(jnp.ones((N, 1), h.dtype), batch, num_segments=G)
    pooled = sums / jnp.maximum(counts, 1.0)
    z = jnp.concatenate([pooled, rdkit_feats], axis=1)
    # MLP (dropout = identity in eval)
    z = jax.nn.relu(z @ M1W + M1b)
    z = jax.nn.relu(z @ M2W + M2b)
    return z @ M3W + M3b

if __name__ == "__main__":
    import jax
    _d = setup_inputs()
    print(jax.jit(kernel)(*tuple(_d.values())))

</pallas_src>

<mosaic_0001>
#map = affine_map<(d0, d1) -> (0, 0)>
#map1 = affine_map<(d0, d1) -> (0)>
module attributes {stable_mosaic.version = 14 : i64} {
  func.func @_edge_kernel(%arg0: i32, %arg1: i32, %arg2: memref<10000x128xf32, #tpu.memory_space<hbm>>, %arg3: memref<4096x128xf32, #tpu.memory_space<hbm>>, %arg4: memref<320000xi32, #tpu.memory_space<hbm>>, %arg5: memref<320000xi32, #tpu.memory_space<hbm>>, %arg6: memref<320000xi32, #tpu.memory_space<hbm>>, %arg7: memref<20000x128xf32, #tpu.memory_space<hbm>>, %arg8: memref<40xi32, #tpu.memory_space<vmem>>, %arg9: memref<40xi32, #tpu.memory_space<vmem>>, %arg10: memref<40xi32, #tpu.memory_space<vmem>>, %arg11: memref<40xi32, #tpu.memory_space<vmem>>, %arg12: memref<40xi32, #tpu.memory_space<vmem>>, %arg13: memref<40xi32, #tpu.memory_space<vmem>>, %arg14: memref<40xi32, #tpu.memory_space<vmem>>, %arg15: memref<40xi32, #tpu.memory_space<vmem>>, %arg16: memref<40xi32, #tpu.memory_space<vmem>>, %arg17: memref<40xi32, #tpu.memory_space<vmem>>, %arg18: memref<40xi32, #tpu.memory_space<vmem>>, %arg19: memref<40xi32, #tpu.memory_space<vmem>>, %arg20: memref<40x128xf32, #tpu.memory_space<vmem>>, %arg21: memref<40x128xf32, #tpu.memory_space<vmem>>, %arg22: memref<40x128xf32, #tpu.memory_space<vmem>>, %arg23: memref<40x128xf32, #tpu.memory_space<vmem>>, %arg24: memref<40x128xf32, #tpu.memory_space<vmem>>, %arg25: memref<40x128xf32, #tpu.memory_space<vmem>>, %arg26: memref<40x128xf32, #tpu.memory_space<vmem>>, %arg27: memref<40x128xf32, #tpu.memory_space<vmem>>, %arg28: memref<8x128xf32, #tpu.memory_space<vmem>>, %arg29: memref<10000x128xf32, #tpu.memory_space<vmem_shared>>, %arg30: memref<!tpu.dma_semaphore, #tpu.memory_space<semaphore_mem>>, %arg31: memref<!tpu.dma_semaphore, #tpu.memory_space<semaphore_mem>>, %arg32: memref<!tpu.dma_semaphore, #tpu.memory_space<semaphore_mem>>, %arg33: memref<!tpu.dma_semaphore, #tpu.memory_space<semaphore_mem>>, %arg34: memref<!tpu.dma_semaphore, #tpu.memory_space<semaphore_mem>>, %arg35: memref<!tpu.dma_semaphore, #tpu.memory_space<semaphore_mem>>, %arg36: memref<!tpu.dma_semaphore, #tpu.memory_space<semaphore_mem>>, %arg37: memref<!tpu.dma_semaphore, #tpu.memory_space<semaphore_mem>>, %arg38: memref<!tpu.dma_semaphore, #tpu.memory_space<semaphore_mem>>, %arg39: memref<!tpu.dma_semaphore, #tpu.memory_space<semaphore_mem>>, %arg40: memref<!tpu.dma_semaphore, #tpu.memory_space<semaphore_mem>>, %arg41: memref<!tpu.dma_semaphore, #tpu.memory_space<semaphore_mem>>, %arg42: memref<!tpu.dma_semaphore, #tpu.memory_space<semaphore_mem>>, %arg43: memref<!tpu.dma_semaphore, #tpu.memory_space<semaphore_mem>>, %arg44: memref<!tpu.dma_semaphore, #tpu.memory_space<semaphore_mem>>, %arg45: memref<!tpu.dma_semaphore, #tpu.memory_space<semaphore_mem>>, %arg46: memref<!tpu.dma_semaphore, #tpu.memory_space<semaphore_mem>>, %arg47: memref<!tpu.dma_semaphore, #tpu.memory_space<semaphore_mem>>, %arg48: memref<!tpu.dma_semaphore, #tpu.memory_space<semaphore_mem>>, %arg49: memref<!tpu.dma_semaphore, #tpu.memory_space<semaphore_mem>>) attributes {dimension_semantics = [#tpu.dimension_semantics<core_parallel>, #tpu.dimension_semantics<subcore_parallel>], iteration_bounds = array<i64: 2, 16>, scalar_prefetch = 0 : i64, scratch_operands = 42 : i64, tpu.core_type = #tpu.core_type<sc_vector_subcore>, window_params = [{transform_indices = #map}, {transform_indices = #map}, {transform_indices = #map1}, {transform_indices = #map1}, {transform_indices = #map1}, {transform_indices = #map}]} {
    %mul3A = arith.constant 2 : i32
    %mul3A_0 = arith.muli %arg1, %mul3A : i32
    %add3A = arith.addi %mul3A_0, %arg0 : i32
    %mul3A_1 = arith.constant 10000 : i32
    %mul3A_2 = arith.muli %add3A, %mul3A_1 : i32
    %broadcast_in_dim3A = arith.constant 0.000000e+00 : f32
    %broadcast_in_dim3A_3 = vector.broadcast %broadcast_in_dim3A : f32 to vector<16xf32>
    %scan3A = arith.constant 0 : i32
    %scan3A_4 = arith.constant 8 : i32
    %scan3A_5 = arith.addi %scan3A, %scan3A_4 : i32
    %scan3A_6 = arith.constant 1 : i32
    scf.for %scan3A_113 = %scan3A to %scan3A_5 step %scan3A_6  : i32 {
      %mul3A_114 = arith.constant 1 : i32
      %mul3A_115 = arith.muli %scan3A_113, %mul3A_114 : i32
      %add3A_116 = arith.constant 0 : i32
      %add3A_117 = arith.addi %add3A_116, %mul3A_115 : i32
      %swap3A = arith.index_cast %add3A_117 : i32 to index
      %swap3A_118 = arith.constant 0 : index
      %swap3A_119 = tpu.vector_load %arg28[%swap3A, %swap3A_118] {strides = array<i32>} : memref<8x128xf32, #tpu.memory_space<vmem>>, vector<1x16xf32>,
      %swap3A_120 = vector.shape_cast %swap3A_119 : vector<1x16xf32> to vector<16xf32>
      %swap3A_121 = vector.shape_cast %broadcast_in_dim3A_3 : vector<16xf32> to vector<1x16xf32>
      tpu.vector_store %arg28[%swap3A, %swap3A_118], %swap3A_121 {strides = array<i32>} : memref<8x128xf32, #tpu.memory_space<vmem>>, vector<1x16xf32>,
      %swap3A_122 = arith.index_cast %add3A_117 : i32 to index
      %swap3A_123 = arith.constant 16 : index
      %swap3A_124 = tpu.vector_load %arg28[%swap3A_122, %swap3A_123] {strides = array<i32>} : memref<8x128xf32, #tpu.memory_space<vmem>>, vector<1x16xf32>,
      %swap3A_125 = vector.shape_cast %swap3A_124 : vector<1x16xf32> to vector<16xf32>
      %swap3A_126 = vector.shape_cast %broadcast_in_dim3A_3 : vector<16xf32> to vector<1x16xf32>
      tpu.vector_store %arg28[%swap3A_122, %swap3A_123], %swap3A_126 {strides = array<i32>} : memref<8x128xf32, #tpu.memory_space<vmem>>, vector<1x16xf32>,
      %swap3A_127 = arith.index_cast %add3A_117 : i32 to index
      %swap3A_128 = arith.constant 32 : index
      %swap3A_129 = tpu.vector_load %arg28[%swap3A_127, %swap3A_128] {strides = array<i32>} : memref<8x128xf32, #tpu.memory_space<vmem>>, vector<1x16xf32>,
      %swap3A_130 = vector.shape_cast %swap3A_129 : vector<1x16xf32> to vector<16xf32>
      %swap3A_131 = vector.shape_cast %broadcast_in_dim3A_3 : vector<16xf32> to vector<1x16xf32>
      tpu.vector_store %arg28[%swap3A_127, %swap3A_128], %swap3A_131 {strides = array<i32>} : memref<8x128xf32, #tpu.memory_space<vmem>>, vector<1x16xf32>,
      %swap3A_132 = arith.index_cast %add3A_117 : i32 to index
      %swap3A_133 = arith.constant 48 : index
      %swap3A_134 = tpu.vector_load %arg28[%swap3A_132, %swap3A_133] {strides = array<i32>} : memref<8x128xf32, #tpu.memory_space<vmem>>, vector<1x16xf32>,
      %swap3A_135 = vector.shape_cast %swap3A_134 : vector<1x16xf32> to vector<16xf32>
      %swap3A_136 = vector.shape_cast %broadcast_in_dim3A_3 : vector<16xf32> to vector<1x16xf32>
      tpu.vector_store %arg28[%swap3A_132, %swap3A_133], %swap3A_136 {strides = array<i32>} : memref<8x128xf32, #tpu.memory_space<vmem>>, vector<1x16xf32>,
      %swap3A_137 = arith.index_cast %add3A_117 : i32 to index
      %swap3A_138 = arith.constant 64 : index
      %swap3A_139 = tpu.vector_load %arg28[%swap3A_137, %swap3A_138] {strides = array<i32>} : memref<8x128xf32, #tpu.memory_space<vmem>>, vector<1x16xf32>,
      %swap3A_140 = vector.shape_cast %swap3A_139 : vector<1x16xf32> to vector<16xf32>
      %swap3A_141 = vector.shape_cast %broadcast_in_dim3A_3 : vector<16xf32> to vector<1x16xf32>
      tpu.vector_store %arg28[%swap3A_137, %swap3A_138], %swap3A_141 {strides = array<i32>} : memref<8x128xf32, #tpu.memory_space<vmem>>, vector<1x16xf32>,
      %swap3A_142 = arith.index_cast %add3A_117 : i32 to index
      %swap3A_143 = arith.constant 80 : index
      %swap3A_144 = tpu.vector_load %arg28[%swap3A_142, %swap3A_143] {strides = array<i32>} : memref<8x128xf32, #tpu.memory_space<vmem>>, vector<1x16xf32>,
      %swap3A_145 = vector.shape_cast %swap3A_144 : vector<1x16xf32> to vector<16xf32>
      %swap3A_146 = vector.shape_cast %broadcast_in_dim3A_3 : vector<16xf32> to vector<1x16xf32>
      tpu.vector_store %arg28[%swap3A_142, %swap3A_143], %swap3A_146 {strides = array<i32>} : memref<8x128xf32, #tpu.memory_space<vmem>>, vector<1x16xf32>,
      %swap3A_147 = arith.index_cast %add3A_117 : i32 to index
      %swap3A_148 = arith.constant 96 : index
      %swap3A_149 = tpu.vector_load %arg28[%swap3A_147, %swap3A_148] {strides = array<i32>} : memref<8x128xf32, #tpu.memory_space<vmem>>, vector<1x16xf32>,
      %swap3A_150 = vector.shape_cast %swap3A_149 : vector<1x16xf32> to vector<16xf32>
      %swap3A_151 = vector.shape_cast %broadcast_in_dim3A_3 : vector<16xf32> to vector<1x16xf32>
      tpu.vector_store %arg28[%swap3A_147, %swap3A_148], %swap3A_151 {strides = array<i32>} : memref<8x128xf32, #tpu.memory_space<vmem>>, vector<1x16xf32>,
      %swap3A_152 = arith.index_cast %add3A_117 : i32 to index
      %swap3A_153 = arith.constant 112 : index
      %swap3A_154 = tpu.vector_load %arg28[%swap3A_152, %swap3A_153] {strides = array<i32>} : memref<8x128xf32, #tpu.memory_space<vmem>>, vector<1x16xf32>,
      %swap3A_155 = vector.shape_cast %swap3A_154 : vector<1x16xf32> to vector<16xf32>
      %swap3A_156 = vector.shape_cast %broadcast_in_dim3A_3 : vector<16xf32> to vector<1x16xf32>
      tpu.vector_store %arg28[%swap3A_152, %swap3A_153], %swap3A_156 {strides = array<i32>} : memref<8x128xf32, #tpu.memory_space<vmem>>, vector<1x16xf32>,
    }
    %scan3A_7 = arith.constant 8 : i32
    %sub3A = arith.constant 250 : i32
    %sub3A_8 = arith.subi %sub3A, %arg1 : i32
    %sub3A_9 = arith.constant 16 : i32
    %sub3A_10 = arith.constant 1 : i32
    %sub3A_11 = arith.subi %sub3A_9, %sub3A_10 : i32
    %add3A_12 = arith.addi %sub3A_8, %sub3A_11 : i32
    %div3A = arith.constant 16 : i32
    %div3A_13 = arith.divsi %add3A_12, %div3A : i32
    %while3A = arith.constant 16 : i32
    %while3A_14 = arith.constant 0 : i32
    %while3A_15 = arith.subi %div3A_13, %while3A_14 : i32
    %while3A_16 = arith.addi %while3A_14, %while3A_15 : i32
    %while3A_17 = arith.constant 1 : i32
    %while3A_18 = arith.divsi %while3A_15, %while3A_17 : i32
    %while3A_19 = arith.muli %while3A_18, %while3A_17 : i32
    %while3A_20 = arith.addi %while3A_14, %while3A_19 : i32
    %while3A_21 = arith.constant 1 : i32
    scf.for %while3A_113 = %while3A_14 to %while3A_20 step %while3A_21  : i32 {
      %mul3A_114 = arith.muli %while3A_113, %while3A : i32
      %add3A_115 = arith.addi %arg1, %mul3A_114 : i32
      %mul3A_116 = arith.constant 40 : i32
      %mul3A_117 = arith.muli %add3A_115, %mul3A_116 : i32
      %add3A_118 = arith.constant 0 : i32
      %add3A_119 = arith.addi %mul3A_117, %add3A_118 : i32
      %mul3A_120 = arith.constant 40 : i32
      %mul3A_121 = arith.muli %add3A_115, %mul3A_120 : i32
      %add3A_122 = arith.constant 8 : i32
      %add3A_123 = arith.addi %mul3A_121, %add3A_122 : i32
      %mul3A_124 = arith.constant 40 : i32
      %mul3A_125 = arith.muli %add3A_115, %mul3A_124 : i32
      %add3A_126 = arith.constant 16 : i32
      %add3A_127 = arith.addi %mul3A_125, %add3A_126 : i32
      %mul3A_128 = arith.constant 40 : i32
      %mul3A_129 = arith.muli %add3A_115, %mul3A_128 : i32
      %add3A_130 = arith.constant 24 : i32
      %add3A_131 = arith.addi %mul3A_129, %add3A_130 : i32
      %mul3A_132 = arith.constant 40 : i32
      %mul3A_133 = arith.muli %add3A_115, %mul3A_132 : i32
      %add3A_134 = arith.constant 32 : i32
      %add3A_135 = arith.addi %mul3A_133, %add3A_134 : i32
      %dma_start3A_136 = arith.constant 0 : i32
      %dma_start3A_137 = tpu.memref_slice %arg29[%add3A_119, %dma_start3A_136] : memref<10000x128xf32, #tpu.memory_space<vmem_shared>> -> memref<8x128xf32, #tpu.memory_space<vmem_shared>>
      %dma_start3A_138 = arith.constant 0 : i32
      %dma_start3A_139 = tpu.memref_slice %arg29[%add3A_119, %dma_start3A_138] : memref<10000x128xf32, #tpu.memory_space<vmem_shared>> -> memref<8x128xf32, #tpu.memory_space<vmem_shared>>
      tpu.enqueue_dma source(%arg28 : memref<8x128xf32, #tpu.memory_space<vmem>>) target(%dma_start3A_139 : memref<8x128xf32, #tpu.memory_space<vmem_shared>>) target_semaphore(%arg30 : memref<!tpu.dma_semaphore, #tpu.memory_space<semaphore_mem>>)
      %dma_start3A_140 = arith.constant 0 : i32
      %dma_start3A_141 = tpu.memref_slice %arg29[%add3A_123, %dma_start3A_140] : memref<10000x128xf32, #tpu.memory_space<vmem_shared>> -> memref<8x128xf32, #tpu.memory_space<vmem_shared>>
      %dma_start3A_142 = arith.constant 0 : i32
      %dma_start3A_143 = tpu.memref_slice %arg29[%add3A_123, %dma_start3A_142] : memref<10000x128xf32, #tpu.memory_space<vmem_shared>> -> memref<8x128xf32, #tpu.memory_space<vmem_shared>>
      tpu.enqueue_dma source(%arg28 : memref<8x128xf32, #tpu.memory_space<vmem>>) target(%dma_start3A_143 : memref<8x128xf32, #tpu.memory_space<vmem_shared>>) target_semaphore(%arg30 : memref<!tpu.dma_semaphore, #tpu.memory_space<semaphore_mem>>)
      %dma_start3A_144 = arith.constant 0 : i32
      %dma_start3A_145 = tpu.memref_slice %arg29[%add3A_127, %dma_start3A_144] : memref<10000x128xf32, #tpu.memory_space<vmem_shared>> -> memref<8x128xf32, #tpu.memory_space<vmem_shared>>
      %dma_start3A_146 = arith.constant 0 : i32
      %dma_start3A_147 = tpu.memref_slice %arg29[%add3A_127, %dma_start3A_146] : memref<10000x128xf32, #tpu.memory_space<vmem_shared>> -> memref<8x128xf32, #tpu.memory_space<vmem_shared>>
      tpu.enqueue_dma source(%arg28 : memref<8x128xf32, #tpu.memory_space<vmem>>) target(%dma_start3A_147 : memref<8x128xf32, #tpu.memory_space<vmem_shared>>) target_semaphore(%arg30 : memref<!tpu.dma_semaphore, #tpu.memory_space<semaphore_mem>>)
      %dma_start3A_148 = arith.constant 0 : i32
      %dma_start3A_149 = tpu.memref_slice %arg29[%add3A_131, %dma_start3A_148] : memref<10000x128xf32, #tpu.memory_space<vmem_shared>> -> memref<8x128xf32, #tpu.memory_space<vmem_shared>>
      %dma_start3A_150 = arith.constant 0 : i32
      %dma_start3A_151 = tpu.memref_slice %arg29[%add3A_131, %dma_start3A_150] : memref<10000x128xf32, #tpu.memory_space<vmem_shared>> -> memref<8x128xf32, #tpu.memory_space<vmem_shared>>
      tpu.enqueue_dma source(%arg28 : memref<8x128xf32, #tpu.memory_space<vmem>>) target(%dma_start3A_151 : memref<8x128xf32, #tpu.memory_space<vmem_shared>>) target_semaphore(%arg30 : memref<!tpu.dma_semaphore, #tpu.memory_space<semaphore_mem>>)
      %dma_start3A_152 = arith.constant 0 : i32
      %dma_start3A_153 = tpu.memref_slice %arg29[%add3A_135, %dma_start3A_152] : memref<10000x128xf32, #tpu.memory_space<vmem_shared>> -> memref<8x128xf32, #tpu.memory_space<vmem_shared>>
      %dma_start3A_154 = arith.constant 0 : i32
      %dma_start3A_155 = tpu.memref_slice %arg29[%add3A_135, %dma_start3A_154] : memref<10000x128xf32, #tpu.memory_space<vmem_shared>> -> memref<8x128xf32, #tpu.memory_space<vmem_shared>>
      tpu.enqueue_dma source(%arg28 : memref<8x128xf32, #tpu.memory_space<vmem>>) target(%dma_start3A_155 : memref<8x128xf32, #tpu.memory_space<vmem_shared>>) target_semaphore(%arg30 : memref<!tpu.dma_semaphore, #tpu.memory_space<semaphore_mem>>)
      %dma_wait3A_156 = arith.constant 0 : i32
      %dma_wait3A_157 = tpu.memref_slice %arg29[%add3A_119, %dma_wait3A_156] : memref<10000x128xf32, #tpu.memory_space<vmem_shared>> -> memref<8x128xf32, #tpu.memory_space<vmem_shared>>
      %dma_wait3A_158 = arith.constant 0 : i32
      %dma_wait3A_159 = tpu.memref_slice %arg29[%add3A_119, %dma_wait3A_158] : memref<10000x128xf32, #tpu.memory_space<vmem_shared>> -> memref<8x128xf32, #tpu.memory_space<vmem_shared>>
      tpu.wait_dma2 semaphore(%arg30 : memref<!tpu.dma_semaphore, #tpu.memory_space<semaphore_mem>>) src(%arg28 : memref<8x128xf32, #tpu.memory_space<vmem>>) dst(%dma_wait3A_159 : memref<8x128xf32, #tpu.memory_space<vmem_shared>>)
      %dma_wait3A_160 = arith.constant 0 : i32
      %dma_wait3A_161 = tpu.memref_slice %arg29[%add3A_123, %dma_wait3A_160] : memref<10000x128xf32, #tpu.memory_space<vmem_shared>> -> memref<8x128xf32, #tpu.memory_space<vmem_shared>>
      %dma_wait3A_162 = arith.constant 0 : i32
      %dma_wait3A_163 = tpu.memref_slice %arg29[%add3A_123, %dma_wait3A_162] : memref<10000x128xf32, #tpu.memory_space<vmem_shared>> -> memref<8x128xf32, #tpu.memory_space<vmem_shared>>
      tpu.wait_dma2 semaphore(%arg30 : memref<!tpu.dma_semaphore, #tpu.memory_space<semaphore_mem>>) src(%arg28 : memref<8x128xf32, #tpu.memory_space<vmem>>) dst(%dma_wait3A_163 : memref<8x128xf32, #tpu.memory_space<vmem_shared>>)
      %dma_wait3A_164 = arith.constant 0 : i32
      %dma_wait3A_165 = tpu.memref_slice %arg29[%add3A_127, %dma_wait3A_164] : memref<10000x128xf32, #tpu.memory_space<vmem_shared>> -> memref<8x128xf32, #tpu.memory_space<vmem_shared>>
      %dma_wait3A_166 = arith.constant 0 : i32
      %dma_wait3A_167 = tpu.memref_slice %arg29[%add3A_127, %dma_wait3A_166] : memref<10000x128xf32, #tpu.memory_space<vmem_shared>> -> memref<8x128xf32, #tpu.memory_space<vmem_shared>>
      tpu.wait_dma2 semaphore(%arg30 : memref<!tpu.dma_semaphore, #tpu.memory_space<semaphore_mem>>) src(%arg28 : memref<8x128xf32, #tpu.memory_space<vmem>>) dst(%dma_wait3A_167 : memref<8x128xf32, #tpu.memory_space<vmem_shared>>)
      %dma_wait3A_168 = arith.constant 0 : i32
      %dma_wait3A_169 = tpu.memref_slice %arg29[%add3A_131, %dma_wait3A_168] : memref<10000x128xf32, #tpu.memory_space<vmem_shared>> -> memref<8x128xf32, #tpu.memory_space<vmem_shared>>
      %dma_wait3A_170 = arith.constant 0 : i32
      %dma_wait3A_171 = tpu.memref_slice %arg29[%add3A_131, %dma_wait3A_170] : memref<10000x128xf32, #tpu.memory_space<vmem_shared>> -> memref<8x128xf32, #tpu.memory_space<vmem_shared>>
      tpu.wait_dma2 semaphore(%arg30 : memref<!tpu.dma_semaphore, #tpu.memory_space<semaphore_mem>>) src(%arg28 : memref<8x128xf32, #tpu.memory_space<vmem>>) dst(%dma_wait3A_171 : memref<8x128xf32, #tpu.memory_space<vmem_shared>>)
      %dma_wait3A_172 = arith.constant 0 : i32
      %dma_wait3A_173 = tpu.memref_slice %arg29[%add3A_135, %dma_wait3A_172] : memref<10000x128xf32, #tpu.memory_space<vmem_shared>> -> memref<8x128xf32, #tpu.memory_space<vmem_shared>>
      %dma_wait3A_174 = arith.constant 0 : i32
      %dma_wait3A_175 = tpu.memref_slice %arg29[%add3A_135, %dma_wait3A_174] : memref<10000x128xf32, #tpu.memory_space<vmem_shared>> -> memref<8x128xf32, #tpu.memory_space<vmem_shared>>
      tpu.wait_dma2 semaphore(%arg30 : memref<!tpu.dma_semaphore, #tpu.memory_space<semaphore_mem>>) src(%arg28 : memref<8x128xf32, #tpu.memory_space<vmem>>) dst(%dma_wait3A_175 : memref<8x128xf32, #tpu.memory_space<vmem_shared>>)
    }
    %while3A_22 = arith.constant 1 : i32
    scf.for %while3A_113 = %while3A_20 to %while3A_16 step %while3A_22  : i32 {
      %mul3A_114 = arith.muli %while3A_113, %while3A : i32
      %add3A_115 = arith.addi %arg1, %mul3A_114 : i32
      %mul3A_116 = arith.constant 40 : i32
      %mul3A_117 = arith.muli %add3A_115, %mul3A_116 : i32
      %add3A_118 = arith.constant 0 : i32
      %add3A_119 = arith.addi %mul3A_117, %add3A_118 : i32
      %mul3A_120 = arith.constant 40 : i32
      %mul3A_121 = arith.muli %add3A_115, %mul3A_120 : i32
      %add3A_122 = arith.constant 8 : i32
      %add3A_123 = arith.addi %mul3A_121, %add3A_122 : i32
      %mul3A_124 = arith.constant 40 : i32
      %mul3A_125 = arith.muli %add3A_115, %mul3A_124 : i32
      %add3A_126 = arith.constant 16 : i32
      %add3A_127 = arith.addi %mul3A_125, %add3A_126 : i32
      %mul3A_128 = arith.constant 40 : i32
      %mul3A_129 = arith.muli %add3A_115, %mul3A_128 : i32
      %add3A_130 = arith.constant 24 : i32
      %add3A_131 = arith.addi %mul3A_129, %add3A_130 : i32
      %mul3A_132 = arith.constant 40 : i32
      %mul3A_133 = arith.muli %add3A_115, %mul3A_132 : i32
      %add3A_134 = arith.constant 32 : i32
      %add3A_135 = arith.addi %mul3A_133, %add3A_134 : i32
      %dma_start3A_136 = arith.constant 0 : i32
      %dma_start3A_137 = tpu.memref_slice %arg29[%add3A_119, %dma_start3A_136] : memref<10000x128xf32, #tpu.memory_space<vmem_shared>> -> memref<8x128xf32, #tpu.memory_space<vmem_shared>>
      %dma_start3A_138 = arith.constant 0 : i32
      %dma_start3A_139 = tpu.memref_slice %arg29[%add3A_119, %dma_start3A_138] : memref<10000x128xf32, #tpu.memory_space<vmem_shared>> -> memref<8x128xf32, #tpu.memory_space<vmem_shared>>
      tpu.enqueue_dma source(%arg28 : memref<8x128xf32, #tpu.memory_space<vmem>>) target(%dma_start3A_139 : memref<8x128xf32, #tpu.memory_space<vmem_shared>>) target_semaphore(%arg30 : memref<!tpu.dma_semaphore, #tpu.memory_space<semaphore_mem>>)
      %dma_start3A_140 = arith.constant 0 : i32
      %dma_start3A_141 = tpu.memref_slice %arg29[%add3A_123, %dma_start3A_140] : memref<10000x128xf32, #tpu.memory_space<vmem_shared>> -> memref<8x128xf32, #tpu.memory_space<vmem_shared>>
      %dma_start3A_142 = arith.constant 0 : i32
      %dma_start3A_143 = tpu.memref_slice %arg29[%add3A_123, %dma_start3A_142] : memref<10000x128xf32, #tpu.memory_space<vmem_shared>> -> memref<8x128xf32, #tpu.memory_space<vmem_shared>>
      tpu.enqueue_dma source(%arg28 : memref<8x128xf32, #tpu.memory_space<vmem>>) target(%dma_start3A_143 : memref<8x128xf32, #tpu.memory_space<vmem_shared>>) target_semaphore(%arg30 : memref<!tpu.dma_semaphore, #tpu.memory_space<semaphore_mem>>)
      %dma_start3A_144 = arith.constant 0 : i32
      %dma_start3A_145 = tpu.memref_slice %arg29[%add3A_127, %dma_start3A_144] : memref<10000x128xf32, #tpu.memory_space<vmem_shared>> -> memref<8x128xf32, #tpu.memory_space<vmem_shared>>
      %dma_start3A_146 = arith.constant 0 : i32
      %dma_start3A_147 = tpu.memref_slice %arg29[%add3A_127, %dma_start3A_146] : memref<10000x128xf32, #tpu.memory_space<vmem_shared>> -> memref<8x128xf32, #tpu.memory_space<vmem_shared>>
      tpu.enqueue_dma source(%arg28 : memref<8x128xf32, #tpu.memory_space<vmem>>) target(%dma_start3A_147 : memref<8x128xf32, #tpu.memory_space<vmem_shared>>) target_semaphore(%arg30 : memref<!tpu.dma_semaphore, #tpu.memory_space<semaphore_mem>>)
      %dma_start3A_148 = arith.constant 0 : i32
      %dma_start3A_149 = tpu.memref_slice %arg29[%add3A_131, %dma_start3A_148] : memref<10000x128xf32, #tpu.memory_space<vmem_shared>> -> memref<8x128xf32, #tpu.memory_space<vmem_shared>>
      %dma_start3A_150 = arith.constant 0 : i32
      %dma_start3A_151 = tpu.memref_slice %arg29[%add3A_131, %dma_start3A_150] : memref<10000x128xf32, #tpu.memory_space<vmem_shared>> -> memref<8x128xf32, #tpu.memory_space<vmem_shared>>
      tpu.enqueue_dma source(%arg28 : memref<8x128xf32, #tpu.memory_space<vmem>>) target(%dma_start3A_151 : memref<8x128xf32, #tpu.memory_space<vmem_shared>>) target_semaphore(%arg30 : memref<!tpu.dma_semaphore, #tpu.memory_space<semaphore_mem>>)
      %dma_start3A_152 = arith.constant 0 : i32
      %dma_start3A_153 = tpu.memref_slice %arg29[%add3A_135, %dma_start3A_152] : memref<10000x128xf32, #tpu.memory_space<vmem_shared>> -> memref<8x128xf32, #tpu.memory_space<vmem_shared>>
      %dma_start3A_154 = arith.constant 0 : i32
      %dma_start3A_155 = tpu.memref_slice %arg29[%add3A_135, %dma_start3A_154] : memref<10000x128xf32, #tpu.memory_space<vmem_shared>> -> memref<8x128xf32, #tpu.memory_space<vmem_shared>>
      tpu.enqueue_dma source(%arg28 : memref<8x128xf32, #tpu.memory_space<vmem>>) target(%dma_start3A_155 : memref<8x128xf32, #tpu.memory_space<vmem_shared>>) target_semaphore(%arg30 : memref<!tpu.dma_semaphore, #tpu.memory_space<semaphore_mem>>)
      %dma_wait3A_156 = arith.constant 0 : i32
      %dma_wait3A_157 = tpu.memref_slice %arg29[%add3A_119, %dma_wait3A_156] : memref<10000x128xf32, #tpu.memory_space<vmem_shared>> -> memref<8x128xf32, #tpu.memory_space<vmem_shared>>
      %dma_wait3A_158 = arith.constant 0 : i32
      %dma_wait3A_159 = tpu.memref_slice %arg29[%add3A_119, %dma_wait3A_158] : memref<10000x128xf32, #tpu.memory_space<vmem_shared>> -> memref<8x128xf32, #tpu.memory_space<vmem_shared>>
      tpu.wait_dma2 semaphore(%arg30 : memref<!tpu.dma_semaphore, #tpu.memory_space<semaphore_mem>>) src(%arg28 : memref<8x128xf32, #tpu.memory_space<vmem>>) dst(%dma_wait3A_159 : memref<8x128xf32, #tpu.memory_space<vmem_shared>>)
      %dma_wait3A_160 = arith.constant 0 : i32
      %dma_wait3A_161 = tpu.memref_slice %arg29[%add3A_123, %dma_wait3A_160] : memref<10000x128xf32, #tpu.memory_space<vmem_shared>> -> memref<8x128xf32, #tpu.memory_space<vmem_shared>>
      %dma_wait3A_162 = arith.constant 0 : i32
      %dma_wait3A_163 = tpu.memref_slice %arg29[%add3A_123, %dma_wait3A_162] : memref<10000x128xf32, #tpu.memory_space<vmem_shared>> -> memref<8x128xf32, #tpu.memory_space<vmem_shared>>
      tpu.wait_dma2 semaphore(%arg30 : memref<!tpu.dma_semaphore, #tpu.memory_space<semaphore_mem>>) src(%arg28 : memref<8x128xf32, #tpu.memory_space<vmem>>) dst(%dma_wait3A_163 : memref<8x128xf32, #tpu.memory_space<vmem_shared>>)
      %dma_wait3A_164 = arith.constant 0 : i32
      %dma_wait3A_165 = tpu.memref_slice %arg29[%add3A_127, %dma_wait3A_164] : memref<10000x128xf32, #tpu.memory_space<vmem_shared>> -> memref<8x128xf32, #tpu.memory_space<vmem_shared>>
      %dma_wait3A_166 = arith.constant 0 : i32
      %dma_wait3A_167 = tpu.memref_slice %arg29[%add3A_127, %dma_wait3A_166] : memref<10000x128xf32, #tpu.memory_space<vmem_shared>> -> memref<8x128xf32, #tpu.memory_space<vmem_shared>>
      tpu.wait_dma2 semaphore(%arg30 : memref<!tpu.dma_semaphore, #tpu.memory_space<semaphore_mem>>) src(%arg28 : memref<8x128xf32, #tpu.memory_space<vmem>>) dst(%dma_wait3A_167 : memref<8x128xf32, #tpu.memory_space<vmem_shared>>)
      %dma_wait3A_168 = arith.constant 0 : i32
      %dma_wait3A_169 = tpu.memref_slice %arg29[%add3A_131, %dma_wait3A_168] : memref<10000x128xf32, #tpu.memory_space<vmem_shared>> -> memref<8x128xf32, #tpu.memory_space<vmem_shared>>
      %dma_wait3A_170 = arith.constant 0 : i32
      %dma_wait3A_171 = tpu.memref_slice %arg29[%add3A_131, %dma_wait3A_170] : memref<10000x128xf32, #tpu.memory_space<vmem_shared>> -> memref<8x128xf32, #tpu.memory_space<vmem_shared>>
      tpu.wait_dma2 semaphore(%arg30 : memref<!tpu.dma_semaphore, #tpu.memory_space<semaphore_mem>>) src(%arg28 : memref<8x128xf32, #tpu.memory_space<vmem>>) dst(%dma_wait3A_171 : memref<8x128xf32, #tpu.memory_space<vmem_shared>>)
      %dma_wait3A_172 = arith.constant 0 : i32
      %dma_wait3A_173 = tpu.memref_slice %arg29[%add3A_135, %dma_wait3A_172] : memref<10000x128xf32, #tpu.memory_space<vmem_shared>> -> memref<8x128xf32, #tpu.memory_space<vmem_shared>>
      %dma_wait3A_174 = arith.constant 0 : i32
      %dma_wait3A_175 = tpu.memref_slice %arg29[%add3A_135, %dma_wait3A_174] : memref<10000x128xf32, #tpu.memory_space<vmem_shared>> -> memref<8x128xf32, #tpu.memory_space<vmem_shared>>
      tpu.wait_dma2 semaphore(%arg30 : memref<!tpu.dma_semaphore, #tpu.memory_space<semaphore_mem>>) src(%arg28 : memref<8x128xf32, #tpu.memory_space<vmem>>) dst(%dma_wait3A_175 : memref<8x128xf32, #tpu.memory_space<vmem_shared>>)
    }
    %barrier3A = arith.constant 0 : index
    tpu.barrier barrier_id(%barrier3A)
    %add3A_23 = arith.constant 0 : i32
    %add3A_24 = arith.addi %mul3A_2, %add3A_23 : i32
    %dma_start3A = tpu.memref_slice %arg4[%add3A_24] : memref<320000xi32, #tpu.memory_space<hbm>> -> memref<40xi32, #tpu.memory_space<hbm>>
    %dma_start3A_25 = tpu.memref_slice %arg4[%add3A_24] : memref<320000xi32, #tpu.memory_space<hbm>> -> memref<40xi32, #tpu.memory_space<hbm>>
    tpu.enqueue_dma source(%dma_start3A_25 : memref<40xi32, #tpu.memory_space<hbm>>) target(%arg8 : memref<40xi32, #tpu.memory_space<vmem>>) target_semaphore(%arg30 : memref<!tpu.dma_semaphore, #tpu.memory_space<semaphore_mem>>)
    %dma_start3A_26 = tpu.memref_slice %arg5[%add3A_24] : memref<320000xi32, #tpu.memory_space<hbm>> -> memref<40xi32, #tpu.memory_space<hbm>>
    %dma_start3A_27 = tpu.memref_slice %arg5[%add3A_24] : memref<320000xi32, #tpu.memory_space<hbm>> -> memref<40xi32, #tpu.memory_space<hbm>>
    tpu.enqueue_dma source(%dma_start3A_27 : memref<40xi32, #tpu.memory_space<hbm>>) target(%arg12 : memref<40xi32, #tpu.memory_space<vmem>>) target_semaphore(%arg30 : memref<!tpu.dma_semaphore, #tpu.memory_space<semaphore_mem>>)
    %add3A_28 = arith.constant 40 : i32
    %add3A_29 = arith.addi %mul3A_2, %add3A_28 : i32
    %dma_start3A_30 = tpu.memref_slice %arg4[%add3A_29] : memref<320000xi32, #tpu.memory_space<hbm>> -> memref<40xi32, #tpu.memory_space<hbm>>
    %dma_start3A_31 = tpu.memref_slice %arg4[%add3A_29] : memref<320000xi32, #tpu.memory_space<hbm>> -> memref<40xi32, #tpu.memory_space<hbm>>
    tpu.enqueue_dma source(%dma_start3A_31 : memref<40xi32, #tpu.memory_space<hbm>>) target(%arg9 : memref<40xi32, #tpu.memory_space<vmem>>) target_semaphore(%arg31 : memref<!tpu.dma_semaphore, #tpu.memory_space<semaphore_mem>>)
    %dma_start3A_32 = tpu.memref_slice %arg5[%add3A_29] : memref<320000xi32, #tpu.memory_space<hbm>> -> memref<40xi32, #tpu.memory_space<hbm>>
    %dma_start3A_33 = tpu.memref_slice %arg5[%add3A_29] : memref<320000xi32, #tpu.memory_space<hbm>> -> memref<40xi32, #tpu.memory_space<hbm>>
    tpu.enqueue_dma source(%dma_start3A_33 : memref<40xi32, #tpu.memory_space<hbm>>) target(%arg13 : memref<40xi32, #tpu.memory_space<vmem>>) target_semaphore(%arg31 : memref<!tpu.dma_semaphore, #tpu.memory_space<semaphore_mem>>)
    %add3A_34 = arith.constant 80 : i32
    %add3A_35 = arith.addi %mul3A_2, %add3A_34 : i32
    %dma_start3A_36 = tpu.memref_slice %arg4[%add3A_35] : memref<320000xi32, #tpu.memory_space<hbm>> -> memref<40xi32, #tpu.memory_space<hbm>>
    %dma_start3A_37 = tpu.memref_slice %arg4[%add3A_35] : memref<320000xi32, #tpu.memory_space<hbm>> -> memref<40xi32, #tpu.memory_space<hbm>>
    tpu.enqueue_dma source(%dma_start3A_37 : memref<40xi32, #tpu.memory_space<hbm>>) target(%arg10 : memref<40xi32, #tpu.memory_space<vmem>>) target_semaphore(%arg32 : memref<!tpu.dma_semaphore, #tpu.memory_space<semaphore_mem>>)
    %dma_start3A_38 = tpu.memref_slice %arg5[%add3A_35] : memref<320000xi32, #tpu.memory_space<hbm>> -> memref<40xi32, #tpu.memory_space<hbm>>
    %dma_start3A_39 = tpu.memref_slice %arg5[%add3A_35] : memref<320000xi32, #tpu.memory_space<hbm>> -> memref<40xi32, #tpu.memory_space<hbm>>
    tpu.enqueue_dma source(%dma_start3A_39 : memref<40xi32, #tpu.memory_space<hbm>>) target(%arg14 : memref<40xi32, #tpu.memory_space<vmem>>) target_semaphore(%arg32 : memref<!tpu.dma_semaphore, #tpu.memory_space<semaphore_mem>>)
    %add3A_40 = arith.constant 0 : i32
    %add3A_41 = arith.addi %mul3A_2, %add3A_40 : i32
    %dma_start3A_42 = tpu.memref_slice %arg6[%add3A_41] : memref<320000xi32, #tpu.memory_space<hbm>> -> memref<40xi32, #tpu.memory_space<hbm>>
    %dma_start3A_43 = tpu.memref_slice %arg6[%add3A_41] : memref<320000xi32, #tpu.memory_space<hbm>> -> memref<40xi32, #tpu.memory_space<hbm>>
    tpu.enqueue_dma source(%dma_start3A_43 : memref<40xi32, #tpu.memory_space<hbm>>) target(%arg16 : memref<40xi32, #tpu.memory_space<vmem>>) target_semaphore(%arg34 : memref<!tpu.dma_semaphore, #tpu.memory_space<semaphore_mem>>)
    %add3A_44 = arith.constant 40 : i32
    %add3A_45 = arith.addi %mul3A_2, %add3A_44 : i32
    %dma_start3A_46 = tpu.memref_slice %arg6[%add3A_45] : memref<320000xi32, #tpu.memory_space<hbm>> -> memref<40xi32, #tpu.memory_space<hbm>>
    %dma_start3A_47 = tpu.memref_slice %arg6[%add3A_45] : memref<320000xi32, #tpu.memory_space<hbm>> -> memref<40xi32, #tpu.memory_space<hbm>>
    tpu.enqueue_dma source(%dma_start3A_47 : memref<40xi32, #tpu.memory_space<hbm>>) target(%arg17 : memref<40xi32, #tpu.memory_space<vmem>>) target_semaphore(%arg35 : memref<!tpu.dma_semaphore, #tpu.memory_space<semaphore_mem>>)
    %add3A_48 = arith.constant 0 : i32
    %add3A_49 = arith.addi %mul3A_2, %add3A_48 : i32
    %dma_wait3A = tpu.memref_slice %arg4[%add3A_49] : memref<320000xi32, #tpu.memory_space<hbm>> -> memref<40xi32, #tpu.memory_space<hbm>>
    %dma_wait3A_50 = tpu.memref_slice %arg4[%add3A_49] : memref<320000xi32, #tpu.memory_space<hbm>> -> memref<40xi32, #tpu.memory_space<hbm>>
    tpu.wait_dma2 semaphore(%arg30 : memref<!tpu.dma_semaphore, #tpu.memory_space<semaphore_mem>>) src(%dma_wait3A_50 : memref<40xi32, #tpu.memory_space<hbm>>) dst(%arg8 : memref<40xi32, #tpu.memory_space<vmem>>)
    %dma_wait3A_51 = tpu.memref_slice %arg5[%add3A_49] : memref<320000xi32, #tpu.memory_space<hbm>> -> memref<40xi32, #tpu.memory_space<hbm>>
    %dma_wait3A_52 = tpu.memref_slice %arg5[%add3A_49] : memref<320000xi32, #tpu.memory_space<hbm>> -> memref<40xi32, #tpu.memory_space<hbm>>
    tpu.wait_dma2 semaphore(%arg30 : memref<!tpu.dma_semaphore, #tpu.memory_space<semaphore_mem>>) src(%dma_wait3A_52 : memref<40xi32, #tpu.memory_space<hbm>>) dst(%arg12 : memref<40xi32, #tpu.memory_space<vmem>>)
    %dma_start3A_53 = arith.constant 0 : i32
    %dma_start3A_54 = arith.constant 0 : i32
    %dma_start3A_55 = tpu.memref_slice %arg2[%dma_start3A_53, %dma_start3A_54] : memref<10000x128xf32, #tpu.memory_space<hbm>> -> memref<10000x128xf32, #tpu.memory_space<hbm>>
    tpu.enqueue_indirect_dma source(%dma_start3A_55 : memref<10000x128xf32, #tpu.memory_space<hbm>>) target(%arg20 : memref<40x128xf32, #tpu.memory_space<vmem>>) offsets(%arg8 : memref<40xi32, #tpu.memory_space<vmem>>) semaphore(%arg38 : memref<!tpu.dma_semaphore, #tpu.memory_space<semaphore_mem>>)
    %dma_start3A_56 = arith.constant 0 : i32
    %dma_start3A_57 = arith.constant 0 : i32
    %dma_start3A_58 = tpu.memref_slice %arg3[%dma_start3A_56, %dma_start3A_57] : memref<4096x128xf32, #tpu.memory_space<hbm>> -> memref<4096x128xf32, #tpu.memory_space<hbm>>
    tpu.enqueue_indirect_dma source(%dma_start3A_58 : memref<4096x128xf32, #tpu.memory_space<hbm>>) target(%arg24 : memref<40x128xf32, #tpu.memory_space<vmem>>) offsets(%arg12 : memref<40xi32, #tpu.memory_space<vmem>>) semaphore(%arg42 : memref<!tpu.dma_semaphore, #tpu.memory_space<semaphore_mem>>)
    %add3A_59 = arith.constant 40 : i32
    %add3A_60 = arith.addi %mul3A_2, %add3A_59 : i32
    %dma_wait3A_61 = tpu.memref_slice %arg4[%add3A_60] : memref<320000xi32, #tpu.memory_space<hbm>> -> memref<40xi32, #tpu.memory_space<hbm>>
    %dma_wait3A_62 = tpu.memref_slice %arg4[%add3A_60] : memref<320000xi32, #tpu.memory_space<hbm>> -> memref<40xi32, #tpu.memory_space<hbm>>
    tpu.wait_dma2 semaphore(%arg31 : memref<!tpu.dma_semaphore, #tpu.memory_space<semaphore_mem>>) src(%dma_wait3A_62 : memref<40xi32, #tpu.memory_space<hbm>>) dst(%arg9 : memref<40xi32, #tpu.memory_space<vmem>>)
    %dma_wait3A_63 = tpu.memref_slice %arg5[%add3A_60] : memref<320000xi32, #tpu.memory_space<hbm>> -> memref<40xi32, #tpu.memory_space<hbm>>
    %dma_wait3A_64 = tpu.memref_slice %arg5[%add3A_60] : memref<320000xi32, #tpu.memory_space<hbm>> -> memref<40xi32, #tpu.memory_space<hbm>>
    tpu.wait_dma2 semaphore(%arg31 : memref<!tpu.dma_semaphore, #tpu.memory_space<semaphore_mem>>) src(%dma_wait3A_64 : memref<40xi32, #tpu.memory_space<hbm>>) dst(%arg13 : memref<40xi32, #tpu.memory_space<vmem>>)
    %dma_start3A_65 = arith.constant 0 : i32
    %dma_start3A_66 = arith.constant 0 : i32
    %dma_start3A_67 = tpu.memref_slice %arg2[%dma_start3A_65, %dma_start3A_66] : memref<10000x128xf32, #tpu.memory_space<hbm>> -> memref<10000x128xf32, #tpu.memory_space<hbm>>
    tpu.enqueue_indirect_dma source(%dma_start3A_67 : memref<10000x128xf32, #tpu.memory_space<hbm>>) target(%arg21 : memref<40x128xf32, #tpu.memory_space<vmem>>) offsets(%arg9 : memref<40xi32, #tpu.memory_space<vmem>>) semaphore(%arg39 : memref<!tpu.dma_semaphore, #tpu.memory_space<semaphore_mem>>)
    %dma_start3A_68 = arith.constant 0 : i32
    %dma_start3A_69 = arith.constant 0 : i32
    %dma_start3A_70 = tpu.memref_slice %arg3[%dma_start3A_68, %dma_start3A_69] : memref<4096x128xf32, #tpu.memory_space<hbm>> -> memref<4096x128xf32, #tpu.memory_space<hbm>>
    tpu.enqueue_indirect_dma source(%dma_start3A_70 : memref<4096x128xf32, #tpu.memory_space<hbm>>) target(%arg25 : memref<40x128xf32, #tpu.memory_space<vmem>>) offsets(%arg13 : memref<40xi32, #tpu.memory_space<vmem>>) semaphore(%arg43 : memref<!tpu.dma_semaphore, #tpu.memory_space<semaphore_mem>>)
    %scan3A_71 = arith.constant 0 : i32
    %scan3A_72 = arith.constant 63 : i32
    %scan3A_73 = arith.addi %scan3A_71, %scan3A_72 : i32
    %scan3A_74 = arith.constant 1 : i32
    scf.for %scan3A_113 = %scan3A_71 to %scan3A_73 step %scan3A_74  : i32 {
      %mul3A_114 = arith.constant 4 : i32
      %mul3A_115 = arith.muli %scan3A_113, %mul3A_114 : i32
      %add3A_116 = arith.constant 0 : i32
      %add3A_117 = arith.addi %add3A_116, %mul3A_115 : i32
      %add3A_118 = arith.constant 0 : i32
      %add3A_119 = arith.addi %add3A_117, %add3A_118 : i32
      %ge3A = arith.constant 2 : i32
      %ge3A_120 = arith.cmpi sge, %add3A_119, %ge3A : i32
      %convert_element_type3A = arith.extui %ge3A_120 : i1 to i32
      %cond3A = arith.constant 0 : i32
      %cond3A_121 = arith.cmpi ne, %convert_element_type3A, %cond3A : i32
      scf.if %cond3A_121 {
        %dma_wait3A_246 = arith.constant 0 : i32
        %dma_wait3A_247 = arith.constant 0 : i32
        %dma_wait3A_248 = tpu.memref_slice %arg29[%dma_wait3A_246, %dma_wait3A_247] : memref<10000x128xf32, #tpu.memory_space<vmem_shared>> -> memref<10000x128xf32, #tpu.memory_space<vmem_shared>>
        tpu.wait_indirect_dma semaphore(%arg48 : memref<!tpu.dma_semaphore, #tpu.memory_space<semaphore_mem>>) src(%arg22 : memref<40x128xf32, #tpu.memory_space<vmem>>) dst(%dma_wait3A_248 : memref<10000x128xf32, #tpu.memory_space<vmem_shared>>)
      } else {
      }
      %add3A_122 = arith.constant 2 : i32
      %add3A_123 = arith.addi %add3A_119, %add3A_122 : i32
      %lt3A = arith.constant 250 : i32
      %lt3A_124 = arith.cmpi slt, %add3A_123, %lt3A : i32
      %convert_element_type3A_125 = arith.extui %lt3A_124 : i1 to i32
      %cond3A_126 = arith.constant 0 : i32
      %cond3A_127 = arith.cmpi ne, %convert_element_type3A_125, %cond3A_126 : i32
      scf.if %cond3A_127 {
        %add3A_246 = arith.constant 2 : i32
        %add3A_247 = arith.addi %add3A_119, %add3A_246 : i32
        %mul3A_248 = arith.constant 40 : i32
        %mul3A_249 = arith.muli %add3A_247, %mul3A_248 : i32
        %add3A_250 = arith.addi %mul3A_2, %mul3A_249 : i32
        %dma_start3A_251 = tpu.memref_slice %arg6[%add3A_250] : memref<320000xi32, #tpu.memory_space<hbm>> -> memref<40xi32, #tpu.memory_space<hbm>>
        %dma_start3A_252 = tpu.memref_slice %arg6[%add3A_250] : memref<320000xi32, #tpu.memory_space<hbm>> -> memref<40xi32, #tpu.memory_space<hbm>>
        tpu.enqueue_dma source(%dma_start3A_252 : memref<40xi32, #tpu.memory_space<hbm>>) target(%arg18 : memref<40xi32, #tpu.memory_space<vmem>>) target_semaphore(%arg36 : memref<!tpu.dma_semaphore, #tpu.memory_space<semaphore_mem>>)
      } else {
      }
      %add3A_128 = arith.constant 3 : i32
      %add3A_129 = arith.addi %add3A_119, %add3A_128 : i32
      %lt3A_130 = arith.constant 250 : i32
      %lt3A_131 = arith.cmpi slt, %add3A_129, %lt3A_130 : i32
      %convert_element_type3A_132 = arith.extui %lt3A_131 : i1 to i32
      %cond3A_133 = arith.constant 0 : i32
      %cond3A_134 = arith.cmpi ne, %convert_element_type3A_132, %cond3A_133 : i32
      scf.if %cond3A_134 {
        %add3A_246 = arith.constant 3 : i32
        %add3A_247 = arith.addi %add3A_119, %add3A_246 : i32
        %mul3A_248 = arith.constant 40 : i32
        %mul3A_249 = arith.muli %add3A_247, %mul3A_248 : i32
        %add3A_250 = arith.addi %mul3A_2, %mul3A_249 : i32
        %dma_start3A_251 = tpu.memref_slice %arg4[%add3A_250] : memref<320000xi32, #tpu.memory_space<hbm>> -> memref<40xi32, #tpu.memory_space<hbm>>
        %dma_start3A_252 = tpu.memref_slice %arg4[%add3A_250] : memref<320000xi32, #tpu.memory_space<hbm>> -> memref<40xi32, #tpu.memory_space<hbm>>
        tpu.enqueue_dma source(%dma_start3A_252 : memref<40xi32, #tpu.memory_space<hbm>>) target(%arg11 : memref<40xi32, #tpu.memory_space<vmem>>) target_semaphore(%arg33 : memref<!tpu.dma_semaphore, #tpu.memory_space<semaphore_mem>>)
        %dma_start3A_253 = tpu.memref_slice %arg5[%add3A_250] : memref<320000xi32, #tpu.memory_space<hbm>> -> memref<40xi32, #tpu.memory_space<hbm>>
        %dma_start3A_254 = tpu.memref_slice %arg5[%add3A_250] : memref<320000xi32, #tpu.memory_space<hbm>> -> memref<40xi32, #tpu.memory_space<hbm>>
        tpu.enqueue_dma source(%dma_start3A_254 : memref<40xi32, #tpu.memory_space<hbm>>) target(%arg15 : memref<40xi32, #tpu.memory_space<vmem>>) target_semaphore(%arg33 : memref<!tpu.dma_semaphore, #tpu.memory_space<semaphore_mem>>)
      } else {
      }
      %add3A_135 = arith.constant 2 : i32
      %add3A_136 = arith.addi %add3A_119, %add3A_135 : i32
      %lt3A_137 = arith.constant 250 : i32
      %lt3A_138 = arith.cmpi slt, %add3A_136, %lt3A_137 : i32
      %convert_element_type3A_139 = arith.extui %lt3A_138 : i1 to i32
      %cond3A_140 = arith.constant 0 : i32
      %cond3A_141 = arith.cmpi ne, %convert_element_type3A_139, %cond3A_140 : i32
      scf.if %cond3A_141 {
        %add3A_246 = arith.constant 2 : i32
        %add3A_247 = arith.addi %add3A_119, %add3A_246 : i32
        %mul3A_248 = arith.constant 40 : i32
        %mul3A_249 = arith.muli %add3A_247, %mul3A_248 : i32
        %add3A_250 = arith.addi %mul3A_2, %mul3A_249 : i32
        %dma_wait3A_251 = tpu.memref_slice %arg4[%add3A_250] : memref<320000xi32, #tpu.memory_space<hbm>> -> memref<40xi32, #tpu.memory_space<hbm>>
        %dma_wait3A_252 = tpu.memref_slice %arg4[%add3A_250] : memref<320000xi32, #tpu.memory_space<hbm>> -> memref<40xi32, #tpu.memory_space<hbm>>
        tpu.wait_dma2 semaphore(%arg32 : memref<!tpu.dma_semaphore, #tpu.memory_space<semaphore_mem>>) src(%dma_wait3A_252 : memref<40xi32, #tpu.memory_space<hbm>>) dst(%arg10 : memref<40xi32, #tpu.memory_space<vmem>>)
        %dma_wait3A_253 = tpu.memref_slice %arg5[%add3A_250] : memref<320000xi32, #tpu.memory_space<hbm>> -> memref<40xi32, #tpu.memory_space<hbm>>
        %dma_wait3A_254 = tpu.memref_slice %arg5[%add3A_250] : memref<320000xi32, #tpu.memory_space<hbm>> -> memref<40xi32, #tpu.memory_space<hbm>>
        tpu.wait_dma2 semaphore(%arg32 : memref<!tpu.dma_semaphore, #tpu.memory_space<semaphore_mem>>) src(%dma_wait3A_254 : memref<40xi32, #tpu.memory_space<hbm>>) dst(%arg14 : memref<40xi32, #tpu.memory_space<vmem>>)
        %dma_start3A_255 = arith.constant 0 : i32
        %dma_start3A_256 = arith.constant 0 : i32
        %dma_start3A_257 = tpu.memref_slice %arg2[%dma_start3A_255, %dma_start3A_256] : memref<10000x128xf32, #tpu.memory_space<hbm>> -> memref<10000x128xf32, #tpu.memory_space<hbm>>
        tpu.enqueue_indirect_dma source(%dma_start3A_257 : memref<10000x128xf32, #tpu.memory_space<hbm>>) target(%arg22 : memref<40x128xf32, #tpu.memory_space<vmem>>) offsets(%arg10 : memref<40xi32, #tpu.memory_space<vmem>>) semaphore(%arg40 : memref<!tpu.dma_semaphore, #tpu.memory_space<semaphore_mem>>)
        %dma_start3A_258 = arith.constant 0 : i32
        %dma_start3A_259 = arith.constant 0 : i32
        %dma_start3A_260 = tpu.memref_slice %arg3[%dma_start3A_258, %dma_start3A_259] : memref<4096x128xf32, #tpu.memory_space<hbm>> -> memref<4096x128xf32, #tpu.memory_space<hbm>>
        tpu.enqueue_indirect_dma source(%dma_start3A_260 : memref<4096x128xf32, #tpu.memory_space<hbm>>) target(%arg26 : memref<40x128xf32, #tpu.memory_space<vmem>>) offsets(%arg14 : memref<40xi32, #tpu.memory_space<vmem>>) semaphore(%arg44 : memref<!tpu.dma_semaphore, #tpu.memory_space<semaphore_mem>>)
      } else {
      }
      %lt3A_142 = arith.constant 250 : i32
      %lt3A_143 = arith.cmpi slt, %add3A_119, %lt3A_142 : i32
      %convert_element_type3A_144 = arith.extui %lt3A_143 : i1 to i32
      %cond3A_145 = arith.constant 0 : i32
      %cond3A_146 = arith.cmpi ne, %convert_element_type3A_144, %cond3A_145 : i32
      scf.if %cond3A_146 {
        %dma_wait3A_246 = arith.constant 0 : i32
        %dma_wait3A_247 = arith.constant 0 : i32
        %dma_wait3A_248 = tpu.memref_slice %arg2[%dma_wait3A_246, %dma_wait3A_247] : memref<10000x128xf32, #tpu.memory_space<hbm>> -> memref<10000x128xf32, #tpu.memory_space<hbm>>
        tpu.wait_indirect_dma semaphore(%arg38 : memref<!tpu.dma_semaphore, #tpu.memory_space<semaphore_mem>>) src(%dma_wait3A_248 : memref<10000x128xf32, #tpu.memory_space<hbm>>) dst(%arg20 : memref<40x128xf32, #tpu.memory_space<vmem>>)
        %dma_wait3A_249 = arith.constant 0 : i32
        %dma_wait3A_250 = arith.constant 0 : i32
        %dma_wait3A_251 = tpu.memref_slice %arg3[%dma_wait3A_249, %dma_wait3A_250] : memref<4096x128xf32, #tpu.memory_space<hbm>> -> memref<4096x128xf32, #tpu.memory_space<hbm>>
        tpu.wait_indirect_dma semaphore(%arg42 : memref<!tpu.dma_semaphore, #tpu.memory_space<semaphore_mem>>) src(%dma_wait3A_251 : memref<4096x128xf32, #tpu.memory_space<hbm>>) dst(%arg24 : memref<40x128xf32, #tpu.memory_space<vmem>>)
        %scan3A_252 = arith.constant 0 : i32
        %scan3A_253 = arith.constant 40 : i32
        %scan3A_254 = arith.addi %scan3A_252, %scan3A_253 : i32
        %scan3A_255 = arith.constant 1 : i32
        scf.for %scan3A_265 = %scan3A_252 to %scan3A_254 step %scan3A_255  : i32 {
          %mul3A_266 = arith.constant 1 : i32
          %mul3A_267 = arith.muli %scan3A_265, %mul3A_266 : i32
          %add3A_268 = arith.constant 0 : i32
          %add3A_269 = arith.addi %add3A_268, %mul3A_267 : i32
          %get3A = arith.index_cast %add3A_269 : i32 to index
          %get3A_270 = arith.constant 0 : index
          %get3A_271 = tpu.vector_load %arg20[%get3A, %get3A_270] {strides = array<i32>} : memref<40x128xf32, #tpu.memory_space<vmem>>, vector<1x16xf32>,
          %get3A_272 = vector.shape_cast %get3A_271 : vector<1x16xf32> to vector<16xf32>
          %get3A_273 = arith.index_cast %add3A_269 : i32 to index
          %get3A_274 = arith.constant 0 : index
          %get3A_275 = tpu.vector_load %arg24[%get3A_273, %get3A_274] {strides = array<i32>} : memref<40x128xf32, #tpu.memory_space<vmem>>, vector<1x16xf32>,
          %get3A_276 = vector.shape_cast %get3A_275 : vector<1x16xf32> to vector<16xf32>
          %add3A_277 = arith.addf %get3A_272, %get3A_276 : vector<16xf32>
          %max3A = arith.constant 0.000000e+00 : f32
          %max3A_278 = vector.broadcast %max3A : f32 to vector<16xf32>
          %max3A_279 = arith.maximumf %add3A_277, %max3A_278 : vector<16xf32>
          %swap3A = arith.index_cast %add3A_269 : i32 to index
          %swap3A_280 = arith.constant 0 : index
          %swap3A_281 = tpu.vector_load %arg20[%swap3A, %swap3A_280] {strides = array<i32>} : memref<40x128xf32, #tpu.memory_space<vmem>>, vector<1x16xf32>,
          %swap3A_282 = vector.shape_cast %swap3A_281 : vector<1x16xf32> to vector<16xf32>
          %swap3A_283 = vector.shape_cast %max3A_279 : vector<16xf32> to vector<1x16xf32>
          tpu.vector_store %arg20[%swap3A, %swap3A_280], %swap3A_283 {strides = array<i32>} : memref<40x128xf32, #tpu.memory_space<vmem>>, vector<1x16xf32>,
          %get3A_284 = arith.index_cast %add3A_269 : i32 to index
          %get3A_285 = arith.constant 16 : index
          %get3A_286 = tpu.vector_load %arg20[%get3A_284, %get3A_285] {strides = array<i32>} : memref<40x128xf32, #tpu.memory_space<vmem>>, vector<1x16xf32>,
          %get3A_287 = vector.shape_cast %get3A_286 : vector<1x16xf32> to vector<16xf32>
          %get3A_288 = arith.index_cast %add3A_269 : i32 to index
          %get3A_289 = arith.constant 16 : index
          %get3A_290 = tpu.vector_load %arg24[%get3A_288, %get3A_289] {strides = array<i32>} : memref<40x128xf32, #tpu.memory_space<vmem>>, vector<1x16xf32>,
          %get3A_291 = vector.shape_cast %get3A_290 : vector<1x16xf32> to vector<16xf32>
          %add3A_292 = arith.addf %get3A_287, %get3A_291 : vector<16xf32>
          %max3A_293 = arith.constant 0.000000e+00 : f32
          %max3A_294 = vector.broadcast %max3A_293 : f32 to vector<16xf32>
          %max3A_295 = arith.maximumf %add3A_292, %max3A_294 : vector<16xf32>
          %swap3A_296 = arith.index_cast %add3A_269 : i32 to index
          %swap3A_297 = arith.constant 16 : index
          %swap3A_298 = tpu.vector_load %arg20[%swap3A_296, %swap3A_297] {strides = array<i32>} : memref<40x128xf32, #tpu.memory_space<vmem>>, vector<1x16xf32>,
          %swap3A_299 = vector.shape_cast %swap3A_298 : vector<1x16xf32> to vector<16xf32>
          %swap3A_300 = vector.shape_cast %max3A_295 : vector<16xf32> to vector<1x16xf32>
          tpu.vector_store %arg20[%swap3A_296, %swap3A_297], %swap3A_300 {strides = array<i32>} : memref<40x128xf32, #tpu.memory_space<vmem>>, vector<1x16xf32>,
          %get3A_301 = arith.index_cast %add3A_269 : i32 to index
          %get3A_302 = arith.constant 32 : index
          %get3A_303 = tpu.vector_load %arg20[%get3A_301, %get3A_302] {strides = array<i32>} : memref<40x128xf32, #tpu.memory_space<vmem>>, vector<1x16xf32>,
          %get3A_304 = vector.shape_cast %get3A_303 : vector<1x16xf32> to vector<16xf32>
          %get3A_305 = arith.index_cast %add3A_269 : i32 to index
          %get3A_306 = arith.constant 32 : index
          %get3A_307 = tpu.vector_load %arg24[%get3A_305, %get3A_306] {strides = array<i32>} : memref<40x128xf32, #tpu.memory_space<vmem>>, vector<1x16xf32>,
          %get3A_308 = vector.shape_cast %get3A_307 : vector<1x16xf32> to vector<16xf32>
          %add3A_309 = arith.addf %get3A_304, %get3A_308 : vector<16xf32>
          %max3A_310 = arith.constant 0.000000e+00 : f32
          %max3A_311 = vector.broadcast %max3A_310 : f32 to vector<16xf32>
          %max3A_312 = arith.maximumf %add3A_309, %max3A_311 : vector<16xf32>
          %swap3A_313 = arith.index_cast %add3A_269 : i32 to index
          %swap3A_314 = arith.constant 32 : index
          %swap3A_315 = tpu.vector_load %arg20[%swap3A_313, %swap3A_314] {strides = array<i32>} : memref<40x128xf32, #tpu.memory_space<vmem>>, vector<1x16xf32>,
          %swap3A_316 = vector.shape_cast %swap3A_315 : vector<1x16xf32> to vector<16xf32>
          %swap3A_317 = vector.shape_cast %max3A_312 : vector<16xf32> to vector<1x16xf32>
          tpu.vector_store %arg20[%swap3A_313, %swap3A_314], %swap3A_317 {strides = array<i32>} : memref<40x128xf32, #tpu.memory_space<vmem>>, vector<1x16xf32>,
          %get3A_318 = arith.index_cast %add3A_269 : i32 to index
          %get3A_319 = arith.constant 48 : index
          %get3A_320 = tpu.vector_load %arg20[%get3A_318, %get3A_319] {strides = array<i32>} : memref<40x128xf32, #tpu.memory_space<vmem>>, vector<1x16xf32>,
          %get3A_321 = vector.shape_cast %get3A_320 : vector<1x16xf32> to vector<16xf32>
          %get3A_322 = arith.index_cast %add3A_269 : i32 to index
          %get3A_323 = arith.constant 48 : index
          %get3A_324 = tpu.vector_load %arg24[%get3A_322, %get3A_323] {strides = array<i32>} : memref<40x128xf32, #tpu.memory_space<vmem>>, vector<1x16xf32>,
          %get3A_325 = vector.shape_cast %get3A_324 : vector<1x16xf32> to vector<16xf32>
          %add3A_326 = arith.addf %get3A_321, %get3A_325 : vector<16xf32>
          %max3A_327 = arith.constant 0.000000e+00 : f32
          %max3A_328 = vector.broadcast %max3A_327 : f32 to vector<16xf32>
          %max3A_329 = arith.maximumf %add3A_326, %max3A_328 : vector<16xf32>
          %swap3A_330 = arith.index_cast %add3A_269 : i32 to index
          %swap3A_331 = arith.constant 48 : index
          %swap3A_332 = tpu.vector_load %arg20[%swap3A_330, %swap3A_331] {strides = array<i32>} : memref<40x128xf32, #tpu.memory_space<vmem>>, vector<1x16xf32>,
          %swap3A_333 = vector.shape_cast %swap3A_332 : vector<1x16xf32> to vector<16xf32>
          %swap3A_334 = vector.shape_cast %max3A_329 : vector<16xf32> to vector<1x16xf32>
          tpu.vector_store %arg20[%swap3A_330, %swap3A_331], %swap3A_334 {strides = array<i32>} : memref<40x128xf32, #tpu.memory_space<vmem>>, vector<1x16xf32>,
          %get3A_335 = arith.index_cast %add3A_269 : i32 to index
          %get3A_336 = arith.constant 64 : index
          %get3A_337 = tpu.vector_load %arg20[%get3A_335, %get3A_336] {strides = array<i32>} : memref<40x128xf32, #tpu.memory_space<vmem>>, vector<1x16xf32>,
          %get3A_338 = vector.shape_cast %get3A_337 : vector<1x16xf32> to vector<16xf32>
          %get3A_339 = arith.index_cast %add3A_269 : i32 to index
          %get3A_340 = arith.constant 64 : index
          %get3A_341 = tpu.vector_load %arg24[%get3A_339, %get3A_340] {strides = array<i32>} : memref<40x128xf32, #tpu.memory_space<vmem>>, vector<1x16xf32>,
          %get3A_342 = vector.shape_cast %get3A_341 : vector<1x16xf32> to vector<16xf32>
          %add3A_343 = arith.addf %get3A_338, %get3A_342 : vector<16xf32>
          %max3A_344 = arith.constant 0.000000e+00 : f32
          %max3A_345 = vector.broadcast %max3A_344 : f32 to vector<16xf32>
          %max3A_346 = arith.maximumf %add3A_343, %max3A_345 : vector<16xf32>
          %swap3A_347 = arith.index_cast %add3A_269 : i32 to index
          %swap3A_348 = arith.constant 64 : index
          %swap3A_349 = tpu.vector_load %arg20[%swap3A_347, %swap3A_348] {strides = array<i32>} : memref<40x128xf32, #tpu.memory_space<vmem>>, vector<1x16xf32>,
          %swap3A_350 = vector.shape_cast %swap3A_349 : vector<1x16xf32> to vector<16xf32>
          %swap3A_351 = vector.shape_cast %max3A_346 : vector<16xf32> to vector<1x16xf32>
          tpu.vector_store %arg20[%swap3A_347, %swap3A_348], %swap3A_351 {strides = array<i32>} : memref<40x128xf32, #tpu.memory_space<vmem>>, vector<1x16xf32>,
          %get3A_352 = arith.index_cast %add3A_269 : i32 to index
          %get3A_353 = arith.constant 80 : index
          %get3A_354 = tpu.vector_load %arg20[%get3A_352, %get3A_353] {strides = array<i32>} : memref<40x128xf32, #tpu.memory_space<vmem>>, vector<1x16xf32>,
          %get3A_355 = vector.shape_cast %get3A_354 : vector<1x16xf32> to vector<16xf32>
          %get3A_356 = arith.index_cast %add3A_269 : i32 to index
          %get3A_357 = arith.constant 80 : index
          %get3A_358 = tpu.vector_load %arg24[%get3A_356, %get3A_357] {strides = array<i32>} : memref<40x128xf32, #tpu.memory_space<vmem>>, vector<1x16xf32>,
          %get3A_359 = vector.shape_cast %get3A_358 : vector<1x16xf32> to vector<16xf32>
          %add3A_360 = arith.addf %get3A_355, %get3A_359 : vector<16xf32>
          %max3A_361 = arith.constant 0.000000e+00 : f32
          %max3A_362 = vector.broadcast %max3A_361 : f32 to vector<16xf32>
          %max3A_363 = arith.maximumf %add3A_360, %max3A_362 : vector<16xf32>
          %swap3A_364 = arith.index_cast %add3A_269 : i32 to index
          %swap3A_365 = arith.constant 80 : index
          %swap3A_366 = tpu.vector_load %arg20[%swap3A_364, %swap3A_365] {strides = array<i32>} : memref<40x128xf32, #tpu.memory_space<vmem>>, vector<1x16xf32>,
          %swap3A_367 = vector.shape_cast %swap3A_366 : vector<1x16xf32> to vector<16xf32>
          %swap3A_368 = vector.shape_cast %max3A_363 : vector<16xf32> to vector<1x16xf32>
          tpu.vector_store %arg20[%swap3A_364, %swap3A_365], %swap3A_368 {strides = array<i32>} : memref<40x128xf32, #tpu.memory_space<vmem>>, vector<1x16xf32>,
          %get3A_369 = arith.index_cast %add3A_269 : i32 to index
          %get3A_370 = arith.constant 96 : index
          %get3A_371 = tpu.vector_load %arg20[%get3A_369, %get3A_370] {strides = array<i32>} : memref<40x128xf32, #tpu.memory_space<vmem>>, vector<1x16xf32>,
          %get3A_372 = vector.shape_cast %get3A_371 : vector<1x16xf32> to vector<16xf32>
          %get3A_373 = arith.index_cast %add3A_269 : i32 to index
          %get3A_374 = arith.constant 96 : index
          %get3A_375 = tpu.vector_load %arg24[%get3A_373, %get3A_374] {strides = array<i32>} : memref<40x128xf32, #tpu.memory_space<vmem>>, vector<1x16xf32>,
          %get3A_376 = vector.shape_cast %get3A_375 : vector<1x16xf32> to vector<16xf32>
          %add3A_377 = arith.addf %get3A_372, %get3A_376 : vector<16xf32>
          %max3A_378 = arith.constant 0.000000e+00 : f32
          %max3A_379 = vector.broadcast %max3A_378 : f32 to vector<16xf32>
          %max3A_380 = arith.maximumf %add3A_377, %max3A_379 : vector<16xf32>
          %swap3A_381 = arith.index_cast %add3A_269 : i32 to index
          %swap3A_382 = arith.constant 96 : index
          %swap3A_383 = tpu.vector_load %arg20[%swap3A_381, %swap3A_382] {strides = array<i32>} : memref<40x128xf32, #tpu.memory_space<vmem>>, vector<1x16xf32>,
          %swap3A_384 = vector.shape_cast %swap3A_383 : vector<1x16xf32> to vector<16xf32>
          %swap3A_385 = vector.shape_cast %max3A_380 : vector<16xf32> to vector<1x16xf32>
          tpu.vector_store %arg20[%swap3A_381, %swap3A_382], %swap3A_385 {strides = array<i32>} : memref<40x128xf32, #tpu.memory_space<vmem>>, vector<1x16xf32>,
          %get3A_386 = arith.index_cast %add3A_269 : i32 to index
          %get3A_387 = arith.constant 112 : index
          %get3A_388 = tpu.vector_load %arg20[%get3A_386, %get3A_387] {strides = array<i32>} : memref<40x128xf32, #tpu.memory_space<vmem>>, vector<1x16xf32>,
          %get3A_389 = vector.shape_cast %get3A_388 : vector<1x16xf32> to vector<16xf32>
          %get3A_390 = arith.index_cast %add3A_269 : i32 to index
          %get3A_391 = arith.constant 112 : index
          %get3A_392 = tpu.vector_load %arg24[%get3A_390, %get3A_391] {strides = array<i32>} : memref<40x128xf32, #tpu.memory_space<vmem>>, vector<1x16xf32>,
          %get3A_393 = vector.shape_cast %get3A_392 : vector<1x16xf32> to vector<16xf32>
          %add3A_394 = arith.addf %get3A_389, %get3A_393 : vector<16xf32>
          %max3A_395 = arith.constant 0.000000e+00 : f32
          %max3A_396 = vector.broadcast %max3A_395 : f32 to vector<16xf32>
          %max3A_397 = arith.maximumf %add3A_394, %max3A_396 : vector<16xf32>
          %swap3A_398 = arith.index_cast %add3A_269 : i32 to index
          %swap3A_399 = arith.constant 112 : index
          %swap3A_400 = tpu.vector_load %arg20[%swap3A_398, %swap3A_399] {strides = array<i32>} : memref<40x128xf32, #tpu.memory_space<vmem>>, vector<1x16xf32>,
          %swap3A_401 = vector.shape_cast %swap3A_400 : vector<1x16xf32> to vector<16xf32>
          %swap3A_402 = vector.shape_cast %max3A_397 : vector<16xf32> to vector<1x16xf32>
          tpu.vector_store %arg20[%swap3A_398, %swap3A_399], %swap3A_402 {strides = array<i32>} : memref<40x128xf32, #tpu.memory_space<vmem>>, vector<1x16xf32>,
        }
        %scan3A_256 = arith.constant 40 : i32
        %mul3A_257 = arith.constant 40 : i32
        %mul3A_258 = arith.muli %add3A_119, %mul3A_257 : i32
        %add3A_259 = arith.addi %mul3A_2, %mul3A_258 : i32
        %dma_wait3A_260 = tpu.memref_slice %arg6[%add3A_259] : memref<320000xi32, #tpu.memory_space<hbm>> -> memref<40xi32, #tpu.memory_space<hbm>>
        %dma_wait3A_261 = tpu.memref_slice %arg6[%add3A_259] : memref<320000xi32, #tpu.memory_space<hbm>> -> memref<40xi32, #tpu.memory_space<hbm>>
        tpu.wait_dma2 semaphore(%arg34 : memref<!tpu.dma_semaphore, #tpu.memory_space<semaphore_mem>>) src(%dma_wait3A_261 : memref<40xi32, #tpu.memory_space<hbm>>) dst(%arg16 : memref<40xi32, #tpu.memory_space<vmem>>)
        %dma_start3A_262 = arith.constant 0 : i32
        %dma_start3A_263 = arith.constant 0 : i32
        %dma_start3A_264 = tpu.memref_slice %arg29[%dma_start3A_262, %dma_start3A_263] : memref<10000x128xf32, #tpu.memory_space<vmem_shared>> -> memref<10000x128xf32, #tpu.memory_space<vmem_shared>>
        tpu.enqueue_indirect_dma source(%arg20 : memref<40x128xf32, #tpu.memory_space<vmem>>) target(%dma_start3A_264 : memref<10000x128xf32, #tpu.memory_space<vmem_shared>>) offsets(%arg16 : memref<40xi32, #tpu.memory_space<vmem>>) semaphore(%arg46 : memref<!tpu.dma_semaphore, #tpu.memory_space<semaphore_mem>>) {add = true}
      } else {
      }
      %add3A_147 = arith.constant 1 : i32
      %add3A_148 = arith.addi %add3A_117, %add3A_147 : i32
      %ge3A_149 = arith.constant 2 : i32
      %ge3A_150 = arith.cmpi sge, %add3A_148, %ge3A_149 : i32
      %convert_element_type3A_151 = arith.extui %ge3A_150 : i1 to i32
      %cond3A_152 = arith.constant 0 : i32
      %cond3A_153 = arith.cmpi ne, %convert_element_type3A_151, %cond3A_152 : i32
      scf.if %cond3A_153 {
        %dma_wait3A_246 = arith.constant 0 : i32
        %dma_wait3A_247 = arith.constant 0 : i32
        %dma_wait3A_248 = tpu.memref_slice %arg29[%dma_wait3A_246, %dma_wait3A_247] : memref<10000x128xf32, #tpu.memory_space<vmem_shared>> -> memref<10000x128xf32, #tpu.memory_space<vmem_shared>>
        tpu.wait_indirect_dma semaphore(%arg49 : memref<!tpu.dma_semaphore, #tpu.memory_space<semaphore_mem>>) src(%arg23 : memref<40x128xf32, #tpu.memory_space<vmem>>) dst(%dma_wait3A_248 : memref<10000x128xf32, #tpu.memory_space<vmem_shared>>)
      } else {
      }
      %add3A_154 = arith.constant 2 : i32
      %add3A_155 = arith.addi %add3A_148, %add3A_154 : i32
      %lt3A_156 = arith.constant 250 : i32
      %lt3A_157 = arith.cmpi slt, %add3A_155, %lt3A_156 : i32
      %convert_element_type3A_158 = arith.extui %lt3A_157 : i1 to i32
      %cond3A_159 = arith.constant 0 : i32
      %cond3A_160 = arith.cmpi ne, %convert_element_type3A_158, %cond3A_159 : i32
      scf.if %cond3A_160 {
        %add3A_246 = arith.constant 2 : i32
        %add3A_247 = arith.addi %add3A_148, %add3A_246 : i32
        %mul3A_248 = arith.constant 40 : i32
        %mul3A_249 = arith.muli %add3A_247, %mul3A_248 : i32
        %add3A_250 = arith.addi %mul3A_2, %mul3A_249 : i32
        %dma_start3A_251 = tpu.memref_slice %arg6[%add3A_250] : memref<320000xi32, #tpu.memory_space<hbm>> -> memref<40xi32, #tpu.memory_space<hbm>>
        %dma_start3A_252 = tpu.memref_slice %arg6[%add3A_250] : memref<320000xi32, #tpu.memory_space<hbm>> -> memref<40xi32, #tpu.memory_space<hbm>>
        tpu.enqueue_dma source(%dma_start3A_252 : memref<40xi32, #tpu.memory_space<hbm>>) target(%arg19 : memref<40xi32, #tpu.memory_space<vmem>>) target_semaphore(%arg37 : memref<!tpu.dma_semaphore, #tpu.memory_space<semaphore_mem>>)
      } else {
      }
      %add3A_161 = arith.constant 3 : i32
      %add3A_162 = arith.addi %add3A_148, %add3A_161 : i32
      %lt3A_163 = arith.constant 250 : i32
      %lt3A_164 = arith.cmpi slt, %add3A_162, %lt3A_163 : i32
      %convert_element_type3A_165 = arith.extui %lt3A_164 : i1 to i32
      %cond3A_166 = arith.constant 0 : i32
      %cond3A_167 = arith.cmpi ne, %convert_element_type3A_165, %cond3A_166 : i32
      scf.if %cond3A_167 {
        %add3A_246 = arith.constant 3 : i32
        %add3A_247 = arith.addi %add3A_148, %add3A_246 : i32
        %mul3A_248 = arith.constant 40 : i32
        %mul3A_249 = arith.muli %add3A_247, %mul3A_248 : i32
        %add3A_250 = arith.addi %mul3A_2, %mul3A_249 : i32
        %dma_start3A_251 = tpu.memref_slice %arg4[%add3A_250] : memref<320000xi32, #tpu.memory_space<hbm>> -> memref<40xi32, #tpu.memory_space<hbm>>
        %dma_start3A_252 = tpu.memref_slice %arg4[%add3A_250] : memref<320000xi32, #tpu.memory_space<hbm>> -> memref<40xi32, #tpu.memory_space<hbm>>
        tpu.enqueue_dma source(%dma_start3A_252 : memref<40xi32, #tpu.memory_space<hbm>>) target(%arg8 : memref<40xi32, #tpu.memory_space<vmem>>) target_semaphore(%arg30 : memref<!tpu.dma_semaphore, #tpu.memory_space<semaphore_mem>>)
        %dma_start3A_253 = tpu.memref_slice %arg5[%add3A_250] : memref<320000xi32, #tpu.memory_space<hbm>> -> memref<40xi32, #tpu.memory_space<hbm>>
        %dma_start3A_254 = tpu.memref_slice %arg5[%add3A_250] : memref<320000xi32, #tpu.memory_space<hbm>> -> memref<40xi32, #tpu.memory_space<hbm>>
        tpu.enqueue_dma source(%dma_start3A_254 : memref<40xi32, #tpu.memory_space<hbm>>) target(%arg12 : memref<40xi32, #tpu.memory_space<vmem>>) target_semaphore(%arg30 : memref<!tpu.dma_semaphore, #tpu.memory_space<semaphore_mem>>)
      } else {
      }
      %add3A_168 = arith.constant 2 : i32
      %add3A_169 = arith.addi %add3A_148, %add3A_168 : i32
      %lt3A_170 = arith.constant 250 : i32
      %lt3A_171 = arith.cmpi slt, %add3A_169, %lt3A_170 : i32
      %convert_element_type3A_172 = arith.extui %lt3A_171 : i1 to i32
      %cond3A_173 = arith.constant 0 : i32
      %cond3A_174 = arith.cmpi ne, %convert_element_type3A_172, %cond3A_173 : i32
      scf.if %cond3A_174 {
        %add3A_246 = arith.constant 2 : i32
        %add3A_247 = arith.addi %add3A_148, %add3A_246 : i32
        %mul3A_248 = arith.constant 40 : i32
        %mul3A_249 = arith.muli %add3A_247, %mul3A_248 : i32
        %add3A_250 = arith.addi %mul3A_2, %mul3A_249 : i32
        %dma_wait3A_251 = tpu.memref_slice %arg4[%add3A_250] : memref<320000xi32, #tpu.memory_space<hbm>> -> memref<40xi32, #tpu.memory_space<hbm>>
        %dma_wait3A_252 = tpu.memref_slice %arg4[%add3A_250] : memref<320000xi32, #tpu.memory_space<hbm>> -> memref<40xi32, #tpu.memory_space<hbm>>
        tpu.wait_dma2 semaphore(%arg33 : memref<!tpu.dma_semaphore, #tpu.memory_space<semaphore_mem>>) src(%dma_wait3A_252 : memref<40xi32, #tpu.memory_space<hbm>>) dst(%arg11 : memref<40xi32, #tpu.memory_space<vmem>>)
        %dma_wait3A_253 = tpu.memref_slice %arg5[%add3A_250] : memref<320000xi32, #tpu.memory_space<hbm>> -> memref<40xi32, #tpu.memory_space<hbm>>
        %dma_wait3A_254 = tpu.memref_slice %arg5[%add3A_250] : memref<320000xi32, #tpu.memory_space<hbm>> -> memref<40xi32, #tpu.memory_space<hbm>>
        tpu.wait_dma2 semaphore(%arg33 : memref<!tpu.dma_semaphore, #tpu.memory_space<semaphore_mem>>) src(%dma_wait3A_254 : memref<40xi32, #tpu.memory_space<hbm>>) dst(%arg15 : memref<40xi32, #tpu.memory_space<vmem>>)
        %dma_start3A_255 = arith.constant 0 : i32
        %dma_start3A_256 = arith.constant 0 : i32
        %dma_start3A_257 = tpu.memref_slice %arg2[%dma_start3A_255, %dma_start3A_256] : memref<10000x128xf32, #tpu.memory_space<hbm>> -> memref<10000x128xf32, #tpu.memory_space<hbm>>
        tpu.enqueue_indirect_dma source(%dma_start3A_257 : memref<10000x128xf32, #tpu.memory_space<hbm>>) target(%arg23 : memref<40x128xf32, #tpu.memory_space<vmem>>) offsets(%arg11 : memref<40xi32, #tpu.memory_space<vmem>>) semaphore(%arg41 : memref<!tpu.dma_semaphore, #tpu.memory_space<semaphore_mem>>)
        %dma_start3A_258 = arith.constant 0 : i32
        %dma_start3A_259 = arith.constant 0 : i32
        %dma_start3A_260 = tpu.memref_slice %arg3[%dma_start3A_258, %dma_start3A_259] : memref<4096x128xf32, #tpu.memory_space<hbm>> -> memref<4096x128xf32, #tpu.memory_space<hbm>>
        tpu.enqueue_indirect_dma source(%dma_start3A_260 : memref<4096x128xf32, #tpu.memory_space<hbm>>) target(%arg27 : memref<40x128xf32, #tpu.memory_space<vmem>>) offsets(%arg15 : memref<40xi32, #tpu.memory_space<vmem>>) semaphore(%arg45 : memref<!tpu.dma_semaphore, #tpu.memory_space<semaphore_mem>>)
      } else {
      }
      %lt3A_175 = arith.constant 250 : i32
      %lt3A_176 = arith.cmpi slt, %add3A_148, %lt3A_175 : i32
      %convert_element_type3A_177 = arith.extui %lt3A_176 : i1 to i32
      %cond3A_178 = arith.constant 0 : i32
      %cond3A_179 = arith.cmpi ne, %convert_element_type3A_177, %cond3A_178 : i32
      scf.if %cond3A_179 {
        %dma_wait3A_246 = arith.constant 0 : i32
        %dma_wait3A_247 = arith.constant 0 : i32
        %dma_wait3A_248 = tpu.memref_slice %arg2[%dma_wait3A_246, %dma_wait3A_247] : memref<10000x128xf32, #tpu.memory_space<hbm>> -> memref<10000x128xf32, #tpu.memory_space<hbm>>
        tpu.wait_indirect_dma semaphore(%arg39 : memref<!tpu.dma_semaphore, #tpu.memory_space<semaphore_mem>>) src(%dma_wait3A_248 : memref<10000x128xf32, #tpu.memory_space<hbm>>) dst(%arg21 : memref<40x128xf32, #tpu.memory_space<vmem>>)
        %dma_wait3A_249 = arith.constant 0 : i32
        %dma_wait3A_250 = arith.constant 0 : i32
        %dma_wait3A_251 = tpu.memref_slice %arg3[%dma_wait3A_249, %dma_wait3A_250] : memref<4096x128xf32, #tpu.memory_space<hbm>> -> memref<4096x128xf32, #tpu.memory_space<hbm>>
        tpu.wait_indirect_dma semaphore(%arg43 : memref<!tpu.dma_semaphore, #tpu.memory_space<semaphore_mem>>) src(%dma_wait3A_251 : memref<4096x128xf32, #tpu.memory_space<hbm>>) dst(%arg25 : memref<40x128xf32, #tpu.memory_space<vmem>>)
        %scan3A_252 = arith.constant 0 : i32
        %scan3A_253 = arith.constant 40 : i32
        %scan3A_254 = arith.addi %scan3A_252, %scan3A_253 : i32
        %scan3A_255 = arith.constant 1 : i32
        scf.for %scan3A_265 = %scan3A_252 to %scan3A_254 step %scan3A_255  : i32 {
          %mul3A_266 = arith.constant 1 : i32
          %mul3A_267 = arith.muli %scan3A_265, %mul3A_266 : i32
          %add3A_268 = arith.constant 0 : i32
          %add3A_269 = arith.addi %add3A_268, %mul3A_267 : i32
          %get3A = arith.index_cast %add3A_269 : i32 to index
          %get3A_270 = arith.constant 0 : index
          %get3A_271 = tpu.vector_load %arg21[%get3A, %get3A_270] {strides = array<i32>} : memref<40x128xf32, #tpu.memory_space<vmem>>, vector<1x16xf32>,
          %get3A_272 = vector.shape_cast %get3A_271 : vector<1x16xf32> to vector<16xf32>
          %get3A_273 = arith.index_cast %add3A_269 : i32 to index
          %get3A_274 = arith.constant 0 : index
          %get3A_275 = tpu.vector_load %arg25[%get3A_273, %get3A_274] {strides = array<i32>} : memref<40x128xf32, #tpu.memory_space<vmem>>, vector<1x16xf32>,
          %get3A_276 = vector.shape_cast %get3A_275 : vector<1x16xf32> to vector<16xf32>
          %add3A_277 = arith.addf %get3A_272, %get3A_276 : vector<16xf32>
          %max3A = arith.constant 0.000000e+00 : f32
          %max3A_278 = vector.broadcast %max3A : f32 to vector<16xf32>
          %max3A_279 = arith.maximumf %add3A_277, %max3A_278 : vector<16xf32>
          %swap3A = arith.index_cast %add3A_269 : i32 to index
          %swap3A_280 = arith.constant 0 : index
          %swap3A_281 = tpu.vector_load %arg21[%swap3A, %swap3A_280] {strides = array<i32>} : memref<40x128xf32, #tpu.memory_space<vmem>>, vector<1x16xf32>,
          %swap3A_282 = vector.shape_cast %swap3A_281 : vector<1x16xf32> to vector<16xf32>
          %swap3A_283 = vector.shape_cast %max3A_279 : vector<16xf32> to vector<1x16xf32>
          tpu.vector_store %arg21[%swap3A, %swap3A_280], %swap3A_283 {strides = array<i32>} : memref<40x128xf32, #tpu.memory_space<vmem>>, vector<1x16xf32>,
          %get3A_284 = arith.index_cast %add3A_269 : i32 to index
          %get3A_285 = arith.constant 16 : index
          %get3A_286 = tpu.vector_load %arg21[%get3A_284, %get3A_285] {strides = array<i32>} : memref<40x128xf32, #tpu.memory_space<vmem>>, vector<1x16xf32>,
          %get3A_287 = vector.shape_cast %get3A_286 : vector<1x16xf32> to vector<16xf32>
          %get3A_288 = arith.index_cast %add3A_269 : i32 to index
          %get3A_289 = arith.constant 16 : index
          %get3A_290 = tpu.vector_load %arg25[%get3A_288, %get3A_289] {strides = array<i32>} : memref<40x128xf32, #tpu.memory_space<vmem>>, vector<1x16xf32>,
          %get3A_291 = vector.shape_cast %get3A_290 : vector<1x16xf32> to vector<16xf32>
          %add3A_292 = arith.addf %get3A_287, %get3A_291 : vector<16xf32>
          %max3A_293 = arith.constant 0.000000e+00 : f32
          %max3A_294 = vector.broadcast %max3A_293 : f32 to vector<16xf32>
          %max3A_295 = arith.maximumf %add3A_292, %max3A_294 : vector<16xf32>
          %swap3A_296 = arith.index_cast %add3A_269 : i32 to index
          %swap3A_297 = arith.constant 16 : index
          %swap3A_298 = tpu.vector_load %arg21[%swap3A_296, %swap3A_297] {strides = array<i32>} : memref<40x128xf32, #tpu.memory_space<vmem>>, vector<1x16xf32>,
          %swap3A_299 = vector.shape_cast %swap3A_298 : vector<1x16xf32> to vector<16xf32>
          %swap3A_300 = vector.shape_cast %max3A_295 : vector<16xf32> to vector<1x16xf32>
          tpu.vector_store %arg21[%swap3A_296, %swap3A_297], %swap3A_300 {strides = array<i32>} : memref<40x128xf32, #tpu.memory_space<vmem>>, vector<1x16xf32>,
          %get3A_301 = arith.index_cast %add3A_269 : i32 to index
          %get3A_302 = arith.constant 32 : index
          %get3A_303 = tpu.vector_load %arg21[%get3A_301, %get3A_302] {strides = array<i32>} : memref<40x128xf32, #tpu.memory_space<vmem>>, vector<1x16xf32>,
          %get3A_304 = vector.shape_cast %get3A_303 : vector<1x16xf32> to vector<16xf32>
          %get3A_305 = arith.index_cast %add3A_269 : i32 to index
          %get3A_306 = arith.constant 32 : index
          %get3A_307 = tpu.vector_load %arg25[%get3A_305, %get3A_306] {strides = array<i32>} : memref<40x128xf32, #tpu.memory_space<vmem>>, vector<1x16xf32>,
          %get3A_308 = vector.shape_cast %get3A_307 : vector<1x16xf32> to vector<16xf32>
          %add3A_309 = arith.addf %get3A_304, %get3A_308 : vector<16xf32>
          %max3A_310 = arith.constant 0.000000e+00 : f32
          %max3A_311 = vector.broadcast %max3A_310 : f32 to vector<16xf32>
          %max3A_312 = arith.maximumf %add3A_309, %max3A_311 : vector<16xf32>
          %swap3A_313 = arith.index_cast %add3A_269 : i32 to index
          %swap3A_314 = arith.constant 32 : index
          %swap3A_315 = tpu.vector_load %arg21[%swap3A_313, %swap3A_314] {strides = array<i32>} : memref<40x128xf32, #tpu.memory_space<vmem>>, vector<1x16xf32>,
          %swap3A_316 = vector.shape_cast %swap3A_315 : vector<1x16xf32> to vector<16xf32>
          %swap3A_317 = vector.shape_cast %max3A_312 : vector<16xf32> to vector<1x16xf32>
          tpu.vector_store %arg21[%swap3A_313, %swap3A_314], %swap3A_317 {strides = array<i32>} : memref<40x128xf32, #tpu.memory_space<vmem>>, vector<1x16xf32>,
          %get3A_318 = arith.index_cast %add3A_269 : i32 to index
          %get3A_319 = arith.constant 48 : index
          %get3A_320 = tpu.vector_load %arg21[%get3A_318, %get3A_319] {strides = array<i32>} : memref<40x128xf32, #tpu.memory_space<vmem>>, vector<1x16xf32>,
          %get3A_321 = vector.shape_cast %get3A_320 : vector<1x16xf32> to vector<16xf32>
          %get3A_322 = arith.index_cast %add3A_269 : i32 to index
          %get3A_323 = arith.constant 48 : index
          %get3A_324 = tpu.vector_load %arg25[%get3A_322, %get3A_323] {strides = array<i32>} : memref<40x128xf32, #tpu.memory_space<vmem>>, vector<1x16xf32>,
          %get3A_325 = vector.shape_cast %get3A_324 : vector<1x16xf32> to vector<16xf32>
          %add3A_326 = arith.addf %get3A_321, %get3A_325 : vector<16xf32>
          %max3A_327 = arith.constant 0.000000e+00 : f32
          %max3A_328 = vector.broadcast %max3A_327 : f32 to vector<16xf32>
          %max3A_329 = arith.maximumf %add3A_326, %max3A_328 : vector<16xf32>
          %swap3A_330 = arith.index_cast %add3A_269 : i32 to index
          %swap3A_331 = arith.constant 48 : index
          %swap3A_332 = tpu.vector_load %arg21[%swap3A_330, %swap3A_331] {strides = array<i32>} : memref<40x128xf32, #tpu.memory_space<vmem>>, vector<1x16xf32>,
          %swap3A_333 = vector.shape_cast %swap3A_332 : vector<1x16xf32> to vector<16xf32>
          %swap3A_334 = vector.shape_cast %max3A_329 : vector<16xf32> to vector<1x16xf32>
          tpu.vector_store %arg21[%swap3A_330, %swap3A_331], %swap3A_334 {strides = array<i32>} : memref<40x128xf32, #tpu.memory_space<vmem>>, vector<1x16xf32>,
          %get3A_335 = arith.index_cast %add3A_269 : i32 to index
          %get3A_336 = arith.constant 64 : index
          %get3A_337 = tpu.vector_load %arg21[%get3A_335, %get3A_336] {strides = array<i32>} : memref<40x128xf32, #tpu.memory_space<vmem>>, vector<1x16xf32>,
          %get3A_338 = vector.shape_cast %get3A_337 : vector<1x16xf32> to vector<16xf32>
          %get3A_339 = arith.index_cast %add3A_269 : i32 to index
          %get3A_340 = arith.constant 64 : index
          %get3A_341 = tpu.vector_load %arg25[%get3A_339, %get3A_340] {strides = array<i32>} : memref<40x128xf32, #tpu.memory_space<vmem>>, vector<1x16xf32>,
          %get3A_342 = vector.shape_cast %get3A_341 : vector<1x16xf32> to vector<16xf32>
          %add3A_343 = arith.addf %get3A_338, %get3A_342 : vector<16xf32>
          %max3A_344 = arith.constant 0.000000e+00 : f32
          %max3A_345 = vector.broadcast %max3A_344 : f32 to vector<16xf32>
          %max3A_346 = arith.maximumf %add3A_343, %max3A_345 : vector<16xf32>
          %swap3A_347 = arith.index_cast %add3A_269 : i32 to index
          %swap3A_348 = arith.constant 64 : index
          %swap3A_349 = tpu.vector_load %arg21[%swap3A_347, %swap3A_348] {strides = array<i32>} : memref<40x128xf32, #tpu.memory_space<vmem>>, vector<1x16xf32>,
          %swap3A_350 = vector.shape_cast %swap3A_349 : vector<1x16xf32> to vector<16xf32>
          %swap3A_351 = vector.shape_cast %max3A_346 : vector<16xf32> to vector<1x16xf32>
          tpu.vector_store %arg21[%swap3A_347, %swap3A_348], %swap3A_351 {strides = array<i32>} : memref<40x128xf32, #tpu.memory_space<vmem>>, vector<1x16xf32>,
          %get3A_352 = arith.index_cast %add3A_269 : i32 to index
          %get3A_353 = arith.constant 80 : index
          %get3A_354 = tpu.vector_load %arg21[%get3A_352, %get3A_353] {strides = array<i32>} : memref<40x128xf32, #tpu.memory_space<vmem>>, vector<1x16xf32>,
          %get3A_355 = vector.shape_cast %get3A_354 : vector<1x16xf32> to vector<16xf32>
          %get3A_356 = arith.index_cast %add3A_269 : i32 to index
          %get3A_357 = arith.constant 80 : index
          %get3A_358 = tpu.vector_load %arg25[%get3A_356, %get3A_357] {strides = array<i32>} : memref<40x128xf32, #tpu.memory_space<vmem>>, vector<1x16xf32>,
          %get3A_359 = vector.shape_cast %get3A_358 : vector<1x16xf32> to vector<16xf32>
          %add3A_360 = arith.addf %get3A_355, %get3A_359 : vector<16xf32>
          %max3A_361 = arith.constant 0.000000e+00 : f32
          %max3A_362 = vector.broadcast %max3A_361 : f32 to vector<16xf32>
          %max3A_363 = arith.maximumf %add3A_360, %max3A_362 : vector<16xf32>
          %swap3A_364 = arith.index_cast %add3A_269 : i32 to index
          %swap3A_365 = arith.constant 80 : index
          %swap3A_366 = tpu.vector_load %arg21[%swap3A_364, %swap3A_365] {strides = array<i32>} : memref<40x128xf32, #tpu.memory_space<vmem>>, vector<1x16xf32>,
          %swap3A_367 = vector.shape_cast %swap3A_366 : vector<1x16xf32> to vector<16xf32>
          %swap3A_368 = vector.shape_cast %max3A_363 : vector<16xf32> to vector<1x16xf32>
          tpu.vector_store %arg21[%swap3A_364, %swap3A_365], %swap3A_368 {strides = array<i32>} : memref<40x128xf32, #tpu.memory_space<vmem>>, vector<1x16xf32>,
          %get3A_369 = arith.index_cast %add3A_269 : i32 to index
          %get3A_370 = arith.constant 96 : index
          %get3A_371 = tpu.vector_load %arg21[%get3A_369, %get3A_370] {strides = array<i32>} : memref<40x128xf32, #tpu.memory_space<vmem>>, vector<1x16xf32>,
          %get3A_372 = vector.shape_cast %get3A_371 : vector<1x16xf32> to vector<16xf32>
          %get3A_373 = arith.index_cast %add3A_269 : i32 to index
          %get3A_374 = arith.constant 96 : index
          %get3A_375 = tpu.vector_load %arg25[%get3A_373, %get3A_374] {strides = array<i32>} : memref<40x128xf32, #tpu.memory_space<vmem>>, vector<1x16xf32>,
          %get3A_376 = vector.shape_cast %get3A_375 : vector<1x16xf32> to vector<16xf32>
          %add3A_377 = arith.addf %get3A_372, %get3A_376 : vector<16xf32>
          %max3A_378 = arith.constant 0.000000e+00 : f32
          %max3A_379 = vector.broadcast %max3A_378 : f32 to vector<16xf32>
          %max3A_380 = arith.maximumf %add3A_377, %max3A_379 : vector<16xf32>
          %swap3A_381 = arith.index_cast %add3A_269 : i32 to index
          %swap3A_382 = arith.constant 96 : index
          %swap3A_383 = tpu.vector_load %arg21[%swap3A_381, %swap3A_382] {strides = array<i32>} : memref<40x128xf32, #tpu.memory_space<vmem>>, vector<1x16xf32>,
          %swap3A_384 = vector.shape_cast %swap3A_383 : vector<1x16xf32> to vector<16xf32>
          %swap3A_385 = vector.shape_cast %max3A_380 : vector<16xf32> to vector<1x16xf32>
          tpu.vector_store %arg21[%swap3A_381, %swap3A_382], %swap3A_385 {strides = array<i32>} : memref<40x128xf32, #tpu.memory_space<vmem>>, vector<1x16xf32>,
          %get3A_386 = arith.index_cast %add3A_269 : i32 to index
          %get3A_387 = arith.constant 112 : index
          %get3A_388 = tpu.vector_load %arg21[%get3A_386, %get3A_387] {strides = array<i32>} : memref<40x128xf32, #tpu.memory_space<vmem>>, vector<1x16xf32>,
          %get3A_389 = vector.shape_cast %get3A_388 : vector<1x16xf32> to vector<16xf32>
          %get3A_390 = arith.index_cast %add3A_269 : i32 to index
          %get3A_391 = arith.constant 112 : index
          %get3A_392 = tpu.vector_load %arg25[%get3A_390, %get3A_391] {strides = array<i32>} : memref<40x128xf32, #tpu.memory_space<vmem>>, vector<1x16xf32>,
          %get3A_393 = vector.shape_cast %get3A_392 : vector<1x16xf32> to vector<16xf32>
          %add3A_394 = arith.addf %get3A_389, %get3A_393 : vector<16xf32>
          %max3A_395 = arith.constant 0.000000e+00 : f32
          %max3A_396 = vector.broadcast %max3A_395 : f32 to vector<16xf32>
          %max3A_397 = arith.maximumf %add3A_394, %max3A_396 : vector<16xf32>
          %swap3A_398 = arith.index_cast %add3A_269 : i32 to index
          %swap3A_399 = arith.constant 112 : index
          %swap3A_400 = tpu.vector_load %arg21[%swap3A_398, %swap3A_399] {strides = array<i32>} : memref<40x128xf32, #tpu.memory_space<vmem>>, vector<1x16xf32>,
          %swap3A_401 = vector.shape_cast %swap3A_400 : vector<1x16xf32> to vector<16xf32>
          %swap3A_402 = vector.shape_cast %max3A_397 : vector<16xf32> to vector<1x16xf32>
          tpu.vector_store %arg21[%swap3A_398, %swap3A_399], %swap3A_402 {strides = array<i32>} : memref<40x128xf32, #tpu.memory_space<vmem>>, vector<1x16xf32>,
        }
        %scan3A_256 = arith.constant 40 : i32
        %mul3A_257 = arith.constant 40 : i32
        %mul3A_258 = arith.muli %add3A_148, %mul3A_257 : i32
        %add3A_259 = arith.addi %mul3A_2, %mul3A_258 : i32
        %dma_wait3A_260 = tpu.memref_slice %arg6[%add3A_259] : memref<320000xi32, #tpu.memory_space<hbm>> -> memref<40xi32, #tpu.memory_space<hbm>>
        %dma_wait3A_261 = tpu.memref_slice %arg6[%add3A_259] : memref<320000xi32, #tpu.memory_space<hbm>> -> memref<40xi32, #tpu.memory_space<hbm>>
        tpu.wait_dma2 semaphore(%arg35 : memref<!tpu.dma_semaphore, #tpu.memory_space<semaphore_mem>>) src(%dma_wait3A_261 : memref<40xi32, #tpu.memory_space<hbm>>) dst(%arg17 : memref<40xi32, #tpu.memory_space<vmem>>)
        %dma_start3A_262 = arith.constant 0 : i32
        %dma_start3A_263 = arith.constant 0 : i32
        %dma_start3A_264 = tpu.memref_slice %arg29[%dma_start3A_262, %dma_start3A_263] : memref<10000x128xf32, #tpu.memory_space<vmem_shared>> -> memref<10000x128xf32, #tpu.memory_space<vmem_shared>>
        tpu.enqueue_indirect_dma source(%arg21 : memref<40x128xf32, #tpu.memory_space<vmem>>) target(%dma_start3A_264 : memref<10000x128xf32, #tpu.memory_space<vmem_shared>>) offsets(%arg17 : memref<40xi32, #tpu.memory_space<vmem>>) semaphore(%arg47 : memref<!tpu.dma_semaphore, #tpu.memory_space<semaphore_mem>>) {add = true}
      } else {
      }
      %add3A_180 = arith.constant 2 : i32
      %add3A_181 = arith.addi %add3A_117, %add3A_180 : i32
      %ge3A_182 = arith.constant 2 : i32
      %ge3A_183 = arith.cmpi sge, %add3A_181, %ge3A_182 : i32
      %convert_element_type3A_184 = arith.extui %ge3A_183 : i1 to i32
      %cond3A_185 = arith.constant 0 : i32
      %cond3A_186 = arith.cmpi ne, %convert_element_type3A_184, %cond3A_185 : i32
      scf.if %cond3A_186 {
        %dma_wait3A_246 = arith.constant 0 : i32
        %dma_wait3A_247 = arith.constant 0 : i32
        %dma_wait3A_248 = tpu.memref_slice %arg29[%dma_wait3A_246, %dma_wait3A_247] : memref<10000x128xf32, #tpu.memory_space<vmem_shared>> -> memref<10000x128xf32, #tpu.memory_space<vmem_shared>>
        tpu.wait_indirect_dma semaphore(%arg46 : memref<!tpu.dma_semaphore, #tpu.memory_space<semaphore_mem>>) src(%arg20 : memref<40x128xf32, #tpu.memory_space<vmem>>) dst(%dma_wait3A_248 : memref<10000x128xf32, #tpu.memory_space<vmem_shared>>)
      } else {
      }
      %add3A_187 = arith.constant 2 : i32
      %add3A_188 = arith.addi %add3A_181, %add3A_187 : i32
      %lt3A_189 = arith.constant 250 : i32
      %lt3A_190 = arith.cmpi slt, %add3A_188, %lt3A_189 : i32
      %convert_element_type3A_191 = arith.extui %lt3A_190 : i1 to i32
      %cond3A_192 = arith.constant 0 : i32
      %cond3A_193 = arith.cmpi ne, %convert_element_type3A_191, %cond3A_192 : i32
      scf.if %cond3A_193 {
        %add3A_246 = arith.constant 2 : i32
        %add3A_247 = arith.addi %add3A_181, %add3A_246 : i32
        %mul3A_248 = arith.constant 40 : i32
        %mul3A_249 = arith.muli %add3A_247, %mul3A_248 : i32
        %add3A_250 = arith.addi %mul3A_2, %mul3A_249 : i32
        %dma_start3A_251 = tpu.memref_slice %arg6[%add3A_250] : memref<320000xi32, #tpu.memory_space<hbm>> -> memref<40xi32, #tpu.memory_space<hbm>>
        %dma_start3A_252 = tpu.memref_slice %arg6[%add3A_250] : memref<320000xi32, #tpu.memory_space<hbm>> -> memref<40xi32, #tpu.memory_space<hbm>>
        tpu.enqueue_dma source(%dma_start3A_252 : memref<40xi32, #tpu.memory_space<hbm>>) target(%arg16 : memref<40xi32, #tpu.memory_space<vmem>>) target_semaphore(%arg34 : memref<!tpu.dma_semaphore, #tpu.memory_space<semaphore_mem>>)
      } else {
      }
      %add3A_194 = arith.constant 3 : i32
      %add3A_195 = arith.addi %add3A_181, %add3A_194 : i32
      %lt3A_196 = arith.constant 250 : i32
      %lt3A_197 = arith.cmpi slt, %add3A_195, %lt3A_196 : i32
      %convert_element_type3A_198 = arith.extui %lt3A_197 : i1 to i32
      %cond3A_199 = arith.constant 0 : i32
      %cond3A_200 = arith.cmpi ne, %convert_element_type3A_198, %cond3A_199 : i32
      scf.if %cond3A_200 {
        %add3A_246 = arith.constant 3 : i32
        %add3A_247 = arith.addi %add3A_181, %add3A_246 : i32
        %mul3A_248 = arith.constant 40 : i32
        %mul3A_249 = arith.muli %add3A_247, %mul3A_248 : i32
        %add3A_250 = arith.addi %mul3A_2, %mul3A_249 : i32
        %dma_start3A_251 = tpu.memref_slice %arg4[%add3A_250] : memref<320000xi32, #tpu.memory_space<hbm>> -> memref<40xi32, #tpu.memory_space<hbm>>
        %dma_start3A_252 = tpu.memref_slice %arg4[%add3A_250] : memref<320000xi32, #tpu.memory_space<hbm>> -> memref<40xi32, #tpu.memory_space<hbm>>
        tpu.enqueue_dma source(%dma_start3A_252 : memref<40xi32, #tpu.memory_space<hbm>>) target(%arg9 : memref<40xi32, #tpu.memory_space<vmem>>) target_semaphore(%arg31 : memref<!tpu.dma_semaphore, #tpu.memory_space<semaphore_mem>>)
        %dma_start3A_253 = tpu.memref_slice %arg5[%add3A_250] : memref<320000xi32, #tpu.memory_space<hbm>> -> memref<40xi32, #tpu.memory_space<hbm>>
        %dma_start3A_254 = tpu.memref_slice %arg5[%add3A_250] : memref<320000xi32, #tpu.memory_space<hbm>> -> memref<40xi32, #tpu.memory_space<hbm>>
        tpu.enqueue_dma source(%dma_start3A_254 : memref<40xi32, #tpu.memory_space<hbm>>) target(%arg13 : memref<40xi32, #tpu.memory_space<vmem>>) target_semaphore(%arg31 : memref<!tpu.dma_semaphore, #tpu.memory_space<semaphore_mem>>)
      } else {
      }
      %add3A_201 = arith.constant 2 : i32
      %add3A_202 = arith.addi %add3A_181, %add3A_201 : i32
      %lt3A_203 = arith.constant 250 : i32
      %lt3A_204 = arith.cmpi slt, %add3A_202, %lt3A_203 : i32
      %convert_element_type3A_205 = arith.extui %lt3A_204 : i1 to i32
      %cond3A_206 = arith.constant 0 : i32
      %cond3A_207 = arith.cmpi ne, %convert_element_type3A_205, %cond3A_206 : i32
      scf.if %cond3A_207 {
        %add3A_246 = arith.constant 2 : i32
        %add3A_247 = arith.addi %add3A_181, %add3A_246 : i32
        %mul3A_248 = arith.constant 40 : i32
        %mul3A_249 = arith.muli %add3A_247, %mul3A_248 : i32
        %add3A_250 = arith.addi %mul3A_2, %mul3A_249 : i32
        %dma_wait3A_251 = tpu.memref_slice %arg4[%add3A_250] : memref<320000xi32, #tpu.memory_space<hbm>> -> memref<40xi32, #tpu.memory_space<hbm>>
        %dma_wait3A_252 = tpu.memref_slice %arg4[%add3A_250] : memref<320000xi32, #tpu.memory_space<hbm>> -> memref<40xi32, #tpu.memory_space<hbm>>
        tpu.wait_dma2 semaphore(%arg30 : memref<!tpu.dma_semaphore, #tpu.memory_space<semaphore_mem>>) src(%dma_wait3A_252 : memref<40xi32, #tpu.memory_space<hbm>>) dst(%arg8 : memref<40xi32, #tpu.memory_space<vmem>>)
        %dma_wait3A_253 = tpu.memref_slice %arg5[%add3A_250] : memref<320000xi32, #tpu.memory_space<hbm>> -> memref<40xi32, #tpu.memory_space<hbm>>
        %dma_wait3A_254 = tpu.memref_slice %arg5[%add3A_250] : memref<320000xi32, #tpu.memory_space<hbm>> -> memref<40xi32, #tpu.memory_space<hbm>>
        tpu.wait_dma2 semaphore(%arg30 : memref<!tpu.dma_semaphore, #tpu.memory_space<semaphore_mem>>) src(%dma_wait3A_254 : memref<40xi32, #tpu.memory_space<hbm>>) dst(%arg12 : memref<40xi32, #tpu.memory_space<vmem>>)
        %dma_start3A_255 = arith.constant 0 : i32
        %dma_start3A_256 = arith.constant 0 : i32
        %dma_start3A_257 = tpu.memref_slice %arg2[%dma_start3A_255, %dma_start3A_256] : memref<10000x128xf32, #tpu.memory_space<hbm>> -> memref<10000x128xf32, #tpu.memory_space<hbm>>
        tpu.enqueue_indirect_dma source(%dma_start3A_257 : memref<10000x128xf32, #tpu.memory_space<hbm>>) target(%arg20 : memref<40x128xf32, #tpu.memory_space<vmem>>) offsets(%arg8 : memref<40xi32, #tpu.memory_space<vmem>>) semaphore(%arg38 : memref<!tpu.dma_semaphore, #tpu.memory_space<semaphore_mem>>)
        %dma_start3A_258 = arith.constant 0 : i32
        %dma_start3A_259 = arith.constant 0 : i32
        %dma_start3A_260 = tpu.memref_slice %arg3[%dma_start3A_258, %dma_start3A_259] : memref<4096x128xf32, #tpu.memory_space<hbm>> -> memref<4096x128xf32, #tpu.memory_space<hbm>>
        tpu.enqueue_indirect_dma source(%dma_start3A_260 : memref<4096x128xf32, #tpu.memory_space<hbm>>) target(%arg24 : memref<40x128xf32, #tpu.memory_space<vmem>>) offsets(%arg12 : memref<40xi32, #tpu.memory_space<vmem>>) semaphore(%arg42 : memref<!tpu.dma_semaphore, #tpu.memory_space<semaphore_mem>>)
      } else {
      }
      %lt3A_208 = arith.constant 250 : i32
      %lt3A_209 = arith.cmpi slt, %add3A_181, %lt3A_208 : i32
      %convert_element_type3A_210 = arith.extui %lt3A_209 : i1 to i32
      %cond3A_211 = arith.constant 0 : i32
      %cond3A_212 = arith.cmpi ne, %convert_element_type3A_210, %cond3A_211 : i32
      scf.if %cond3A_212 {
        %dma_wait3A_246 = arith.constant 0 : i32
        %dma_wait3A_247 = arith.constant 0 : i32
        %dma_wait3A_248 = tpu.memref_slice %arg2[%dma_wait3A_246, %dma_wait3A_247] : memref<10000x128xf32, #tpu.memory_space<hbm>> -> memref<10000x128xf32, #tpu.memory_space<hbm>>
        tpu.wait_indirect_dma semaphore(%arg40 : memref<!tpu.dma_semaphore, #tpu.memory_space<semaphore_mem>>) src(%dma_wait3A_248 : memref<10000x128xf32, #tpu.memory_space<hbm>>) dst(%arg22 : memref<40x128xf32, #tpu.memory_space<vmem>>)
        %dma_wait3A_249 = arith.constant 0 : i32
        %dma_wait3A_250 = arith.constant 0 : i32
        %dma_wait3A_251 = tpu.memref_slice %arg3[%dma_wait3A_249, %dma_wait3A_250] : memref<4096x128xf32, #tpu.memory_space<hbm>> -> memref<4096x128xf32, #tpu.memory_space<hbm>>
        tpu.wait_indirect_dma semaphore(%arg44 : memref<!tpu.dma_semaphore, #tpu.memory_space<semaphore_mem>>) src(%dma_wait3A_251 : memref<4096x128xf32, #tpu.memory_space<hbm>>) dst(%arg26 : memref<40x128xf32, #tpu.memory_space<vmem>>)
        %scan3A_252 = arith.constant 0 : i32
        %scan3A_253 = arith.constant 40 : i32
        %scan3A_254 = arith.addi %scan3A_252, %scan3A_253 : i32
        %scan3A_255 = arith.constant 1 : i32
        scf.for %scan3A_265 = %scan3A_252 to %scan3A_254 step %scan3A_255  : i32 {
          %mul3A_266 = arith.constant 1 : i32
          %mul3A_267 = arith.muli %scan3A_265, %mul3A_266 : i32
          %add3A_268 = arith.constant 0 : i32
          %add3A_269 = arith.addi %add3A_268, %mul3A_267 : i32
          %get3A = arith.index_cast %add3A_269 : i32 to index
          %get3A_270 = arith.constant 0 : index
          %get3A_271 = tpu.vector_load %arg22[%get3A, %get3A_270] {strides = array<i32>} : memref<40x128xf32, #tpu.memory_space<vmem>>, vector<1x16xf32>,
          %get3A_272 = vector.shape_cast %get3A_271 : vector<1x16xf32> to vector<16xf32>
          %get3A_273 = arith.index_cast %add3A_269 : i32 to index
          %get3A_274 = arith.constant 0 : index
          %get3A_275 = tpu.vector_load %arg26[%get3A_273, %get3A_274] {strides = array<i32>} : memref<40x128xf32, #tpu.memory_space<vmem>>, vector<1x16xf32>,
          %get3A_276 = vector.shape_cast %get3A_275 : vector<1x16xf32> to vector<16xf32>
          %add3A_277 = arith.addf %get3A_272, %get3A_276 : vector<16xf32>
          %max3A = arith.constant 0.000000e+00 : f32
          %max3A_278 = vector.broadcast %max3A : f32 to vector<16xf32>
          %max3A_279 = arith.maximumf %add3A_277, %max3A_278 : vector<16xf32>
          %swap3A = arith.index_cast %add3A_269 : i32 to index
          %swap3A_280 = arith.constant 0 : index
          %swap3A_281 = tpu.vector_load %arg22[%swap3A, %swap3A_280] {strides = array<i32>} : memref<40x128xf32, #tpu.memory_space<vmem>>, vector<1x16xf32>,
          %swap3A_282 = vector.shape_cast %swap3A_281 : vector<1x16xf32> to vector<16xf32>
          %swap3A_283 = vector.shape_cast %max3A_279 : vector<16xf32> to vector<1x16xf32>
          tpu.vector_store %arg22[%swap3A, %swap3A_280], %swap3A_283 {strides = array<i32>} : memref<40x128xf32, #tpu.memory_space<vmem>>, vector<1x16xf32>,
          %get3A_284 = arith.index_cast %add3A_269 : i32 to index
          %get3A_285 = arith.constant 16 : index
          %get3A_286 = tpu.vector_load %arg22[%get3A_284, %get3A_285] {strides = array<i32>} : memref<40x128xf32, #tpu.memory_space<vmem>>, vector<1x16xf32>,
          %get3A_287 = vector.shape_cast %get3A_286 : vector<1x16xf32> to vector<16xf32>
          %get3A_288 = arith.index_cast %add3A_269 : i32 to index
          %get3A_289 = arith.constant 16 : index
          %get3A_290 = tpu.vector_load %arg26[%get3A_288, %get3A_289] {strides = array<i32>} : memref<40x128xf32, #tpu.memory_space<vmem>>, vector<1x16xf32>,
          %get3A_291 = vector.shape_cast %get3A_290 : vector<1x16xf32> to vector<16xf32>
          %add3A_292 = arith.addf %get3A_287, %get3A_291 : vector<16xf32>
          %max3A_293 = arith.constant 0.000000e+00 : f32
          %max3A_294 = vector.broadcast %max3A_293 : f32 to vector<16xf32>
          %max3A_295 = arith.maximumf %add3A_292, %max3A_294 : vector<16xf32>
          %swap3A_296 = arith.index_cast %add3A_269 : i32 to index
          %swap3A_297 = arith.constant 16 : index
          %swap3A_298 = tpu.vector_load %arg22[%swap3A_296, %swap3A_297] {strides = array<i32>} : memref<40x128xf32, #tpu.memory_space<vmem>>, vector<1x16xf32>,
          %swap3A_299 = vector.shape_cast %swap3A_298 : vector<1x16xf32> to vector<16xf32>
          %swap3A_300 = vector.shape_cast %max3A_295 : vector<16xf32> to vector<1x16xf32>
          tpu.vector_store %arg22[%swap3A_296, %swap3A_297], %swap3A_300 {strides = array<i32>} : memref<40x128xf32, #tpu.memory_space<vmem>>, vector<1x16xf32>,
          %get3A_301 = arith.index_cast %add3A_269 : i32 to index
          %get3A_302 = arith.constant 32 : index
          %get3A_303 = tpu.vector_load %arg22[%get3A_301, %get3A_302] {strides = array<i32>} : memref<40x128xf32, #tpu.memory_space<vmem>>, vector<1x16xf32>,
          %get3A_304 = vector.shape_cast %get3A_303 : vector<1x16xf32> to vector<16xf32>
          %get3A_305 = arith.index_cast %add3A_269 : i32 to index
          %get3A_306 = arith.constant 32 : index
          %get3A_307 = tpu.vector_load %arg26[%get3A_305, %get3A_306] {strides = array<i32>} : memref<40x128xf32, #tpu.memory_space<vmem>>, vector<1x16xf32>,
          %get3A_308 = vector.shape_cast %get3A_307 : vector<1x16xf32> to vector<16xf32>
          %add3A_309 = arith.addf %get3A_304, %get3A_308 : vector<16xf32>
          %max3A_310 = arith.constant 0.000000e+00 : f32
          %max3A_311 = vector.broadcast %max3A_310 : f32 to vector<16xf32>
          %max3A_312 = arith.maximumf %add3A_309, %max3A_311 : vector<16xf32>
          %swap3A_313 = arith.index_cast %add3A_269 : i32 to index
          %swap3A_314 = arith.constant 32 : index
          %swap3A_315 = tpu.vector_load %arg22[%swap3A_313, %swap3A_314] {strides = array<i32>} : memref<40x128xf32, #tpu.memory_space<vmem>>, vector<1x16xf32>,
          %swap3A_316 = vector.shape_cast %swap3A_315 : vector<1x16xf32> to vector<16xf32>
          %swap3A_317 = vector.shape_cast %max3A_312 : vector<16xf32> to vector<1x16xf32>
          tpu.vector_store %arg22[%swap3A_313, %swap3A_314], %swap3A_317 {strides = array<i32>} : memref<40x128xf32, #tpu.memory_space<vmem>>, vector<1x16xf32>,
          %get3A_318 = arith.index_cast %add3A_269 : i32 to index
          %get3A_319 = arith.constant 48 : index
          %get3A_320 = tpu.vector_load %arg22[%get3A_318, %get3A_319] {strides = array<i32>} : memref<40x128xf32, #tpu.memory_space<vmem>>, vector<1x16xf32>,
          %get3A_321 = vector.shape_cast %get3A_320 : vector<1x16xf32> to vector<16xf32>
          %get3A_322 = arith.index_cast %add3A_269 : i32 to index
          %get3A_323 = arith.constant 48 : index
          %get3A_324 = tpu.vector_load %arg26[%get3A_322, %get3A_323] {strides = array<i32>} : memref<40x128xf32, #tpu.memory_space<vmem>>, vector<1x16xf32>,
          %get3A_325 = vector.shape_cast %get3A_324 : vector<1x16xf32> to vector<16xf32>
          %add3A_326 = arith.addf %get3A_321, %get3A_325 : vector<16xf32>
          %max3A_327 = arith.constant 0.000000e+00 : f32
          %max3A_328 = vector.broadcast %max3A_327 : f32 to vector<16xf32>
          %max3A_329 = arith.maximumf %add3A_326, %max3A_328 : vector<16xf32>
          %swap3A_330 = arith.index_cast %add3A_269 : i32 to index
          %swap3A_331 = arith.constant 48 : index
          %swap3A_332 = tpu.vector_load %arg22[%swap3A_330, %swap3A_331] {strides = array<i32>} : memref<40x128xf32, #tpu.memory_space<vmem>>, vector<1x16xf32>,
          %swap3A_333 = vector.shape_cast %swap3A_332 : vector<1x16xf32> to vector<16xf32>
          %swap3A_334 = vector.shape_cast %max3A_329 : vector<16xf32> to vector<1x16xf32>
          tpu.vector_store %arg22[%swap3A_330, %swap3A_331], %swap3A_334 {strides = array<i32>} : memref<40x128xf32, #tpu.memory_space<vmem>>, vector<1x16xf32>,
          %get3A_335 = arith.index_cast %add3A_269 : i32 to index
          %get3A_336 = arith.constant 64 : index
          %get3A_337 = tpu.vector_load %arg22[%get3A_335, %get3A_336] {strides = array<i32>} : memref<40x128xf32, #tpu.memory_space<vmem>>, vector<1x16xf32>,
          %get3A_338 = vector.shape_cast %get3A_337 : vector<1x16xf32> to vector<16xf32>
          %get3A_339 = arith.index_cast %add3A_269 : i32 to index
          %get3A_340 = arith.constant 64 : index
          %get3A_341 = tpu.vector_load %arg26[%get3A_339, %get3A_340] {strides = array<i32>} : memref<40x128xf32, #tpu.memory_space<vmem>>, vector<1x16xf32>,
          %get3A_342 = vector.shape_cast %get3A_341 : vector<1x16xf32> to vector<16xf32>
          %add3A_343 = arith.addf %get3A_338, %get3A_342 : vector<16xf32>
          %max3A_344 = arith.constant 0.000000e+00 : f32
          %max3A_345 = vector.broadcast %max3A_344 : f32 to vector<16xf32>
          %max3A_346 = arith.maximumf %add3A_343, %max3A_345 : vector<16xf32>
          %swap3A_347 = arith.index_cast %add3A_269 : i32 to index
          %swap3A_348 = arith.constant 64 : index
          %swap3A_349 = tpu.vector_load %arg22[%swap3A_347, %swap3A_348] {strides = array<i32>} : memref<40x128xf32, #tpu.memory_space<vmem>>, vector<1x16xf32>,
          %swap3A_350 = vector.shape_cast %swap3A_349 : vector<1x16xf32> to vector<16xf32>
          %swap3A_351 = vector.shape_cast %max3A_346 : vector<16xf32> to vector<1x16xf32>
          tpu.vector_store %arg22[%swap3A_347, %swap3A_348], %swap3A_351 {strides = array<i32>} : memref<40x128xf32, #tpu.memory_space<vmem>>, vector<1x16xf32>,
          %get3A_352 = arith.index_cast %add3A_269 : i32 to index
          %get3A_353 = arith.constant 80 : index
          %get3A_354 = tpu.vector_load %arg22[%get3A_352, %get3A_353] {strides = array<i32>} : memref<40x128xf32, #tpu.memory_space<vmem>>, vector<1x16xf32>,
          %get3A_355 = vector.shape_cast %get3A_354 : vector<1x16xf32> to vector<16xf32>
          %get3A_356 = arith.index_cast %add3A_269 : i32 to index
          %get3A_357 = arith.constant 80 : index
          %get3A_358 = tpu.vector_load %arg26[%get3A_356, %get3A_357] {strides = array<i32>} : memref<40x128xf32, #tpu.memory_space<vmem>>, vector<1x16xf32>,
          %get3A_359 = vector.shape_cast %get3A_358 : vector<1x16xf32> to vector<16xf32>
          %add3A_360 = arith.addf %get3A_355, %get3A_359 : vector<16xf32>
          %max3A_361 = arith.constant 0.000000e+00 : f32
          %max3A_362 = vector.broadcast %max3A_361 : f32 to vector<16xf32>
          %max3A_363 = arith.maximumf %add3A_360, %max3A_362 : vector<16xf32>
          %swap3A_364 = arith.index_cast %add3A_269 : i32 to index
          %swap3A_365 = arith.constant 80 : index
          %swap3A_366 = tpu.vector_load %arg22[%swap3A_364, %swap3A_365] {strides = array<i32>} : memref<40x128xf32, #tpu.memory_space<vmem>>, vector<1x16xf32>,
          %swap3A_367 = vector.shape_cast %swap3A_366 : vector<1x16xf32> to vector<16xf32>
          %swap3A_368 = vector.shape_cast %max3A_363 : vector<16xf32> to vector<1x16xf32>
          tpu.vector_store %arg22[%swap3A_364, %swap3A_365], %swap3A_368 {strides = array<i32>} : memref<40x128xf32, #tpu.memory_space<vmem>>, vector<1x16xf32>,
          %get3A_369 = arith.index_cast %add3A_269 : i32 to index
          %get3A_370 = arith.constant 96 : index
          %get3A_371 = tpu.vector_load %arg22[%get3A_369, %get3A_370] {strides = array<i32>} : memref<40x128xf32, #tpu.memory_space<vmem>>, vector<1x16xf32>,
          %get3A_372 = vector.shape_cast %get3A_371 : vector<1x16xf32> to vector<16xf32>
          %get3A_373 = arith.index_cast %add3A_269 : i32 to index
          %get3A_374 = arith.constant 96 : index
          %get3A_375 = tpu.vector_load %arg26[%get3A_373, %get3A_374] {strides = array<i32>} : memref<40x128xf32, #tpu.memory_space<vmem>>, vector<1x16xf32>,
          %get3A_376 = vector.shape_cast %get3A_375 : vector<1x16xf32> to vector<16xf32>
          %add3A_377 = arith.addf %get3A_372, %get3A_376 : vector<16xf32>
          %max3A_378 = arith.constant 0.000000e+00 : f32
          %max3A_379 = vector.broadcast %max3A_378 : f32 to vector<16xf32>
          %max3A_380 = arith.maximumf %add3A_377, %max3A_379 : vector<16xf32>
          %swap3A_381 = arith.index_cast %add3A_269 : i32 to index
          %swap3A_382 = arith.constant 96 : index
          %swap3A_383 = tpu.vector_load %arg22[%swap3A_381, %swap3A_382] {strides = array<i32>} : memref<40x128xf32, #tpu.memory_space<vmem>>, vector<1x16xf32>,
          %swap3A_384 = vector.shape_cast %swap3A_383 : vector<1x16xf32> to vector<16xf32>
          %swap3A_385 = vector.shape_cast %max3A_380 : vector<16xf32> to vector<1x16xf32>
          tpu.vector_store %arg22[%swap3A_381, %swap3A_382], %swap3A_385 {strides = array<i32>} : memref<40x128xf32, #tpu.memory_space<vmem>>, vector<1x16xf32>,
          %get3A_386 = arith.index_cast %add3A_269 : i32 to index
          %get3A_387 = arith.constant 112 : index
          %get3A_388 = tpu.vector_load %arg22[%get3A_386, %get3A_387] {strides = array<i32>} : memref<40x128xf32, #tpu.memory_space<vmem>>, vector<1x16xf32>,
          %get3A_389 = vector.shape_cast %get3A_388 : vector<1x16xf32> to vector<16xf32>
          %get3A_390 = arith.index_cast %add3A_269 : i32 to index
          %get3A_391 = arith.constant 112 : index
          %get3A_392 = tpu.vector_load %arg26[%get3A_390, %get3A_391] {strides = array<i32>} : memref<40x128xf32, #tpu.memory_space<vmem>>, vector<1x16xf32>,
          %get3A_393 = vector.shape_cast %get3A_392 : vector<1x16xf32> to vector<16xf32>
          %add3A_394 = arith.addf %get3A_389, %get3A_393 : vector<16xf32>
          %max3A_395 = arith.constant 0.000000e+00 : f32
          %max3A_396 = vector.broadcast %max3A_395 : f32 to vector<16xf32>
          %max3A_397 = arith.maximumf %add3A_394, %max3A_396 : vector<16xf32>
          %swap3A_398 = arith.index_cast %add3A_269 : i32 to index
          %swap3A_399 = arith.constant 112 : index
          %swap3A_400 = tpu.vector_load %arg22[%swap3A_398, %swap3A_399] {strides = array<i32>} : memref<40x128xf32, #tpu.memory_space<vmem>>, vector<1x16xf32>,
          %swap3A_401 = vector.shape_cast %swap3A_400 : vector<1x16xf32> to vector<16xf32>
          %swap3A_402 = vector.shape_cast %max3A_397 : vector<16xf32> to vector<1x16xf32>
          tpu.vector_store %arg22[%swap3A_398, %swap3A_399], %swap3A_402 {strides = array<i32>} : memref<40x128xf32, #tpu.memory_space<vmem>>, vector<1x16xf32>,
        }
        %scan3A_256 = arith.constant 40 : i32
        %mul3A_257 = arith.constant 40 : i32
        %mul3A_258 = arith.muli %add3A_181, %mul3A_257 : i32
        %add3A_259 = arith.addi %mul3A_2, %mul3A_258 : i32
        %dma_wait3A_260 = tpu.memref_slice %arg6[%add3A_259] : memref<320000xi32, #tpu.memory_space<hbm>> -> memref<40xi32, #tpu.memory_space<hbm>>
        %dma_wait3A_261 = tpu.memref_slice %arg6[%add3A_259] : memref<320000xi32, #tpu.memory_space<hbm>> -> memref<40xi32, #tpu.memory_space<hbm>>
        tpu.wait_dma2 semaphore(%arg36 : memref<!tpu.dma_semaphore, #tpu.memory_space<semaphore_mem>>) src(%dma_wait3A_261 : memref<40xi32, #tpu.memory_space<hbm>>) dst(%arg18 : memref<40xi32, #tpu.memory_space<vmem>>)
        %dma_start3A_262 = arith.constant 0 : i32
        %dma_start3A_263 = arith.constant 0 : i32
        %dma_start3A_264 = tpu.memref_slice %arg29[%dma_start3A_262, %dma_start3A_263] : memref<10000x128xf32, #tpu.memory_space<vmem_shared>> -> memref<10000x128xf32, #tpu.memory_space<vmem_shared>>
        tpu.enqueue_indirect_dma source(%arg22 : memref<40x128xf32, #tpu.memory_space<vmem>>) target(%dma_start3A_264 : memref<10000x128xf32, #tpu.memory_space<vmem_shared>>) offsets(%arg18 : memref<40xi32, #tpu.memory_space<vmem>>) semaphore(%arg48 : memref<!tpu.dma_semaphore, #tpu.memory_space<semaphore_mem>>) {add = true}
      } else {
      }
      %add3A_213 = arith.constant 3 : i32
      %add3A_214 = arith.addi %add3A_117, %add3A_213 : i32
      %ge3A_215 = arith.constant 2 : i32
      %ge3A_216 = arith.cmpi sge, %add3A_214, %ge3A_215 : i32
      %convert_element_type3A_217 = arith.extui %ge3A_216 : i1 to i32
      %cond3A_218 = arith.constant 0 : i32
      %cond3A_219 = arith.cmpi ne, %convert_element_type3A_217, %cond3A_218 : i32
      scf.if %cond3A_219 {
        %dma_wait3A_246 = arith.constant 0 : i32
        %dma_wait3A_247 = arith.constant 0 : i32
        %dma_wait3A_248 = tpu.memref_slice %arg29[%dma_wait3A_246, %dma_wait3A_247] : memref<10000x128xf32, #tpu.memory_space<vmem_shared>> -> memref<10000x128xf32, #tpu.memory_space<vmem_shared>>
        tpu.wait_indirect_dma semaphore(%arg47 : memref<!tpu.dma_semaphore, #tpu.memory_space<semaphore_mem>>) src(%arg21 : memref<40x128xf32, #tpu.memory_space<vmem>>) dst(%dma_wait3A_248 : memref<10000x128xf32, #tpu.memory_space<vmem_shared>>)
      } else {
      }
      %add3A_220 = arith.constant 2 : i32
      %add3A_221 = arith.addi %add3A_214, %add3A_220 : i32
      %lt3A_222 = arith.constant 250 : i32
      %lt3A_223 = arith.cmpi slt, %add3A_221, %lt3A_222 : i32
      %convert_element_type3A_224 = arith.extui %lt3A_223 : i1 to i32
      %cond3A_225 = arith.constant 0 : i32
      %cond3A_226 = arith.cmpi ne, %convert_element_type3A_224, %cond3A_225 : i32
      scf.if %cond3A_226 {
        %add3A_246 = arith.constant 2 : i32
        %add3A_247 = arith.addi %add3A_214, %add3A_246 : i32
        %mul3A_248 = arith.constant 40 : i32
        %mul3A_249 = arith.muli %add3A_247, %mul3A_248 : i32
        %add3A_250 = arith.addi %mul3A_2, %mul3A_249 : i32
        %dma_start3A_251 = tpu.memref_slice %arg6[%add3A_250] : memref<320000xi32, #tpu.memory_space<hbm>> -> memref<40xi32, #tpu.memory_space<hbm>>
        %dma_start3A_252 = tpu.memref_slice %arg6[%add3A_250] : memref<320000xi32, #tpu.memory_space<hbm>> -> memref<40xi32, #tpu.memory_space<hbm>>
        tpu.enqueue_dma source(%dma_start3A_252 : memref<40xi32, #tpu.memory_space<hbm>>) target(%arg17 : memref<40xi32, #tpu.memory_space<vmem>>) target_semaphore(%arg35 : memref<!tpu.dma_semaphore, #tpu.memory_space<semaphore_mem>>)
      } else {
      }
      %add3A_227 = arith.constant 3 : i32
      %add3A_228 = arith.addi %add3A_214, %add3A_227 : i32
      %lt3A_229 = arith.constant 250 : i32
      %lt3A_230 = arith.cmpi slt, %add3A_228, %lt3A_229 : i32
      %convert_element_type3A_231 = arith.extui %lt3A_230 : i1 to i32
      %cond3A_232 = arith.constant 0 : i32
      %cond3A_233 = arith.cmpi ne, %convert_element_type3A_231, %cond3A_232 : i32
      scf.if %cond3A_233 {
        %add3A_246 = arith.constant 3 : i32
        %add3A_247 = arith.addi %add3A_214, %add3A_246 : i32
        %mul3A_248 = arith.constant 40 : i32
        %mul3A_249 = arith.muli %add3A_247, %mul3A_248 : i32
        %add3A_250 = arith.addi %mul3A_2, %mul3A_249 : i32
        %dma_start3A_251 = tpu.memref_slice %arg4[%add3A_250] : memref<320000xi32, #tpu.memory_space<hbm>> -> memref<40xi32, #tpu.memory_space<hbm>>
        %dma_start3A_252 = tpu.memref_slice %arg4[%add3A_250] : memref<320000xi32, #tpu.memory_space<hbm>> -> memref<40xi32, #tpu.memory_space<hbm>>
        tpu.enqueue_dma source(%dma_start3A_252 : memref<40xi32, #tpu.memory_space<hbm>>) target(%arg10 : memref<40xi32, #tpu.memory_space<vmem>>) target_semaphore(%arg32 : memref<!tpu.dma_semaphore, #tpu.memory_space<semaphore_mem>>)
        %dma_start3A_253 = tpu.memref_slice %arg5[%add3A_250] : memref<320000xi32, #tpu.memory_space<hbm>> -> memref<40xi32, #tpu.memory_space<hbm>>
        %dma_start3A_254 = tpu.memref_slice %arg5[%add3A_250] : memref<320000xi32, #tpu.memory_space<hbm>> -> memref<40xi32, #tpu.memory_space<hbm>>
        tpu.enqueue_dma source(%dma_start3A_254 : memref<40xi32, #tpu.memory_space<hbm>>) target(%arg14 : memref<40xi32, #tpu.memory_space<vmem>>) target_semaphore(%arg32 : memref<!tpu.dma_semaphore, #tpu.memory_space<semaphore_mem>>)
      } else {
      }
      %add3A_234 = arith.constant 2 : i32
      %add3A_235 = arith.addi %add3A_214, %add3A_234 : i32
      %lt3A_236 = arith.constant 250 : i32
      %lt3A_237 = arith.cmpi slt, %add3A_235, %lt3A_236 : i32
      %convert_element_type3A_238 = arith.extui %lt3A_237 : i1 to i32
      %cond3A_239 = arith.constant 0 : i32
      %cond3A_240 = arith.cmpi ne, %convert_element_type3A_238, %cond3A_239 : i32
      scf.if %cond3A_240 {
        %add3A_246 = arith.constant 2 : i32
        %add3A_247 = arith.addi %add3A_214, %add3A_246 : i32
        %mul3A_248 = arith.constant 40 : i32
        %mul3A_249 = arith.muli %add3A_247, %mul3A_248 : i32
        %add3A_250 = arith.addi %mul3A_2, %mul3A_249 : i32
        %dma_wait3A_251 = tpu.memref_slice %arg4[%add3A_250] : memref<320000xi32, #tpu.memory_space<hbm>> -> memref<40xi32, #tpu.memory_space<hbm>>
        %dma_wait3A_252 = tpu.memref_slice %arg4[%add3A_250] : memref<320000xi32, #tpu.memory_space<hbm>> -> memref<40xi32, #tpu.memory_space<hbm>>
        tpu.wait_dma2 semaphore(%arg31 : memref<!tpu.dma_semaphore, #tpu.memory_space<semaphore_mem>>) src(%dma_wait3A_252 : memref<40xi32, #tpu.memory_space<hbm>>) dst(%arg9 : memref<40xi32, #tpu.memory_space<vmem>>)
        %dma_wait3A_253 = tpu.memref_slice %arg5[%add3A_250] : memref<320000xi32, #tpu.memory_space<hbm>> -> memref<40xi32, #tpu.memory_space<hbm>>
        %dma_wait3A_254 = tpu.memref_slice %arg5[%add3A_250] : memref<320000xi32, #tpu.memory_space<hbm>> -> memref<40xi32, #tpu.memory_space<hbm>>
        tpu.wait_dma2 semaphore(%arg31 : memref<!tpu.dma_semaphore, #tpu.memory_space<semaphore_mem>>) src(%dma_wait3A_254 : memref<40xi32, #tpu.memory_space<hbm>>) dst(%arg13 : memref<40xi32, #tpu.memory_space<vmem>>)
        %dma_start3A_255 = arith.constant 0 : i32
        %dma_start3A_256 = arith.constant 0 : i32
        %dma_start3A_257 = tpu.memref_slice %arg2[%dma_start3A_255, %dma_start3A_256] : memref<10000x128xf32, #tpu.memory_space<hbm>> -> memref<10000x128xf32, #tpu.memory_space<hbm>>
        tpu.enqueue_indirect_dma source(%dma_start3A_257 : memref<10000x128xf32, #tpu.memory_space<hbm>>) target(%arg21 : memref<40x128xf32, #tpu.memory_space<vmem>>) offsets(%arg9 : memref<40xi32, #tpu.memory_space<vmem>>) semaphore(%arg39 : memref<!tpu.dma_semaphore, #tpu.memory_space<semaphore_mem>>)
        %dma_start3A_258 = arith.constant 0 : i32
        %dma_start3A_259 = arith.constant 0 : i32
        %dma_start3A_260 = tpu.memref_slice %arg3[%dma_start3A_258, %dma_start3A_259] : memref<4096x128xf32, #tpu.memory_space<hbm>> -> memref<4096x128xf32, #tpu.memory_space<hbm>>
        tpu.enqueue_indirect_dma source(%dma_start3A_260 : memref<4096x128xf32, #tpu.memory_space<hbm>>) target(%arg25 : memref<40x128xf32, #tpu.memory_space<vmem>>) offsets(%arg13 : memref<40xi32, #tpu.memory_space<vmem>>) semaphore(%arg43 : memref<!tpu.dma_semaphore, #tpu.memory_space<semaphore_mem>>)
      } else {
      }
      %lt3A_241 = arith.constant 250 : i32
      %lt3A_242 = arith.cmpi slt, %add3A_214, %lt3A_241 : i32
      %convert_element_type3A_243 = arith.extui %lt3A_242 : i1 to i32
      %cond3A_244 = arith.constant 0 : i32
      %cond3A_245 = arith.cmpi ne, %convert_element_type3A_243, %cond3A_244 : i32
      scf.if %cond3A_245 {
        %dma_wait3A_246 = arith.constant 0 : i32
        %dma_wait3A_247 = arith.constant 0 : i32
        %dma_wait3A_248 = tpu.memref_slice %arg2[%dma_wait3A_246, %dma_wait3A_247] : memref<10000x128xf32, #tpu.memory_space<hbm>> -> memref<10000x128xf32, #tpu.memory_space<hbm>>
        tpu.wait_indirect_dma semaphore(%arg41 : memref<!tpu.dma_semaphore, #tpu.memory_space<semaphore_mem>>) src(%dma_wait3A_248 : memref<10000x128xf32, #tpu.memory_space<hbm>>) dst(%arg23 : memref<40x128xf32, #tpu.memory_space<vmem>>)
        %dma_wait3A_249 = arith.constant 0 : i32
        %dma_wait3A_250 = arith.constant 0 : i32
        %dma_wait3A_251 = tpu.memref_slice %arg3[%dma_wait3A_249, %dma_wait3A_250] : memref<4096x128xf32, #tpu.memory_space<hbm>> -> memref<4096x128xf32, #tpu.memory_space<hbm>>
        tpu.wait_indirect_dma semaphore(%arg45 : memref<!tpu.dma_semaphore, #tpu.memory_space<semaphore_mem>>) src(%dma_wait3A_251 : memref<4096x128xf32, #tpu.memory_space<hbm>>) dst(%arg27 : memref<40x128xf32, #tpu.memory_space<vmem>>)
        %scan3A_252 = arith.constant 0 : i32
        %scan3A_253 = arith.constant 40 : i32
        %scan3A_254 = arith.addi %scan3A_252, %scan3A_253 : i32
        %scan3A_255 = arith.constant 1 : i32
        scf.for %scan3A_265 = %scan3A_252 to %scan3A_254 step %scan3A_255  : i32 {
          %mul3A_266 = arith.constant 1 : i32
          %mul3A_267 = arith.muli %scan3A_265, %mul3A_266 : i32
          %add3A_268 = arith.constant 0 : i32
          %add3A_269 = arith.addi %add3A_268, %mul3A_267 : i32
          %get3A = arith.index_cast %add3A_269 : i32 to index
          %get3A_270 = arith.constant 0 : index
          %get3A_271 = tpu.vector_load %arg23[%get3A, %get3A_270] {strides = array<i32>} : memref<40x128xf32, #tpu.memory_space<vmem>>, vector<1x16xf32>,
          %get3A_272 = vector.shape_cast %get3A_271 : vector<1x16xf32> to vector<16xf32>
          %get3A_273 = arith.index_cast %add3A_269 : i32 to index
          %get3A_274 = arith.constant 0 : index
          %get3A_275 = tpu.vector_load %arg27[%get3A_273, %get3A_274] {strides = array<i32>} : memref<40x128xf32, #tpu.memory_space<vmem>>, vector<1x16xf32>,
          %get3A_276 = vector.shape_cast %get3A_275 : vector<1x16xf32> to vector<16xf32>
          %add3A_277 = arith.addf %get3A_272, %get3A_276 : vector<16xf32>
          %max3A = arith.constant 0.000000e+00 : f32
          %max3A_278 = vector.broadcast %max3A : f32 to vector<16xf32>
          %max3A_279 = arith.maximumf %add3A_277, %max3A_278 : vector<16xf32>
          %swap3A = arith.index_cast %add3A_269 : i32 to index
          %swap3A_280 = arith.constant 0 : index
          %swap3A_281 = tpu.vector_load %arg23[%swap3A, %swap3A_280] {strides = array<i32>} : memref<40x128xf32, #tpu.memory_space<vmem>>, vector<1x16xf32>,
          %swap3A_282 = vector.shape_cast %swap3A_281 : vector<1x16xf32> to vector<16xf32>
          %swap3A_283 = vector.shape_cast %max3A_279 : vector<16xf32> to vector<1x16xf32>
          tpu.vector_store %arg23[%swap3A, %swap3A_280], %swap3A_283 {strides = array<i32>} : memref<40x128xf32, #tpu.memory_space<vmem>>, vector<1x16xf32>,
          %get3A_284 = arith.index_cast %add3A_269 : i32 to index
          %get3A_285 = arith.constant 16 : index
          %get3A_286 = tpu.vector_load %arg23[%get3A_284, %get3A_285] {strides = array<i32>} : memref<40x128xf32, #tpu.memory_space<vmem>>, vector<1x16xf32>,
          %get3A_287 = vector.shape_cast %get3A_286 : vector<1x16xf32> to vector<16xf32>
          %get3A_288 = arith.index_cast %add3A_269 : i32 to index
          %get3A_289 = arith.constant 16 : index
          %get3A_290 = tpu.vector_load %arg27[%get3A_288, %get3A_289] {strides = array<i32>} : memref<40x128xf32, #tpu.memory_space<vmem>>, vector<1x16xf32>,
          %get3A_291 = vector.shape_cast %get3A_290 : vector<1x16xf32> to vector<16xf32>
          %add3A_292 = arith.addf %get3A_287, %get3A_291 : vector<16xf32>
          %max3A_293 = arith.constant 0.000000e+00 : f32
          %max3A_294 = vector.broadcast %max3A_293 : f32 to vector<16xf32>
          %max3A_295 = arith.maximumf %add3A_292, %max3A_294 : vector<16xf32>
          %swap3A_296 = arith.index_cast %add3A_269 : i32 to index
          %swap3A_297 = arith.constant 16 : index
          %swap3A_298 = tpu.vector_load %arg23[%swap3A_296, %swap3A_297] {strides = array<i32>} : memref<40x128xf32, #tpu.memory_space<vmem>>, vector<1x16xf32>,
          %swap3A_299 = vector.shape_cast %swap3A_298 : vector<1x16xf32> to vector<16xf32>
          %swap3A_300 = vector.shape_cast %max3A_295 : vector<16xf32> to vector<1x16xf32>
          tpu.vector_store %arg23[%swap3A_296, %swap3A_297], %swap3A_300 {strides = array<i32>} : memref<40x128xf32, #tpu.memory_space<vmem>>, vector<1x16xf32>,
          %get3A_301 = arith.index_cast %add3A_269 : i32 to index
          %get3A_302 = arith.constant 32 : index
          %get3A_303 = tpu.vector_load %arg23[%get3A_301, %get3A_302] {strides = array<i32>} : memref<40x128xf32, #tpu.memory_space<vmem>>, vector<1x16xf32>,
          %get3A_304 = vector.shape_cast %get3A_303 : vector<1x16xf32> to vector<16xf32>
          %get3A_305 = arith.index_cast %add3A_269 : i32 to index
          %get3A_306 = arith.constant 32 : index
          %get3A_307 = tpu.vector_load %arg27[%get3A_305, %get3A_306] {strides = array<i32>} : memref<40x128xf32, #tpu.memory_space<vmem>>, vector<1x16xf32>,
          %get3A_308 = vector.shape_cast %get3A_307 : vector<1x16xf32> to vector<16xf32>
          %add3A_309 = arith.addf %get3A_304, %get3A_308 : vector<16xf32>
          %max3A_310 = arith.constant 0.000000e+00 : f32
          %max3A_311 = vector.broadcast %max3A_310 : f32 to vector<16xf32>
          %max3A_312 = arith.maximumf %add3A_309, %max3A_311 : vector<16xf32>
          %swap3A_313 = arith.index_cast %add3A_269 : i32 to index
          %swap3A_314 = arith.constant 32 : index
          %swap3A_315 = tpu.vector_load %arg23[%swap3A_313, %swap3A_314] {strides = array<i32>} : memref<40x128xf32, #tpu.memory_space<vmem>>, vector<1x16xf32>,
          %swap3A_316 = vector.shape_cast %swap3A_315 : vector<1x16xf32> to vector<16xf32>
          %swap3A_317 = vector.shape_cast %max3A_312 : vector<16xf32> to vector<1x16xf32>
          tpu.vector_store %arg23[%swap3A_313, %swap3A_314], %swap3A_317 {strides = array<i32>} : memref<40x128xf32, #tpu.memory_space<vmem>>, vector<1x16xf32>,
          %get3A_318 = arith.index_cast %add3A_269 : i32 to index
          %get3A_319 = arith.constant 48 : index
          %get3A_320 = tpu.vector_load %arg23[%get3A_318, %get3A_319] {strides = array<i32>} : memref<40x128xf32, #tpu.memory_space<vmem>>, vector<1x16xf32>,
          %get3A_321 = vector.shape_cast %get3A_320 : vector<1x16xf32> to vector<16xf32>
          %get3A_322 = arith.index_cast %add3A_269 : i32 to index
          %get3A_323 = arith.constant 48 : index
          %get3A_324 = tpu.vector_load %arg27[%get3A_322, %get3A_323] {strides = array<i32>} : memref<40x128xf32, #tpu.memory_space<vmem>>, vector<1x16xf32>,
          %get3A_325 = vector.shape_cast %get3A_324 : vector<1x16xf32> to vector<16xf32>
          %add3A_326 = arith.addf %get3A_321, %get3A_325 : vector<16xf32>
          %max3A_327 = arith.constant 0.000000e+00 : f32
          %max3A_328 = vector.broadcast %max3A_327 : f32 to vector<16xf32>
          %max3A_329 = arith.maximumf %add3A_326, %max3A_328 : vector<16xf32>
          %swap3A_330 = arith.index_cast %add3A_269 : i32 to index
          %swap3A_331 = arith.constant 48 : index
          %swap3A_332 = tpu.vector_load %arg23[%swap3A_330, %swap3A_331] {strides = array<i32>} : memref<40x128xf32, #tpu.memory_space<vmem>>, vector<1x16xf32>,
          %swap3A_333 = vector.shape_cast %swap3A_332 : vector<1x16xf32> to vector<16xf32>
          %swap3A_334 = vector.shape_cast %max3A_329 : vector<16xf32> to vector<1x16xf32>
          tpu.vector_store %arg23[%swap3A_330, %swap3A_331], %swap3A_334 {strides = array<i32>} : memref<40x128xf32, #tpu.memory_space<vmem>>, vector<1x16xf32>,
          %get3A_335 = arith.index_cast %add3A_269 : i32 to index
          %get3A_336 = arith.constant 64 : index
          %get3A_337 = tpu.vector_load %arg23[%get3A_335, %get3A_336] {strides = array<i32>} : memref<40x128xf32, #tpu.memory_space<vmem>>, vector<1x16xf32>,
          %get3A_338 = vector.shape_cast %get3A_337 : vector<1x16xf32> to vector<16xf32>
          %get3A_339 = arith.index_cast %add3A_269 : i32 to index
          %get3A_340 = arith.constant 64 : index
          %get3A_341 = tpu.vector_load %arg27[%get3A_339, %get3A_340] {strides = array<i32>} : memref<40x128xf32, #tpu.memory_space<vmem>>, vector<1x16xf32>,
          %get3A_342 = vector.shape_cast %get3A_341 : vector<1x16xf32> to vector<16xf32>
          %add3A_343 = arith.addf %get3A_338, %get3A_342 : vector<16xf32>
          %max3A_344 = arith.constant 0.000000e+00 : f32
          %max3A_345 = vector.broadcast %max3A_344 : f32 to vector<16xf32>
          %max3A_346 = arith.maximumf %add3A_343, %max3A_345 : vector<16xf32>
          %swap3A_347 = arith.index_cast %add3A_269 : i32 to index
          %swap3A_348 = arith.constant 64 : index
          %swap3A_349 = tpu.vector_load %arg23[%swap3A_347, %swap3A_348] {strides = array<i32>} : memref<40x128xf32, #tpu.memory_space<vmem>>, vector<1x16xf32>,
          %swap3A_350 = vector.shape_cast %swap3A_349 : vector<1x16xf32> to vector<16xf32>
          %swap3A_351 = vector.shape_cast %max3A_346 : vector<16xf32> to vector<1x16xf32>
          tpu.vector_store %arg23[%swap3A_347, %swap3A_348], %swap3A_351 {strides = array<i32>} : memref<40x128xf32, #tpu.memory_space<vmem>>, vector<1x16xf32>,
          %get3A_352 = arith.index_cast %add3A_269 : i32 to index
          %get3A_353 = arith.constant 80 : index
          %get3A_354 = tpu.vector_load %arg23[%get3A_352, %get3A_353] {strides = array<i32>} : memref<40x128xf32, #tpu.memory_space<vmem>>, vector<1x16xf32>,
          %get3A_355 = vector.shape_cast %get3A_354 : vector<1x16xf32> to vector<16xf32>
          %get3A_356 = arith.index_cast %add3A_269 : i32 to index
          %get3A_357 = arith.constant 80 : index
          %get3A_358 = tpu.vector_load %arg27[%get3A_356, %get3A_357] {strides = array<i32>} : memref<40x128xf32, #tpu.memory_space<vmem>>, vector<1x16xf32>,
          %get3A_359 = vector.shape_cast %get3A_358 : vector<1x16xf32> to vector<16xf32>
          %add3A_360 = arith.addf %get3A_355, %get3A_359 : vector<16xf32>
          %max3A_361 = arith.constant 0.000000e+00 : f32
          %max3A_362 = vector.broadcast %max3A_361 : f32 to vector<16xf32>
          %max3A_363 = arith.maximumf %add3A_360, %max3A_362 : vector<16xf32>
          %swap3A_364 = arith.index_cast %add3A_269 : i32 to index
          %swap3A_365 = arith.constant 80 : index
          %swap3A_366 = tpu.vector_load %arg23[%swap3A_364, %swap3A_365] {strides = array<i32>} : memref<40x128xf32, #tpu.memory_space<vmem>>, vector<1x16xf32>,
          %swap3A_367 = vector.shape_cast %swap3A_366 : vector<1x16xf32> to vector<16xf32>
          %swap3A_368 = vector.shape_cast %max3A_363 : vector<16xf32> to vector<1x16xf32>
          tpu.vector_store %arg23[%swap3A_364, %swap3A_365], %swap3A_368 {strides = array<i32>} : memref<40x128xf32, #tpu.memory_space<vmem>>, vector<1x16xf32>,
          %get3A_369 = arith.index_cast %add3A_269 : i32 to index
          %get3A_370 = arith.constant 96 : index
          %get3A_371 = tpu.vector_load %arg23[%get3A_369, %get3A_370] {strides = array<i32>} : memref<40x128xf32, #tpu.memory_space<vmem>>, vector<1x16xf32>,
          %get3A_372 = vector.shape_cast %get3A_371 : vector<1x16xf32> to vector<16xf32>
          %get3A_373 = arith.index_cast %add3A_269 : i32 to index
          %get3A_374 = arith.constant 96 : index
          %get3A_375 = tpu.vector_load %arg27[%get3A_373, %get3A_374] {strides = array<i32>} : memref<40x128xf32, #tpu.memory_space<vmem>>, vector<1x16xf32>,
          %get3A_376 = vector.shape_cast %get3A_375 : vector<1x16xf32> to vector<16xf32>
          %add3A_377 = arith.addf %get3A_372, %get3A_376 : vector<16xf32>
          %max3A_378 = arith.constant 0.000000e+00 : f32
          %max3A_379 = vector.broadcast %max3A_378 : f32 to vector<16xf32>
          %max3A_380 = arith.maximumf %add3A_377, %max3A_379 : vector<16xf32>
          %swap3A_381 = arith.index_cast %add3A_269 : i32 to index
          %swap3A_382 = arith.constant 96 : index
          %swap3A_383 = tpu.vector_load %arg23[%swap3A_381, %swap3A_382] {strides = array<i32>} : memref<40x128xf32, #tpu.memory_space<vmem>>, vector<1x16xf32>,
          %swap3A_384 = vector.shape_cast %swap3A_383 : vector<1x16xf32> to vector<16xf32>
          %swap3A_385 = vector.shape_cast %max3A_380 : vector<16xf32> to vector<1x16xf32>
          tpu.vector_store %arg23[%swap3A_381, %swap3A_382], %swap3A_385 {strides = array<i32>} : memref<40x128xf32, #tpu.memory_space<vmem>>, vector<1x16xf32>,
          %get3A_386 = arith.index_cast %add3A_269 : i32 to index
          %get3A_387 = arith.constant 112 : index
          %get3A_388 = tpu.vector_load %arg23[%get3A_386, %get3A_387] {strides = array<i32>} : memref<40x128xf32, #tpu.memory_space<vmem>>, vector<1x16xf32>,
          %get3A_389 = vector.shape_cast %get3A_388 : vector<1x16xf32> to vector<16xf32>
          %get3A_390 = arith.index_cast %add3A_269 : i32 to index
          %get3A_391 = arith.constant 112 : index
          %get3A_392 = tpu.vector_load %arg27[%get3A_390, %get3A_391] {strides = array<i32>} : memref<40x128xf32, #tpu.memory_space<vmem>>, vector<1x16xf32>,
          %get3A_393 = vector.shape_cast %get3A_392 : vector<1x16xf32> to vector<16xf32>
          %add3A_394 = arith.addf %get3A_389, %get3A_393 : vector<16xf32>
          %max3A_395 = arith.constant 0.000000e+00 : f32
          %max3A_396 = vector.broadcast %max3A_395 : f32 to vector<16xf32>
          %max3A_397 = arith.maximumf %add3A_394, %max3A_396 : vector<16xf32>
          %swap3A_398 = arith.index_cast %add3A_269 : i32 to index
          %swap3A_399 = arith.constant 112 : index
          %swap3A_400 = tpu.vector_load %arg23[%swap3A_398, %swap3A_399] {strides = array<i32>} : memref<40x128xf32, #tpu.memory_space<vmem>>, vector<1x16xf32>,
          %swap3A_401 = vector.shape_cast %swap3A_400 : vector<1x16xf32> to vector<16xf32>
          %swap3A_402 = vector.shape_cast %max3A_397 : vector<16xf32> to vector<1x16xf32>
          tpu.vector_store %arg23[%swap3A_398, %swap3A_399], %swap3A_402 {strides = array<i32>} : memref<40x128xf32, #tpu.memory_space<vmem>>, vector<1x16xf32>,
        }
        %scan3A_256 = arith.constant 40 : i32
        %mul3A_257 = arith.constant 40 : i32
        %mul3A_258 = arith.muli %add3A_214, %mul3A_257 : i32
        %add3A_259 = arith.addi %mul3A_2, %mul3A_258 : i32
        %dma_wait3A_260 = tpu.memref_slice %arg6[%add3A_259] : memref<320000xi32, #tpu.memory_space<hbm>> -> memref<40xi32, #tpu.memory_space<hbm>>
        %dma_wait3A_261 = tpu.memref_slice %arg6[%add3A_259] : memref<320000xi32, #tpu.memory_space<hbm>> -> memref<40xi32, #tpu.memory_space<hbm>>
        tpu.wait_dma2 semaphore(%arg37 : memref<!tpu.dma_semaphore, #tpu.memory_space<semaphore_mem>>) src(%dma_wait3A_261 : memref<40xi32, #tpu.memory_space<hbm>>) dst(%arg19 : memref<40xi32, #tpu.memory_space<vmem>>)
        %dma_start3A_262 = arith.constant 0 : i32
        %dma_start3A_263 = arith.constant 0 : i32
        %dma_start3A_264 = tpu.memref_slice %arg29[%dma_start3A_262, %dma_start3A_263] : memref<10000x128xf32, #tpu.memory_space<vmem_shared>> -> memref<10000x128xf32, #tpu.memory_space<vmem_shared>>
        tpu.enqueue_indirect_dma source(%arg23 : memref<40x128xf32, #tpu.memory_space<vmem>>) target(%dma_start3A_264 : memref<10000x128xf32, #tpu.memory_space<vmem_shared>>) offsets(%arg19 : memref<40xi32, #tpu.memory_space<vmem>>) semaphore(%arg49 : memref<!tpu.dma_semaphore, #tpu.memory_space<semaphore_mem>>) {add = true}
      } else {
      }
    }
    %scan3A_75 = arith.constant 63 : i32
    %barrier3A_76 = arith.constant 0 : index
    tpu.barrier barrier_id(%barrier3A_76)
    %sub3A_77 = arith.constant 250 : i32
    %sub3A_78 = arith.subi %sub3A_77, %arg1 : i32
    %sub3A_79 = arith.constant 16 : i32
    %sub3A_80 = arith.constant 1 : i32
    %sub3A_81 = arith.subi %sub3A_79, %sub3A_80 : i32
    %add3A_82 = arith.addi %sub3A_78, %sub3A_81 : i32
    %div3A_83 = arith.constant 16 : i32
    %div3A_84 = arith.divsi %add3A_82, %div3A_83 : i32
    %while3A_85 = arith.constant 16 : i32
    %while3A_86 = arith.constant 0 : i32
    %while3A_87 = arith.subi %div3A_84, %while3A_86 : i32
    %while3A_88 = arith.addi %while3A_86, %while3A_87 : i32
    %while3A_89 = arith.constant 1 : i32
    %while3A_90 = arith.divsi %while3A_87, %while3A_89 : i32
    %while3A_91 = arith.muli %while3A_90, %while3A_89 : i32
    %while3A_92 = arith.addi %while3A_86, %while3A_91 : i32
    %while3A_93 = arith.constant 1 : i32
    scf.for %while3A_113 = %while3A_86 to %while3A_92 step %while3A_93  : i32 {
      %mul3A_114 = arith.muli %while3A_113, %while3A_85 : i32
      %add3A_115 = arith.addi %arg1, %mul3A_114 : i32
      %mul3A_116 = arith.constant 40 : i32
      %mul3A_117 = arith.muli %add3A_115, %mul3A_116 : i32
      %mul3A_118 = arith.constant 10000 : i32
      %mul3A_119 = arith.muli %arg0, %mul3A_118 : i32
      %mul3A_120 = arith.constant 40 : i32
      %mul3A_121 = arith.muli %add3A_115, %mul3A_120 : i32
      %add3A_122 = arith.addi %mul3A_119, %mul3A_121 : i32
      %dma_start3A_123 = arith.constant 0 : i32
      %dma_start3A_124 = tpu.memref_slice %arg7[%add3A_122, %dma_start3A_123] : memref<20000x128xf32, #tpu.memory_space<hbm>> -> memref<40x128xf32, #tpu.memory_space<hbm>>
      %dma_start3A_125 = arith.constant 0 : i32
      %dma_start3A_126 = tpu.memref_slice %arg29[%mul3A_117, %dma_start3A_125] : memref<10000x128xf32, #tpu.memory_space<vmem_shared>> -> memref<40x128xf32, #tpu.memory_space<vmem_shared>>
      tpu.enqueue_dma source(%dma_start3A_126 : memref<40x128xf32, #tpu.memory_space<vmem_shared>>) target(%dma_start3A_124 : memref<40x128xf32, #tpu.memory_space<hbm>>) target_semaphore(%arg34 : memref<!tpu.dma_semaphore, #tpu.memory_space<semaphore_mem>>)
    }
    %while3A_94 = arith.constant 1 : i32
    scf.for %while3A_113 = %while3A_92 to %while3A_88 step %while3A_94  : i32 {
      %mul3A_114 = arith.muli %while3A_113, %while3A_85 : i32
      %add3A_115 = arith.addi %arg1, %mul3A_114 : i32
      %mul3A_116 = arith.constant 40 : i32
      %mul3A_117 = arith.muli %add3A_115, %mul3A_116 : i32
      %mul3A_118 = arith.constant 10000 : i32
      %mul3A_119 = arith.muli %arg0, %mul3A_118 : i32
      %mul3A_120 = arith.constant 40 : i32
      %mul3A_121 = arith.muli %add3A_115, %mul3A_120 : i32
      %add3A_122 = arith.addi %mul3A_119, %mul3A_121 : i32
      %dma_start3A_123 = arith.constant 0 : i32
      %dma_start3A_124 = tpu.memref_slice %arg7[%add3A_122, %dma_start3A_123] : memref<20000x128xf32, #tpu.memory_space<hbm>> -> memref<40x128xf32, #tpu.memory_space<hbm>>
      %dma_start3A_125 = arith.constant 0 : i32
      %dma_start3A_126 = tpu.memref_slice %arg29[%mul3A_117, %dma_start3A_125] : memref<10000x128xf32, #tpu.memory_space<vmem_shared>> -> memref<40x128xf32, #tpu.memory_space<vmem_shared>>
      tpu.enqueue_dma source(%dma_start3A_126 : memref<40x128xf32, #tpu.memory_space<vmem_shared>>) target(%dma_start3A_124 : memref<40x128xf32, #tpu.memory_space<hbm>>) target_semaphore(%arg34 : memref<!tpu.dma_semaphore, #tpu.memory_space<semaphore_mem>>)
    }
    %sub3A_95 = arith.constant 250 : i32
    %sub3A_96 = arith.subi %sub3A_95, %arg1 : i32
    %sub3A_97 = arith.constant 16 : i32
    %sub3A_98 = arith.constant 1 : i32
    %sub3A_99 = arith.subi %sub3A_97, %sub3A_98 : i32
    %add3A_100 = arith.addi %sub3A_96, %sub3A_99 : i32
    %div3A_101 = arith.constant 16 : i32
    %div3A_102 = arith.divsi %add3A_100, %div3A_101 : i32
    %while3A_103 = arith.constant 16 : i32
    %while3A_104 = arith.constant 0 : i32
    %while3A_105 = arith.subi %div3A_102, %while3A_104 : i32
    %while3A_106 = arith.addi %while3A_104, %while3A_105 : i32
    %while3A_107 = arith.constant 1 : i32
    %while3A_108 = arith.divsi %while3A_105, %while3A_107 : i32
    %while3A_109 = arith.muli %while3A_108, %while3A_107 : i32
    %while3A_110 = arith.addi %while3A_104, %while3A_109 : i32
    %while3A_111 = arith.constant 1 : i32
    scf.for %while3A_113 = %while3A_104 to %while3A_110 step %while3A_111  : i32 {
      %mul3A_114 = arith.muli %while3A_113, %while3A_103 : i32
      %add3A_115 = arith.addi %arg1, %mul3A_114 : i32
      %mul3A_116 = arith.constant 40 : i32
      %mul3A_117 = arith.muli %add3A_115, %mul3A_116 : i32
      %mul3A_118 = arith.constant 10000 : i32
      %mul3A_119 = arith.muli %arg0, %mul3A_118 : i32
      %mul3A_120 = arith.constant 40 : i32
      %mul3A_121 = arith.muli %add3A_115, %mul3A_120 : i32
      %add3A_122 = arith.addi %mul3A_119, %mul3A_121 : i32
      %dma_wait3A_123 = arith.constant 0 : i32
      %dma_wait3A_124 = tpu.memref_slice %arg7[%add3A_122, %dma_wait3A_123] : memref<20000x128xf32, #tpu.memory_space<hbm>> -> memref<40x128xf32, #tpu.memory_space<hbm>>
      %dma_wait3A_125 = arith.constant 0 : i32
      %dma_wait3A_126 = tpu.memref_slice %arg29[%mul3A_117, %dma_wait3A_125] : memref<10000x128xf32, #tpu.memory_space<vmem_shared>> -> memref<40x128xf32, #tpu.memory_space<vmem_shared>>
      tpu.wait_dma2 semaphore(%arg34 : memref<!tpu.dma_semaphore, #tpu.memory_space<semaphore_mem>>) src(%dma_wait3A_126 : memref<40x128xf32, #tpu.memory_space<vmem_shared>>) dst(%dma_wait3A_124 : memref<40x128xf32, #tpu.memory_space<hbm>>)
    }
    %while3A_112 = arith.constant 1 : i32
    scf.for %while3A_113 = %while3A_110 to %while3A_106 step %while3A_112  : i32 {
      %mul3A_114 = arith.muli %while3A_113, %while3A_103 : i32
      %add3A_115 = arith.addi %arg1, %mul3A_114 : i32
      %mul3A_116 = arith.constant 40 : i32
      %mul3A_117 = arith.muli %add3A_115, %mul3A_116 : i32
      %mul3A_118 = arith.constant 10000 : i32
      %mul3A_119 = arith.muli %arg0, %mul3A_118 : i32
      %mul3A_120 = arith.constant 40 : i32
      %mul3A_121 = arith.muli %add3A_115, %mul3A_120 : i32
      %add3A_122 = arith.addi %mul3A_119, %mul3A_121 : i32
      %dma_wait3A_123 = arith.constant 0 : i32
      %dma_wait3A_124 = tpu.memref_slice %arg7[%add3A_122, %dma_wait3A_123] : memref<20000x128xf32, #tpu.memory_space<hbm>> -> memref<40x128xf32, #tpu.memory_space<hbm>>
      %dma_wait3A_125 = arith.constant 0 : i32
      %dma_wait3A_126 = tpu.memref_slice %arg29[%mul3A_117, %dma_wait3A_125] : memref<10000x128xf32, #tpu.memory_space<vmem_shared>> -> memref<40x128xf32, #tpu.memory_space<vmem_shared>>
      tpu.wait_dma2 semaphore(%arg34 : memref<!tpu.dma_semaphore, #tpu.memory_space<semaphore_mem>>) src(%dma_wait3A_126 : memref<40x128xf32, #tpu.memory_space<vmem_shared>>) dst(%dma_wait3A_124 : memref<40x128xf32, #tpu.memory_space<hbm>>)
    }
    return
  }
}

#map = affine_map<(d0, d1) -> (0, 0)>
#map1 = affine_map<(d0, d1) -> (0)>
module attributes {stable_mosaic.version = 14 : i64} {
  func.func @_edge_kernel(%arg0: i32, %arg1: i32, %arg2: memref<10000x128xf32, #tpu.memory_space<hbm>>, %arg3: memref<4096x128xf32, #tpu.memory_space<hbm>>, %arg4: memref<320000xi32, #tpu.memory_space<hbm>>, %arg5: memref<320000xi32, #tpu.memory_space<hbm>>, %arg6: memref<320000xi32, #tpu.memory_space<hbm>>, %arg7: memref<20000x128xf32, #tpu.memory_space<hbm>>, %arg8: memref<40xi32, #tpu.memory_space<vmem>>, %arg9: memref<40xi32, #tpu.memory_space<vmem>>, %arg10: memref<40xi32, #tpu.memory_space<vmem>>, %arg11: memref<40xi32, #tpu.memory_space<vmem>>, %arg12: memref<40xi32, #tpu.memory_space<vmem>>, %arg13: memref<40xi32, #tpu.memory_space<vmem>>, %arg14: memref<40xi32, #tpu.memory_space<vmem>>, %arg15: memref<40xi32, #tpu.memory_space<vmem>>, %arg16: memref<40xi32, #tpu.memory_space<vmem>>, %arg17: memref<40xi32, #tpu.memory_space<vmem>>, %arg18: memref<40xi32, #tpu.memory_space<vmem>>, %arg19: memref<40xi32, #tpu.memory_space<vmem>>, %arg20: memref<40x128xf32, #tpu.memory_space<vmem>>, %arg21: memref<40x128xf32, #tpu.memory_space<vmem>>, %arg22: memref<40x128xf32, #tpu.memory_space<vmem>>, %arg23: memref<40x128xf32, #tpu.memory_space<vmem>>, %arg24: memref<40x128xf32, #tpu.memory_space<vmem>>, %arg25: memref<40x128xf32, #tpu.memory_space<vmem>>, %arg26: memref<40x128xf32, #tpu.memory_space<vmem>>, %arg27: memref<40x128xf32, #tpu.memory_space<vmem>>, %arg28: memref<8x128xf32, #tpu.memory_space<vmem>>, %arg29: memref<10000x128xf32, #tpu.memory_space<vmem_shared>>, %arg30: memref<!tpu.dma_semaphore, #tpu.memory_space<semaphore_mem>>, %arg31: memref<!tpu.dma_semaphore, #tpu.memory_space<semaphore_mem>>, %arg32: memref<!tpu.dma_semaphore, #tpu.memory_space<semaphore_mem>>, %arg33: memref<!tpu.dma_semaphore, #tpu.memory_space<semaphore_mem>>, %arg34: memref<!tpu.dma_semaphore, #tpu.memory_space<semaphore_mem>>, %arg35: memref<!tpu.dma_semaphore, #tpu.memory_space<semaphore_mem>>, %arg36: memref<!tpu.dma_semaphore, #tpu.memory_space<semaphore_mem>>, %arg37: memref<!tpu.dma_semaphore, #tpu.memory_space<semaphore_mem>>, %arg38: memref<!tpu.dma_semaphore, #tpu.memory_space<semaphore_mem>>, %arg39: memref<!tpu.dma_semaphore, #tpu.memory_space<semaphore_mem>>, %arg40: memref<!tpu.dma_semaphore, #tpu.memory_space<semaphore_mem>>, %arg41: memref<!tpu.dma_semaphore, #tpu.memory_space<semaphore_mem>>, %arg42: memref<!tpu.dma_semaphore, #tpu.memory_space<semaphore_mem>>, %arg43: memref<!tpu.dma_semaphore, #tpu.memory_space<semaphore_mem>>, %arg44: memref<!tpu.dma_semaphore, #tpu.memory_space<semaphore_mem>>, %arg45: memref<!tpu.dma_semaphore, #tpu.memory_space<semaphore_mem>>, %arg46: memref<!tpu.dma_semaphore, #tpu.memory_space<semaphore_mem>>, %arg47: memref<!tpu.dma_semaphore, #tpu.memory_space<semaphore_mem>>, %arg48: memref<!tpu.dma_semaphore, #tpu.memory_space<semaphore_mem>>, %arg49: memref<!tpu.dma_semaphore, #tpu.memory_space<semaphore_mem>>) attributes {dimension_semantics = [#tpu.dimension_semantics<core_parallel>, #tpu.dimension_semantics<subcore_parallel>], iteration_bounds = array<i64: 2, 16>, scalar_prefetch = 0 : i64, scratch_operands = 42 : i64, tpu.core_type = #tpu.core_type<sc_vector_subcore>, window_params = [{transform_indices = #map}, {transform_indices = #map}, {transform_indices = #map1}, {transform_indices = #map1}, {transform_indices = #map1}, {transform_indices = #map}]} {
    %mul3A = arith.constant 2 : i32
    %mul3A_0 = arith.muli %arg1, %mul3A : i32
    %add3A = arith.addi %mul3A_0, %arg0 : i32
    %mul3A_1 = arith.constant 10000 : i32
    %mul3A_2 = arith.muli %add3A, %mul3A_1 : i32
    %broadcast_in_dim3A = arith.constant 0.000000e+00 : f32
    %broadcast_in_dim3A_3 = vector.broadcast %broadcast_in_dim3A : f32 to vector<16xf32>
    %scan3A = arith.constant 0 : i32
    %scan3A_4 = arith.constant 8 : i32
    %scan3A_5 = arith.addi %scan3A, %scan3A_4 : i32
    %scan3A_6 = arith.constant 1 : i32
    scf.for %scan3A_113 = %scan3A to %scan3A_5 step %scan3A_6  : i32 {
      %mul3A_114 = arith.constant 1 : i32
      %mul3A_115 = arith.muli %scan3A_113, %mul3A_114 : i32
      %add3A_116 = arith.constant 0 : i32
      %add3A_117 = arith.addi %add3A_116, %mul3A_115 : i32
      %swap3A = arith.index_cast %add3A_117 : i32 to index
      %swap3A_118 = arith.constant 0 : index
      %swap3A_119 = tpu.vector_load %arg28[%swap3A, %swap3A_118] {strides = array<i32>} : memref<8x128xf32, #tpu.memory_space<vmem>>, vector<1x16xf32>,
      %swap3A_120 = vector.shape_cast %swap3A_119 : vector<1x16xf32> to vector<16xf32>
      %swap3A_121 = vector.shape_cast %broadcast_in_dim3A_3 : vector<16xf32> to vector<1x16xf32>
      tpu.vector_store %arg28[%swap3A, %swap3A_118], %swap3A_121 {strides = array<i32>} : memref<8x128xf32, #tpu.memory_space<vmem>>, vector<1x16xf32>,
      %swap3A_122 = arith.index_cast %add3A_117 : i32 to index
      %swap3A_123 = arith.constant 16 : index
      %swap3A_124 = tpu.vector_load %arg28[%swap3A_122, %swap3A_123] {strides = array<i32>} : memref<8x128xf32, #tpu.memory_space<vmem>>, vector<1x16xf32>,
      %swap3A_125 = vector.shape_cast %swap3A_124 : vector<1x16xf32> to vector<16xf32>
      %swap3A_126 = vector.shape_cast %broadcast_in_dim3A_3 : vector<16xf32> to vector<1x16xf32>
      tpu.vector_store %arg28[%swap3A_122, %swap3A_123], %swap3A_126 {strides = array<i32>} : memref<8x128xf32, #tpu.memory_space<vmem>>, vector<1x16xf32>,
      %swap3A_127 = arith.index_cast %add3A_117 : i32 to index
      %swap3A_128 = arith.constant 32 : index
      %swap3A_129 = tpu.vector_load %arg28[%swap3A_127, %swap3A_128] {strides = array<i32>} : memref<8x128xf32, #tpu.memory_space<vmem>>, vector<1x16xf32>,
      %swap3A_130 = vector.shape_cast %swap3A_129 : vector<1x16xf32> to vector<16xf32>
      %swap3A_131 = vector.shape_cast %broadcast_in_dim3A_3 : vector<16xf32> to vector<1x16xf32>
      tpu.vector_store %arg28[%swap3A_127, %swap3A_128], %swap3A_131 {strides = array<i32>} : memref<8x128xf32, #tpu.memory_space<vmem>>, vector<1x16xf32>,
      %swap3A_132 = arith.index_cast %add3A_117 : i32 to index
      %swap3A_133 = arith.constant 48 : index
      %swap3A_134 = tpu.vector_load %arg28[%swap3A_132, %swap3A_133] {strides = array<i32>} : memref<8x128xf32, #tpu.memory_space<vmem>>, vector<1x16xf32>,
      %swap3A_135 = vector.shape_cast %swap3A_134 : vector<1x16xf32> to vector<16xf32>
      %swap3A_136 = vector.shape_cast %broadcast_in_dim3A_3 : vector<16xf32> to vector<1x16xf32>
      tpu.vector_store %arg28[%swap3A_132, %swap3A_133], %swap3A_136 {strides = array<i32>} : memref<8x128xf32, #tpu.memory_space<vmem>>, vector<1x16xf32>,
      %swap3A_137 = arith.index_cast %add3A_117 : i32 to index
      %swap3A_138 = arith.constant 64 : index
      %swap3A_139 = tpu.vector_load %arg28[%swap3A_137, %swap3A_138] {strides = array<i32>} : memref<8x128xf32, #tpu.memory_space<vmem>>, vector<1x16xf32>,
      %swap3A_140 = vector.shape_cast %swap3A_139 : vector<1x16xf32> to vector<16xf32>
      %swap3A_141 = vector.shape_cast %broadcast_in_dim3A_3 : vector<16xf32> to vector<1x16xf32>
      tpu.vector_store %arg28[%swap3A_137, %swap3A_138], %swap3A_141 {strides = array<i32>} : memref<8x128xf32, #tpu.memory_space<vmem>>, vector<1x16xf32>,
      %swap3A_142 = arith.index_cast %add3A_117 : i32 to index
      %swap3A_143 = arith.constant 80 : index
      %swap3A_144 = tpu.vector_load %arg28[%swap3A_142, %swap3A_143] {strides = array<i32>} : memref<8x128xf32, #tpu.memory_space<vmem>>, vector<1x16xf32>,
      %swap3A_145 = vector.shape_cast %swap3A_144 : vector<1x16xf32> to vector<16xf32>
      %swap3A_146 = vector.shape_cast %broadcast_in_dim3A_3 : vector<16xf32> to vector<1x16xf32>
      tpu.vector_store %arg28[%swap3A_142, %swap3A_143], %swap3A_146 {strides = array<i32>} : memref<8x128xf32, #tpu.memory_space<vmem>>, vector<1x16xf32>,
      %swap3A_147 = arith.index_cast %add3A_117 : i32 to index
      %swap3A_148 = arith.constant 96 : index
      %swap3A_149 = tpu.vector_load %arg28[%swap3A_147, %swap3A_148] {strides = array<i32>} : memref<8x128xf32, #tpu.memory_space<vmem>>, vector<1x16xf32>,
      %swap3A_150 = vector.shape_cast %swap3A_149 : vector<1x16xf32> to vector<16xf32>
      %swap3A_151 = vector.shape_cast %broadcast_in_dim3A_3 : vector<16xf32> to vector<1x16xf32>
      tpu.vector_store %arg28[%swap3A_147, %swap3A_148], %swap3A_151 {strides = array<i32>} : memref<8x128xf32, #tpu.memory_space<vmem>>, vector<1x16xf32>,
      %swap3A_152 = arith.index_cast %add3A_117 : i32 to index
      %swap3A_153 = arith.constant 112 : index
      %swap3A_154 = tpu.vector_load %arg28[%swap3A_152, %swap3A_153] {strides = array<i32>} : memref<8x128xf32, #tpu.memory_space<vmem>>, vector<1x16xf32>,
      %swap3A_155 = vector.shape_cast %swap3A_154 : vector<1x16xf32> to vector<16xf32>
      %swap3A_156 = vector.shape_cast %broadcast_in_dim3A_3 : vector<16xf32> to vector<1x16xf32>
      tpu.vector_store %arg28[%swap3A_152, %swap3A_153], %swap3A_156 {strides = array<i32>} : memref<8x128xf32, #tpu.memory_space<vmem>>, vector<1x16xf32>,
    }
    %scan3A_7 = arith.constant 8 : i32
    %sub3A = arith.constant 250 : i32
    %sub3A_8 = arith.subi %sub3A, %arg1 : i32
    %sub3A_9 = arith.constant 16 : i32
    %sub3A_10 = arith.constant 1 : i32
    %sub3A_11 = arith.subi %sub3A_9, %sub3A_10 : i32
    %add3A_12 = arith.addi %sub3A_8, %sub3A_11 : i32
    %div3A = arith.constant 16 : i32
    %div3A_13 = arith.divsi %add3A_12, %div3A : i32
    %while3A = arith.constant 16 : i32
    %while3A_14 = arith.constant 0 : i32
    %while3A_15 = arith.subi %div3A_13, %while3A_14 : i32
    %while3A_16 = arith.addi %while3A_14, %while3A_15 : i32
    %while3A_17 = arith.constant 1 : i32
    %while3A_18 = arith.divsi %while3A_15, %while3A_17 : i32
    %while3A_19 = arith.muli %while3A_18, %while3A_17 : i32
    %while3A_20 = arith.addi %while3A_14, %while3A_19 : i32
    %while3A_21 = arith.constant 1 : i32
    scf.for %while3A_113 = %while3A_14 to %while3A_20 step %while3A_21  : i32 {
      %mul3A_114 = arith.muli %while3A_113, %while3A : i32
      %add3A_115 = arith.addi %arg1, %mul3A_114 : i32
      %mul3A_116 = arith.constant 40 : i32
      %mul3A_117 = arith.muli %add3A_115, %mul3A_116 : i32
      %add3A_118 = arith.constant 0 : i32
      %add3A_119 = arith.addi %mul3A_117, %add3A_118 : i32
      %mul3A_120 = arith.constant 40 : i32
      %mul3A_121 = arith.muli %add3A_115, %mul3A_120 : i32
      %add3A_122 = arith.constant 8 : i32
      %add3A_123 = arith.addi %mul3A_121, %add3A_122 : i32
      %mul3A_124 = arith.constant 40 : i32
      %mul3A_125 = arith.muli %add3A_115, %mul3A_124 : i32
      %add3A_126 = arith.constant 16 : i32
      %add3A_127 = arith.addi %mul3A_125, %add3A_126 : i32
      %mul3A_128 = arith.constant 40 : i32
      %mul3A_129 = arith.muli %add3A_115, %mul3A_128 : i32
      %add3A_130 = arith.constant 24 : i32
      %add3A_131 = arith.addi %mul3A_129, %add3A_130 : i32
      %mul3A_132 = arith.constant 40 : i32
      %mul3A_133 = arith.muli %add3A_115, %mul3A_132 : i32
      %add3A_134 = arith.constant 32 : i32
      %add3A_135 = arith.addi %mul3A_133, %add3A_134 : i32
      %dma_start3A_136 = arith.constant 0 : i32
      %dma_start3A_137 = tpu.memref_slice %arg29[%add3A_119, %dma_start3A_136] : memref<10000x128xf32, #tpu.memory_space<vmem_shared>> -> memref<8x128xf32, #tpu.memory_space<vmem_shared>>
      %dma_start3A_138 = arith.constant 0 : i32
      %dma_start3A_139 = tpu.memref_slice %arg29[%add3A_119, %dma_start3A_138] : memref<10000x128xf32, #tpu.memory_space<vmem_shared>> -> memref<8x128xf32, #tpu.memory_space<vmem_shared>>
      tpu.enqueue_dma source(%arg28 : memref<8x128xf32, #tpu.memory_space<vmem>>) target(%dma_start3A_139 : memref<8x128xf32, #tpu.memory_space<vmem_shared>>) target_semaphore(%arg30 : memref<!tpu.dma_semaphore, #tpu.memory_space<semaphore_mem>>)
      %dma_start3A_140 = arith.constant 0 : i32
      %dma_start3A_141 = tpu.memref_slice %arg29[%add3A_123, %dma_start3A_140] : memref<10000x128xf32, #tpu.memory_space<vmem_shared>> -> memref<8x128xf32, #tpu.memory_space<vmem_shared>>
      %dma_start3A_142 = arith.constant 0 : i32
      %dma_start3A_143 = tpu.memref_slice %arg29[%add3A_123, %dma_start3A_142] : memref<10000x128xf32, #tpu.memory_space<vmem_shared>> -> memref<8x128xf32, #tpu.memory_space<vmem_shared>>
      tpu.enqueue_dma source(%arg28 : memref<8x128xf32, #tpu.memory_space<vmem>>) target(%dma_start3A_143 : memref<8x128xf32, #tpu.memory_space<vmem_shared>>) target_semaphore(%arg30 : memref<!tpu.dma_semaphore, #tpu.memory_space<semaphore_mem>>)
      %dma_start3A_144 = arith.constant 0 : i32
      %dma_start3A_145 = tpu.memref_slice %arg29[%add3A_127, %dma_start3A_144] : memref<10000x128xf32, #tpu.memory_space<vmem_shared>> -> memref<8x128xf32, #tpu.memory_space<vmem_shared>>
      %dma_start3A_146 = arith.constant 0 : i32
      %dma_start3A_147 = tpu.memref_slice %arg29[%add3A_127, %dma_start3A_146] : memref<10000x128xf32, #tpu.memory_space<vmem_shared>> -> memref<8x128xf32, #tpu.memory_space<vmem_shared>>
      tpu.enqueue_dma source(%arg28 : memref<8x128xf32, #tpu.memory_space<vmem>>) target(%dma_start3A_147 : memref<8x128xf32, #tpu.memory_space<vmem_shared>>) target_semaphore(%arg30 : memref<!tpu.dma_semaphore, #tpu.memory_space<semaphore_mem>>)
      %dma_start3A_148 = arith.constant 0 : i32
      %dma_start3A_149 = tpu.memref_slice %arg29[%add3A_131, %dma_start3A_148] : memref<10000x128xf32, #tpu.memory_space<vmem_shared>> -> memref<8x128xf32, #tpu.memory_space<vmem_shared>>
      %dma_start3A_150 = arith.constant 0 : i32
      %dma_start3A_151 = tpu.memref_slice %arg29[%add3A_131, %dma_start3A_150] : memref<10000x128xf32, #tpu.memory_space<vmem_shared>> -> memref<8x128xf32, #tpu.memory_space<vmem_shared>>
      tpu.enqueue_dma source(%arg28 : memref<8x128xf32, #tpu.memory_space<vmem>>) target(%dma_start3A_151 : memref<8x128xf32, #tpu.memory_space<vmem_shared>>) target_semaphore(%arg30 : memref<!tpu.dma_semaphore, #tpu.memory_space<semaphore_mem>>)
      %dma_start3A_152 = arith.constant 0 : i32
      %dma_start3A_153 = tpu.memref_slice %arg29[%add3A_135, %dma_start3A_152] : memref<10000x128xf32, #tpu.memory_space<vmem_shared>> -> memref<8x128xf32, #tpu.memory_space<vmem_shared>>
      %dma_start3A_154 = arith.constant 0 : i32
      %dma_start3A_155 = tpu.memref_slice %arg29[%add3A_135, %dma_start3A_154] : memref<10000x128xf32, #tpu.memory_space<vmem_shared>> -> memref<8x128xf32, #tpu.memory_space<vmem_shared>>
      tpu.enqueue_dma source(%arg28 : memref<8x128xf32, #tpu.memory_space<vmem>>) target(%dma_start3A_155 : memref<8x128xf32, #tpu.memory_space<vmem_shared>>) target_semaphore(%arg30 : memref<!tpu.dma_semaphore, #tpu.memory_space<semaphore_mem>>)
      %dma_wait3A_156 = arith.constant 0 : i32
      %dma_wait3A_157 = tpu.memref_slice %arg29[%add3A_119, %dma_wait3A_156] : memref<10000x128xf32, #tpu.memory_space<vmem_shared>> -> memref<8x128xf32, #tpu.memory_space<vmem_shared>>
      %dma_wait3A_158 = arith.constant 0 : i32
      %dma_wait3A_159 = tpu.memref_slice %arg29[%add3A_119, %dma_wait3A_158] : memref<10000x128xf32, #tpu.memory_space<vmem_shared>> -> memref<8x128xf32, #tpu.memory_space<vmem_shared>>
      tpu.wait_dma2 semaphore(%arg30 : memref<!tpu.dma_semaphore, #tpu.memory_space<semaphore_mem>>) src(%arg28 : memref<8x128xf32, #tpu.memory_space<vmem>>) dst(%dma_wait3A_159 : memref<8x128xf32, #tpu.memory_space<vmem_shared>>)
      %dma_wait3A_160 = arith.constant 0 : i32
      %dma_wait3A_161 = tpu.memref_slice %arg29[%add3A_123, %dma_wait3A_160] : memref<10000x128xf32, #tpu.memory_space<vmem_shared>> -> memref<8x128xf32, #tpu.memory_space<vmem_shared>>
      %dma_wait3A_162 = arith.constant 0 : i32
      %dma_wait3A_163 = tpu.memref_slice %arg29[%add3A_123, %dma_wait3A_162] : memref<10000x128xf32, #tpu.memory_space<vmem_shared>> -> memref<8x128xf32, #tpu.memory_space<vmem_shared>>
      tpu.wait_dma2 semaphore(%arg30 : memref<!tpu.dma_semaphore, #tpu.memory_space<semaphore_mem>>) src(%arg28 : memref<8x128xf32, #tpu.memory_space<vmem>>) dst(%dma_wait3A_163 : memref<8x128xf32, #tpu.memory_space<vmem_shared>>)
      %dma_wait3A_164 = arith.constant 0 : i32
      %dma_wait3A_165 = tpu.memref_slice %arg29[%add3A_127, %dma_wait3A_164] : memref<10000x128xf32, #tpu.memory_space<vmem_shared>> -> memref<8x128xf32, #tpu.memory_space<vmem_shared>>
      %dma_wait3A_166 = arith.constant 0 : i32
      %dma_wait3A_167 = tpu.memref_slice %arg29[%add3A_127, %dma_wait3A_166] : memref<10000x128xf32, #tpu.memory_space<vmem_shared>> -> memref<8x128xf32, #tpu.memory_space<vmem_shared>>
      tpu.wait_dma2 semaphore(%arg30 : memref<!tpu.dma_semaphore, #tpu.memory_space<semaphore_mem>>) src(%arg28 : memref<8x128xf32, #tpu.memory_space<vmem>>) dst(%dma_wait3A_167 : memref<8x128xf32, #tpu.memory_space<vmem_shared>>)
      %dma_wait3A_168 = arith.constant 0 : i32
      %dma_wait3A_169 = tpu.memref_slice %arg29[%add3A_131, %dma_wait3A_168] : memref<10000x128xf32, #tpu.memory_space<vmem_shared>> -> memref<8x128xf32, #tpu.memory_space<vmem_shared>>
      %dma_wait3A_170 = arith.constant 0 : i32
      %dma_wait3A_171 = tpu.memref_slice %arg29[%add3A_131, %dma_wait3A_170] : memref<10000x128xf32, #tpu.memory_space<vmem_shared>> -> memref<8x128xf32, #tpu.memory_space<vmem_shared>>
      tpu.wait_dma2 semaphore(%arg30 : memref<!tpu.dma_semaphore, #tpu.memory_space<semaphore_mem>>) src(%arg28 : memref<8x128xf32, #tpu.memory_space<vmem>>) dst(%dma_wait3A_171 : memref<8x128xf32, #tpu.memory_space<vmem_shared>>)
      %dma_wait3A_172 = arith.constant 0 : i32
      %dma_wait3A_173 = tpu.memref_slice %arg29[%add3A_135, %dma_wait3A_172] : memref<10000x128xf32, #tpu.memory_space<vmem_shared>> -> memref<8x128xf32, #tpu.memory_space<vmem_shared>>
      %dma_wait3A_174 = arith.constant 0 : i32
      %dma_wait3A_175 = tpu.memref_slice %arg29[%add3A_135, %dma_wait3A_174] : memref<10000x128xf32, #tpu.memory_space<vmem_shared>> -> memref<8x128xf32, #tpu.memory_space<vmem_shared>>
      tpu.wait_dma2 semaphore(%arg30 : memref<!tpu.dma_semaphore, #tpu.memory_space<semaphore_mem>>) src(%arg28 : memref<8x128xf32, #tpu.memory_space<vmem>>) dst(%dma_wait3A_175 : memref<8x128xf32, #tpu.memory_space<vmem_shared>>)
    }
    %while3A_22 = arith.constant 1 : i32
    scf.for %while3A_113 = %while3A_20 to %while3A_16 step %while3A_22  : i32 {
      %mul3A_114 = arith.muli %while3A_113, %while3A : i32
      %add3A_115 = arith.addi %arg1, %mul3A_114 : i32
      %mul3A_116 = arith.constant 40 : i32
      %mul3A_117 = arith.muli %add3A_115, %mul3A_116 : i32
      %add3A_118 = arith.constant 0 : i32
      %add3A_119 = arith.addi %mul3A_117, %add3A_118 : i32
      %mul3A_120 = arith.constant 40 : i32
      %mul3A_121 = arith.muli %add3A_115, %mul3A_120 : i32
      %add3A_122 = arith.constant 8 : i32
      %add3A_123 = arith.addi %mul3A_121, %add3A_122 : i32
      %mul3A_124 = arith.constant 40 : i32
      %mul3A_125 = arith.muli %add3A_115, %mul3A_124 : i32
      %add3A_126 = arith.constant 16 : i32
      %add3A_127 = arith.addi %mul3A_125, %add3A_126 : i32
      %mul3A_128 = arith.constant 40 : i32
      %mul3A_129 = arith.muli %add3A_115, %mul3A_128 : i32
      %add3A_130 = arith.constant 24 : i32
      %add3A_131 = arith.addi %mul3A_129, %add3A_130 : i32
      %mul3A_132 = arith.constant 40 : i32
      %mul3A_133 = arith.muli %add3A_115, %mul3A_132 : i32
      %add3A_134 = arith.constant 32 : i32
      %add3A_135 = arith.addi %mul3A_133, %add3A_134 : i32
      %dma_start3A_136 = arith.constant 0 : i32
      %dma_start3A_137 = tpu.memref_slice %arg29[%add3A_119, %dma_start3A_136] : memref<10000x128xf32, #tpu.memory_space<vmem_shared>> -> memref<8x128xf32, #tpu.memory_space<vmem_shared>>
      %dma_start3A_138 = arith.constant 0 : i32
      %dma_start3A_139 = tpu.memref_slice %arg29[%add3A_119, %dma_start3A_138] : memref<10000x128xf32, #tpu.memory_space<vmem_shared>> -> memref<8x128xf32, #tpu.memory_space<vmem_shared>>
      tpu.enqueue_dma source(%arg28 : memref<8x128xf32, #tpu.memory_space<vmem>>) target(%dma_start3A_139 : memref<8x128xf32, #tpu.memory_space<vmem_shared>>) target_semaphore(%arg30 : memref<!tpu.dma_semaphore, #tpu.memory_space<semaphore_mem>>)
      %dma_start3A_140 = arith.constant 0 : i32
      %dma_start3A_141 = tpu.memref_slice %arg29[%add3A_123, %dma_start3A_140] : memref<10000x128xf32, #tpu.memory_space<vmem_shared>> -> memref<8x128xf32, #tpu.memory_space<vmem_shared>>
      %dma_start3A_142 = arith.constant 0 : i32
      %dma_start3A_143 = tpu.memref_slice %arg29[%add3A_123, %dma_start3A_142] : memref<10000x128xf32, #tpu.memory_space<vmem_shared>> -> memref<8x128xf32, #tpu.memory_space<vmem_shared>>
      tpu.enqueue_dma source(%arg28 : memref<8x128xf32, #tpu.memory_space<vmem>>) target(%dma_start3A_143 : memref<8x128xf32, #tpu.memory_space<vmem_shared>>) target_semaphore(%arg30 : memref<!tpu.dma_semaphore, #tpu.memory_space<semaphore_mem>>)
      %dma_start3A_144 = arith.constant 0 : i32
      %dma_start3A_145 = tpu.memref_slice %arg29[%add3A_127, %dma_start3A_144] : memref<10000x128xf32, #tpu.memory_space<vmem_shared>> -> memref<8x128xf32, #tpu.memory_space<vmem_shared>>
      %dma_start3A_146 = arith.constant 0 : i32
      %dma_start3A_147 = tpu.memref_slice %arg29[%add3A_127, %dma_start3A_146] : memref<10000x128xf32, #tpu.memory_space<vmem_shared>> -> memref<8x128xf32, #tpu.memory_space<vmem_shared>>
      tpu.enqueue_dma source(%arg28 : memref<8x128xf32, #tpu.memory_space<vmem>>) target(%dma_start3A_147 : memref<8x128xf32, #tpu.memory_space<vmem_shared>>) target_semaphore(%arg30 : memref<!tpu.dma_semaphore, #tpu.memory_space<semaphore_mem>>)
      %dma_start3A_148 = arith.constant 0 : i32
      %dma_start3A_149 = tpu.memref_slice %arg29[%add3A_131, %dma_start3A_148] : memref<10000x128xf32, #tpu.memory_space<vmem_shared>> -> memref<8x128xf32, #tpu.memory_space<vmem_shared>>
      %dma_start3A_150 = arith.constant 0 : i32
      %dma_start3A_151 = tpu.memref_slice %arg29[%add3A_131, %dma_start3A_150] : memref<10000x128xf32, #tpu.memory_space<vmem_shared>> -> memref<8x128xf32, #tpu.memory_space<vmem_shared>>
      tpu.enqueue_dma source(%arg28 : memref<8x128xf32, #tpu.memory_space<vmem>>) target(%dma_start3A_151 : memref<8x128xf32, #tpu.memory_space<vmem_shared>>) target_semaphore(%arg30 : memref<!tpu.dma_semaphore, #tpu.memory_space<semaphore_mem>>)
      %dma_start3A_152 = arith.constant 0 : i32
      %dma_start3A_153 = tpu.memref_slice %arg29[%add3A_135, %dma_start3A_152] : memref<10000x128xf32, #tpu.memory_space<vmem_shared>> -> memref<8x128xf32, #tpu.memory_space<vmem_shared>>
      %dma_start3A_154 = arith.constant 0 : i32
      %dma_start3A_155 = tpu.memref_slice %arg29[%add3A_135, %dma_start3A_154] : memref<10000x128xf32, #tpu.memory_space<vmem_shared>> -> memref<8x128xf32, #tpu.memory_space<vmem_shared>>
      tpu.enqueue_dma source(%arg28 : memref<8x128xf32, #tpu.memory_space<vmem>>) target(%dma_start3A_155 : memref<8x128xf32, #tpu.memory_space<vmem_shared>>) target_semaphore(%arg30 : memref<!tpu.dma_semaphore, #tpu.memory_space<semaphore_mem>>)
      %dma_wait3A_156 = arith.constant 0 : i32
      %dma_wait3A_157 = tpu.memref_slice %arg29[%add3A_119, %dma_wait3A_156] : memref<10000x128xf32, #tpu.memory_space<vmem_shared>> -> memref<8x128xf32, #tpu.memory_space<vmem_shared>>
      %dma_wait3A_158 = arith.constant 0 : i32
      %dma_wait3A_159 = tpu.memref_slice %arg29[%add3A_119, %dma_wait3A_158] : memref<10000x128xf32, #tpu.memory_space<vmem_shared>> -> memref<8x128xf32, #tpu.memory_space<vmem_shared>>
      tpu.wait_dma2 semaphore(%arg30 : memref<!tpu.dma_semaphore, #tpu.memory_space<semaphore_mem>>) src(%arg28 : memref<8x128xf32, #tpu.memory_space<vmem>>) dst(%dma_wait3A_159 : memref<8x128xf32, #tpu.memory_space<vmem_shared>>)
      %dma_wait3A_160 = arith.constant 0 : i32
      %dma_wait3A_161 = tpu.memref_slice %arg29[%add3A_123, %dma_wait3A_160] : memref<10000x128xf32, #tpu.memory_space<vmem_shared>> -> memref<8x128xf32, #tpu.memory_space<vmem_shared>>
      %dma_wait3A_162 = arith.constant 0 : i32
      %dma_wait3A_163 = tpu.memref_slice %arg29[%add3A_123, %dma_wait3A_162] : memref<10000x128xf32, #tpu.memory_space<vmem_shared>> -> memref<8x128xf32, #tpu.memory_space<vmem_shared>>
      tpu.wait_dma2 semaphore(%arg30 : memref<!tpu.dma_semaphore, #tpu.memory_space<semaphore_mem>>) src(%arg28 : memref<8x128xf32, #tpu.memory_space<vmem>>) dst(%dma_wait3A_163 : memref<8x128xf32, #tpu.memory_space<vmem_shared>>)
      %dma_wait3A_164 = arith.constant 0 : i32
      %dma_wait3A_165 = tpu.memref_slice %arg29[%add3A_127, %dma_wait3A_164] : memref<10000x128xf32, #tpu.memory_space<vmem_shared>> -> memref<8x128xf32, #tpu.memory_space<vmem_shared>>
      %dma_wait3A_166 = arith.constant 0 : i32
      %dma_wait3A_167 = tpu.memref_slice %arg29[%add3A_127, %dma_wait3A_166] : memref<10000x128xf32, #tpu.memory_space<vmem_shared>> -> memref<8x128xf32, #tpu.memory_space<vmem_shared>>
      tpu.wait_dma2 semaphore(%arg30 : memref<!tpu.dma_semaphore, #tpu.memory_space<semaphore_mem>>) src(%arg28 : memref<8x128xf32, #tpu.memory_space<vmem>>) dst(%dma_wait3A_167 : memref<8x128xf32, #tpu.memory_space<vmem_shared>>)
      %dma_wait3A_168 = arith.constant 0 : i32
      %dma_wait3A_169 = tpu.memref_slice %arg29[%add3A_131, %dma_wait3A_168] : memref<10000x128xf32, #tpu.memory_space<vmem_shared>> -> memref<8x128xf32, #tpu.memory_space<vmem_shared>>
      %dma_wait3A_170 = arith.constant 0 : i32
      %dma_wait3A_171 = tpu.memref_slice %arg29[%add3A_131, %dma_wait3A_170] : memref<10000x128xf32, #tpu.memory_space<vmem_shared>> -> memref<8x128xf32, #tpu.memory_space<vmem_shared>>
      tpu.wait_dma2 semaphore(%arg30 : memref<!tpu.dma_semaphore, #tpu.memory_space<semaphore_mem>>) src(%arg28 : memref<8x128xf32, #tpu.memory_space<vmem>>) dst(%dma_wait3A_171 : memref<8x128xf32, #tpu.memory_space<vmem_shared>>)
      %dma_wait3A_172 = arith.constant 0 : i32
      %dma_wait3A_173 = tpu.memref_slice %arg29[%add3A_135, %dma_wait3A_172] : memref<10000x128xf32, #tpu.memory_space<vmem_shared>> -> memref<8x128xf32, #tpu.memory_space<vmem_shared>>
      %dma_wait3A_174 = arith.constant 0 : i32
      %dma_wait3A_175 = tpu.memref_slice %arg29[%add3A_135, %dma_wait3A_174] : memref<10000x128xf32, #tpu.memory_space<vmem_shared>> -> memref<8x128xf32, #tpu.memory_space<vmem_shared>>
      tpu.wait_dma2 semaphore(%arg30 : memref<!tpu.dma_semaphore, #tpu.memory_space<semaphore_mem>>) src(%arg28 : memref<8x128xf32, #tpu.memory_space<vmem>>) dst(%dma_wait3A_175 : memref<8x128xf32, #tpu.memory_space<vmem_shared>>)
    }
    %barrier3A = arith.constant 0 : index
    tpu.barrier barrier_id(%barrier3A)
    %add3A_23 = arith.constant 0 : i32
    %add3A_24 = arith.addi %mul3A_2, %add3A_23 : i32
    %dma_start3A = tpu.memref_slice %arg4[%add3A_24] : memref<320000xi32, #tpu.memory_space<hbm>> -> memref<40xi32, #tpu.memory_space<hbm>>
    %dma_start3A_25 = tpu.memref_slice %arg4[%add3A_24] : memref<320000xi32, #tpu.memory_space<hbm>> -> memref<40xi32, #tpu.memory_space<hbm>>
    tpu.enqueue_dma source(%dma_start3A_25 : memref<40xi32, #tpu.memory_space<hbm>>) target(%arg8 : memref<40xi32, #tpu.memory_space<vmem>>) target_semaphore(%arg30 : memref<!tpu.dma_semaphore, #tpu.memory_space<semaphore_mem>>)
    %dma_start3A_26 = tpu.memref_slice %arg5[%add3A_24] : memref<320000xi32, #tpu.memory_space<hbm>> -> memref<40xi32, #tpu.memory_space<hbm>>
    %dma_start3A_27 = tpu.memref_slice %arg5[%add3A_24] : memref<320000xi32, #tpu.memory_space<hbm>> -> memref<40xi32, #tpu.memory_space<hbm>>
    tpu.enqueue_dma source(%dma_start3A_27 : memref<40xi32, #tpu.memory_space<hbm>>) target(%arg12 : memref<40xi32, #tpu.memory_space<vmem>>) target_semaphore(%arg30 : memref<!tpu.dma_semaphore, #tpu.memory_space<semaphore_mem>>)
    %add3A_28 = arith.constant 40 : i32
    %add3A_29 = arith.addi %mul3A_2, %add3A_28 : i32
    %dma_start3A_30 = tpu.memref_slice %arg4[%add3A_29] : memref<320000xi32, #tpu.memory_space<hbm>> -> memref<40xi32, #tpu.memory_space<hbm>>
    %dma_start3A_31 = tpu.memref_slice %arg4[%add3A_29] : memref<320000xi32, #tpu.memory_space<hbm>> -> memref<40xi32, #tpu.memory_space<hbm>>
    tpu.enqueue_dma source(%dma_start3A_31 : memref<40xi32, #tpu.memory_space<hbm>>) target(%arg9 : memref<40xi32, #tpu.memory_space<vmem>>) target_semaphore(%arg31 : memref<!tpu.dma_semaphore, #tpu.memory_space<semaphore_mem>>)
    %dma_start3A_32 = tpu.memref_slice %arg5[%add3A_29] : memref<320000xi32, #tpu.memory_space<hbm>> -> memref<40xi32, #tpu.memory_space<hbm>>
    %dma_start3A_33 = tpu.memref_slice %arg5[%add3A_29] : memref<320000xi32, #tpu.memory_space<hbm>> -> memref<40xi32, #tpu.memory_space<hbm>>
    tpu.enqueue_dma source(%dma_start3A_33 : memref<40xi32, #tpu.memory_space<hbm>>) target(%arg13 : memref<40xi32, #tpu.memory_space<vmem>>) target_semaphore(%arg31 : memref<!tpu.dma_semaphore, #tpu.memory_space<semaphore_mem>>)
    %add3A_34 = arith.constant 80 : i32
    %add3A_35 = arith.addi %mul3A_2, %add3A_34 : i32
    %dma_start3A_36 = tpu.memref_slice %arg4[%add3A_35] : memref<320000xi32, #tpu.memory_space<hbm>> -> memref<40xi32, #tpu.memory_space<hbm>>
    %dma_start3A_37 = tpu.memref_slice %arg4[%add3A_35] : memref<320000xi32, #tpu.memory_space<hbm>> -> memref<40xi32, #tpu.memory_space<hbm>>
    tpu.enqueue_dma source(%dma_start3A_37 : memref<40xi32, #tpu.memory_space<hbm>>) target(%arg10 : memref<40xi32, #tpu.memory_space<vmem>>) target_semaphore(%arg32 : memref<!tpu.dma_semaphore, #tpu.memory_space<semaphore_mem>>)
    %dma_start3A_38 = tpu.memref_slice %arg5[%add3A_35] : memref<320000xi32, #tpu.memory_space<hbm>> -> memref<40xi32, #tpu.memory_space<hbm>>
    %dma_start3A_39 = tpu.memref_slice %arg5[%add3A_35] : memref<320000xi32, #tpu.memory_space<hbm>> -> memref<40xi32, #tpu.memory_space<hbm>>
    tpu.enqueue_dma source(%dma_start3A_39 : memref<40xi32, #tpu.memory_space<hbm>>) target(%arg14 : memref<40xi32, #tpu.memory_space<vmem>>) target_semaphore(%arg32 : memref<!tpu.dma_semaphore, #tpu.memory_space<semaphore_mem>>)
    %add3A_40 = arith.constant 0 : i32
    %add3A_41 = arith.addi %mul3A_2, %add3A_40 : i32
    %dma_start3A_42 = tpu.memref_slice %arg6[%add3A_41] : memref<320000xi32, #tpu.memory_space<hbm>> -> memref<40xi32, #tpu.memory_space<hbm>>
    %dma_start3A_43 = tpu.memref_slice %arg6[%add3A_41] : memref<320000xi32, #tpu.memory_space<hbm>> -> memref<40xi32, #tpu.memory_space<hbm>>
    tpu.enqueue_dma source(%dma_start3A_43 : memref<40xi32, #tpu.memory_space<hbm>>) target(%arg16 : memref<40xi32, #tpu.memory_space<vmem>>) target_semaphore(%arg34 : memref<!tpu.dma_semaphore, #tpu.memory_space<semaphore_mem>>)
    %add3A_44 = arith.constant 40 : i32
    %add3A_45 = arith.addi %mul3A_2, %add3A_44 : i32
    %dma_start3A_46 = tpu.memref_slice %arg6[%add3A_45] : memref<320000xi32, #tpu.memory_space<hbm>> -> memref<40xi32, #tpu.memory_space<hbm>>
    %dma_start3A_47 = tpu.memref_slice %arg6[%add3A_45] : memref<320000xi32, #tpu.memory_space<hbm>> -> memref<40xi32, #tpu.memory_space<hbm>>
    tpu.enqueue_dma source(%dma_start3A_47 : memref<40xi32, #tpu.memory_space<hbm>>) target(%arg17 : memref<40xi32, #tpu.memory_space<vmem>>) target_semaphore(%arg35 : memref<!tpu.dma_semaphore, #tpu.memory_space<semaphore_mem>>)
    %add3A_48 = arith.constant 0 : i32
    %add3A_49 = arith.addi %mul3A_2, %add3A_48 : i32
    %dma_wait3A = tpu.memref_slice %arg4[%add3A_49] : memref<320000xi32, #tpu.memory_space<hbm>> -> memref<40xi32, #tpu.memory_space<hbm>>
    %dma_wait3A_50 = tpu.memref_slice %arg4[%add3A_49] : memref<320000xi32, #tpu.memory_space<hbm>> -> memref<40xi32, #tpu.memory_space<hbm>>
    tpu.wait_dma2 semaphore(%arg30 : memref<!tpu.dma_semaphore, #tpu.memory_space<semaphore_mem>>) src(%dma_wait3A_50 : memref<40xi32, #tpu.memory_space<hbm>>) dst(%arg8 : memref<40xi32, #tpu.memory_space<vmem>>)
    %dma_wait3A_51 = tpu.memref_slice %arg5[%add3A_49] : memref<320000xi32, #tpu.memory_space<hbm>> -> memref<40xi32, #tpu.memory_space<hbm>>
    %dma_wait3A_52 = tpu.memref_slice %arg5[%add3A_49] : memref<320000xi32, #tpu.memory_space<hbm>> -> memref<40xi32, #tpu.memory_space<hbm>>
    tpu.wait_dma2 semaphore(%arg30 : memref<!tpu.dma_semaphore, #tpu.memory_space<semaphore_mem>>) src(%dma_wait3A_52 : memref<40xi32, #tpu.memory_space<hbm>>) dst(%arg12 : memref<40xi32, #tpu.memory_space<vmem>>)
    %dma_start3A_53 = arith.constant 0 : i32
    %dma_start3A_54 = arith.constant 0 : i32
    %dma_start3A_55 = tpu.memref_slice %arg2[%dma_start3A_53, %dma_start3A_54] : memref<10000x128xf32, #tpu.memory_space<hbm>> -> memref<10000x128xf32, #tpu.memory_space<hbm>>
    tpu.enqueue_indirect_dma source(%dma_start3A_55 : memref<10000x128xf32, #tpu.memory_space<hbm>>) target(%arg20 : memref<40x128xf32, #tpu.memory_space<vmem>>) offsets(%arg8 : memref<40xi32, #tpu.memory_space<vmem>>) semaphore(%arg38 : memref<!tpu.dma_semaphore, #tpu.memory_space<semaphore_mem>>)
    %dma_start3A_56 = arith.constant 0 : i32
    %dma_start3A_57 = arith.constant 0 : i32
    %dma_start3A_58 = tpu.memref_slice %arg3[%dma_start3A_56, %dma_start3A_57] : memref<4096x128xf32, #tpu.memory_space<hbm>> -> memref<4096x128xf32, #tpu.memory_space<hbm>>
    tpu.enqueue_indirect_dma source(%dma_start3A_58 : memref<4096x128xf32, #tpu.memory_space<hbm>>) target(%arg24 : memref<40x128xf32, #tpu.memory_space<vmem>>) offsets(%arg12 : memref<40xi32, #tpu.memory_space<vmem>>) semaphore(%arg42 : memref<!tpu.dma_semaphore, #tpu.memory_space<semaphore_mem>>)
    %add3A_59 = arith.constant 40 : i32
    %add3A_60 = arith.addi %mul3A_2, %add3A_59 : i32
    %dma_wait3A_61 = tpu.memref_slice %arg4[%add3A_60] : memref<320000xi32, #tpu.memory_space<hbm>> -> memref<40xi32, #tpu.memory_space<hbm>>
    %dma_wait3A_62 = tpu.memref_slice %arg4[%add3A_60] : memref<320000xi32, #tpu.memory_space<hbm>> -> memref<40xi32, #tpu.memory_space<hbm>>
    tpu.wait_dma2 semaphore(%arg31 : memref<!tpu.dma_semaphore, #tpu.memory_space<semaphore_mem>>) src(%dma_wait3A_62 : memref<40xi32, #tpu.memory_space<hbm>>) dst(%arg9 : memref<40xi32, #tpu.memory_space<vmem>>)
    %dma_wait3A_63 = tpu.memref_slice %arg5[%add3A_60] : memref<320000xi32, #tpu.memory_space<hbm>> -> memref<40xi32, #tpu.memory_space<hbm>>
    %dma_wait3A_64 = tpu.memref_slice %arg5[%add3A_60] : memref<320000xi32, #tpu.memory_space<hbm>> -> memref<40xi32, #tpu.memory_space<hbm>>
    tpu.wait_dma2 semaphore(%arg31 : memref<!tpu.dma_semaphore, #tpu.memory_space<semaphore_mem>>) src(%dma_wait3A_64 : memref<40xi32, #tpu.memory_space<hbm>>) dst(%arg13 : memref<40xi32, #tpu.memory_space<vmem>>)
    %dma_start3A_65 = arith.constant 0 : i32
    %dma_start3A_66 = arith.constant 0 : i32
    %dma_start3A_67 = tpu.memref_slice %arg2[%dma_start3A_65, %dma_start3A_66] : memref<10000x128xf32, #tpu.memory_space<hbm>> -> memref<10000x128xf32, #tpu.memory_space<hbm>>
    tpu.enqueue_indirect_dma source(%dma_start3A_67 : memref<10000x128xf32, #tpu.memory_space<hbm>>) target(%arg21 : memref<40x128xf32, #tpu.memory_space<vmem>>) offsets(%arg9 : memref<40xi32, #tpu.memory_space<vmem>>) semaphore(%arg39 : memref<!tpu.dma_semaphore, #tpu.memory_space<semaphore_mem>>)
    %dma_start3A_68 = arith.constant 0 : i32
    %dma_start3A_69 = arith.constant 0 : i32
    %dma_start3A_70 = tpu.memref_slice %arg3[%dma_start3A_68, %dma_start3A_69] : memref<4096x128xf32, #tpu.memory_space<hbm>> -> memref<4096x128xf32, #tpu.memory_space<hbm>>
    tpu.enqueue_indirect_dma source(%dma_start3A_70 : memref<4096x128xf32, #tpu.memory_space<hbm>>) target(%arg25 : memref<40x128xf32, #tpu.memory_space<vmem>>) offsets(%arg13 : memref<40xi32, #tpu.memory_space<vmem>>) semaphore(%arg43 : memref<!tpu.dma_semaphore, #tpu.memory_space<semaphore_mem>>)
    %scan3A_71 = arith.constant 0 : i32
    %scan3A_72 = arith.constant 63 : i32
    %scan3A_73 = arith.addi %scan3A_71, %scan3A_72 : i32
    %scan3A_74 = arith.constant 1 : i32
    scf.for %scan3A_113 = %scan3A_71 to %scan3A_73 step %scan3A_74  : i32 {
      %mul3A_114 = arith.constant 4 : i32
      %mul3A_115 = arith.muli %scan3A_113, %mul3A_114 : i32
      %add3A_116 = arith.constant 0 : i32
      %add3A_117 = arith.addi %add3A_116, %mul3A_115 : i32
      %add3A_118 = arith.constant 0 : i32
      %add3A_119 = arith.addi %add3A_117, %add3A_118 : i32
      %ge3A = arith.constant 2 : i32
      %ge3A_120 = arith.cmpi sge, %add3A_119, %ge3A : i32
      %convert_element_type3A = arith.extui %ge3A_120 : i1 to i32
      %cond3A = arith.constant 0 : i32
      %cond3A_121 = arith.cmpi ne, %convert_element_type3A, %cond3A : i32
      scf.if %cond3A_121 {
        %dma_wait3A_246 = arith.constant 0 : i32
        %dma_wait3A_247 = arith.constant 0 : i32
        %dma_wait3A_248 = tpu.memref_slice %arg29[%dma_wait3A_246, %dma_wait3A_247] : memref<10000x128xf32, #tpu.memory_space<vmem_shared>> -> memref<10000x128xf32, #tpu.memory_space<vmem_shared>>
        tpu.wait_indirect_dma semaphore(%arg48 : memref<!tpu.dma_semaphore, #tpu.memory_space<semaphore_mem>>) src(%arg22 : memref<40x128xf32, #tpu.memory_space<vmem>>) dst(%dma_wait3A_248 : memref<10000x128xf32, #tpu.memory_space<vmem_shared>>)
      } else {
      }
      %add3A_122 = arith.constant 2 : i32
      %add3A_123 = arith.addi %add3A_119, %add3A_122 : i32
      %lt3A = arith.constant 250 : i32
      %lt3A_124 = arith.cmpi slt, %add3A_123, %lt3A : i32
      %convert_element_type3A_125 = arith.extui %lt3A_124 : i1 to i32
      %cond3A_126 = arith.constant 0 : i32
      %cond3A_127 = arith.cmpi ne, %convert_element_type3A_125, %cond3A_126 : i32
      scf.if %cond3A_127 {
        %add3A_246 = arith.constant 2 : i32
        %add3A_247 = arith.addi %add3A_119, %add3A_246 : i32
        %mul3A_248 = arith.constant 40 : i32
        %mul3A_249 = arith.muli %add3A_247, %mul3A_248 : i32
        %add3A_250 = arith.addi %mul3A_2, %mul3A_249 : i32
        %dma_start3A_251 = tpu.memref_slice %arg6[%add3A_250] : memref<320000xi32, #tpu.memory_space<hbm>> -> memref<40xi32, #tpu.memory_space<hbm>>
        %dma_start3A_252 = tpu.memref_slice %arg6[%add3A_250] : memref<320000xi32, #tpu.memory_space<hbm>> -> memref<40xi32, #tpu.memory_space<hbm>>
        tpu.enqueue_dma source(%dma_start3A_252 : memref<40xi32, #tpu.memory_space<hbm>>) target(%arg18 : memref<40xi32, #tpu.memory_space<vmem>>) target_semaphore(%arg36 : memref<!tpu.dma_semaphore, #tpu.memory_space<semaphore_mem>>)
      } else {
      }
      %add3A_128 = arith.constant 3 : i32
      %add3A_129 = arith.addi %add3A_119, %add3A_128 : i32
      %lt3A_130 = arith.constant 250 : i32
      %lt3A_131 = arith.cmpi slt, %add3A_129, %lt3A_130 : i32
      %convert_element_type3A_132 = arith.extui %lt3A_131 : i1 to i32
      %cond3A_133 = arith.constant 0 : i32
      %cond3A_134 = arith.cmpi ne, %convert_element_type3A_132, %cond3A_133 : i32
      scf.if %cond3A_134 {
        %add3A_246 = arith.constant 3 : i32
        %add3A_247 = arith.addi %add3A_119, %add3A_246 : i32
        %mul3A_248 = arith.constant 40 : i32
        %mul3A_249 = arith.muli %add3A_247, %mul3A_248 : i32
        %add3A_250 = arith.addi %mul3A_2, %mul3A_249 : i32
        %dma_start3A_251 = tpu.memref_slice %arg4[%add3A_250] : memref<320000xi32, #tpu.memory_space<hbm>> -> memref<40xi32, #tpu.memory_space<hbm>>
        %dma_start3A_252 = tpu.memref_slice %arg4[%add3A_250] : memref<320000xi32, #tpu.memory_space<hbm>> -> memref<40xi32, #tpu.memory_space<hbm>>
        tpu.enqueue_dma source(%dma_start3A_252 : memref<40xi32, #tpu.memory_space<hbm>>) target(%arg11 : memref<40xi32, #tpu.memory_space<vmem>>) target_semaphore(%arg33 : memref<!tpu.dma_semaphore, #tpu.memory_space<semaphore_mem>>)
        %dma_start3A_253 = tpu.memref_slice %arg5[%add3A_250] : memref<320000xi32, #tpu.memory_space<hbm>> -> memref<40xi32, #tpu.memory_space<hbm>>
        %dma_start3A_254 = tpu.memref_slice %arg5[%add3A_250] : memref<320000xi32, #tpu.memory_space<hbm>> -> memref<40xi32, #tpu.memory_space<hbm>>
        tpu.enqueue_dma source(%dma_start3A_254 : memref<40xi32, #tpu.memory_space<hbm>>) target(%arg15 : memref<40xi32, #tpu.memory_space<vmem>>) target_semaphore(%arg33 : memref<!tpu.dma_semaphore, #tpu.memory_space<semaphore_mem>>)
      } else {
      }
      %add3A_135 = arith.constant 2 : i32
      %add3A_136 = arith.addi %add3A_119, %add3A_135 : i32
      %lt3A_137 = arith.constant 250 : i32
      %lt3A_138 = arith.cmpi slt, %add3A_136, %lt3A_137 : i32
      %convert_element_type3A_139 = arith.extui %lt3A_138 : i1 to i32
      %cond3A_140 = arith.constant 0 : i32
      %cond3A_141 = arith.cmpi ne, %convert_element_type3A_139, %cond3A_140 : i32
      scf.if %cond3A_141 {
        %add3A_246 = arith.constant 2 : i32
        %add3A_247 = arith.addi %add3A_119, %add3A_246 : i32
        %mul3A_248 = arith.constant 40 : i32
        %mul3A_249 = arith.muli %add3A_247, %mul3A_248 : i32
        %add3A_250 = arith.addi %mul3A_2, %mul3A_249 : i32
        %dma_wait3A_251 = tpu.memref_slice %arg4[%add3A_250] : memref<320000xi32, #tpu.memory_space<hbm>> -> memref<40xi32, #tpu.memory_space<hbm>>
        %dma_wait3A_252 = tpu.memref_slice %arg4[%add3A_250] : memref<320000xi32, #tpu.memory_space<hbm>> -> memref<40xi32, #tpu.memory_space<hbm>>
        tpu.wait_dma2 semaphore(%arg32 : memref<!tpu.dma_semaphore, #tpu.memory_space<semaphore_mem>>) src(%dma_wait3A_252 : memref<40xi32, #tpu.memory_space<hbm>>) dst(%arg10 : memref<40xi32, #tpu.memory_space<vmem>>)
        %dma_wait3A_253 = tpu.memref_slice %arg5[%add3A_250] : memref<320000xi32, #tpu.memory_space<hbm>> -> memref<40xi32, #tpu.memory_space<hbm>>
        %dma_wait3A_254 = tpu.memref_slice %arg5[%add3A_250] : memref<320000xi32, #tpu.memory_space<hbm>> -> memref<40xi32, #tpu.memory_space<hbm>>
        tpu.wait_dma2 semaphore(%arg32 : memref<!tpu.dma_semaphore, #tpu.memory_space<semaphore_mem>>) src(%dma_wait3A_254 : memref<40xi32, #tpu.memory_space<hbm>>) dst(%arg14 : memref<40xi32, #tpu.memory_space<vmem>>)
        %dma_start3A_255 = arith.constant 0 : i32
        %dma_start3A_256 = arith.constant 0 : i32
        %dma_start3A_257 = tpu.memref_slice %arg2[%dma_start3A_255, %dma_start3A_256] : memref<10000x128xf32, #tpu.memory_space<hbm>> -> memref<10000x128xf32, #tpu.memory_space<hbm>>
        tpu.enqueue_indirect_dma source(%dma_start3A_257 : memref<10000x128xf32, #tpu.memory_space<hbm>>) target(%arg22 : memref<40x128xf32, #tpu.memory_space<vmem>>) offsets(%arg10 : memref<40xi32, #tpu.memory_space<vmem>>) semaphore(%arg40 : memref<!tpu.dma_semaphore, #tpu.memory_space<semaphore_mem>>)
        %dma_start3A_258 = arith.constant 0 : i32
        %dma_start3A_259 = arith.constant 0 : i32
        %dma_start3A_260 = tpu.memref_slice %arg3[%dma_start3A_258, %dma_start3A_259] : memref<4096x128xf32, #tpu.memory_space<hbm>> -> memref<4096x128xf32, #tpu.memory_space<hbm>>
        tpu.enqueue_indirect_dma source(%dma_start3A_260 : memref<4096x128xf32, #tpu.memory_space<hbm>>) target(%arg26 : memref<40x128xf32, #tpu.memory_space<vmem>>) offsets(%arg14 : memref<40xi32, #tpu.memory_space<vmem>>) semaphore(%arg44 : memref<!tpu.dma_semaphore, #tpu.memory_space<semaphore_mem>>)
      } else {
      }
      %lt3A_142 = arith.constant 250 : i32
      %lt3A_143 = arith.cmpi slt, %add3A_119, %lt3A_142 : i32
      %convert_element_type3A_144 = arith.extui %lt3A_143 : i1 to i32
      %cond3A_145 = arith.constant 0 : i32
      %cond3A_146 = arith.cmpi ne, %convert_element_type3A_144, %cond3A_145 : i32
      scf.if %cond3A_146 {
        %dma_wait3A_246 = arith.constant 0 : i32
        %dma_wait3A_247 = arith.constant 0 : i32
        %dma_wait3A_248 = tpu.memref_slice %arg2[%dma_wait3A_246, %dma_wait3A_247] : memref<10000x128xf32, #tpu.memory_space<hbm>> -> memref<10000x128xf32, #tpu.memory_space<hbm>>
        tpu.wait_indirect_dma semaphore(%arg38 : memref<!tpu.dma_semaphore, #tpu.memory_space<semaphore_mem>>) src(%dma_wait3A_248 : memref<10000x128xf32, #tpu.memory_space<hbm>>) dst(%arg20 : memref<40x128xf32, #tpu.memory_space<vmem>>)
        %dma_wait3A_249 = arith.constant 0 : i32
        %dma_wait3A_250 = arith.constant 0 : i32
        %dma_wait3A_251 = tpu.memref_slice %arg3[%dma_wait3A_249, %dma_wait3A_250] : memref<4096x128xf32, #tpu.memory_space<hbm>> -> memref<4096x128xf32, #tpu.memory_space<hbm>>
        tpu.wait_indirect_dma semaphore(%arg42 : memref<!tpu.dma_semaphore, #tpu.memory_space<semaphore_mem>>) src(%dma_wait3A_251 : memref<4096x128xf32, #tpu.memory_space<hbm>>) dst(%arg24 : memref<40x128xf32, #tpu.memory_space<vmem>>)
        %scan3A_252 = arith.constant 0 : i32
        %scan3A_253 = arith.constant 40 : i32
        %scan3A_254 = arith.addi %scan3A_252, %scan3A_253 : i32
        %scan3A_255 = arith.constant 1 : i32
        scf.for %scan3A_265 = %scan3A_252 to %scan3A_254 step %scan3A_255  : i32 {
          %mul3A_266 = arith.constant 1 : i32
          %mul3A_267 = arith.muli %scan3A_265, %mul3A_266 : i32
          %add3A_268 = arith.constant 0 : i32
          %add3A_269 = arith.addi %add3A_268, %mul3A_267 : i32
          %get3A = arith.index_cast %add3A_269 : i32 to index
          %get3A_270 = arith.constant 0 : index
          %get3A_271 = tpu.vector_load %arg20[%get3A, %get3A_270] {strides = array<i32>} : memref<40x128xf32, #tpu.memory_space<vmem>>, vector<1x16xf32>,
          %get3A_272 = vector.shape_cast %get3A_271 : vector<1x16xf32> to vector<16xf32>
          %get3A_273 = arith.index_cast %add3A_269 : i32 to index
          %get3A_274 = arith.constant 0 : index
          %get3A_275 = tpu.vector_load %arg24[%get3A_273, %get3A_274] {strides = array<i32>} : memref<40x128xf32, #tpu.memory_space<vmem>>, vector<1x16xf32>,
          %get3A_276 = vector.shape_cast %get3A_275 : vector<1x16xf32> to vector<16xf32>
          %add3A_277 = arith.addf %get3A_272, %get3A_276 : vector<16xf32>
          %max3A = arith.constant 0.000000e+00 : f32
          %max3A_278 = vector.broadcast %max3A : f32 to vector<16xf32>
          %max3A_279 = arith.maximumf %add3A_277, %max3A_278 : vector<16xf32>
          %swap3A = arith.index_cast %add3A_269 : i32 to index
          %swap3A_280 = arith.constant 0 : index
          %swap3A_281 = tpu.vector_load %arg20[%swap3A, %swap3A_280] {strides = array<i32>} : memref<40x128xf32, #tpu.memory_space<vmem>>, vector<1x16xf32>,
          %swap3A_282 = vector.shape_cast %swap3A_281 : vector<1x16xf32> to vector<16xf32>
          %swap3A_283 = vector.shape_cast %max3A_279 : vector<16xf32> to vector<1x16xf32>
          tpu.vector_store %arg20[%swap3A, %swap3A_280], %swap3A_283 {strides = array<i32>} : memref<40x128xf32, #tpu.memory_space<vmem>>, vector<1x16xf32>,
          %get3A_284 = arith.index_cast %add3A_269 : i32 to index
          %get3A_285 = arith.constant 16 : index
          %get3A_286 = tpu.vector_load %arg20[%get3A_284, %get3A_285] {strides = array<i32>} : memref<40x128xf32, #tpu.memory_space<vmem>>, vector<1x16xf32>,
          %get3A_287 = vector.shape_cast %get3A_286 : vector<1x16xf32> to vector<16xf32>
          %get3A_288 = arith.index_cast %add3A_269 : i32 to index
          %get3A_289 = arith.constant 16 : index
          %get3A_290 = tpu.vector_load %arg24[%get3A_288, %get3A_289] {strides = array<i32>} : memref<40x128xf32, #tpu.memory_space<vmem>>, vector<1x16xf32>,
          %get3A_291 = vector.shape_cast %get3A_290 : vector<1x16xf32> to vector<16xf32>
          %add3A_292 = arith.addf %get3A_287, %get3A_291 : vector<16xf32>
          %max3A_293 = arith.constant 0.000000e+00 : f32
          %max3A_294 = vector.broadcast %max3A_293 : f32 to vector<16xf32>
          %max3A_295 = arith.maximumf %add3A_292, %max3A_294 : vector<16xf32>
          %swap3A_296 = arith.index_cast %add3A_269 : i32 to index
          %swap3A_297 = arith.constant 16 : index
          %swap3A_298 = tpu.vector_load %arg20[%swap3A_296, %swap3A_297] {strides = array<i32>} : memref<40x128xf32, #tpu.memory_space<vmem>>, vector<1x16xf32>,
          %swap3A_299 = vector.shape_cast %swap3A_298 : vector<1x16xf32> to vector<16xf32>
          %swap3A_300 = vector.shape_cast %max3A_295 : vector<16xf32> to vector<1x16xf32>
          tpu.vector_store %arg20[%swap3A_296, %swap3A_297], %swap3A_300 {strides = array<i32>} : memref<40x128xf32, #tpu.memory_space<vmem>>, vector<1x16xf32>,
          %get3A_301 = arith.index_cast %add3A_269 : i32 to index
          %get3A_302 = arith.constant 32 : index
          %get3A_303 = tpu.vector_load %arg20[%get3A_301, %get3A_302] {strides = array<i32>} : memref<40x128xf32, #tpu.memory_space<vmem>>, vector<1x16xf32>,
          %get3A_304 = vector.shape_cast %get3A_303 : vector<1x16xf32> to vector<16xf32>
          %get3A_305 = arith.index_cast %add3A_269 : i32 to index
          %get3A_306 = arith.constant 32 : index
          %get3A_307 = tpu.vector_load %arg24[%get3A_305, %get3A_306] {strides = array<i32>} : memref<40x128xf32, #tpu.memory_space<vmem>>, vector<1x16xf32>,
          %get3A_308 = vector.shape_cast %get3A_307 : vector<1x16xf32> to vector<16xf32>
          %add3A_309 = arith.addf %get3A_304, %get3A_308 : vector<16xf32>
          %max3A_310 = arith.constant 0.000000e+00 : f32
          %max3A_311 = vector.broadcast %max3A_310 : f32 to vector<16xf32>
          %max3A_312 = arith.maximumf %add3A_309, %max3A_311 : vector<16xf32>
          %swap3A_313 = arith.index_cast %add3A_269 : i32 to index
          %swap3A_314 = arith.constant 32 : index
          %swap3A_315 = tpu.vector_load %arg20[%swap3A_313, %swap3A_314] {strides = array<i32>} : memref<40x128xf32, #tpu.memory_space<vmem>>, vector<1x16xf32>,
          %swap3A_316 = vector.shape_cast %swap3A_315 : vector<1x16xf32> to vector<16xf32>
          %swap3A_317 = vector.shape_cast %max3A_312 : vector<16xf32> to vector<1x16xf32>
          tpu.vector_store %arg20[%swap3A_313, %swap3A_314], %swap3A_317 {strides = array<i32>} : memref<40x128xf32, #tpu.memory_space<vmem>>, vector<1x16xf32>,
          %get3A_318 = arith.index_cast %add3A_269 : i32 to index
          %get3A_319 = arith.constant 48 : index
          %get3A_320 = tpu.vector_load %arg20[%get3A_318, %get3A_319] {strides = array<i32>} : memref<40x128xf32, #tpu.memory_space<vmem>>, vector<1x16xf32>,
          %get3A_321 = vector.shape_cast %get3A_320 : vector<1x16xf32> to vector<16xf32>
          %get3A_322 = arith.index_cast %add3A_269 : i32 to index
          %get3A_323 = arith.constant 48 : index
          %get3A_324 = tpu.vector_load %arg24[%get3A_322, %get3A_323] {strides = array<i32>} : memref<40x128xf32, #tpu.memory_space<vmem>>, vector<1x16xf32>,
          %get3A_325 = vector.shape_cast %get3A_324 : vector<1x16xf32> to vector<16xf32>
          %add3A_326 = arith.addf %get3A_321, %get3A_325 : vector<16xf32>
          %max3A_327 = arith.constant 0.000000e+00 : f32
          %max3A_328 = vector.broadcast %max3A_327 : f32 to vector<16xf32>
          %max3A_329 = arith.maximumf %add3A_326, %max3A_328 : vector<16xf32>
          %swap3A_330 = arith.index_cast %add3A_269 : i32 to index
          %swap3A_331 = arith.constant 48 : index
          %swap3A_332 = tpu.vector_load %arg20[%swap3A_330, %swap3A_331] {strides = array<i32>} : memref<40x128xf32, #tpu.memory_space<vmem>>, vector<1x16xf32>,
          %swap3A_333 = vector.shape_cast %swap3A_332 : vector<1x16xf32> to vector<16xf32>
          %swap3A_334 = vector.shape_cast %max3A_329 : vector<16xf32> to vector<1x16xf32>
          tpu.vector_store %arg20[%swap3A_330, %swap3A_331], %swap3A_334 {strides = array<i32>} : memref<40x128xf32, #tpu.memory_space<vmem>>, vector<1x16xf32>,
          %get3A_335 = arith.index_cast %add3A_269 : i32 to index
          %get3A_336 = arith.constant 64 : index
          %get3A_337 = tpu.vector_load %arg20[%get3A_335, %get3A_336] {strides = array<i32>} : memref<40x128xf32, #tpu.memory_space<vmem>>, vector<1x16xf32>,
          %get3A_338 = vector.shape_cast %get3A_337 : vector<1x16xf32> to vector<16xf32>
          %get3A_339 = arith.index_cast %add3A_269 : i32 to index
          %get3A_340 = arith.constant 64 : index
          %get3A_341 = tpu.vector_load %arg24[%get3A_339, %get3A_340] {strides = array<i32>} : memref<40x128xf32, #tpu.memory_space<vmem>>, vector<1x16xf32>,
          %get3A_342 = vector.shape_cast %get3A_341 : vector<1x16xf32> to vector<16xf32>
          %add3A_343 = arith.addf %get3A_338, %get3A_342 : vector<16xf32>
          %max3A_344 = arith.constant 0.000000e+00 : f32
          %max3A_345 = vector.broadcast %max3A_344 : f32 to vector<16xf32>
          %max3A_346 = arith.maximumf %add3A_343, %max3A_345 : vector<16xf32>
          %swap3A_347 = arith.index_cast %add3A_269 : i32 to index
          %swap3A_348 = arith.constant 64 : index
          %swap3A_349 = tpu.vector_load %arg20[%swap3A_347, %swap3A_348] {strides = array<i32>} : memref<40x128xf32, #tpu.memory_space<vmem>>, vector<1x16xf32>,
          %swap3A_350 = vector.shape_cast %swap3A_349 : vector<1x16xf32> to vector<16xf32>
          %swap3A_351 = vector.shape_cast %max3A_346 : vector<16xf32> to vector<1x16xf32>
          tpu.vector_store %arg20[%swap3A_347, %swap3A_348], %swap3A_351 {strides = array<i32>} : memref<40x128xf32, #tpu.memory_space<vmem>>, vector<1x16xf32>,
          %get3A_352 = arith.index_cast %add3A_269 : i32 to index
          %get3A_353 = arith.constant 80 : index
          %get3A_354 = tpu.vector_load %arg20[%get3A_352, %get3A_353] {strides = array<i32>} : memref<40x128xf32, #tpu.memory_space<vmem>>, vector<1x16xf32>,
          %get3A_355 = vector.shape_cast %get3A_354 : vector<1x16xf32> to vector<16xf32>
          %get3A_356 = arith.index_cast %add3A_269 : i32 to index
          %get3A_357 = arith.constant 80 : index
          %get3A_358 = tpu.vector_load %arg24[%get3A_356, %get3A_357] {strides = array<i32>} : memref<40x128xf32, #tpu.memory_space<vmem>>, vector<1x16xf32>,
          %get3A_359 = vector.shape_cast %get3A_358 : vector<1x16xf32> to vector<16xf32>
          %add3A_360 = arith.addf %get3A_355, %get3A_359 : vector<16xf32>
          %max3A_361 = arith.constant 0.000000e+00 : f32
          %max3A_362 = vector.broadcast %max3A_361 : f32 to vector<16xf32>
          %max3A_363 = arith.maximumf %add3A_360, %max3A_362 : vector<16xf32>
          %swap3A_364 = arith.index_cast %add3A_269 : i32 to index
          %swap3A_365 = arith.constant 80 : index
          %swap3A_366 = tpu.vector_load %arg20[%swap3A_364, %swap3A_365] {strides = array<i32>} : memref<40x128xf32, #tpu.memory_space<vmem>>, vector<1x16xf32>,
          %swap3A_367 = vector.shape_cast %swap3A_366 : vector<1x16xf32> to vector<16xf32>
          %swap3A_368 = vector.shape_cast %max3A_363 : vector<16xf32> to vector<1x16xf32>
          tpu.vector_store %arg20[%swap3A_364, %swap3A_365], %swap3A_368 {strides = array<i32>} : memref<40x128xf32, #tpu.memory_space<vmem>>, vector<1x16xf32>,
          %get3A_369 = arith.index_cast %add3A_269 : i32 to index
          %get3A_370 = arith.constant 96 : index
          %get3A_371 = tpu.vector_load %arg20[%get3A_369, %get3A_370] {strides = array<i32>} : memref<40x128xf32, #tpu.memory_space<vmem>>, vector<1x16xf32>,
          %get3A_372 = vector.shape_cast %get3A_371 : vector<1x16xf32> to vector<16xf32>
          %get3A_373 = arith.index_cast %add3A_269 : i32 to index
          %get3A_374 = arith.constant 96 : index
          %get3A_375 = tpu.vector_load %arg24[%get3A_373, %get3A_374] {strides = array<i32>} : memref<40x128xf32, #tpu.memory_space<vmem>>, vector<1x16xf32>,
          %get3A_376 = vector.shape_cast %get3A_375 : vector<1x16xf32> to vector<16xf32>
          %add3A_377 = arith.addf %get3A_372, %get3A_376 : vector<16xf32>
          %max3A_378 = arith.constant 0.000000e+00 : f32
          %max3A_379 = vector.broadcast %max3A_378 : f32 to vector<16xf32>
          %max3A_380 = arith.maximumf %add3A_377, %max3A_379 : vector<16xf32>
          %swap3A_381 = arith.index_cast %add3A_269 : i32 to index
          %swap3A_382 = arith.constant 96 : index
          %swap3A_383 = tpu.vector_load %arg20[%swap3A_381, %swap3A_382] {strides = array<i32>} : memref<40x128xf32, #tpu.memory_space<vmem>>, vector<1x16xf32>,
          %swap3A_384 = vector.shape_cast %swap3A_383 : vector<1x16xf32> to vector<16xf32>
          %swap3A_385 = vector.shape_cast %max3A_380 : vector<16xf32> to vector<1x16xf32>
          tpu.vector_store %arg20[%swap3A_381, %swap3A_382], %swap3A_385 {strides = array<i32>} : memref<40x128xf32, #tpu.memory_space<vmem>>, vector<1x16xf32>,
          %get3A_386 = arith.index_cast %add3A_269 : i32 to index
          %get3A_387 = arith.constant 112 : index
          %get3A_388 = tpu.vector_load %arg20[%get3A_386, %get3A_387] {strides = array<i32>} : memref<40x128xf32, #tpu.memory_space<vmem>>, vector<1x16xf32>,
          %get3A_389 = vector.shape_cast %get3A_388 : vector<1x16xf32> to vector<16xf32>
          %get3A_390 = arith.index_cast %add3A_269 : i32 to index
          %get3A_391 = arith.constant 112 : index
          %get3A_392 = tpu.vector_load %arg24[%get3A_390, %get3A_391] {strides = array<i32>} : memref<40x128xf32, #tpu.memory_space<vmem>>, vector<1x16xf32>,
          %get3A_393 = vector.shape_cast %get3A_392 : vector<1x16xf32> to vector<16xf32>
          %add3A_394 = arith.addf %get3A_389, %get3A_393 : vector<16xf32>
          %max3A_395 = arith.constant 0.000000e+00 : f32
          %max3A_396 = vector.broadcast %max3A_395 : f32 to vector<16xf32>
          %max3A_397 = arith.maximumf %add3A_394, %max3A_396 : vector<16xf32>
          %swap3A_398 = arith.index_cast %add3A_269 : i32 to index
          %swap3A_399 = arith.constant 112 : index
          %swap3A_400 = tpu.vector_load %arg20[%swap3A_398, %swap3A_399] {strides = array<i32>} : memref<40x128xf32, #tpu.memory_space<vmem>>, vector<1x16xf32>,
          %swap3A_401 = vector.shape_cast %swap3A_400 : vector<1x16xf32> to vector<16xf32>
          %swap3A_402 = vector.shape_cast %max3A_397 : vector<16xf32> to vector<1x16xf32>
          tpu.vector_store %arg20[%swap3A_398, %swap3A_399], %swap3A_402 {strides = array<i32>} : memref<40x128xf32, #tpu.memory_space<vmem>>, vector<1x16xf32>,
        }
        %scan3A_256 = arith.constant 40 : i32
        %mul3A_257 = arith.constant 40 : i32
        %mul3A_258 = arith.muli %add3A_119, %mul3A_257 : i32
        %add3A_259 = arith.addi %mul3A_2, %mul3A_258 : i32
        %dma_wait3A_260 = tpu.memref_slice %arg6[%add3A_259] : memref<320000xi32, #tpu.memory_space<hbm>> -> memref<40xi32, #tpu.memory_space<hbm>>
        %dma_wait3A_261 = tpu.memref_slice %arg6[%add3A_259] : memref<320000xi32, #tpu.memory_space<hbm>> -> memref<40xi32, #tpu.memory_space<hbm>>
        tpu.wait_dma2 semaphore(%arg34 : memref<!tpu.dma_semaphore, #tpu.memory_space<semaphore_mem>>) src(%dma_wait3A_261 : memref<40xi32, #tpu.memory_space<hbm>>) dst(%arg16 : memref<40xi32, #tpu.memory_space<vmem>>)
        %dma_start3A_262 = arith.constant 0 : i32
        %dma_start3A_263 = arith.constant 0 : i32
        %dma_start3A_264 = tpu.memref_slice %arg29[%dma_start3A_262, %dma_start3A_263] : memref<10000x128xf32, #tpu.memory_space<vmem_shared>> -> memref<10000x128xf32, #tpu.memory_space<vmem_shared>>
        tpu.enqueue_indirect_dma source(%arg20 : memref<40x128xf32, #tpu.memory_space<vmem>>) target(%dma_start3A_264 : memref<10000x128xf32, #tpu.memory_space<vmem_shared>>) offsets(%arg16 : memref<40xi32, #tpu.memory_space<vmem>>) semaphore(%arg46 : memref<!tpu.dma_semaphore, #tpu.memory_space<semaphore_mem>>) {add = true}
      } else {
      }
      %add3A_147 = arith.constant 1 : i32
      %add3A_148 = arith.addi %add3A_117, %add3A_147 : i32
      %ge3A_149 = arith.constant 2 : i32
      %ge3A_150 = arith.cmpi sge, %add3A_148, %ge3A_149 : i32
      %convert_element_type3A_151 = arith.extui %ge3A_150 : i1 to i32
      %cond3A_152 = arith.constant 0 : i32
      %cond3A_153 = arith.cmpi ne, %convert_element_type3A_151, %cond3A_152 : i32
      scf.if %cond3A_153 {
        %dma_wait3A_246 = arith.constant 0 : i32
        %dma_wait3A_247 = arith.constant 0 : i32
        %dma_wait3A_248 = tpu.memref_slice %arg29[%dma_wait3A_246, %dma_wait3A_247] : memref<10000x128xf32, #tpu.memory_space<vmem_shared>> -> memref<10000x128xf32, #tpu.memory_space<vmem_shared>>
        tpu.wait_indirect_dma semaphore(%arg49 : memref<!tpu.dma_semaphore, #tpu.memory_space<semaphore_mem>>) src(%arg23 : memref<40x128xf32, #tpu.memory_space<vmem>>) dst(%dma_wait3A_248 : memref<10000x128xf32, #tpu.memory_space<vmem_shared>>)
      } else {
      }
      %add3A_154 = arith.constant 2 : i32
      %add3A_155 = arith.addi %add3A_148, %add3A_154 : i32
      %lt3A_156 = arith.constant 250 : i32
      %lt3A_157 = arith.cmpi slt, %add3A_155, %lt3A_156 : i32
      %convert_element_type3A_158 = arith.extui %lt3A_157 : i1 to i32
      %cond3A_159 = arith.constant 0 : i32
      %cond3A_160 = arith.cmpi ne, %convert_element_type3A_158, %cond3A_159 : i32
      scf.if %cond3A_160 {
        %add3A_246 = arith.constant 2 : i32
        %add3A_247 = arith.addi %add3A_148, %add3A_246 : i32
        %mul3A_248 = arith.constant 40 : i32
        %mul3A_249 = arith.muli %add3A_247, %mul3A_248 : i32
        %add3A_250 = arith.addi %mul3A_2, %mul3A_249 : i32
        %dma_start3A_251 = tpu.memref_slice %arg6[%add3A_250] : memref<320000xi32, #tpu.memory_space<hbm>> -> memref<40xi32, #tpu.memory_space<hbm>>
        %dma_start3A_252 = tpu.memref_slice %arg6[%add3A_250] : memref<320000xi32, #tpu.memory_space<hbm>> -> memref<40xi32, #tpu.memory_space<hbm>>
        tpu.enqueue_dma source(%dma_start3A_252 : memref<40xi32, #tpu.memory_space<hbm>>) target(%arg19 : memref<40xi32, #tpu.memory_space<vmem>>) target_semaphore(%arg37 : memref<!tpu.dma_semaphore, #tpu.memory_space<semaphore_mem>>)
      } else {
      }
      %add3A_161 = arith.constant 3 : i32
      %add3A_162 = arith.addi %add3A_148, %add3A_161 : i32
      %lt3A_163 = arith.constant 250 : i32
      %lt3A_164 = arith.cmpi slt, %add3A_162, %lt3A_163 : i32
      %convert_element_type3A_165 = arith.extui %lt3A_164 : i1 to i32
      %cond3A_166 = arith.constant 0 : i32
      %cond3A_167 = arith.cmpi ne, %convert_element_type3A_165, %cond3A_166 : i32
      scf.if %cond3A_167 {
        %add3A_246 = arith.constant 3 : i32
        %add3A_247 = arith.addi %add3A_148, %add3A_246 : i32
        %mul3A_248 = arith.constant 40 : i32
        %mul3A_249 = arith.muli %add3A_247, %mul3A_248 : i32
        %add3A_250 = arith.addi %mul3A_2, %mul3A_249 : i32
        %dma_start3A_251 = tpu.memref_slice %arg4[%add3A_250] : memref<320000xi32, #tpu.memory_space<hbm>> -> memref<40xi32, #tpu.memory_space<hbm>>
        %dma_start3A_252 = tpu.memref_slice %arg4[%add3A_250] : memref<320000xi32, #tpu.memory_space<hbm>> -> memref<40xi32, #tpu.memory_space<hbm>>
        tpu.enqueue_dma source(%dma_start3A_252 : memref<40xi32, #tpu.memory_space<hbm>>) target(%arg8 : memref<40xi32, #tpu.memory_space<vmem>>) target_semaphore(%arg30 : memref<!tpu.dma_semaphore, #tpu.memory_space<semaphore_mem>>)
        %dma_start3A_253 = tpu.memref_slice %arg5[%add3A_250] : memref<320000xi32, #tpu.memory_space<hbm>> -> memref<40xi32, #tpu.memory_space<hbm>>
        %dma_start3A_254 = tpu.memref_slice %arg5[%add3A_250] : memref<320000xi32, #tpu.memory_space<hbm>> -> memref<40xi32, #tpu.memory_space<hbm>>
        tpu.enqueue_dma source(%dma_start3A_254 : memref<40xi32, #tpu.memory_space<hbm>>) target(%arg12 : memref<40xi32, #tpu.memory_space<vmem>>) target_semaphore(%arg30 : memref<!tpu.dma_semaphore, #tpu.memory_space<semaphore_mem>>)
      } else {
      }
      %add3A_168 = arith.constant 2 : i32
      %add3A_169 = arith.addi %add3A_148, %add3A_168 : i32
      %lt3A_170 = arith.constant 250 : i32
      %lt3A_171 = arith.cmpi slt, %add3A_169, %lt3A_170 : i32
      %convert_element_type3A_172 = arith.extui %lt3A_171 : i1 to i32
      %cond3A_173 = arith.constant 0 : i32
      %cond3A_174 = arith.cmpi ne, %convert_element_type3A_172, %cond3A_173 : i32
      scf.if %cond3A_174 {
        %add3A_246 = arith.constant 2 : i32
        %add3A_247 = arith.addi %add3A_148, %add3A_246 : i32
        %mul3A_248 = arith.constant 40 : i32
        %mul3A_249 = arith.muli %add3A_247, %mul3A_248 : i32
        %add3A_250 = arith.addi %mul3A_2, %mul3A_249 : i32
        %dma_wait3A_251 = tpu.memref_slice %arg4[%add3A_250] : memref<320000xi32, #tpu.memory_space<hbm>> -> memref<40xi32, #tpu.memory_space<hbm>>
        %dma_wait3A_252 = tpu.memref_slice %arg4[%add3A_250] : memref<320000xi32, #tpu.memory_space<hbm>> -> memref<40xi32, #tpu.memory_space<hbm>>
        tpu.wait_dma2 semaphore(%arg33 : memref<!tpu.dma_semaphore, #tpu.memory_space<semaphore_mem>>) src(%dma_wait3A_252 : memref<40xi32, #tpu.memory_space<hbm>>) dst(%arg11 : memref<40xi32, #tpu.memory_space<vmem>>)
        %dma_wait3A_253 = tpu.memref_slice %arg5[%add3A_250] : memref<320000xi32, #tpu.memory_space<hbm>> -> memref<40xi32, #tpu.memory_space<hbm>>
        %dma_wait3A_254 = tpu.memref_slice %arg5[%add3A_250] : memref<320000xi32, #tpu.memory_space<hbm>> -> memref<40xi32, #tpu.memory_space<hbm>>
        tpu.wait_dma2 semaphore(%arg33 : memref<!tpu.dma_semaphore, #tpu.memory_space<semaphore_mem>>) src(%dma_wait3A_254 : memref<40xi32, #tpu.memory_space<hbm>>) dst(%arg15 : memref<40xi32, #tpu.memory_space<vmem>>)
        %dma_start3A_255 = arith.constant 0 : i32
        %dma_start3A_256 = arith.constant 0 : i32
        %dma_start3A_257 = tpu.memref_slice %arg2[%dma_start3A_255, %dma_start3A_256] : memref<10000x128xf32, #tpu.memory_space<hbm>> -> memref<10000x128xf32, #tpu.memory_space<hbm>>
        tpu.enqueue_indirect_dma source(%dma_start3A_257 : memref<10000x128xf32, #tpu.memory_space<hbm>>) target(%arg23 : memref<40x128xf32, #tpu.memory_space<vmem>>) offsets(%arg11 : memref<40xi32, #tpu.memory_space<vmem>>) semaphore(%arg41 : memref<!tpu.dma_semaphore, #tpu.memory_space<semaphore_mem>>)
        %dma_start3A_258 = arith.constant 0 : i32
        %dma_start3A_259 = arith.constant 0 : i32
        %dma_start3A_260 = tpu.memref_slice %arg3[%dma_start3A_258, %dma_start3A_259] : memref<4096x128xf32, #tpu.memory_space<hbm>> -> memref<4096x128xf32, #tpu.memory_space<hbm>>
        tpu.enqueue_indirect_dma source(%dma_start3A_260 : memref<4096x128xf32, #tpu.memory_space<hbm>>) target(%arg27 : memref<40x128xf32, #tpu.memory_space<vmem>>) offsets(%arg15 : memref<40xi32, #tpu.memory_space<vmem>>) semaphore(%arg45 : memref<!tpu.dma_semaphore, #tpu.memory_space<semaphore_mem>>)
      } else {
      }
      %lt3A_175 = arith.constant 250 : i32
      %lt3A_176 = arith.cmpi slt, %add3A_148, %lt3A_175 : i32
      %convert_element_type3A_177 = arith.extui %lt3A_176 : i1 to i32
      %cond3A_178 = arith.constant 0 : i32
      %cond3A_179 = arith.cmpi ne, %convert_element_type3A_177, %cond3A_178 : i32
      scf.if %cond3A_179 {
        %dma_wait3A_246 = arith.constant 0 : i32
        %dma_wait3A_247 = arith.constant 0 : i32
        %dma_wait3A_248 = tpu.memref_slice %arg2[%dma_wait3A_246, %dma_wait3A_247] : memref<10000x128xf32, #tpu.memory_space<hbm>> -> memref<10000x128xf32, #tpu.memory_space<hbm>>
        tpu.wait_indirect_dma semaphore(%arg39 : memref<!tpu.dma_semaphore, #tpu.memory_space<semaphore_mem>>) src(%dma_wait3A_248 : memref<10000x128xf32, #tpu.memory_space<hbm>>) dst(%arg21 : memref<40x128xf32, #tpu.memory_space<vmem>>)
        %dma_wait3A_249 = arith.constant 0 : i32
        %dma_wait3A_250 = arith.constant 0 : i32
        %dma_wait3A_251 = tpu.memref_slice %arg3[%dma_wait3A_249, %dma_wait3A_250] : memref<4096x128xf32, #tpu.memory_space<hbm>> -> memref<4096x128xf32, #tpu.memory_space<hbm>>
        tpu.wait_indirect_dma semaphore(%arg43 : memref<!tpu.dma_semaphore, #tpu.memory_space<semaphore_mem>>) src(%dma_wait3A_251 : memref<4096x128xf32, #tpu.memory_space<hbm>>) dst(%arg25 : memref<40x128xf32, #tpu.memory_space<vmem>>)
        %scan3A_252 = arith.constant 0 : i32
        %scan3A_253 = arith.constant 40 : i32
        %scan3A_254 = arith.addi %scan3A_252, %scan3A_253 : i32
        %scan3A_255 = arith.constant 1 : i32
        scf.for %scan3A_265 = %scan3A_252 to %scan3A_254 step %scan3A_255  : i32 {
          %mul3A_266 = arith.constant 1 : i32
          %mul3A_267 = arith.muli %scan3A_265, %mul3A_266 : i32
          %add3A_268 = arith.constant 0 : i32
          %add3A_269 = arith.addi %add3A_268, %mul3A_267 : i32
          %get3A = arith.index_cast %add3A_269 : i32 to index
          %get3A_270 = arith.constant 0 : index
          %get3A_271 = tpu.vector_load %arg21[%get3A, %get3A_270] {strides = array<i32>} : memref<40x128xf32, #tpu.memory_space<vmem>>, vector<1x16xf32>,
          %get3A_272 = vector.shape_cast %get3A_271 : vector<1x16xf32> to vector<16xf32>
          %get3A_273 = arith.index_cast %add3A_269 : i32 to index
          %get3A_274 = arith.constant 0 : index
          %get3A_275 = tpu.vector_load %arg25[%get3A_273, %get3A_274] {strides = array<i32>} : memref<40x128xf32, #tpu.memory_space<vmem>>, vector<1x16xf32>,
          %get3A_276 = vector.shape_cast %get3A_275 : vector<1x16xf32> to vector<16xf32>
          %add3A_277 = arith.addf %get3A_272, %get3A_276 : vector<16xf32>
          %max3A = arith.constant 0.000000e+00 : f32
          %max3A_278 = vector.broadcast %max3A : f32 to vector<16xf32>
          %max3A_279 = arith.maximumf %add3A_277, %max3A_278 : vector<16xf32>
          %swap3A = arith.index_cast %add3A_269 : i32 to index
          %swap3A_280 = arith.constant 0 : index
          %swap3A_281 = tpu.vector_load %arg21[%swap3A, %swap3A_280] {strides = array<i32>} : memref<40x128xf32, #tpu.memory_space<vmem>>, vector<1x16xf32>,
          %swap3A_282 = vector.shape_cast %swap3A_281 : vector<1x16xf32> to vector<16xf32>
          %swap3A_283 = vector.shape_cast %max3A_279 : vector<16xf32> to vector<1x16xf32>
          tpu.vector_store %arg21[%swap3A, %swap3A_280], %swap3A_283 {strides = array<i32>} : memref<40x128xf32, #tpu.memory_space<vmem>>, vector<1x16xf32>,
          %get3A_284 = arith.index_cast %add3A_269 : i32 to index
          %get3A_285 = arith.constant 16 : index
          %get3A_286 = tpu.vector_load %arg21[%get3A_284, %get3A_285] {strides = array<i32>} : memref<40x128xf32, #tpu.memory_space<vmem>>, vector<1x16xf32>,
          %get3A_287 = vector.shape_cast %get3A_286 : vector<1x16xf32> to vector<16xf32>
          %get3A_288 = arith.index_cast %add3A_269 : i32 to index
          %get3A_289 = arith.constant 16 : index
          %get3A_290 = tpu.vector_load %arg25[%get3A_288, %get3A_289] {strides = array<i32>} : memref<40x128xf32, #tpu.memory_space<vmem>>, vector<1x16xf32>,
          %get3A_291 = vector.shape_cast %get3A_290 : vector<1x16xf32> to vector<16xf32>
          %add3A_292 = arith.addf %get3A_287, %get3A_291 : vector<16xf32>
          %max3A_293 = arith.constant 0.000000e+00 : f32
          %max3A_294 = vector.broadcast %max3A_293 : f32 to vector<16xf32>
          %max3A_295 = arith.maximumf %add3A_292, %max3A_294 : vector<16xf32>
          %swap3A_296 = arith.index_cast %add3A_269 : i32 to index
          %swap3A_297 = arith.constant 16 : index
          %swap3A_298 = tpu.vector_load %arg21[%swap3A_296, %swap3A_297] {strides = array<i32>} : memref<40x128xf32, #tpu.memory_space<vmem>>, vector<1x16xf32>,
          %swap3A_299 = vector.shape_cast %swap3A_298 : vector<1x16xf32> to vector<16xf32>
          %swap3A_300 = vector.shape_cast %max3A_295 : vector<16xf32> to vector<1x16xf32>
          tpu.vector_store %arg21[%swap3A_296, %swap3A_297], %swap3A_300 {strides = array<i32>} : memref<40x128xf32, #tpu.memory_space<vmem>>, vector<1x16xf32>,
          %get3A_301 = arith.index_cast %add3A_269 : i32 to index
          %get3A_302 = arith.constant 32 : index
          %get3A_303 = tpu.vector_load %arg21[%get3A_301, %get3A_302] {strides = array<i32>} : memref<40x128xf32, #tpu.memory_space<vmem>>, vector<1x16xf32>,
          %get3A_304 = vector.shape_cast %get3A_303 : vector<1x16xf32> to vector<16xf32>
          %get3A_305 = arith.index_cast %add3A_269 : i32 to index
          %get3A_306 = arith.constant 32 : index
          %get3A_307 = tpu.vector_load %arg25[%get3A_305, %get3A_306] {strides = array<i32>} : memref<40x128xf32, #tpu.memory_space<vmem>>, vector<1x16xf32>,
          %get3A_308 = vector.shape_cast %get3A_307 : vector<1x16xf32> to vector<16xf32>
          %add3A_309 = arith.addf %get3A_304, %get3A_308 : vector<16xf32>
          %max3A_310 = arith.constant 0.000000e+00 : f32
          %max3A_311 = vector.broadcast %max3A_310 : f32 to vector<16xf32>
          %max3A_312 = arith.maximumf %add3A_309, %max3A_311 : vector<16xf32>
          %swap3A_313 = arith.index_cast %add3A_269 : i32 to index
          %swap3A_314 = arith.constant 32 : index
          %swap3A_315 = tpu.vector_load %arg21[%swap3A_313, %swap3A_314] {strides = array<i32>} : memref<40x128xf32, #tpu.memory_space<vmem>>, vector<1x16xf32>,
          %swap3A_316 = vector.shape_cast %swap3A_315 : vector<1x16xf32> to vector<16xf32>
          %swap3A_317 = vector.shape_cast %max3A_312 : vector<16xf32> to vector<1x16xf32>
          tpu.vector_store %arg21[%swap3A_313, %swap3A_314], %swap3A_317 {strides = array<i32>} : memref<40x128xf32, #tpu.memory_space<vmem>>, vector<1x16xf32>,
          %get3A_318 = arith.index_cast %add3A_269 : i32 to index
          %get3A_319 = arith.constant 48 : index
          %get3A_320 = tpu.vector_load %arg21[%get3A_318, %get3A_319] {strides = array<i32>} : memref<40x128xf32, #tpu.memory_space<vmem>>, vector<1x16xf32>,
          %get3A_321 = vector.shape_cast %get3A_320 : vector<1x16xf32> to vector<16xf32>
          %get3A_322 = arith.index_cast %add3A_269 : i32 to index
          %get3A_323 = arith.constant 48 : index
          %get3A_324 = tpu.vector_load %arg25[%get3A_322, %get3A_323] {strides = array<i32>} : memref<40x128xf32, #tpu.memory_space<vmem>>, vector<1x16xf32>,
          %get3A_325 = vector.shape_cast %get3A_324 : vector<1x16xf32> to vector<16xf32>
          %add3A_326 = arith.addf %get3A_321, %get3A_325 : vector<16xf32>
          %max3A_327 = arith.constant 0.000000e+00 : f32
          %max3A_328 = vector.broadcast %max3A_327 : f32 to vector<16xf32>
          %max3A_329 = arith.maximumf %add3A_326, %max3A_328 : vector<16xf32>
          %swap3A_330 = arith.index_cast %add3A_269 : i32 to index
          %swap3A_331 = arith.constant 48 : index
          %swap3A_332 = tpu.vector_load %arg21[%swap3A_330, %swap3A_331] {strides = array<i32>} : memref<40x128xf32, #tpu.memory_space<vmem>>, vector<1x16xf32>,
          %swap3A_333 = vector.shape_cast %swap3A_332 : vector<1x16xf32> to vector<16xf32>
          %swap3A_334 = vector.shape_cast %max3A_329 : vector<16xf32> to vector<1x16xf32>
          tpu.vector_store %arg21[%swap3A_330, %swap3A_331], %swap3A_334 {strides = array<i32>} : memref<40x128xf32, #tpu.memory_space<vmem>>, vector<1x16xf32>,
          %get3A_335 = arith.index_cast %add3A_269 : i32 to index
          %get3A_336 = arith.constant 64 : index
          %get3A_337 = tpu.vector_load %arg21[%get3A_335, %get3A_336] {strides = array<i32>} : memref<40x128xf32, #tpu.memory_space<vmem>>, vector<1x16xf32>,
          %get3A_338 = vector.shape_cast %get3A_337 : vector<1x16xf32> to vector<16xf32>
          %get3A_339 = arith.index_cast %add3A_269 : i32 to index
          %get3A_340 = arith.constant 64 : index
          %get3A_341 = tpu.vector_load %arg25[%get3A_339, %get3A_340] {strides = array<i32>} : memref<40x128xf32, #tpu.memory_space<vmem>>, vector<1x16xf32>,
          %get3A_342 = vector.shape_cast %get3A_341 : vector<1x16xf32> to vector<16xf32>
          %add3A_343 = arith.addf %get3A_338, %get3A_342 : vector<16xf32>
          %max3A_344 = arith.constant 0.000000e+00 : f32
          %max3A_345 = vector.broadcast %max3A_344 : f32 to vector<16xf32>
          %max3A_346 = arith.maximumf %add3A_343, %max3A_345 : vector<16xf32>
          %swap3A_347 = arith.index_cast %add3A_269 : i32 to index
          %swap3A_348 = arith.constant 64 : index
          %swap3A_349 = tpu.vector_load %arg21[%swap3A_347, %swap3A_348] {strides = array<i32>} : memref<40x128xf32, #tpu.memory_space<vmem>>, vector<1x16xf32>,
          %swap3A_350 = vector.shape_cast %swap3A_349 : vector<1x16xf32> to vector<16xf32>
          %swap3A_351 = vector.shape_cast %max3A_346 : vector<16xf32> to vector<1x16xf32>
          tpu.vector_store %arg21[%swap3A_347, %swap3A_348], %swap3A_351 {strides = array<i32>} : memref<40x128xf32, #tpu.memory_space<vmem>>, vector<1x16xf32>,
          %get3A_352 = arith.index_cast %add3A_269 : i32 to index
          %get3A_353 = arith.constant 80 : index
          %get3A_354 = tpu.vector_load %arg21[%get3A_352, %get3A_353] {strides = array<i32>} : memref<40x128xf32, #tpu.memory_space<vmem>>, vector<1x16xf32>,
          %get3A_355 = vector.shape_cast %get3A_354 : vector<1x16xf32> to vector<16xf32>
          %get3A_356 = arith.index_cast %add3A_269 : i32 to index
          %get3A_357 = arith.constant 80 : index
          %get3A_358 = tpu.vector_load %arg25[%get3A_356, %get3A_357] {strides = array<i32>} : memref<40x128xf32, #tpu.memory_space<vmem>>, vector<1x16xf32>,
          %get3A_359 = vector.shape_cast %get3A_358 : vector<1x16xf32> to vector<16xf32>
          %add3A_360 = arith.addf %get3A_355, %get3A_359 : vector<16xf32>
          %max3A_361 = arith.constant 0.000000e+00 : f32
          %max3A_362 = vector.broadcast %max3A_361 : f32 to vector<16xf32>
          %max3A_363 = arith.maximumf %add3A_360, %max3A_362 : vector<16xf32>
          %swap3A_364 = arith.index_cast %add3A_269 : i32 to index
          %swap3A_365 = arith.constant 80 : index
          %swap3A_366 = tpu.vector_load %arg21[%swap3A_364, %swap3A_365] {strides = array<i32>} : memref<40x128xf32, #tpu.memory_space<vmem>>, vector<1x16xf32>,
          %swap3A_367 = vector.shape_cast %swap3A_366 : vector<1x16xf32> to vector<16xf32>
          %swap3A_368 = vector.shape_cast %max3A_363 : vector<16xf32> to vector<1x16xf32>
          tpu.vector_store %arg21[%swap3A_364, %swap3A_365], %swap3A_368 {strides = array<i32>} : memref<40x128xf32, #tpu.memory_space<vmem>>, vector<1x16xf32>,
          %get3A_369 = arith.index_cast %add3A_269 : i32 to index
          %get3A_370 = arith.constant 96 : index
          %get3A_371 = tpu.vector_load %arg21[%get3A_369, %get3A_370] {strides = array<i32>} : memref<40x128xf32, #tpu.memory_space<vmem>>, vector<1x16xf32>,
          %get3A_372 = vector.shape_cast %get3A_371 : vector<1x16xf32> to vector<16xf32>
          %get3A_373 = arith.index_cast %add3A_269 : i32 to index
          %get3A_374 = arith.constant 96 : index
          %get3A_375 = tpu.vector_load %arg25[%get3A_373, %get3A_374] {strides = array<i32>} : memref<40x128xf32, #tpu.memory_space<vmem>>, vector<1x16xf32>,
          %get3A_376 = vector.shape_cast %get3A_375 : vector<1x16xf32> to vector<16xf32>
          %add3A_377 = arith.addf %get3A_372, %get3A_376 : vector<16xf32>
          %max3A_378 = arith.constant 0.000000e+00 : f32
          %max3A_379 = vector.broadcast %max3A_378 : f32 to vector<16xf32>
          %max3A_380 = arith.maximumf %add3A_377, %max3A_379 : vector<16xf32>
          %swap3A_381 = arith.index_cast %add3A_269 : i32 to index
          %swap3A_382 = arith.constant 96 : index
          %swap3A_383 = tpu.vector_load %arg21[%swap3A_381, %swap3A_382] {strides = array<i32>} : memref<40x128xf32, #tpu.memory_space<vmem>>, vector<1x16xf32>,
          %swap3A_384 = vector.shape_cast %swap3A_383 : vector<1x16xf32> to vector<16xf32>
          %swap3A_385 = vector.shape_cast %max3A_380 : vector<16xf32> to vector<1x16xf32>
          tpu.vector_store %arg21[%swap3A_381, %swap3A_382], %swap3A_385 {strides = array<i32>} : memref<40x128xf32, #tpu.memory_space<vmem>>, vector<1x16xf32>,
          %get3A_386 = arith.index_cast %add3A_269 : i32 to index
          %get3A_387 = arith.constant 112 : index
          %get3A_388 = tpu.vector_load %arg21[%get3A_386, %get3A_387] {strides = array<i32>} : memref<40x128xf32, #tpu.memory_space<vmem>>, vector<1x16xf32>,
          %get3A_389 = vector.shape_cast %get3A_388 : vector<1x16xf32> to vector<16xf32>
          %get3A_390 = arith.index_cast %add3A_269 : i32 to index
          %get3A_391 = arith.constant 112 : index
          %get3A_392 = tpu.vector_load %arg25[%get3A_390, %get3A_391] {strides = array<i32>} : memref<40x128xf32, #tpu.memory_space<vmem>>, vector<1x16xf32>,
          %get3A_393 = vector.shape_cast %get3A_392 : vector<1x16xf32> to vector<16xf32>
          %add3A_394 = arith.addf %get3A_389, %get3A_393 : vector<16xf32>
          %max3A_395 = arith.constant 0.000000e+00 : f32
          %max3A_396 = vector.broadcast %max3A_395 : f32 to vector<16xf32>
          %max3A_397 = arith.maximumf %add3A_394, %max3A_396 : vector<16xf32>
          %swap3A_398 = arith.index_cast %add3A_269 : i32 to index
          %swap3A_399 = arith.constant 112 : index
          %swap3A_400 = tpu.vector_load %arg21[%swap3A_398, %swap3A_399] {strides = array<i32>} : memref<40x128xf32, #tpu.memory_space<vmem>>, vector<1x16xf32>,
          %swap3A_401 = vector.shape_cast %swap3A_400 : vector<1x16xf32> to vector<16xf32>
          %swap3A_402 = vector.shape_cast %max3A_397 : vector<16xf32> to vector<1x16xf32>
          tpu.vector_store %arg21[%swap3A_398, %swap3A_399], %swap3A_402 {strides = array<i32>} : memref<40x128xf32, #tpu.memory_space<vmem>>, vector<1x16xf32>,
        }
        %scan3A_256 = arith.constant 40 : i32
        %mul3A_257 = arith.constant 40 : i32
        %mul3A_258 = arith.muli %add3A_148, %mul3A_257 : i32
        %add3A_259 = arith.addi %mul3A_2, %mul3A_258 : i32
        %dma_wait3A_260 = tpu.memref_slice %arg6[%add3A_259] : memref<320000xi32, #tpu.memory_space<hbm>> -> memref<40xi32, #tpu.memory_space<hbm>>
        %dma_wait3A_261 = tpu.memref_slice %arg6[%add3A_259] : memref<320000xi32, #tpu.memory_space<hbm>> -> memref<40xi32, #tpu.memory_space<hbm>>
        tpu.wait_dma2 semaphore(%arg35 : memref<!tpu.dma_semaphore, #tpu.memory_space<semaphore_mem>>) src(%dma_wait3A_261 : memref<40xi32, #tpu.memory_space<hbm>>) dst(%arg17 : memref<40xi32, #tpu.memory_space<vmem>>)
        %dma_start3A_262 = arith.constant 0 : i32
        %dma_start3A_263 = arith.constant 0 : i32
        %dma_start3A_264 = tpu.memref_slice %arg29[%dma_start3A_262, %dma_start3A_263] : memref<10000x128xf32, #tpu.memory_space<vmem_shared>> -> memref<10000x128xf32, #tpu.memory_space<vmem_shared>>
        tpu.enqueue_indirect_dma source(%arg21 : memref<40x128xf32, #tpu.memory_space<vmem>>) target(%dma_start3A_264 : memref<10000x128xf32, #tpu.memory_space<vmem_shared>>) offsets(%arg17 : memref<40xi32, #tpu.memory_space<vmem>>) semaphore(%arg47 : memref<!tpu.dma_semaphore, #tpu.memory_space<semaphore_mem>>) {add = true}
      } else {
      }
      %add3A_180 = arith.constant 2 : i32
      %add3A_181 = arith.addi %add3A_117, %add3A_180 : i32
      %ge3A_182 = arith.constant 2 : i32
      %ge3A_183 = arith.cmpi sge, %add3A_181, %ge3A_182 : i32
      %convert_element_type3A_184 = arith.extui %ge3A_183 : i1 to i32
      %cond3A_185 = arith.constant 0 : i32
      %cond3A_186 = arith.cmpi ne, %convert_element_type3A_184, %cond3A_185 : i32
      scf.if %cond3A_186 {
        %dma_wait3A_246 = arith.constant 0 : i32
        %dma_wait3A_247 = arith.constant 0 : i32
        %dma_wait3A_248 = tpu.memref_slice %arg29[%dma_wait3A_246, %dma_wait3A_247] : memref<10000x128xf32, #tpu.memory_space<vmem_shared>> -> memref<10000x128xf32, #tpu.memory_space<vmem_shared>>
        tpu.wait_indirect_dma semaphore(%arg46 : memref<!tpu.dma_semaphore, #tpu.memory_space<semaphore_mem>>) src(%arg20 : memref<40x128xf32, #tpu.memory_space<vmem>>) dst(%dma_wait3A_248 : memref<10000x128xf32, #tpu.memory_space<vmem_shared>>)
      } else {
      }
      %add3A_187 = arith.constant 2 : i32
      %add3A_188 = arith.addi %add3A_181, %add3A_187 : i32
      %lt3A_189 = arith.constant 250 : i32
      %lt3A_190 = arith.cmpi slt, %add3A_188, %lt3A_189 : i32
      %convert_element_type3A_191 = arith.extui %lt3A_190 : i1 to i32
      %cond3A_192 = arith.constant 0 : i32
      %cond3A_193 = arith.cmpi ne, %convert_element_type3A_191, %cond3A_192 : i32
      scf.if %cond3A_193 {
        %add3A_246 = arith.constant 2 : i32
        %add3A_247 = arith.addi %add3A_181, %add3A_246 : i32
        %mul3A_248 = arith.constant 40 : i32
        %mul3A_249 = arith.muli %add3A_247, %mul3A_248 : i32
        %add3A_250 = arith.addi %mul3A_2, %mul3A_249 : i32
        %dma_start3A_251 = tpu.memref_slice %arg6[%add3A_250] : memref<320000xi32, #tpu.memory_space<hbm>> -> memref<40xi32, #tpu.memory_space<hbm>>
        %dma_start3A_252 = tpu.memref_slice %arg6[%add3A_250] : memref<320000xi32, #tpu.memory_space<hbm>> -> memref<40xi32, #tpu.memory_space<hbm>>
        tpu.enqueue_dma source(%dma_start3A_252 : memref<40xi32, #tpu.memory_space<hbm>>) target(%arg16 : memref<40xi32, #tpu.memory_space<vmem>>) target_semaphore(%arg34 : memref<!tpu.dma_semaphore, #tpu.memory_space<semaphore_mem>>)
      } else {
      }
      %add3A_194 = arith.constant 3 : i32
      %add3A_195 = arith.addi %add3A_181, %add3A_194 : i32
      %lt3A_196 = arith.constant 250 : i32
      %lt3A_197 = arith.cmpi slt, %add3A_195, %lt3A_196 : i32
      %convert_element_type3A_198 = arith.extui %lt3A_197 : i1 to i32
      %cond3A_199 = arith.constant 0 : i32
      %cond3A_200 = arith.cmpi ne, %convert_element_type3A_198, %cond3A_199 : i32
      scf.if %cond3A_200 {
        %add3A_246 = arith.constant 3 : i32
        %add3A_247 = arith.addi %add3A_181, %add3A_246 : i32
        %mul3A_248 = arith.constant 40 : i32
        %mul3A_249 = arith.muli %add3A_247, %mul3A_248 : i32
        %add3A_250 = arith.addi %mul3A_2, %mul3A_249 : i32
        %dma_start3A_251 = tpu.memref_slice %arg4[%add3A_250] : memref<320000xi32, #tpu.memory_space<hbm>> -> memref<40xi32, #tpu.memory_space<hbm>>
        %dma_start3A_252 = tpu.memref_slice %arg4[%add3A_250] : memref<320000xi32, #tpu.memory_space<hbm>> -> memref<40xi32, #tpu.memory_space<hbm>>
        tpu.enqueue_dma source(%dma_start3A_252 : memref<40xi32, #tpu.memory_space<hbm>>) target(%arg9 : memref<40xi32, #tpu.memory_space<vmem>>) target_semaphore(%arg31 : memref<!tpu.dma_semaphore, #tpu.memory_space<semaphore_mem>>)
        %dma_start3A_253 = tpu.memref_slice %arg5[%add3A_250] : memref<320000xi32, #tpu.memory_space<hbm>> -> memref<40xi32, #tpu.memory_space<hbm>>
        %dma_start3A_254 = tpu.memref_slice %arg5[%add3A_250] : memref<320000xi32, #tpu.memory_space<hbm>> -> memref<40xi32, #tpu.memory_space<hbm>>
        tpu.enqueue_dma source(%dma_start3A_254 : memref<40xi32, #tpu.memory_space<hbm>>) target(%arg13 : memref<40xi32, #tpu.memory_space<vmem>>) target_semaphore(%arg31 : memref<!tpu.dma_semaphore, #tpu.memory_space<semaphore_mem>>)
      } else {
      }
      %add3A_201 = arith.constant 2 : i32
      %add3A_202 = arith.addi %add3A_181, %add3A_201 : i32
      %lt3A_203 = arith.constant 250 : i32
      %lt3A_204 = arith.cmpi slt, %add3A_202, %lt3A_203 : i32
      %convert_element_type3A_205 = arith.extui %lt3A_204 : i1 to i32
      %cond3A_206 = arith.constant 0 : i32
      %cond3A_207 = arith.cmpi ne, %convert_element_type3A_205, %cond3A_206 : i32
      scf.if %cond3A_207 {
        %add3A_246 = arith.constant 2 : i32
        %add3A_247 = arith.addi %add3A_181, %add3A_246 : i32
        %mul3A_248 = arith.constant 40 : i32
        %mul3A_249 = arith.muli %add3A_247, %mul3A_248 : i32
        %add3A_250 = arith.addi %mul3A_2, %mul3A_249 : i32
        %dma_wait3A_251 = tpu.memref_slice %arg4[%add3A_250] : memref<320000xi32, #tpu.memory_space<hbm>> -> memref<40xi32, #tpu.memory_space<hbm>>
        %dma_wait3A_252 = tpu.memref_slice %arg4[%add3A_250] : memref<320000xi32, #tpu.memory_space<hbm>> -> memref<40xi32, #tpu.memory_space<hbm>>
        tpu.wait_dma2 semaphore(%arg30 : memref<!tpu.dma_semaphore, #tpu.memory_space<semaphore_mem>>) src(%dma_wait3A_252 : memref<40xi32, #tpu.memory_space<hbm>>) dst(%arg8 : memref<40xi32, #tpu.memory_space<vmem>>)
        %dma_wait3A_253 = tpu.memref_slice %arg5[%add3A_250] : memref<320000xi32, #tpu.memory_space<hbm>> -> memref<40xi32, #tpu.memory_space<hbm>>
        %dma_wait3A_254 = tpu.memref_slice %arg5[%add3A_250] : memref<320000xi32, #tpu.memory_space<hbm>> -> memref<40xi32, #tpu.memory_space<hbm>>
        tpu.wait_dma2 semaphore(%arg30 : memref<!tpu.dma_semaphore, #tpu.memory_space<semaphore_mem>>) src(%dma_wait3A_254 : memref<40xi32, #tpu.memory_space<hbm>>) dst(%arg12 : memref<40xi32, #tpu.memory_space<vmem>>)
        %dma_start3A_255 = arith.constant 0 : i32
        %dma_start3A_256 = arith.constant 0 : i32
        %dma_start3A_257 = tpu.memref_slice %arg2[%dma_start3A_255, %dma_start3A_256] : memref<10000x128xf32, #tpu.memory_space<hbm>> -> memref<10000x128xf32, #tpu.memory_space<hbm>>
        tpu.enqueue_indirect_dma source(%dma_start3A_257 : memref<10000x128xf32, #tpu.memory_space<hbm>>) target(%arg20 : memref<40x128xf32, #tpu.memory_space<vmem>>) offsets(%arg8 : memref<40xi32, #tpu.memory_space<vmem>>) semaphore(%arg38 : memref<!tpu.dma_semaphore, #tpu.memory_space<semaphore_mem>>)
        %dma_start3A_258 = arith.constant 0 : i32
        %dma_start3A_259 = arith.constant 0 : i32
        %dma_start3A_260 = tpu.memref_slice %arg3[%dma_start3A_258, %dma_start3A_259] : memref<4096x128xf32, #tpu.memory_space<hbm>> -> memref<4096x128xf32, #tpu.memory_space<hbm>>
        tpu.enqueue_indirect_dma source(%dma_start3A_260 : memref<4096x128xf32, #tpu.memory_space<hbm>>) target(%arg24 : memref<40x128xf32, #tpu.memory_space<vmem>>) offsets(%arg12 : memref<40xi32, #tpu.memory_space<vmem>>) semaphore(%arg42 : memref<!tpu.dma_semaphore, #tpu.memory_space<semaphore_mem>>)
      } else {
      }
      %lt3A_208 = arith.constant 250 : i32
      %lt3A_209 = arith.cmpi slt, %add3A_181, %lt3A_208 : i32
      %convert_element_type3A_210 = arith.extui %lt3A_209 : i1 to i32
      %cond3A_211 = arith.constant 0 : i32
      %cond3A_212 = arith.cmpi ne, %convert_element_type3A_210, %cond3A_211 : i32
      scf.if %cond3A_212 {
        %dma_wait3A_246 = arith.constant 0 : i32
        %dma_wait3A_247 = arith.constant 0 : i32
        %dma_wait3A_248 = tpu.memref_slice %arg2[%dma_wait3A_246, %dma_wait3A_247] : memref<10000x128xf32, #tpu.memory_space<hbm>> -> memref<10000x128xf32, #tpu.memory_space<hbm>>
        tpu.wait_indirect_dma semaphore(%arg40 : memref<!tpu.dma_semaphore, #tpu.memory_space<semaphore_mem>>) src(%dma_wait3A_248 : memref<10000x128xf32, #tpu.memory_space<hbm>>) dst(%arg22 : memref<40x128xf32, #tpu.memory_space<vmem>>)
        %dma_wait3A_249 = arith.constant 0 : i32
        %dma_wait3A_250 = arith.constant 0 : i32
        %dma_wait3A_251 = tpu.memref_slice %arg3[%dma_wait3A_249, %dma_wait3A_250] : memref<4096x128xf32, #tpu.memory_space<hbm>> -> memref<4096x128xf32, #tpu.memory_space<hbm>>
        tpu.wait_indirect_dma semaphore(%arg44 : memref<!tpu.dma_semaphore, #tpu.memory_space<semaphore_mem>>) src(%dma_wait3A_251 : memref<4096x128xf32, #tpu.memory_space<hbm>>) dst(%arg26 : memref<40x128xf32, #tpu.memory_space<vmem>>)
        %scan3A_252 = arith.constant 0 : i32
        %scan3A_253 = arith.constant 40 : i32
        %scan3A_254 = arith.addi %scan3A_252, %scan3A_253 : i32
        %scan3A_255 = arith.constant 1 : i32
        scf.for %scan3A_265 = %scan3A_252 to %scan3A_254 step %scan3A_255  : i32 {
          %mul3A_266 = arith.constant 1 : i32
          %mul3A_267 = arith.muli %scan3A_265, %mul3A_266 : i32
          %add3A_268 = arith.constant 0 : i32
          %add3A_269 = arith.addi %add3A_268, %mul3A_267 : i32
          %get3A = arith.index_cast %add3A_269 : i32 to index
          %get3A_270 = arith.constant 0 : index
          %get3A_271 = tpu.vector_load %arg22[%get3A, %get3A_270] {strides = array<i32>} : memref<40x128xf32, #tpu.memory_space<vmem>>, vector<1x16xf32>,
          %get3A_272 = vector.shape_cast %get3A_271 : vector<1x16xf32> to vector<16xf32>
          %get3A_273 = arith.index_cast %add3A_269 : i32 to index
          %get3A_274 = arith.constant 0 : index
          %get3A_275 = tpu.vector_load %arg26[%get3A_273, %get3A_274] {strides = array<i32>} : memref<40x128xf32, #tpu.memory_space<vmem>>, vector<1x16xf32>,
          %get3A_276 = vector.shape_cast %get3A_275 : vector<1x16xf32> to vector<16xf32>
          %add3A_277 = arith.addf %get3A_272, %get3A_276 : vector<16xf32>
          %max3A = arith.constant 0.000000e+00 : f32
          %max3A_278 = vector.broadcast %max3A : f32 to vector<16xf32>
          %max3A_279 = arith.maximumf %add3A_277, %max3A_278 : vector<16xf32>
          %swap3A = arith.index_cast %add3A_269 : i32 to index
          %swap3A_280 = arith.constant 0 : index
          %swap3A_281 = tpu.vector_load %arg22[%swap3A, %swap3A_280] {strides = array<i32>} : memref<40x128xf32, #tpu.memory_space<vmem>>, vector<1x16xf32>,
          %swap3A_282 = vector.shape_cast %swap3A_281 : vector<1x16xf32> to vector<16xf32>
          %swap3A_283 = vector.shape_cast %max3A_279 : vector<16xf32> to vector<1x16xf32>
          tpu.vector_store %arg22[%swap3A, %swap3A_280], %swap3A_283 {strides = array<i32>} : memref<40x128xf32, #tpu.memory_space<vmem>>, vector<1x16xf32>,
          %get3A_284 = arith.index_cast %add3A_269 : i32 to index
          %get3A_285 = arith.constant 16 : index
          %get3A_286 = tpu.vector_load %arg22[%get3A_284, %get3A_285] {strides = array<i32>} : memref<40x128xf32, #tpu.memory_space<vmem>>, vector<1x16xf32>,
          %get3A_287 = vector.shape_cast %get3A_286 : vector<1x16xf32> to vector<16xf32>
          %get3A_288 = arith.index_cast %add3A_269 : i32 to index
          %get3A_289 = arith.constant 16 : index
          %get3A_290 = tpu.vector_load %arg26[%get3A_288, %get3A_289] {strides = array<i32>} : memref<40x128xf32, #tpu.memory_space<vmem>>, vector<1x16xf32>,
          %get3A_291 = vector.shape_cast %get3A_290 : vector<1x16xf32> to vector<16xf32>
          %add3A_292 = arith.addf %get3A_287, %get3A_291 : vector<16xf32>
          %max3A_293 = arith.constant 0.000000e+00 : f32
          %max3A_294 = vector.broadcast %max3A_293 : f32 to vector<16xf32>
          %max3A_295 = arith.maximumf %add3A_292, %max3A_294 : vector<16xf32>
          %swap3A_296 = arith.index_cast %add3A_269 : i32 to index
          %swap3A_297 = arith.constant 16 : index
          %swap3A_298 = tpu.vector_load %arg22[%swap3A_296, %swap3A_297] {strides = array<i32>} : memref<40x128xf32, #tpu.memory_space<vmem>>, vector<1x16xf32>,
          %swap3A_299 = vector.shape_cast %swap3A_298 : vector<1x16xf32> to vector<16xf32>
          %swap3A_300 = vector.shape_cast %max3A_295 : vector<16xf32> to vector<1x16xf32>
          tpu.vector_store %arg22[%swap3A_296, %swap3A_297], %swap3A_300 {strides = array<i32>} : memref<40x128xf32, #tpu.memory_space<vmem>>, vector<1x16xf32>,
          %get3A_301 = arith.index_cast %add3A_269 : i32 to index
          %get3A_302 = arith.constant 32 : index
          %get3A_303 = tpu.vector_load %arg22[%get3A_301, %get3A_302] {strides = array<i32>} : memref<40x128xf32, #tpu.memory_space<vmem>>, vector<1x16xf32>,
          %get3A_304 = vector.shape_cast %get3A_303 : vector<1x16xf32> to vector<16xf32>
          %get3A_305 = arith.index_cast %add3A_269 : i32 to index
          %get3A_306 = arith.constant 32 : index
          %get3A_307 = tpu.vector_load %arg26[%get3A_305, %get3A_306] {strides = array<i32>} : memref<40x128xf32, #tpu.memory_space<vmem>>, vector<1x16xf32>,
          %get3A_308 = vector.shape_cast %get3A_307 : vector<1x16xf32> to vector<16xf32>
          %add3A_309 = arith.addf %get3A_304, %get3A_308 : vector<16xf32>
          %max3A_310 = arith.constant 0.000000e+00 : f32
          %max3A_311 = vector.broadcast %max3A_310 : f32 to vector<16xf32>
          %max3A_312 = arith.maximumf %add3A_309, %max3A_311 : vector<16xf32>
          %swap3A_313 = arith.index_cast %add3A_269 : i32 to index
          %swap3A_314 = arith.constant 32 : index
          %swap3A_315 = tpu.vector_load %arg22[%swap3A_313, %swap3A_314] {strides = array<i32>} : memref<40x128xf32, #tpu.memory_space<vmem>>, vector<1x16xf32>,
          %swap3A_316 = vector.shape_cast %swap3A_315 : vector<1x16xf32> to vector<16xf32>
          %swap3A_317 = vector.shape_cast %max3A_312 : vector<16xf32> to vector<1x16xf32>
          tpu.vector_store %arg22[%swap3A_313, %swap3A_314], %swap3A_317 {strides = array<i32>} : memref<40x128xf32, #tpu.memory_space<vmem>>, vector<1x16xf32>,
          %get3A_318 = arith.index_cast %add3A_269 : i32 to index
          %get3A_319 = arith.constant 48 : index
          %get3A_320 = tpu.vector_load %arg22[%get3A_318, %get3A_319] {strides = array<i32>} : memref<40x128xf32, #tpu.memory_space<vmem>>, vector<1x16xf32>,
          %get3A_321 = vector.shape_cast %get3A_320 : vector<1x16xf32> to vector<16xf32>
          %get3A_322 = arith.index_cast %add3A_269 : i32 to index
          %get3A_323 = arith.constant 48 : index
          %get3A_324 = tpu.vector_load %arg26[%get3A_322, %get3A_323] {strides = array<i32>} : memref<40x128xf32, #tpu.memory_space<vmem>>, vector<1x16xf32>,
          %get3A_325 = vector.shape_cast %get3A_324 : vector<1x16xf32> to vector<16xf32>
          %add3A_326 = arith.addf %get3A_321, %get3A_325 : vector<16xf32>
          %max3A_327 = arith.constant 0.000000e+00 : f32
          %max3A_328 = vector.broadcast %max3A_327 : f32 to vector<16xf32>
          %max3A_329 = arith.maximumf %add3A_326, %max3A_328 : vector<16xf32>
          %swap3A_330 = arith.index_cast %add3A_269 : i32 to index
          %swap3A_331 = arith.constant 48 : index
          %swap3A_332 = tpu.vector_load %arg22[%swap3A_330, %swap3A_331] {strides = array<i32>} : memref<40x128xf32, #tpu.memory_space<vmem>>, vector<1x16xf32>,
          %swap3A_333 = vector.shape_cast %swap3A_332 : vector<1x16xf32> to vector<16xf32>
          %swap3A_334 = vector.shape_cast %max3A_329 : vector<16xf32> to vector<1x16xf32>
          tpu.vector_store %arg22[%swap3A_330, %swap3A_331], %swap3A_334 {strides = array<i32>} : memref<40x128xf32, #tpu.memory_space<vmem>>, vector<1x16xf32>,
          %get3A_335 = arith.index_cast %add3A_269 : i32 to index
          %get3A_336 = arith.constant 64 : index
          %get3A_337 = tpu.vector_load %arg22[%get3A_335, %get3A_336] {strides = array<i32>} : memref<40x128xf32, #tpu.memory_space<vmem>>, vector<1x16xf32>,
          %get3A_338 = vector.shape_cast %get3A_337 : vector<1x16xf32> to vector<16xf32>
          %get3A_339 = arith.index_cast %add3A_269 : i32 to index
          %get3A_340 = arith.constant 64 : index
          %get3A_341 = tpu.vector_load %arg26[%get3A_339, %get3A_340] {strides = array<i32>} : memref<40x128xf32, #tpu.memory_space<vmem>>, vector<1x16xf32>,
          %get3A_342 = vector.shape_cast %get3A_341 : vector<1x16xf32> to vector<16xf32>
          %add3A_343 = arith.addf %get3A_338, %get3A_342 : vector<16xf32>
          %max3A_344 = arith.constant 0.000000e+00 : f32
          %max3A_345 = vector.broadcast %max3A_344 : f32 to vector<16xf32>
          %max3A_346 = arith.maximumf %add3A_343, %max3A_345 : vector<16xf32>
          %swap3A_347 = arith.index_cast %add3A_269 : i32 to index
          %swap3A_348 = arith.constant 64 : index
          %swap3A_349 = tpu.vector_load %arg22[%swap3A_347, %swap3A_348] {strides = array<i32>} : memref<40x128xf32, #tpu.memory_space<vmem>>, vector<1x16xf32>,
          %swap3A_350 = vector.shape_cast %swap3A_349 : vector<1x16xf32> to vector<16xf32>
          %swap3A_351 = vector.shape_cast %max3A_346 : vector<16xf32> to vector<1x16xf32>
          tpu.vector_store %arg22[%swap3A_347, %swap3A_348], %swap3A_351 {strides = array<i32>} : memref<40x128xf32, #tpu.memory_space<vmem>>, vector<1x16xf32>,
          %get3A_352 = arith.index_cast %add3A_269 : i32 to index
          %get3A_353 = arith.constant 80 : index
          %get3A_354 = tpu.vector_load %arg22[%get3A_352, %get3A_353] {strides = array<i32>} : memref<40x128xf32, #tpu.memory_space<vmem>>, vector<1x16xf32>,
          %get3A_355 = vector.shape_cast %get3A_354 : vector<1x16xf32> to vector<16xf32>
          %get3A_356 = arith.index_cast %add3A_269 : i32 to index
          %get3A_357 = arith.constant 80 : index
          %get3A_358 = tpu.vector_load %arg26[%get3A_356, %get3A_357] {strides = array<i32>} : memref<40x128xf32, #tpu.memory_space<vmem>>, vector<1x16xf32>,
          %get3A_359 = vector.shape_cast %get3A_358 : vector<1x16xf32> to vector<16xf32>
          %add3A_360 = arith.addf %get3A_355, %get3A_359 : vector<16xf32>
          %max3A_361 = arith.constant 0.000000e+00 : f32
          %max3A_362 = vector.broadcast %max3A_361 : f32 to vector<16xf32>
          %max3A_363 = arith.maximumf %add3A_360, %max3A_362 : vector<16xf32>
          %swap3A_364 = arith.index_cast %add3A_269 : i32 to index
          %swap3A_365 = arith.constant 80 : index
          %swap3A_366 = tpu.vector_load %arg22[%swap3A_364, %swap3A_365] {strides = array<i32>} : memref<40x128xf32, #tpu.memory_space<vmem>>, vector<1x16xf32>,
          %swap3A_367 = vector.shape_cast %swap3A_366 : vector<1x16xf32> to vector<16xf32>
          %swap3A_368 = vector.shape_cast %max3A_363 : vector<16xf32> to vector<1x16xf32>
          tpu.vector_store %arg22[%swap3A_364, %swap3A_365], %swap3A_368 {strides = array<i32>} : memref<40x128xf32, #tpu.memory_space<vmem>>, vector<1x16xf32>,
          %get3A_369 = arith.index_cast %add3A_269 : i32 to index
          %get3A_370 = arith.constant 96 : index
          %get3A_371 = tpu.vector_load %arg22[%get3A_369, %get3A_370] {strides = array<i32>} : memref<40x128xf32, #tpu.memory_space<vmem>>, vector<1x16xf32>,
          %get3A_372 = vector.shape_cast %get3A_371 : vector<1x16xf32> to vector<16xf32>
          %get3A_373 = arith.index_cast %add3A_269 : i32 to index
          %get3A_374 = arith.constant 96 : index
          %get3A_375 = tpu.vector_load %arg26[%get3A_373, %get3A_374] {strides = array<i32>} : memref<40x128xf32, #tpu.memory_space<vmem>>, vector<1x16xf32>,
          %get3A_376 = vector.shape_cast %get3A_375 : vector<1x16xf32> to vector<16xf32>
          %add3A_377 = arith.addf %get3A_372, %get3A_376 : vector<16xf32>
          %max3A_378 = arith.constant 0.000000e+00 : f32
          %max3A_379 = vector.broadcast %max3A_378 : f32 to vector<16xf32>
          %max3A_380 = arith.maximumf %add3A_377, %max3A_379 : vector<16xf32>
          %swap3A_381 = arith.index_cast %add3A_269 : i32 to index
          %swap3A_382 = arith.constant 96 : index
          %swap3A_383 = tpu.vector_load %arg22[%swap3A_381, %swap3A_382] {strides = array<i32>} : memref<40x128xf32, #tpu.memory_space<vmem>>, vector<1x16xf32>,
          %swap3A_384 = vector.shape_cast %swap3A_383 : vector<1x16xf32> to vector<16xf32>
          %swap3A_385 = vector.shape_cast %max3A_380 : vector<16xf32> to vector<1x16xf32>
          tpu.vector_store %arg22[%swap3A_381, %swap3A_382], %swap3A_385 {strides = array<i32>} : memref<40x128xf32, #tpu.memory_space<vmem>>, vector<1x16xf32>,
          %get3A_386 = arith.index_cast %add3A_269 : i32 to index
          %get3A_387 = arith.constant 112 : index
          %get3A_388 = tpu.vector_load %arg22[%get3A_386, %get3A_387] {strides = array<i32>} : memref<40x128xf32, #tpu.memory_space<vmem>>, vector<1x16xf32>,
          %get3A_389 = vector.shape_cast %get3A_388 : vector<1x16xf32> to vector<16xf32>
          %get3A_390 = arith.index_cast %add3A_269 : i32 to index
          %get3A_391 = arith.constant 112 : index
          %get3A_392 = tpu.vector_load %arg26[%get3A_390, %get3A_391] {strides = array<i32>} : memref<40x128xf32, #tpu.memory_space<vmem>>, vector<1x16xf32>,
          %get3A_393 = vector.shape_cast %get3A_392 : vector<1x16xf32> to vector<16xf32>
          %add3A_394 = arith.addf %get3A_389, %get3A_393 : vector<16xf32>
          %max3A_395 = arith.constant 0.000000e+00 : f32
          %max3A_396 = vector.broadcast %max3A_395 : f32 to vector<16xf32>
          %max3A_397 = arith.maximumf %add3A_394, %max3A_396 : vector<16xf32>
          %swap3A_398 = arith.index_cast %add3A_269 : i32 to index
          %swap3A_399 = arith.constant 112 : index
          %swap3A_400 = tpu.vector_load %arg22[%swap3A_398, %swap3A_399] {strides = array<i32>} : memref<40x128xf32, #tpu.memory_space<vmem>>, vector<1x16xf32>,
          %swap3A_401 = vector.shape_cast %swap3A_400 : vector<1x16xf32> to vector<16xf32>
          %swap3A_402 = vector.shape_cast %max3A_397 : vector<16xf32> to vector<1x16xf32>
          tpu.vector_store %arg22[%swap3A_398, %swap3A_399], %swap3A_402 {strides = array<i32>} : memref<40x128xf32, #tpu.memory_space<vmem>>, vector<1x16xf32>,
        }
        %scan3A_256 = arith.constant 40 : i32
        %mul3A_257 = arith.constant 40 : i32
        %mul3A_258 = arith.muli %add3A_181, %mul3A_257 : i32
        %add3A_259 = arith.addi %mul3A_2, %mul3A_258 : i32
        %dma_wait3A_260 = tpu.memref_slice %arg6[%add3A_259] : memref<320000xi32, #tpu.memory_space<hbm>> -> memref<40xi32, #tpu.memory_space<hbm>>
        %dma_wait3A_261 = tpu.memref_slice %arg6[%add3A_259] : memref<320000xi32, #tpu.memory_space<hbm>> -> memref<40xi32, #tpu.memory_space<hbm>>
        tpu.wait_dma2 semaphore(%arg36 : memref<!tpu.dma_semaphore, #tpu.memory_space<semaphore_mem>>) src(%dma_wait3A_261 : memref<40xi32, #tpu.memory_space<hbm>>) dst(%arg18 : memref<40xi32, #tpu.memory_space<vmem>>)
        %dma_start3A_262 = arith.constant 0 : i32
        %dma_start3A_263 = arith.constant 0 : i32
        %dma_start3A_264 = tpu.memref_slice %arg29[%dma_start3A_262, %dma_start3A_263] : memref<10000x128xf32, #tpu.memory_space<vmem_shared>> -> memref<10000x128xf32, #tpu.memory_space<vmem_shared>>
        tpu.enqueue_indirect_dma source(%arg22 : memref<40x128xf32, #tpu.memory_space<vmem>>) target(%dma_start3A_264 : memref<10000x128xf32, #tpu.memory_space<vmem_shared>>) offsets(%arg18 : memref<40xi32, #tpu.memory_space<vmem>>) semaphore(%arg48 : memref<!tpu.dma_semaphore, #tpu.memory_space<semaphore_mem>>) {add = true}
      } else {
      }
      %add3A_213 = arith.constant 3 : i32
      %add3A_214 = arith.addi %add3A_117, %add3A_213 : i32
      %ge3A_215 = arith.constant 2 : i32
      %ge3A_216 = arith.cmpi sge, %add3A_214, %ge3A_215 : i32
      %convert_element_type3A_217 = arith.extui %ge3A_216 : i1 to i32
      %cond3A_218 = arith.constant 0 : i32
      %cond3A_219 = arith.cmpi ne, %convert_element_type3A_217, %cond3A_218 : i32
      scf.if %cond3A_219 {
        %dma_wait3A_246 = arith.constant 0 : i32
        %dma_wait3A_247 = arith.constant 0 : i32
        %dma_wait3A_248 = tpu.memref_slice %arg29[%dma_wait3A_246, %dma_wait3A_247] : memref<10000x128xf32, #tpu.memory_space<vmem_shared>> -> memref<10000x128xf32, #tpu.memory_space<vmem_shared>>
        tpu.wait_indirect_dma semaphore(%arg47 : memref<!tpu.dma_semaphore, #tpu.memory_space<semaphore_mem>>) src(%arg21 : memref<40x128xf32, #tpu.memory_space<vmem>>) dst(%dma_wait3A_248 : memref<10000x128xf32, #tpu.memory_space<vmem_shared>>)
      } else {
      }
      %add3A_220 = arith.constant 2 : i32
      %add3A_221 = arith.addi %add3A_214, %add3A_220 : i32
      %lt3A_222 = arith.constant 250 : i32
      %lt3A_223 = arith.cmpi slt, %add3A_221, %lt3A_222 : i32
      %convert_element_type3A_224 = arith.extui %lt3A_223 : i1 to i32
      %cond3A_225 = arith.constant 0 : i32
      %cond3A_226 = arith.cmpi ne, %convert_element_type3A_224, %cond3A_225 : i32
      scf.if %cond3A_226 {
        %add3A_246 = arith.constant 2 : i32
        %add3A_247 = arith.addi %add3A_214, %add3A_246 : i32
        %mul3A_248 = arith.constant 40 : i32
        %mul3A_249 = arith.muli %add3A_247, %mul3A_248 : i32
        %add3A_250 = arith.addi %mul3A_2, %mul3A_249 : i32
        %dma_start3A_251 = tpu.memref_slice %arg6[%add3A_250] : memref<320000xi32, #tpu.memory_space<hbm>> -> memref<40xi32, #tpu.memory_space<hbm>>
        %dma_start3A_252 = tpu.memref_slice %arg6[%add3A_250] : memref<320000xi32, #tpu.memory_space<hbm>> -> memref<40xi32, #tpu.memory_space<hbm>>
        tpu.enqueue_dma source(%dma_start3A_252 : memref<40xi32, #tpu.memory_space<hbm>>) target(%arg17 : memref<40xi32, #tpu.memory_space<vmem>>) target_semaphore(%arg35 : memref<!tpu.dma_semaphore, #tpu.memory_space<semaphore_mem>>)
      } else {
      }
      %add3A_227 = arith.constant 3 : i32
      %add3A_228 = arith.addi %add3A_214, %add3A_227 : i32
      %lt3A_229 = arith.constant 250 : i32
      %lt3A_230 = arith.cmpi slt, %add3A_228, %lt3A_229 : i32
      %convert_element_type3A_231 = arith.extui %lt3A_230 : i1 to i32
      %cond3A_232 = arith.constant 0 : i32
      %cond3A_233 = arith.cmpi ne, %convert_element_type3A_231, %cond3A_232 : i32
      scf.if %cond3A_233 {
        %add3A_246 = arith.constant 3 : i32
        %add3A_247 = arith.addi %add3A_214, %add3A_246 : i32
        %mul3A_248 = arith.constant 40 : i32
        %mul3A_249 = arith.muli %add3A_247, %mul3A_248 : i32
        %add3A_250 = arith.addi %mul3A_2, %mul3A_249 : i32
        %dma_start3A_251 = tpu.memref_slice %arg4[%add3A_250] : memref<320000xi32, #tpu.memory_space<hbm>> -> memref<40xi32, #tpu.memory_space<hbm>>
        %dma_start3A_252 = tpu.memref_slice %arg4[%add3A_250] : memref<320000xi32, #tpu.memory_space<hbm>> -> memref<40xi32, #tpu.memory_space<hbm>>
        tpu.enqueue_dma source(%dma_start3A_252 : memref<40xi32, #tpu.memory_space<hbm>>) target(%arg10 : memref<40xi32, #tpu.memory_space<vmem>>) target_semaphore(%arg32 : memref<!tpu.dma_semaphore, #tpu.memory_space<semaphore_mem>>)
        %dma_start3A_253 = tpu.memref_slice %arg5[%add3A_250] : memref<320000xi32, #tpu.memory_space<hbm>> -> memref<40xi32, #tpu.memory_space<hbm>>
        %dma_start3A_254 = tpu.memref_slice %arg5[%add3A_250] : memref<320000xi32, #tpu.memory_space<hbm>> -> memref<40xi32, #tpu.memory_space<hbm>>
        tpu.enqueue_dma source(%dma_start3A_254 : memref<40xi32, #tpu.memory_space<hbm>>) target(%arg14 : memref<40xi32, #tpu.memory_space<vmem>>) target_semaphore(%arg32 : memref<!tpu.dma_semaphore, #tpu.memory_space<semaphore_mem>>)
      } else {
      }
      %add3A_234 = arith.constant 2 : i32
      %add3A_235 = arith.addi %add3A_214, %add3A_234 : i32
      %lt3A_236 = arith.constant 250 : i32
      %lt3A_237 = arith.cmpi slt, %add3A_235, %lt3A_236 : i32
      %convert_element_type3A_238 = arith.extui %lt3A_237 : i1 to i32
      %cond3A_239 = arith.constant 0 : i32
      %cond3A_240 = arith.cmpi ne, %convert_element_type3A_238, %cond3A_239 : i32
      scf.if %cond3A_240 {
        %add3A_246 = arith.constant 2 : i32
        %add3A_247 = arith.addi %add3A_214, %add3A_246 : i32
        %mul3A_248 = arith.constant 40 : i32
        %mul3A_249 = arith.muli %add3A_247, %mul3A_248 : i32
        %add3A_250 = arith.addi %mul3A_2, %mul3A_249 : i32
        %dma_wait3A_251 = tpu.memref_slice %arg4[%add3A_250] : memref<320000xi32, #tpu.memory_space<hbm>> -> memref<40xi32, #tpu.memory_space<hbm>>
        %dma_wait3A_252 = tpu.memref_slice %arg4[%add3A_250] : memref<320000xi32, #tpu.memory_space<hbm>> -> memref<40xi32, #tpu.memory_space<hbm>>
        tpu.wait_dma2 semaphore(%arg31 : memref<!tpu.dma_semaphore, #tpu.memory_space<semaphore_mem>>) src(%dma_wait3A_252 : memref<40xi32, #tpu.memory_space<hbm>>) dst(%arg9 : memref<40xi32, #tpu.memory_space<vmem>>)
        %dma_wait3A_253 = tpu.memref_slice %arg5[%add3A_250] : memref<320000xi32, #tpu.memory_space<hbm>> -> memref<40xi32, #tpu.memory_space<hbm>>
        %dma_wait3A_254 = tpu.memref_slice %arg5[%add3A_250] : memref<320000xi32, #tpu.memory_space<hbm>> -> memref<40xi32, #tpu.memory_space<hbm>>
        tpu.wait_dma2 semaphore(%arg31 : memref<!tpu.dma_semaphore, #tpu.memory_space<semaphore_mem>>) src(%dma_wait3A_254 : memref<40xi32, #tpu.memory_space<hbm>>) dst(%arg13 : memref<40xi32, #tpu.memory_space<vmem>>)
        %dma_start3A_255 = arith.constant 0 : i32
        %dma_start3A_256 = arith.constant 0 : i32
        %dma_start3A_257 = tpu.memref_slice %arg2[%dma_start3A_255, %dma_start3A_256] : memref<10000x128xf32, #tpu.memory_space<hbm>> -> memref<10000x128xf32, #tpu.memory_space<hbm>>
        tpu.enqueue_indirect_dma source(%dma_start3A_257 : memref<10000x128xf32, #tpu.memory_space<hbm>>) target(%arg21 : memref<40x128xf32, #tpu.memory_space<vmem>>) offsets(%arg9 : memref<40xi32, #tpu.memory_space<vmem>>) semaphore(%arg39 : memref<!tpu.dma_semaphore, #tpu.memory_space<semaphore_mem>>)
        %dma_start3A_258 = arith.constant 0 : i32
        %dma_start3A_259 = arith.constant 0 : i32
        %dma_start3A_260 = tpu.memref_slice %arg3[%dma_start3A_258, %dma_start3A_259] : memref<4096x128xf32, #tpu.memory_space<hbm>> -> memref<4096x128xf32, #tpu.memory_space<hbm>>
        tpu.enqueue_indirect_dma source(%dma_start3A_260 : memref<4096x128xf32, #tpu.memory_space<hbm>>) target(%arg25 : memref<40x128xf32, #tpu.memory_space<vmem>>) offsets(%arg13 : memref<40xi32, #tpu.memory_space<vmem>>) semaphore(%arg43 : memref<!tpu.dma_semaphore, #tpu.memory_space<semaphore_mem>>)
      } else {
      }
      %lt3A_241 = arith.constant 250 : i32
      %lt3A_242 = arith.cmpi slt, %add3A_214, %lt3A_241 : i32
      %convert_element_type3A_243 = arith.extui %lt3A_242 : i1 to i32
      %cond3A_244 = arith.constant 0 : i32
      %cond3A_245 = arith.cmpi ne, %convert_element_type3A_243, %cond3A_244 : i32
      scf.if %cond3A_245 {
        %dma_wait3A_246 = arith.constant 0 : i32
        %dma_wait3A_247 = arith.constant 0 : i32
        %dma_wait3A_248 = tpu.memref_slice %arg2[%dma_wait3A_246, %dma_wait3A_247] : memref<10000x128xf32, #tpu.memory_space<hbm>> -> memref<10000x128xf32, #tpu.memory_space<hbm>>
        tpu.wait_indirect_dma semaphore(%arg41 : memref<!tpu.dma_semaphore, #tpu.memory_space<semaphore_mem>>) src(%dma_wait3A_248 : memref<10000x128xf32, #tpu.memory_space<hbm>>) dst(%arg23 : memref<40x128xf32, #tpu.memory_space<vmem>>)
        %dma_wait3A_249 = arith.constant 0 : i32
        %dma_wait3A_250 = arith.constant 0 : i32
        %dma_wait3A_251 = tpu.memref_slice %arg3[%dma_wait3A_249, %dma_wait3A_250] : memref<4096x128xf32, #tpu.memory_space<hbm>> -> memref<4096x128xf32, #tpu.memory_space<hbm>>
        tpu.wait_indirect_dma semaphore(%arg45 : memref<!tpu.dma_semaphore, #tpu.memory_space<semaphore_mem>>) src(%dma_wait3A_251 : memref<4096x128xf32, #tpu.memory_space<hbm>>) dst(%arg27 : memref<40x128xf32, #tpu.memory_space<vmem>>)
        %scan3A_252 = arith.constant 0 : i32
        %scan3A_253 = arith.constant 40 : i32
        %scan3A_254 = arith.addi %scan3A_252, %scan3A_253 : i32
        %scan3A_255 = arith.constant 1 : i32
        scf.for %scan3A_265 = %scan3A_252 to %scan3A_254 step %scan3A_255  : i32 {
          %mul3A_266 = arith.constant 1 : i32
          %mul3A_267 = arith.muli %scan3A_265, %mul3A_266 : i32
          %add3A_268 = arith.constant 0 : i32
          %add3A_269 = arith.addi %add3A_268, %mul3A_267 : i32
          %get3A = arith.index_cast %add3A_269 : i32 to index
          %get3A_270 = arith.constant 0 : index
          %get3A_271 = tpu.vector_load %arg23[%get3A, %get3A_270] {strides = array<i32>} : memref<40x128xf32, #tpu.memory_space<vmem>>, vector<1x16xf32>,
          %get3A_272 = vector.shape_cast %get3A_271 : vector<1x16xf32> to vector<16xf32>
          %get3A_273 = arith.index_cast %add3A_269 : i32 to index
          %get3A_274 = arith.constant 0 : index
          %get3A_275 = tpu.vector_load %arg27[%get3A_273, %get3A_274] {strides = array<i32>} : memref<40x128xf32, #tpu.memory_space<vmem>>, vector<1x16xf32>,
          %get3A_276 = vector.shape_cast %get3A_275 : vector<1x16xf32> to vector<16xf32>
          %add3A_277 = arith.addf %get3A_272, %get3A_276 : vector<16xf32>
          %max3A = arith.constant 0.000000e+00 : f32
          %max3A_278 = vector.broadcast %max3A : f32 to vector<16xf32>
          %max3A_279 = arith.maximumf %add3A_277, %max3A_278 : vector<16xf32>
          %swap3A = arith.index_cast %add3A_269 : i32 to index
          %swap3A_280 = arith.constant 0 : index
          %swap3A_281 = tpu.vector_load %arg23[%swap3A, %swap3A_280] {strides = array<i32>} : memref<40x128xf32, #tpu.memory_space<vmem>>, vector<1x16xf32>,
          %swap3A_282 = vector.shape_cast %swap3A_281 : vector<1x16xf32> to vector<16xf32>
          %swap3A_283 = vector.shape_cast %max3A_279 : vector<16xf32> to vector<1x16xf32>
          tpu.vector_store %arg23[%swap3A, %swap3A_280], %swap3A_283 {strides = array<i32>} : memref<40x128xf32, #tpu.memory_space<vmem>>, vector<1x16xf32>,
          %get3A_284 = arith.index_cast %add3A_269 : i32 to index
          %get3A_285 = arith.constant 16 : index
          %get3A_286 = tpu.vector_load %arg23[%get3A_284, %get3A_285] {strides = array<i32>} : memref<40x128xf32, #tpu.memory_space<vmem>>, vector<1x16xf32>,
          %get3A_287 = vector.shape_cast %get3A_286 : vector<1x16xf32> to vector<16xf32>
          %get3A_288 = arith.index_cast %add3A_269 : i32 to index
          %get3A_289 = arith.constant 16 : index
          %get3A_290 = tpu.vector_load %arg27[%get3A_288, %get3A_289] {strides = array<i32>} : memref<40x128xf32, #tpu.memory_space<vmem>>, vector<1x16xf32>,
          %get3A_291 = vector.shape_cast %get3A_290 : vector<1x16xf32> to vector<16xf32>
          %add3A_292 = arith.addf %get3A_287, %get3A_291 : vector<16xf32>
          %max3A_293 = arith.constant 0.000000e+00 : f32
          %max3A_294 = vector.broadcast %max3A_293 : f32 to vector<16xf32>
          %max3A_295 = arith.maximumf %add3A_292, %max3A_294 : vector<16xf32>
          %swap3A_296 = arith.index_cast %add3A_269 : i32 to index
          %swap3A_297 = arith.constant 16 : index
          %swap3A_298 = tpu.vector_load %arg23[%swap3A_296, %swap3A_297] {strides = array<i32>} : memref<40x128xf32, #tpu.memory_space<vmem>>, vector<1x16xf32>,
          %swap3A_299 = vector.shape_cast %swap3A_298 : vector<1x16xf32> to vector<16xf32>
          %swap3A_300 = vector.shape_cast %max3A_295 : vector<16xf32> to vector<1x16xf32>
          tpu.vector_store %arg23[%swap3A_296, %swap3A_297], %swap3A_300 {strides = array<i32>} : memref<40x128xf32, #tpu.memory_space<vmem>>, vector<1x16xf32>,
          %get3A_301 = arith.index_cast %add3A_269 : i32 to index
          %get3A_302 = arith.constant 32 : index
          %get3A_303 = tpu.vector_load %arg23[%get3A_301, %get3A_302] {strides = array<i32>} : memref<40x128xf32, #tpu.memory_space<vmem>>, vector<1x16xf32>,
          %get3A_304 = vector.shape_cast %get3A_303 : vector<1x16xf32> to vector<16xf32>
          %get3A_305 = arith.index_cast %add3A_269 : i32 to index
          %get3A_306 = arith.constant 32 : index
          %get3A_307 = tpu.vector_load %arg27[%get3A_305, %get3A_306] {strides = array<i32>} : memref<40x128xf32, #tpu.memory_space<vmem>>, vector<1x16xf32>,
          %get3A_308 = vector.shape_cast %get3A_307 : vector<1x16xf32> to vector<16xf32>
          %add3A_309 = arith.addf %get3A_304, %get3A_308 : vector<16xf32>
          %max3A_310 = arith.constant 0.000000e+00 : f32
          %max3A_311 = vector.broadcast %max3A_310 : f32 to vector<16xf32>
          %max3A_312 = arith.maximumf %add3A_309, %max3A_311 : vector<16xf32>
          %swap3A_313 = arith.index_cast %add3A_269 : i32 to index
          %swap3A_314 = arith.constant 32 : index
          %swap3A_315 = tpu.vector_load %arg23[%swap3A_313, %swap3A_314] {strides = array<i32>} : memref<40x128xf32, #tpu.memory_space<vmem>>, vector<1x16xf32>,
          %swap3A_316 = vector.shape_cast %swap3A_315 : vector<1x16xf32> to vector<16xf32>
          %swap3A_317 = vector.shape_cast %max3A_312 : vector<16xf32> to vector<1x16xf32>
          tpu.vector_store %arg23[%swap3A_313, %swap3A_314], %swap3A_317 {strides = array<i32>} : memref<40x128xf32, #tpu.memory_space<vmem>>, vector<1x16xf32>,
          %get3A_318 = arith.index_cast %add3A_269 : i32 to index
          %get3A_319 = arith.constant 48 : index
          %get3A_320 = tpu.vector_load %arg23[%get3A_318, %get3A_319] {strides = array<i32>} : memref<40x128xf32, #tpu.memory_space<vmem>>, vector<1x16xf32>,
          %get3A_321 = vector.shape_cast %get3A_320 : vector<1x16xf32> to vector<16xf32>
          %get3A_322 = arith.index_cast %add3A_269 : i32 to index
          %get3A_323 = arith.constant 48 : index
          %get3A_324 = tpu.vector_load %arg27[%get3A_322, %get3A_323] {strides = array<i32>} : memref<40x128xf32, #tpu.memory_space<vmem>>, vector<1x16xf32>,
          %get3A_325 = vector.shape_cast %get3A_324 : vector<1x16xf32> to vector<16xf32>
          %add3A_326 = arith.addf %get3A_321, %get3A_325 : vector<16xf32>
          %max3A_327 = arith.constant 0.000000e+00 : f32
          %max3A_328 = vector.broadcast %max3A_327 : f32 to vector<16xf32>
          %max3A_329 = arith.maximumf %add3A_326, %max3A_328 : vector<16xf32>
          %swap3A_330 = arith.index_cast %add3A_269 : i32 to index
          %swap3A_331 = arith.constant 48 : index
          %swap3A_332 = tpu.vector_load %arg23[%swap3A_330, %swap3A_331] {strides = array<i32>} : memref<40x128xf32, #tpu.memory_space<vmem>>, vector<1x16xf32>,
          %swap3A_333 = vector.shape_cast %swap3A_332 : vector<1x16xf32> to vector<16xf32>
          %swap3A_334 = vector.shape_cast %max3A_329 : vector<16xf32> to vector<1x16xf32>
          tpu.vector_store %arg23[%swap3A_330, %swap3A_331], %swap3A_334 {strides = array<i32>} : memref<40x128xf32, #tpu.memory_space<vmem>>, vector<1x16xf32>,
          %get3A_335 = arith.index_cast %add3A_269 : i32 to index
          %get3A_336 = arith.constant 64 : index
          %get3A_337 = tpu.vector_load %arg23[%get3A_335, %get3A_336] {strides = array<i32>} : memref<40x128xf32, #tpu.memory_space<vmem>>, vector<1x16xf32>,
          %get3A_338 = vector.shape_cast %get3A_337 : vector<1x16xf32> to vector<16xf32>
          %get3A_339 = arith.index_cast %add3A_269 : i32 to index
          %get3A_340 = arith.constant 64 : index
          %get3A_341 = tpu.vector_load %arg27[%get3A_339, %get3A_340] {strides = array<i32>} : memref<40x128xf32, #tpu.memory_space<vmem>>, vector<1x16xf32>,
          %get3A_342 = vector.shape_cast %get3A_341 : vector<1x16xf32> to vector<16xf32>
          %add3A_343 = arith.addf %get3A_338, %get3A_342 : vector<16xf32>
          %max3A_344 = arith.constant 0.000000e+00 : f32
          %max3A_345 = vector.broadcast %max3A_344 : f32 to vector<16xf32>
          %max3A_346 = arith.maximumf %add3A_343, %max3A_345 : vector<16xf32>
          %swap3A_347 = arith.index_cast %add3A_269 : i32 to index
          %swap3A_348 = arith.constant 64 : index
          %swap3A_349 = tpu.vector_load %arg23[%swap3A_347, %swap3A_348] {strides = array<i32>} : memref<40x128xf32, #tpu.memory_space<vmem>>, vector<1x16xf32>,
          %swap3A_350 = vector.shape_cast %swap3A_349 : vector<1x16xf32> to vector<16xf32>
          %swap3A_351 = vector.shape_cast %max3A_346 : vector<16xf32> to vector<1x16xf32>
          tpu.vector_store %arg23[%swap3A_347, %swap3A_348], %swap3A_351 {strides = array<i32>} : memref<40x128xf32, #tpu.memory_space<vmem>>, vector<1x16xf32>,
          %get3A_352 = arith.index_cast %add3A_269 : i32 to index
          %get3A_353 = arith.constant 80 : index
          %get3A_354 = tpu.vector_load %arg23[%get3A_352, %get3A_353] {strides = array<i32>} : memref<40x128xf32, #tpu.memory_space<vmem>>, vector<1x16xf32>,
          %get3A_355 = vector.shape_cast %get3A_354 : vector<1x16xf32> to vector<16xf32>
          %get3A_356 = arith.index_cast %add3A_269 : i32 to index
          %get3A_357 = arith.constant 80 : index
          %get3A_358 = tpu.vector_load %arg27[%get3A_356, %get3A_357] {strides = array<i32>} : memref<40x128xf32, #tpu.memory_space<vmem>>, vector<1x16xf32>,
          %get3A_359 = vector.shape_cast %get3A_358 : vector<1x16xf32> to vector<16xf32>
          %add3A_360 = arith.addf %get3A_355, %get3A_359 : vector<16xf32>
          %max3A_361 = arith.constant 0.000000e+00 : f32
          %max3A_362 = vector.broadcast %max3A_361 : f32 to vector<16xf32>
          %max3A_363 = arith.maximumf %add3A_360, %max3A_362 : vector<16xf32>
          %swap3A_364 = arith.index_cast %add3A_269 : i32 to index
          %swap3A_365 = arith.constant 80 : index
          %swap3A_366 = tpu.vector_load %arg23[%swap3A_364, %swap3A_365] {strides = array<i32>} : memref<40x128xf32, #tpu.memory_space<vmem>>, vector<1x16xf32>,
          %swap3A_367 = vector.shape_cast %swap3A_366 : vector<1x16xf32> to vector<16xf32>
          %swap3A_368 = vector.shape_cast %max3A_363 : vector<16xf32> to vector<1x16xf32>
          tpu.vector_store %arg23[%swap3A_364, %swap3A_365], %swap3A_368 {strides = array<i32>} : memref<40x128xf32, #tpu.memory_space<vmem>>, vector<1x16xf32>,
          %get3A_369 = arith.index_cast %add3A_269 : i32 to index
          %get3A_370 = arith.constant 96 : index
          %get3A_371 = tpu.vector_load %arg23[%get3A_369, %get3A_370] {strides = array<i32>} : memref<40x128xf32, #tpu.memory_space<vmem>>, vector<1x16xf32>,
          %get3A_372 = vector.shape_cast %get3A_371 : vector<1x16xf32> to vector<16xf32>
          %get3A_373 = arith.index_cast %add3A_269 : i32 to index
          %get3A_374 = arith.constant 96 : index
          %get3A_375 = tpu.vector_load %arg27[%get3A_373, %get3A_374] {strides = array<i32>} : memref<40x128xf32, #tpu.memory_space<vmem>>, vector<1x16xf32>,
          %get3A_376 = vector.shape_cast %get3A_375 : vector<1x16xf32> to vector<16xf32>
          %add3A_377 = arith.addf %get3A_372, %get3A_376 : vector<16xf32>
          %max3A_378 = arith.constant 0.000000e+00 : f32
          %max3A_379 = vector.broadcast %max3A_378 : f32 to vector<16xf32>
          %max3A_380 = arith.maximumf %add3A_377, %max3A_379 : vector<16xf32>
          %swap3A_381 = arith.index_cast %add3A_269 : i32 to index
          %swap3A_382 = arith.constant 96 : index
          %swap3A_383 = tpu.vector_load %arg23[%swap3A_381, %swap3A_382] {strides = array<i32>} : memref<40x128xf32, #tpu.memory_space<vmem>>, vector<1x16xf32>,
          %swap3A_384 = vector.shape_cast %swap3A_383 : vector<1x16xf32> to vector<16xf32>
          %swap3A_385 = vector.shape_cast %max3A_380 : vector<16xf32> to vector<1x16xf32>
          tpu.vector_store %arg23[%swap3A_381, %swap3A_382], %swap3A_385 {strides = array<i32>} : memref<40x128xf32, #tpu.memory_space<vmem>>, vector<1x16xf32>,
          %get3A_386 = arith.index_cast %add3A_269 : i32 to index
          %get3A_387 = arith.constant 112 : index
          %get3A_388 = tpu.vector_load %arg23[%get3A_386, %get3A_387] {strides = array<i32>} : memref<40x128xf32, #tpu.memory_space<vmem>>, vector<1x16xf32>,
          %get3A_389 = vector.shape_cast %get3A_388 : vector<1x16xf32> to vector<16xf32>
          %get3A_390 = arith.index_cast %add3A_269 : i32 to index
          %get3A_391 = arith.constant 112 : index
          %get3A_392 = tpu.vector_load %arg27[%get3A_390, %get3A_391] {strides = array<i32>} : memref<40x128xf32, #tpu.memory_space<vmem>>, vector<1x16xf32>,
          %get3A_393 = vector.shape_cast %get3A_392 : vector<1x16xf32> to vector<16xf32>
          %add3A_394 = arith.addf %get3A_389, %get3A_393 : vector<16xf32>
          %max3A_395 = arith.constant 0.000000e+00 : f32
          %max3A_396 = vector.broadcast %max3A_395 : f32 to vector<16xf32>
          %max3A_397 = arith.maximumf %add3A_394, %max3A_396 : vector<16xf32>
          %swap3A_398 = arith.index_cast %add3A_269 : i32 to index
          %swap3A_399 = arith.constant 112 : index
          %swap3A_400 = tpu.vector_load %arg23[%swap3A_398, %swap3A_399] {strides = array<i32>} : memref<40x128xf32, #tpu.memory_space<vmem>>, vector<1x16xf32>,
          %swap3A_401 = vector.shape_cast %swap3A_400 : vector<1x16xf32> to vector<16xf32>
          %swap3A_402 = vector.shape_cast %max3A_397 : vector<16xf32> to vector<1x16xf32>
          tpu.vector_store %arg23[%swap3A_398, %swap3A_399], %swap3A_402 {strides = array<i32>} : memref<40x128xf32, #tpu.memory_space<vmem>>, vector<1x16xf32>,
        }
        %scan3A_256 = arith.constant 40 : i32
        %mul3A_257 = arith.constant 40 : i32
        %mul3A_258 = arith.muli %add3A_214, %mul3A_257 : i32
        %add3A_259 = arith.addi %mul3A_2, %mul3A_258 : i32
        %dma_wait3A_260 = tpu.memref_slice %arg6[%add3A_259] : memref<320000xi32, #tpu.memory_space<hbm>> -> memref<40xi32, #tpu.memory_space<hbm>>
        %dma_wait3A_261 = tpu.memref_slice %arg6[%add3A_259] : memref<320000xi32, #tpu.memory_space<hbm>> -> memref<40xi32, #tpu.memory_space<hbm>>
        tpu.wait_dma2 semaphore(%arg37 : memref<!tpu.dma_semaphore, #tpu.memory_space<semaphore_mem>>) src(%dma_wait3A_261 : memref<40xi32, #tpu.memory_space<hbm>>) dst(%arg19 : memref<40xi32, #tpu.memory_space<vmem>>)
        %dma_start3A_262 = arith.constant 0 : i32
        %dma_start3A_263 = arith.constant 0 : i32
        %dma_start3A_264 = tpu.memref_slice %arg29[%dma_start3A_262, %dma_start3A_263] : memref<10000x128xf32, #tpu.memory_space<vmem_shared>> -> memref<10000x128xf32, #tpu.memory_space<vmem_shared>>
        tpu.enqueue_indirect_dma source(%arg23 : memref<40x128xf32, #tpu.memory_space<vmem>>) target(%dma_start3A_264 : memref<10000x128xf32, #tpu.memory_space<vmem_shared>>) offsets(%arg19 : memref<40xi32, #tpu.memory_space<vmem>>) semaphore(%arg49 : memref<!tpu.dma_semaphore, #tpu.memory_space<semaphore_mem>>) {add = true}
      } else {
      }
    }
    %scan3A_75 = arith.constant 63 : i32
    %barrier3A_76 = arith.constant 0 : index
    tpu.barrier barrier_id(%barrier3A_76)
    %sub3A_77 = arith.constant 250 : i32
    %sub3A_78 = arith.subi %sub3A_77, %arg1 : i32
    %sub3A_79 = arith.constant 16 : i32
    %sub3A_80 = arith.constant 1 : i32
    %sub3A_81 = arith.subi %sub3A_79, %sub3A_80 : i32
    %add3A_82 = arith.addi %sub3A_78, %sub3A_81 : i32
    %div3A_83 = arith.constant 16 : i32
    %div3A_84 = arith.divsi %add3A_82, %div3A_83 : i32
    %while3A_85 = arith.constant 16 : i32
    %while3A_86 = arith.constant 0 : i32
    %while3A_87 = arith.subi %div3A_84, %while3A_86 : i32
    %while3A_88 = arith.addi %while3A_86, %while3A_87 : i32
    %while3A_89 = arith.constant 1 : i32
    %while3A_90 = arith.divsi %while3A_87, %while3A_89 : i32
    %while3A_91 = arith.muli %while3A_90, %while3A_89 : i32
    %while3A_92 = arith.addi %while3A_86, %while3A_91 : i32
    %while3A_93 = arith.constant 1 : i32
    scf.for %while3A_113 = %while3A_86 to %while3A_92 step %while3A_93  : i32 {
      %mul3A_114 = arith.muli %while3A_113, %while3A_85 : i32
      %add3A_115 = arith.addi %arg1, %mul3A_114 : i32
      %mul3A_116 = arith.constant 40 : i32
      %mul3A_117 = arith.muli %add3A_115, %mul3A_116 : i32
      %mul3A_118 = arith.constant 10000 : i32
      %mul3A_119 = arith.muli %arg0, %mul3A_118 : i32
      %mul3A_120 = arith.constant 40 : i32
      %mul3A_121 = arith.muli %add3A_115, %mul3A_120 : i32
      %add3A_122 = arith.addi %mul3A_119, %mul3A_121 : i32
      %dma_start3A_123 = arith.constant 0 : i32
      %dma_start3A_124 = tpu.memref_slice %arg7[%add3A_122, %dma_start3A_123] : memref<20000x128xf32, #tpu.memory_space<hbm>> -> memref<40x128xf32, #tpu.memory_space<hbm>>
      %dma_start3A_125 = arith.constant 0 : i32
      %dma_start3A_126 = tpu.memref_slice %arg29[%mul3A_117, %dma_start3A_125] : memref<10000x128xf32, #tpu.memory_space<vmem_shared>> -> memref<40x128xf32, #tpu.memory_space<vmem_shared>>
      tpu.enqueue_dma source(%dma_start3A_126 : memref<40x128xf32, #tpu.memory_space<vmem_shared>>) target(%dma_start3A_124 : memref<40x128xf32, #tpu.memory_space<hbm>>) target_semaphore(%arg34 : memref<!tpu.dma_semaphore, #tpu.memory_space<semaphore_mem>>)
    }
    %while3A_94 = arith.constant 1 : i32
    scf.for %while3A_113 = %while3A_92 to %while3A_88 step %while3A_94  : i32 {
      %mul3A_114 = arith.muli %while3A_113, %while3A_85 : i32
      %add3A_115 = arith.addi %arg1, %mul3A_114 : i32
      %mul3A_116 = arith.constant 40 : i32
      %mul3A_117 = arith.muli %add3A_115, %mul3A_116 : i32
      %mul3A_118 = arith.constant 10000 : i32
      %mul3A_119 = arith.muli %arg0, %mul3A_118 : i32
      %mul3A_120 = arith.constant 40 : i32
      %mul3A_121 = arith.muli %add3A_115, %mul3A_120 : i32
      %add3A_122 = arith.addi %mul3A_119, %mul3A_121 : i32
      %dma_start3A_123 = arith.constant 0 : i32
      %dma_start3A_124 = tpu.memref_slice %arg7[%add3A_122, %dma_start3A_123] : memref<20000x128xf32, #tpu.memory_space<hbm>> -> memref<40x128xf32, #tpu.memory_space<hbm>>
      %dma_start3A_125 = arith.constant 0 : i32
      %dma_start3A_126 = tpu.memref_slice %arg29[%mul3A_117, %dma_start3A_125] : memref<10000x128xf32, #tpu.memory_space<vmem_shared>> -> memref<40x128xf32, #tpu.memory_space<vmem_shared>>
      tpu.enqueue_dma source(%dma_start3A_126 : memref<40x128xf32, #tpu.memory_space<vmem_shared>>) target(%dma_start3A_124 : memref<40x128xf32, #tpu.memory_space<hbm>>) target_semaphore(%arg34 : memref<!tpu.dma_semaphore, #tpu.memory_space<semaphore_mem>>)
    }
    %sub3A_95 = arith.constant 250 : i32
    %sub3A_96 = arith.subi %sub3A_95, %arg1 : i32
    %sub3A_97 = arith.constant 16 : i32
    %sub3A_98 = arith.constant 1 : i32
    %sub3A_99 = arith.subi %sub3A_97, %sub3A_98 : i32
    %add3A_100 = arith.addi %sub3A_96, %sub3A_99 : i32
    %div3A_101 = arith.constant 16 : i32
    %div3A_102 = arith.divsi %add3A_100, %div3A_101 : i32
    %while3A_103 = arith.constant 16 : i32
    %while3A_104 = arith.constant 0 : i32
    %while3A_105 = arith.subi %div3A_102, %while3A_104 : i32
    %while3A_106 = arith.addi %while3A_104, %while3A_105 : i32
    %while3A_107 = arith.constant 1 : i32
    %while3A_108 = arith.divsi %while3A_105, %while3A_107 : i32
    %while3A_109 = arith.muli %while3A_108, %while3A_107 : i32
    %while3A_110 = arith.addi %while3A_104, %while3A_109 : i32
    %while3A_111 = arith.constant 1 : i32
    scf.for %while3A_113 = %while3A_104 to %while3A_110 step %while3A_111  : i32 {
      %mul3A_114 = arith.muli %while3A_113, %while3A_103 : i32
      %add3A_115 = arith.addi %arg1, %mul3A_114 : i32
      %mul3A_116 = arith.constant 40 : i32
      %mul3A_117 = arith.muli %add3A_115, %mul3A_116 : i32
      %mul3A_118 = arith.constant 10000 : i32
      %mul3A_119 = arith.muli %arg0, %mul3A_118 : i32
      %mul3A_120 = arith.constant 40 : i32
      %mul3A_121 = arith.muli %add3A_115, %mul3A_120 : i32
      %add3A_122 = arith.addi %mul3A_119, %mul3A_121 : i32
      %dma_wait3A_123 = arith.constant 0 : i32
      %dma_wait3A_124 = tpu.memref_slice %arg7[%add3A_122, %dma_wait3A_123] : memref<20000x128xf32, #tpu.memory_space<hbm>> -> memref<40x128xf32, #tpu.memory_space<hbm>>
      %dma_wait3A_125 = arith.constant 0 : i32
      %dma_wait3A_126 = tpu.memref_slice %arg29[%mul3A_117, %dma_wait3A_125] : memref<10000x128xf32, #tpu.memory_space<vmem_shared>> -> memref<40x128xf32, #tpu.memory_space<vmem_shared>>
      tpu.wait_dma2 semaphore(%arg34 : memref<!tpu.dma_semaphore, #tpu.memory_space<semaphore_mem>>) src(%dma_wait3A_126 : memref<40x128xf32, #tpu.memory_space<vmem_shared>>) dst(%dma_wait3A_124 : memref<40x128xf32, #tpu.memory_space<hbm>>)
    }
    %while3A_112 = arith.constant 1 : i32
    scf.for %while3A_113 = %while3A_110 to %while3A_106 step %while3A_112  : i32 {
      %mul3A_114 = arith.muli %while3A_113, %while3A_103 : i32
      %add3A_115 = arith.addi %arg1, %mul3A_114 : i32
      %mul3A_116 = arith.constant 40 : i32
      %mul3A_117 = arith.muli %add3A_115, %mul3A_116 : i32
      %mul3A_118 = arith.constant 10000 : i32
      %mul3A_119 = arith.muli %arg0, %mul3A_118 : i32
      %mul3A_120 = arith.constant 40 : i32
      %mul3A_121 = arith.muli %add3A_115, %mul3A_120 : i32
      %add3A_122 = arith.addi %mul3A_119, %mul3A_121 : i32
      %dma_wait3A_123 = arith.constant 0 : i32
      %dma_wait3A_124 = tpu.memref_slice %arg7[%add3A_122, %dma_wait3A_123] : memref<20000x128xf32, #tpu.memory_space<hbm>> -> memref<40x128xf32, #tpu.memory_space<hbm>>
      %dma_wait3A_125 = arith.constant 0 : i32
      %dma_wait3A_126 = tpu.memref_slice %arg29[%mul3A_117, %dma_wait3A_125] : memref<10000x128xf32, #tpu.memory_space<vmem_shared>> -> memref<40x128xf32, #tpu.memory_space<vmem_shared>>
      tpu.wait_dma2 semaphore(%arg34 : memref<!tpu.dma_semaphore, #tpu.memory_space<semaphore_mem>>) src(%dma_wait3A_126 : memref<40x128xf32, #tpu.memory_space<vmem_shared>>) dst(%dma_wait3A_124 : memref<40x128xf32, #tpu.memory_space<hbm>>)
    }
    return
  }
}

module attributes {stable_mosaic.version = 14 : i64} {
  func.func @_prelude_body(%arg0: i32, %arg1: memref<1000x9xi32, #tpu.memory_space<vmem>>, %arg2: memref<9x128x128xf32, #tpu.memory_space<vmem>>, %arg3: memref<3x16x128xf32, #tpu.memory_space<vmem>>, %arg4: memref<1000x128xf32, #tpu.memory_space<vmem>>, %arg5: memref<4096x128xf32, #tpu.memory_space<vmem>>) attributes {dimension_semantics = [#tpu.dimension_semantics<arbitrary>], iteration_bounds = array<i64: 10>, scalar_prefetch = 0 : i64, scratch_operands = 0 : i64, tpu.core_type = #tpu.core_type<tc>, window_params = [{transform_indices = @transform_0, window_bounds = array<i64: 1000, 9>}, {pipeline_mode = #tpu.pipeline_mode<synchronous>, transform_indices = @transform_1, window_bounds = array<i64: 9, 128, 128>}, {pipeline_mode = #tpu.pipeline_mode<synchronous>, transform_indices = @transform_2, window_bounds = array<i64: 3, 16, 128>}, {transform_indices = @transform_3, window_bounds = array<i64: 1000, 128>}, {pipeline_mode = #tpu.pipeline_mode<synchronous>, transform_indices = @transform_4, window_bounds = array<i64: 4096, 128>}]} {
    %get3A = arith.constant 0 : index
    %get3A_0 = arith.constant 0 : index
    %get3A_1 = vector.load %arg1[%get3A, %get3A_0] : memref<1000x9xi32, #tpu.memory_space<vmem>>, vector<1000x9xi32>
    %iota3A = tpu.iota {dimensions = array<i32: 1>} : vector<1000x128xi32>
    %broadcast_in_dim3A = arith.constant 0.000000e+00 : f32
    %broadcast_in_dim3A_2 = vector.broadcast %broadcast_in_dim3A : f32 to vector<1000x128xf32>
    %slice3A = vector.extract_strided_slice %get3A_1 {offsets = [0, 0], sizes = [1000, 1], strides = [1, 1]} : vector<1000x9xi32> to vector<1000x1xi32>
    %eq3A = vector.broadcast %slice3A : vector<1000x1xi32> to vector<1000x128xi32>
    %eq3A_3 = arith.cmpi eq, %iota3A, %eq3A : vector<1000x128xi32>
    %convert_element_type3A = arith.extui %eq3A_3 : vector<1000x128xi1> to vector<1000x128xi32>
    %convert_element_type3A_4 = arith.sitofp %convert_element_type3A : vector<1000x128xi32> to vector<1000x128xf32>
    %get3A_5 = arith.constant 0 : index
    %get3A_6 = arith.constant 0 : index
    %get3A_7 = arith.constant 0 : index
    %get3A_8 = vector.load %arg2[%get3A_5, %get3A_6, %get3A_7] : memref<9x128x128xf32, #tpu.memory_space<vmem>>, vector<1x128x128xf32>
    %get3A_9 = vector.shape_cast %get3A_8 : vector<1x128x128xf32> to vector<128x128xf32>
    %dot_general3A = arith.constant dense<0.000000e+00> : vector<1000x128xf32>
    %dot_general3A_10 = tpu.matmul %convert_element_type3A_4, %get3A_9, %dot_general3A {dimension_numbers = #tpu.dot_dimension_numbers<[1], [0], [0], [1], [0, 0, 1, 1], [], []>, transpose_lhs_hint = false} : vector<1000x128xf32>, vector<128x128xf32>, vector<1000x128xf32> -> vector<1000x128xf32>
    %add3A = arith.addf %broadcast_in_dim3A_2, %dot_general3A_10 : vector<1000x128xf32>
    %slice3A_11 = vector.extract_strided_slice %get3A_1 {offsets = [0, 1], sizes = [1000, 1], strides = [1, 1]} : vector<1000x9xi32> to vector<1000x1xi32>
    %eq3A_12 = vector.broadcast %slice3A_11 : vector<1000x1xi32> to vector<1000x128xi32>
    %eq3A_13 = arith.cmpi eq, %iota3A, %eq3A_12 : vector<1000x128xi32>
    %convert_element_type3A_14 = arith.extui %eq3A_13 : vector<1000x128xi1> to vector<1000x128xi32>
    %convert_element_type3A_15 = arith.sitofp %convert_element_type3A_14 : vector<1000x128xi32> to vector<1000x128xf32>
    %get3A_16 = arith.constant 1 : index
    %get3A_17 = arith.constant 0 : index
    %get3A_18 = arith.constant 0 : index
    %get3A_19 = vector.load %arg2[%get3A_16, %get3A_17, %get3A_18] : memref<9x128x128xf32, #tpu.memory_space<vmem>>, vector<1x128x128xf32>
    %get3A_20 = vector.shape_cast %get3A_19 : vector<1x128x128xf32> to vector<128x128xf32>
    %dot_general3A_21 = arith.constant dense<0.000000e+00> : vector<1000x128xf32>
    %dot_general3A_22 = tpu.matmul %convert_element_type3A_15, %get3A_20, %dot_general3A_21 {dimension_numbers = #tpu.dot_dimension_numbers<[1], [0], [0], [1], [0, 0, 1, 1], [], []>, transpose_lhs_hint = false} : vector<1000x128xf32>, vector<128x128xf32>, vector<1000x128xf32> -> vector<1000x128xf32>
    %add3A_23 = arith.addf %add3A, %dot_general3A_22 : vector<1000x128xf32>
    %slice3A_24 = vector.extract_strided_slice %get3A_1 {offsets = [0, 2], sizes = [1000, 1], strides = [1, 1]} : vector<1000x9xi32> to vector<1000x1xi32>
    %eq3A_25 = vector.broadcast %slice3A_24 : vector<1000x1xi32> to vector<1000x128xi32>
    %eq3A_26 = arith.cmpi eq, %iota3A, %eq3A_25 : vector<1000x128xi32>
    %convert_element_type3A_27 = arith.extui %eq3A_26 : vector<1000x128xi1> to vector<1000x128xi32>
    %convert_element_type3A_28 = arith.sitofp %convert_element_type3A_27 : vector<1000x128xi32> to vector<1000x128xf32>
    %get3A_29 = arith.constant 2 : index
    %get3A_30 = arith.constant 0 : index
    %get3A_31 = arith.constant 0 : index
    %get3A_32 = vector.load %arg2[%get3A_29, %get3A_30, %get3A_31] : memref<9x128x128xf32, #tpu.memory_space<vmem>>, vector<1x128x128xf32>
    %get3A_33 = vector.shape_cast %get3A_32 : vector<1x128x128xf32> to vector<128x128xf32>
    %dot_general3A_34 = arith.constant dense<0.000000e+00> : vector<1000x128xf32>
    %dot_general3A_35 = tpu.matmul %convert_element_type3A_28, %get3A_33, %dot_general3A_34 {dimension_numbers = #tpu.dot_dimension_numbers<[1], [0], [0], [1], [0, 0, 1, 1], [], []>, transpose_lhs_hint = false} : vector<1000x128xf32>, vector<128x128xf32>, vector<1000x128xf32> -> vector<1000x128xf32>
    %add3A_36 = arith.addf %add3A_23, %dot_general3A_35 : vector<1000x128xf32>
    %slice3A_37 = vector.extract_strided_slice %get3A_1 {offsets = [0, 3], sizes = [1000, 1], strides = [1, 1]} : vector<1000x9xi32> to vector<1000x1xi32>
    %eq3A_38 = vector.broadcast %slice3A_37 : vector<1000x1xi32> to vector<1000x128xi32>
    %eq3A_39 = arith.cmpi eq, %iota3A, %eq3A_38 : vector<1000x128xi32>
    %convert_element_type3A_40 = arith.extui %eq3A_39 : vector<1000x128xi1> to vector<1000x128xi32>
    %convert_element_type3A_41 = arith.sitofp %convert_element_type3A_40 : vector<1000x128xi32> to vector<1000x128xf32>
    %get3A_42 = arith.constant 3 : index
    %get3A_43 = arith.constant 0 : index
    %get3A_44 = arith.constant 0 : index
    %get3A_45 = vector.load %arg2[%get3A_42, %get3A_43, %get3A_44] : memref<9x128x128xf32, #tpu.memory_space<vmem>>, vector<1x128x128xf32>
    %get3A_46 = vector.shape_cast %get3A_45 : vector<1x128x128xf32> to vector<128x128xf32>
    %dot_general3A_47 = arith.constant dense<0.000000e+00> : vector<1000x128xf32>
    %dot_general3A_48 = tpu.matmul %convert_element_type3A_41, %get3A_46, %dot_general3A_47 {dimension_numbers = #tpu.dot_dimension_numbers<[1], [0], [0], [1], [0, 0, 1, 1], [], []>, transpose_lhs_hint = false} : vector<1000x128xf32>, vector<128x128xf32>, vector<1000x128xf32> -> vector<1000x128xf32>
    %add3A_49 = arith.addf %add3A_36, %dot_general3A_48 : vector<1000x128xf32>
    %slice3A_50 = vector.extract_strided_slice %get3A_1 {offsets = [0, 4], sizes = [1000, 1], strides = [1, 1]} : vector<1000x9xi32> to vector<1000x1xi32>
    %eq3A_51 = vector.broadcast %slice3A_50 : vector<1000x1xi32> to vector<1000x128xi32>
    %eq3A_52 = arith.cmpi eq, %iota3A, %eq3A_51 : vector<1000x128xi32>
    %convert_element_type3A_53 = arith.extui %eq3A_52 : vector<1000x128xi1> to vector<1000x128xi32>
    %convert_element_type3A_54 = arith.sitofp %convert_element_type3A_53 : vector<1000x128xi32> to vector<1000x128xf32>
    %get3A_55 = arith.constant 4 : index
    %get3A_56 = arith.constant 0 : index
    %get3A_57 = arith.constant 0 : index
    %get3A_58 = vector.load %arg2[%get3A_55, %get3A_56, %get3A_57] : memref<9x128x128xf32, #tpu.memory_space<vmem>>, vector<1x128x128xf32>
    %get3A_59 = vector.shape_cast %get3A_58 : vector<1x128x128xf32> to vector<128x128xf32>
    %dot_general3A_60 = arith.constant dense<0.000000e+00> : vector<1000x128xf32>
    %dot_general3A_61 = tpu.matmul %convert_element_type3A_54, %get3A_59, %dot_general3A_60 {dimension_numbers = #tpu.dot_dimension_numbers<[1], [0], [0], [1], [0, 0, 1, 1], [], []>, transpose_lhs_hint = false} : vector<1000x128xf32>, vector<128x128xf32>, vector<1000x128xf32> -> vector<1000x128xf32>
    %add3A_62 = arith.addf %add3A_49, %dot_general3A_61 : vector<1000x128xf32>
    %slice3A_63 = vector.extract_strided_slice %get3A_1 {offsets = [0, 5], sizes = [1000, 1], strides = [1, 1]} : vector<1000x9xi32> to vector<1000x1xi32>
    %eq3A_64 = vector.broadcast %slice3A_63 : vector<1000x1xi32> to vector<1000x128xi32>
    %eq3A_65 = arith.cmpi eq, %iota3A, %eq3A_64 : vector<1000x128xi32>
    %convert_element_type3A_66 = arith.extui %eq3A_65 : vector<1000x128xi1> to vector<1000x128xi32>
    %convert_element_type3A_67 = arith.sitofp %convert_element_type3A_66 : vector<1000x128xi32> to vector<1000x128xf32>
    %get3A_68 = arith.constant 5 : index
    %get3A_69 = arith.constant 0 : index
    %get3A_70 = arith.constant 0 : index
    %get3A_71 = vector.load %arg2[%get3A_68, %get3A_69, %get3A_70] : memref<9x128x128xf32, #tpu.memory_space<vmem>>, vector<1x128x128xf32>
    %get3A_72 = vector.shape_cast %get3A_71 : vector<1x128x128xf32> to vector<128x128xf32>
    %dot_general3A_73 = arith.constant dense<0.000000e+00> : vector<1000x128xf32>
    %dot_general3A_74 = tpu.matmul %convert_element_type3A_67, %get3A_72, %dot_general3A_73 {dimension_numbers = #tpu.dot_dimension_numbers<[1], [0], [0], [1], [0, 0, 1, 1], [], []>, transpose_lhs_hint = false} : vector<1000x128xf32>, vector<128x128xf32>, vector<1000x128xf32> -> vector<1000x128xf32>
    %add3A_75 = arith.addf %add3A_62, %dot_general3A_74 : vector<1000x128xf32>
    %slice3A_76 = vector.extract_strided_slice %get3A_1 {offsets = [0, 6], sizes = [1000, 1], strides = [1, 1]} : vector<1000x9xi32> to vector<1000x1xi32>
    %eq3A_77 = vector.broadcast %slice3A_76 : vector<1000x1xi32> to vector<1000x128xi32>
    %eq3A_78 = arith.cmpi eq, %iota3A, %eq3A_77 : vector<1000x128xi32>
    %convert_element_type3A_79 = arith.extui %eq3A_78 : vector<1000x128xi1> to vector<1000x128xi32>
    %convert_element_type3A_80 = arith.sitofp %convert_element_type3A_79 : vector<1000x128xi32> to vector<1000x128xf32>
    %get3A_81 = arith.constant 6 : index
    %get3A_82 = arith.constant 0 : index
    %get3A_83 = arith.constant 0 : index
    %get3A_84 = vector.load %arg2[%get3A_81, %get3A_82, %get3A_83] : memref<9x128x128xf32, #tpu.memory_space<vmem>>, vector<1x128x128xf32>
    %get3A_85 = vector.shape_cast %get3A_84 : vector<1x128x128xf32> to vector<128x128xf32>
    %dot_general3A_86 = arith.constant dense<0.000000e+00> : vector<1000x128xf32>
    %dot_general3A_87 = tpu.matmul %convert_element_type3A_80, %get3A_85, %dot_general3A_86 {dimension_numbers = #tpu.dot_dimension_numbers<[1], [0], [0], [1], [0, 0, 1, 1], [], []>, transpose_lhs_hint = false} : vector<1000x128xf32>, vector<128x128xf32>, vector<1000x128xf32> -> vector<1000x128xf32>
    %add3A_88 = arith.addf %add3A_75, %dot_general3A_87 : vector<1000x128xf32>
    %slice3A_89 = vector.extract_strided_slice %get3A_1 {offsets = [0, 7], sizes = [1000, 1], strides = [1, 1]} : vector<1000x9xi32> to vector<1000x1xi32>
    %eq3A_90 = vector.broadcast %slice3A_89 : vector<1000x1xi32> to vector<1000x128xi32>
    %eq3A_91 = arith.cmpi eq, %iota3A, %eq3A_90 : vector<1000x128xi32>
    %convert_element_type3A_92 = arith.extui %eq3A_91 : vector<1000x128xi1> to vector<1000x128xi32>
    %convert_element_type3A_93 = arith.sitofp %convert_element_type3A_92 : vector<1000x128xi32> to vector<1000x128xf32>
    %get3A_94 = arith.constant 7 : index
    %get3A_95 = arith.constant 0 : index
    %get3A_96 = arith.constant 0 : index
    %get3A_97 = vector.load %arg2[%get3A_94, %get3A_95, %get3A_96] : memref<9x128x128xf32, #tpu.memory_space<vmem>>, vector<1x128x128xf32>
    %get3A_98 = vector.shape_cast %get3A_97 : vector<1x128x128xf32> to vector<128x128xf32>
    %dot_general3A_99 = arith.constant dense<0.000000e+00> : vector<1000x128xf32>
    %dot_general3A_100 = tpu.matmul %convert_element_type3A_93, %get3A_98, %dot_general3A_99 {dimension_numbers = #tpu.dot_dimension_numbers<[1], [0], [0], [1], [0, 0, 1, 1], [], []>, transpose_lhs_hint = false} : vector<1000x128xf32>, vector<128x128xf32>, vector<1000x128xf32> -> vector<1000x128xf32>
    %add3A_101 = arith.addf %add3A_88, %dot_general3A_100 : vector<1000x128xf32>
    %slice3A_102 = vector.extract_strided_slice %get3A_1 {offsets = [0, 8], sizes = [1000, 1], strides = [1, 1]} : vector<1000x9xi32> to vector<1000x1xi32>
    %eq3A_103 = vector.broadcast %slice3A_102 : vector<1000x1xi32> to vector<1000x128xi32>
    %eq3A_104 = arith.cmpi eq, %iota3A, %eq3A_103 : vector<1000x128xi32>
    %convert_element_type3A_105 = arith.extui %eq3A_104 : vector<1000x128xi1> to vector<1000x128xi32>
    %convert_element_type3A_106 = arith.sitofp %convert_element_type3A_105 : vector<1000x128xi32> to vector<1000x128xf32>
    %get3A_107 = arith.constant 8 : index
    %get3A_108 = arith.constant 0 : index
    %get3A_109 = arith.constant 0 : index
    %get3A_110 = vector.load %arg2[%get3A_107, %get3A_108, %get3A_109] : memref<9x128x128xf32, #tpu.memory_space<vmem>>, vector<1x128x128xf32>
    %get3A_111 = vector.shape_cast %get3A_110 : vector<1x128x128xf32> to vector<128x128xf32>
    %dot_general3A_112 = arith.constant dense<0.000000e+00> : vector<1000x128xf32>
    %dot_general3A_113 = tpu.matmul %convert_element_type3A_106, %get3A_111, %dot_general3A_112 {dimension_numbers = #tpu.dot_dimension_numbers<[1], [0], [0], [1], [0, 0, 1, 1], [], []>, transpose_lhs_hint = false} : vector<1000x128xf32>, vector<128x128xf32>, vector<1000x128xf32> -> vector<1000x128xf32>
    %add3A_114 = arith.addf %add3A_101, %dot_general3A_113 : vector<1000x128xf32>
    %swap3A = arith.constant 0 : index
    %swap3A_115 = arith.constant 0 : index
    %swap3A_116 = vector.load %arg4[%swap3A, %swap3A_115] : memref<1000x128xf32, #tpu.memory_space<vmem>>, vector<1000x128xf32>
    tpu.vector_store %arg4[%swap3A, %swap3A_115], %add3A_114 {strides = array<i32>} : memref<1000x128xf32, #tpu.memory_space<vmem>>, vector<1000x128xf32>,
    %eq3A_117 = arith.constant 0 : i32
    %eq3A_118 = arith.cmpi eq, %arg0, %eq3A_117 : i32
    %convert_element_type3A_119 = arith.extui %eq3A_118 : i1 to i32
    %cond3A = arith.constant 0 : i32
    %cond3A_120 = arith.cmpi ne, %convert_element_type3A_119, %cond3A : i32
    scf.if %cond3A_120 {
      %iota3A_121 = tpu.iota {dimensions = array<i32: 0>} : vector<4096x16xi32>
      %iota3A_122 = tpu.iota {dimensions = array<i32: 1>} : vector<4096x16xi32>
      %shift_right_arithmetic3A = arith.constant 8 : i32
      %shift_right_arithmetic3A_123 = vector.broadcast %shift_right_arithmetic3A : i32 to vector<4096x16xi32>
      %shift_right_arithmetic3A_124 = arith.shrsi %iota3A_121, %shift_right_arithmetic3A_123 : vector<4096x16xi32>
      %eq3A_125 = arith.cmpi eq, %shift_right_arithmetic3A_124, %iota3A_122 : vector<4096x16xi32>
      %convert_element_type3A_126 = arith.extui %eq3A_125 : vector<4096x16xi1> to vector<4096x16xi32>
      %convert_element_type3A_127 = arith.sitofp %convert_element_type3A_126 : vector<4096x16xi32> to vector<4096x16xf32>
      %get3A_128 = arith.constant 0 : index
      %get3A_129 = arith.constant 0 : index
      %get3A_130 = arith.constant 0 : index
      %get3A_131 = vector.load %arg3[%get3A_128, %get3A_129, %get3A_130] : memref<3x16x128xf32, #tpu.memory_space<vmem>>, vector<1x16x128xf32>
      %get3A_132 = vector.shape_cast %get3A_131 : vector<1x16x128xf32> to vector<16x128xf32>
      %dot_general3A_133 = arith.constant dense<0.000000e+00> : vector<4096x128xf32>
      %dot_general3A_134 = tpu.matmul %convert_element_type3A_127, %get3A_132, %dot_general3A_133 {dimension_numbers = #tpu.dot_dimension_numbers<[1], [0], [0], [1], [0, 0, 1, 1], [], []>, transpose_lhs_hint = false} : vector<4096x16xf32>, vector<16x128xf32>, vector<4096x128xf32> -> vector<4096x128xf32>
      %shift_right_arithmetic3A_135 = arith.constant 4 : i32
      %shift_right_arithmetic3A_136 = vector.broadcast %shift_right_arithmetic3A_135 : i32 to vector<4096x16xi32>
      %shift_right_arithmetic3A_137 = arith.shrsi %iota3A_121, %shift_right_arithmetic3A_136 : vector<4096x16xi32>
      %and3A = arith.constant 15 : i32
      %and3A_138 = vector.broadcast %and3A : i32 to vector<4096x16xi32>
      %and3A_139 = arith.andi %shift_right_arithmetic3A_137, %and3A_138 : vector<4096x16xi32>
      %eq3A_140 = arith.cmpi eq, %and3A_139, %iota3A_122 : vector<4096x16xi32>
      %convert_element_type3A_141 = arith.extui %eq3A_140 : vector<4096x16xi1> to vector<4096x16xi32>
      %convert_element_type3A_142 = arith.sitofp %convert_element_type3A_141 : vector<4096x16xi32> to vector<4096x16xf32>
      %get3A_143 = arith.constant 1 : index
      %get3A_144 = arith.constant 0 : index
      %get3A_145 = arith.constant 0 : index
      %get3A_146 = vector.load %arg3[%get3A_143, %get3A_144, %get3A_145] : memref<3x16x128xf32, #tpu.memory_space<vmem>>, vector<1x16x128xf32>
      %get3A_147 = vector.shape_cast %get3A_146 : vector<1x16x128xf32> to vector<16x128xf32>
      %dot_general3A_148 = arith.constant dense<0.000000e+00> : vector<4096x128xf32>
      %dot_general3A_149 = tpu.matmul %convert_element_type3A_142, %get3A_147, %dot_general3A_148 {dimension_numbers = #tpu.dot_dimension_numbers<[1], [0], [0], [1], [0, 0, 1, 1], [], []>, transpose_lhs_hint = false} : vector<4096x16xf32>, vector<16x128xf32>, vector<4096x128xf32> -> vector<4096x128xf32>
      %add3A_150 = arith.addf %dot_general3A_134, %dot_general3A_149 : vector<4096x128xf32>
      %and3A_151 = arith.constant 15 : i32
      %and3A_152 = vector.broadcast %and3A_151 : i32 to vector<4096x16xi32>
      %and3A_153 = arith.andi %iota3A_121, %and3A_152 : vector<4096x16xi32>
      %eq3A_154 = arith.cmpi eq, %and3A_153, %iota3A_122 : vector<4096x16xi32>
      %convert_element_type3A_155 = arith.extui %eq3A_154 : vector<4096x16xi1> to vector<4096x16xi32>
      %convert_element_type3A_156 = arith.sitofp %convert_element_type3A_155 : vector<4096x16xi32> to vector<4096x16xf32>
      %get3A_157 = arith.constant 2 : index
      %get3A_158 = arith.constant 0 : index
      %get3A_159 = arith.constant 0 : index
      %get3A_160 = vector.load %arg3[%get3A_157, %get3A_158, %get3A_159] : memref<3x16x128xf32, #tpu.memory_space<vmem>>, vector<1x16x128xf32>
      %get3A_161 = vector.shape_cast %get3A_160 : vector<1x16x128xf32> to vector<16x128xf32>
      %dot_general3A_162 = arith.constant dense<0.000000e+00> : vector<4096x128xf32>
      %dot_general3A_163 = tpu.matmul %convert_element_type3A_156, %get3A_161, %dot_general3A_162 {dimension_numbers = #tpu.dot_dimension_numbers<[1], [0], [0], [1], [0, 0, 1, 1], [], []>, transpose_lhs_hint = false} : vector<4096x16xf32>, vector<16x128xf32>, vector<4096x128xf32> -> vector<4096x128xf32>
      %add3A_164 = arith.addf %add3A_150, %dot_general3A_163 : vector<4096x128xf32>
      %swap3A_165 = arith.constant 0 : index
      %swap3A_166 = arith.constant 0 : index
      %swap3A_167 = vector.load %arg5[%swap3A_165, %swap3A_166] : memref<4096x128xf32, #tpu.memory_space<vmem>>, vector<4096x128xf32>
      tpu.vector_store %arg5[%swap3A_165, %swap3A_166], %add3A_164 {strides = array<i32>} : memref<4096x128xf32, #tpu.memory_space<vmem>>, vector<4096x128xf32>,
    } else {
    }
    return
  }
  func.func @transform_0(%arg0: i32) -> (i32, i32) {
    %c0_i32 = arith.constant 0 : i32
    %c0_i32_0 = arith.constant 0 : i32
    return %arg0, %c0_i32 : i32, i32
  }
  func.func @transform_1(%arg0: i32) -> (i32, i32, i32) {
    %c0_i32 = arith.constant 0 : i32
    %c0_i32_0 = arith.constant 0 : i32
    %c0_i32_1 = arith.constant 0 : i32
    %c0_i32_2 = arith.constant 0 : i32
    return %c0_i32, %c0_i32_0, %c0_i32_1 : i32, i32, i32
  }
  func.func @transform_2(%arg0: i32) -> (i32, i32, i32) {
    %c0_i32 = arith.constant 0 : i32
    %c0_i32_0 = arith.constant 0 : i32
    %c0_i32_1 = arith.constant 0 : i32
    %c0_i32_2 = arith.constant 0 : i32
    return %c0_i32, %c0_i32_0, %c0_i32_1 : i32, i32, i32
  }
  func.func @transform_3(%arg0: i32) -> (i32, i32) {
    %c0_i32 = arith.constant 0 : i32
    %c0_i32_0 = arith.constant 0 : i32
    return %arg0, %c0_i32 : i32, i32
  }
  func.func @transform_4(%arg0: i32) -> (i32, i32) {
    %c0_i32 = arith.constant 0 : i32
    %c0_i32_0 = arith.constant 0 : i32
    %c0_i32_1 = arith.constant 0 : i32
    return %c0_i32, %c0_i32_0 : i32, i32
  }
}

module attributes {stable_mosaic.version = 14 : i64} {
  func.func @_update_body(%arg0: i32, %arg1: memref<1000x128xf32, #tpu.memory_space<vmem>>, %arg2: memref<1x1000x128xf32, #tpu.memory_space<vmem>>, %arg3: memref<1x1000x128xf32, #tpu.memory_space<vmem>>, %arg4: memref<128x128xf32, #tpu.memory_space<vmem>>, %arg5: memref<1x128xf32, #tpu.memory_space<vmem>>, %arg6: memref<128x128xf32, #tpu.memory_space<vmem>>, %arg7: memref<1x128xf32, #tpu.memory_space<vmem>>, %arg8: memref<1000x128xf32, #tpu.memory_space<vmem>>) attributes {dimension_semantics = [#tpu.dimension_semantics<arbitrary>], iteration_bounds = array<i64: 10>, scalar_prefetch = 0 : i64, scratch_operands = 0 : i64, tpu.core_type = #tpu.core_type<tc>, window_params = [{transform_indices = @transform_0, window_bounds = array<i64: 1000, 128>}, {transform_indices = @transform_1, window_bounds = array<i64: 1, 1000, 128>}, {transform_indices = @transform_2, window_bounds = array<i64: 1, 1000, 128>}, {pipeline_mode = #tpu.pipeline_mode<synchronous>, transform_indices = @transform_3, window_bounds = array<i64: 128, 128>}, {pipeline_mode = #tpu.pipeline_mode<synchronous>, transform_indices = @transform_4, window_bounds = array<i64: 1, 128>}, {pipeline_mode = #tpu.pipeline_mode<synchronous>, transform_indices = @transform_5, window_bounds = array<i64: 128, 128>}, {pipeline_mode = #tpu.pipeline_mode<synchronous>, transform_indices = @transform_6, window_bounds = array<i64: 1, 128>}, {transform_indices = @transform_7, window_bounds = array<i64: 1000, 128>}]} {
    %get3A = arith.constant 0 : index
    %get3A_0 = arith.constant 0 : index
    %get3A_1 = vector.load %arg1[%get3A, %get3A_0] : memref<1000x128xf32, #tpu.memory_space<vmem>>, vector<1000x128xf32>
    %get3A_2 = arith.constant 0 : index
    %get3A_3 = arith.constant 0 : index
    %get3A_4 = arith.constant 0 : index
    %get3A_5 = vector.load %arg2[%get3A_2, %get3A_3, %get3A_4] : memref<1x1000x128xf32, #tpu.memory_space<vmem>>, vector<1x1000x128xf32>
    %get3A_6 = vector.shape_cast %get3A_5 : vector<1x1000x128xf32> to vector<1000x128xf32>
    %add3A = arith.addf %get3A_1, %get3A_6 : vector<1000x128xf32>
    %get3A_7 = arith.constant 0 : index
    %get3A_8 = arith.constant 0 : index
    %get3A_9 = arith.constant 0 : index
    %get3A_10 = vector.load %arg3[%get3A_7, %get3A_8, %get3A_9] : memref<1x1000x128xf32, #tpu.memory_space<vmem>>, vector<1x1000x128xf32>
    %get3A_11 = vector.shape_cast %get3A_10 : vector<1x1000x128xf32> to vector<1000x128xf32>
    %add3A_12 = arith.addf %add3A, %get3A_11 : vector<1000x128xf32>
    %get3A_13 = arith.constant 0 : index
    %get3A_14 = arith.constant 0 : index
    %get3A_15 = vector.load %arg4[%get3A_13, %get3A_14] : memref<128x128xf32, #tpu.memory_space<vmem>>, vector<128x128xf32>
    %dot_general3A = arith.constant dense<0.000000e+00> : vector<1000x128xf32>
    %dot_general3A_16 = tpu.matmul %add3A_12, %get3A_15, %dot_general3A {dimension_numbers = #tpu.dot_dimension_numbers<[1], [0], [0], [1], [0, 0, 1, 1], [], []>, transpose_lhs_hint = false} : vector<1000x128xf32>, vector<128x128xf32>, vector<1000x128xf32> -> vector<1000x128xf32>
    %get3A_17 = arith.constant 0 : index
    %get3A_18 = arith.constant 0 : index
    %get3A_19 = vector.load %arg5[%get3A_17, %get3A_18] : memref<1x128xf32, #tpu.memory_space<vmem>>, vector<1x128xf32>
    %add3A_20 = vector.broadcast %get3A_19 : vector<1x128xf32> to vector<1000x128xf32>
    %add3A_21 = arith.addf %dot_general3A_16, %add3A_20 : vector<1000x128xf32>
    %max3A = arith.constant 0.000000e+00 : f32
    %max3A_22 = vector.broadcast %max3A : f32 to vector<1000x128xf32>
    %max3A_23 = arith.maximumf %add3A_21, %max3A_22 : vector<1000x128xf32>
    %get3A_24 = arith.constant 0 : index
    %get3A_25 = arith.constant 0 : index
    %get3A_26 = vector.load %arg6[%get3A_24, %get3A_25] : memref<128x128xf32, #tpu.memory_space<vmem>>, vector<128x128xf32>
    %dot_general3A_27 = arith.constant dense<0.000000e+00> : vector<1000x128xf32>
    %dot_general3A_28 = tpu.matmul %max3A_23, %get3A_26, %dot_general3A_27 {dimension_numbers = #tpu.dot_dimension_numbers<[1], [0], [0], [1], [0, 0, 1, 1], [], []>, transpose_lhs_hint = false} : vector<1000x128xf32>, vector<128x128xf32>, vector<1000x128xf32> -> vector<1000x128xf32>
    %get3A_29 = arith.constant 0 : index
    %get3A_30 = arith.constant 0 : index
    %get3A_31 = vector.load %arg7[%get3A_29, %get3A_30] : memref<1x128xf32, #tpu.memory_space<vmem>>, vector<1x128xf32>
    %add3A_32 = vector.broadcast %get3A_31 : vector<1x128xf32> to vector<1000x128xf32>
    %add3A_33 = arith.addf %dot_general3A_28, %add3A_32 : vector<1000x128xf32>
    %swap3A = arith.constant 0 : index
    %swap3A_34 = arith.constant 0 : index
    %swap3A_35 = vector.load %arg8[%swap3A, %swap3A_34] : memref<1000x128xf32, #tpu.memory_space<vmem>>, vector<1000x128xf32>
    tpu.vector_store %arg8[%swap3A, %swap3A_34], %add3A_33 {strides = array<i32>} : memref<1000x128xf32, #tpu.memory_space<vmem>>, vector<1000x128xf32>,
    return
  }
  func.func @transform_0(%arg0: i32) -> (i32, i32) {
    %c0_i32 = arith.constant 0 : i32
    %c0_i32_0 = arith.constant 0 : i32
    return %arg0, %c0_i32 : i32, i32
  }
  func.func @transform_1(%arg0: i32) -> (i32, i32, i32) {
    %c0_i32 = arith.constant 0 : i32
    %c0_i32_0 = arith.constant 0 : i32
    %c0_i32_1 = arith.constant 0 : i32
    return %c0_i32, %arg0, %c0_i32_0 : i32, i32, i32
  }
  func.func @transform_2(%arg0: i32) -> (i32, i32, i32) {
    %c1_i32 = arith.constant 1 : i32
    %c0_i32 = arith.constant 0 : i32
    %c0_i32_0 = arith.constant 0 : i32
    return %c1_i32, %arg0, %c0_i32 : i32, i32, i32
  }
  func.func @transform_3(%arg0: i32) -> (i32, i32) {
    %c0_i32 = arith.constant 0 : i32
    %c0_i32_0 = arith.constant 0 : i32
    %c0_i32_1 = arith.constant 0 : i32
    return %c0_i32, %c0_i32_0 : i32, i32
  }
  func.func @transform_4(%arg0: i32) -> (i32, i32) {
    %c0_i32 = arith.constant 0 : i32
    %c0_i32_0 = arith.constant 0 : i32
    %c0_i32_1 = arith.constant 0 : i32
    return %c0_i32, %c0_i32_0 : i32, i32
  }
  func.func @transform_5(%arg0: i32) -> (i32, i32) {
    %c0_i32 = arith.constant 0 : i32
    %c0_i32_0 = arith.constant 0 : i32
    %c0_i32_1 = arith.constant 0 : i32
    return %c0_i32, %c0_i32_0 : i32, i32
  }
  func.func @transform_6(%arg0: i32) -> (i32, i32) {
    %c0_i32 = arith.constant 0 : i32
    %c0_i32_0 = arith.constant 0 : i32
    %c0_i32_1 = arith.constant 0 : i32
    return %c0_i32, %c0_i32_0 : i32, i32
  }
  func.func @transform_7(%arg0: i32) -> (i32, i32) {
    %c0_i32 = arith.constant 0 : i32
    %c0_i32_0 = arith.constant 0 : i32
    return %arg0, %c0_i32 : i32, i32
  }
}

module attributes {stable_mosaic.version = 14 : i64} {
  func.func @_update_pool_body(%arg0: i32, %arg1: memref<1000x128xf32, #tpu.memory_space<vmem>>, %arg2: memref<1x1000x128xf32, #tpu.memory_space<vmem>>, %arg3: memref<1x1000x128xf32, #tpu.memory_space<vmem>>, %arg4: memref<128x128xf32, #tpu.memory_space<vmem>>, %arg5: memref<1x128xf32, #tpu.memory_space<vmem>>, %arg6: memref<128x128xf32, #tpu.memory_space<vmem>>, %arg7: memref<1x128xf32, #tpu.memory_space<vmem>>, %arg8: memref<1x1x1000xi32, #tpu.memory_space<vmem>>, %arg9: memref<256x200xf32, #tpu.memory_space<vmem>>, %arg10: memref<128x512xf32, #tpu.memory_space<vmem>>, %arg11: memref<200x512xf32, #tpu.memory_space<vmem>>, %arg12: memref<1x512xf32, #tpu.memory_space<vmem>>, %arg13: memref<512x256xf32, #tpu.memory_space<vmem>>, %arg14: memref<1x256xf32, #tpu.memory_space<vmem>>, %arg15: memref<256x128xf32, #tpu.memory_space<vmem>>, %arg16: memref<1x128xf32, #tpu.memory_space<vmem>>, %arg17: memref<256x128xf32, #tpu.memory_space<vmem>>, %arg18: memref<256x128xf32, #tpu.memory_space<vmem>>, %arg19: memref<256x128xf32, #tpu.memory_space<vmem>>) attributes {dimension_semantics = [#tpu.dimension_semantics<arbitrary>], iteration_bounds = array<i64: 10>, scalar_prefetch = 0 : i64, scratch_operands = 2 : i64, tpu.core_type = #tpu.core_type<tc>, window_params = [{transform_indices = @transform_0, window_bounds = array<i64: 1000, 128>}, {transform_indices = @transform_1, window_bounds = array<i64: 1, 1000, 128>}, {transform_indices = @transform_2, window_bounds = array<i64: 1, 1000, 128>}, {pipeline_mode = #tpu.pipeline_mode<synchronous>, transform_indices = @transform_3, window_bounds = array<i64: 128, 128>}, {pipeline_mode = #tpu.pipeline_mode<synchronous>, transform_indices = @transform_4, window_bounds = array<i64: 1, 128>}, {pipeline_mode = #tpu.pipeline_mode<synchronous>, transform_indices = @transform_5, window_bounds = array<i64: 128, 128>}, {pipeline_mode = #tpu.pipeline_mode<synchronous>, transform_indices = @transform_6, window_bounds = array<i64: 1, 128>}, {transform_indices = @transform_7, window_bounds = array<i64: 1, 1, 1000>}, {pipeline_mode = #tpu.pipeline_mode<synchronous>, transform_indices = @transform_8, window_bounds = array<i64: 256, 200>}, {pipeline_mode = #tpu.pipeline_mode<synchronous>, transform_indices = @transform_9, window_bounds = array<i64: 128, 512>}, {pipeline_mode = #tpu.pipeline_mode<synchronous>, transform_indices = @transform_10, window_bounds = array<i64: 200, 512>}, {pipeline_mode = #tpu.pipeline_mode<synchronous>, transform_indices = @transform_11, window_bounds = array<i64: 1, 512>}, {pipeline_mode = #tpu.pipeline_mode<synchronous>, transform_indices = @transform_12, window_bounds = array<i64: 512, 256>}, {pipeline_mode = #tpu.pipeline_mode<synchronous>, transform_indices = @transform_13, window_bounds = array<i64: 1, 256>}, {pipeline_mode = #tpu.pipeline_mode<synchronous>, transform_indices = @transform_14, window_bounds = array<i64: 256, 128>}, {pipeline_mode = #tpu.pipeline_mode<synchronous>, transform_indices = @transform_15, window_bounds = array<i64: 1, 128>}, {pipeline_mode = #tpu.pipeline_mode<synchronous>, transform_indices = @transform_16, window_bounds = array<i64: 256, 128>}]} {
    %get3A = arith.constant 0 : index
    %get3A_0 = arith.constant 0 : index
    %get3A_1 = vector.load %arg1[%get3A, %get3A_0] : memref<1000x128xf32, #tpu.memory_space<vmem>>, vector<1000x128xf32>
    %get3A_2 = arith.constant 0 : index
    %get3A_3 = arith.constant 0 : index
    %get3A_4 = arith.constant 0 : index
    %get3A_5 = vector.load %arg2[%get3A_2, %get3A_3, %get3A_4] : memref<1x1000x128xf32, #tpu.memory_space<vmem>>, vector<1x1000x128xf32>
    %get3A_6 = vector.shape_cast %get3A_5 : vector<1x1000x128xf32> to vector<1000x128xf32>
    %add3A = arith.addf %get3A_1, %get3A_6 : vector<1000x128xf32>
    %get3A_7 = arith.constant 0 : index
    %get3A_8 = arith.constant 0 : index
    %get3A_9 = arith.constant 0 : index
    %get3A_10 = vector.load %arg3[%get3A_7, %get3A_8, %get3A_9] : memref<1x1000x128xf32, #tpu.memory_space<vmem>>, vector<1x1000x128xf32>
    %get3A_11 = vector.shape_cast %get3A_10 : vector<1x1000x128xf32> to vector<1000x128xf32>
    %add3A_12 = arith.addf %add3A, %get3A_11 : vector<1000x128xf32>
    %get3A_13 = arith.constant 0 : index
    %get3A_14 = arith.constant 0 : index
    %get3A_15 = vector.load %arg4[%get3A_13, %get3A_14] : memref<128x128xf32, #tpu.memory_space<vmem>>, vector<128x128xf32>
    %dot_general3A = arith.constant dense<0.000000e+00> : vector<1000x128xf32>
    %dot_general3A_16 = tpu.matmul %add3A_12, %get3A_15, %dot_general3A {dimension_numbers = #tpu.dot_dimension_numbers<[1], [0], [0], [1], [0, 0, 1, 1], [], []>, transpose_lhs_hint = false} : vector<1000x128xf32>, vector<128x128xf32>, vector<1000x128xf32> -> vector<1000x128xf32>
    %get3A_17 = arith.constant 0 : index
    %get3A_18 = arith.constant 0 : index
    %get3A_19 = vector.load %arg5[%get3A_17, %get3A_18] : memref<1x128xf32, #tpu.memory_space<vmem>>, vector<1x128xf32>
    %add3A_20 = vector.broadcast %get3A_19 : vector<1x128xf32> to vector<1000x128xf32>
    %add3A_21 = arith.addf %dot_general3A_16, %add3A_20 : vector<1000x128xf32>
    %max3A = arith.constant 0.000000e+00 : f32
    %max3A_22 = vector.broadcast %max3A : f32 to vector<1000x128xf32>
    %max3A_23 = arith.maximumf %add3A_21, %max3A_22 : vector<1000x128xf32>
    %get3A_24 = arith.constant 0 : index
    %get3A_25 = arith.constant 0 : index
    %get3A_26 = vector.load %arg6[%get3A_24, %get3A_25] : memref<128x128xf32, #tpu.memory_space<vmem>>, vector<128x128xf32>
    %dot_general3A_27 = arith.constant dense<0.000000e+00> : vector<1000x128xf32>
    %dot_general3A_28 = tpu.matmul %max3A_23, %get3A_26, %dot_general3A_27 {dimension_numbers = #tpu.dot_dimension_numbers<[1], [0], [0], [1], [0, 0, 1, 1], [], []>, transpose_lhs_hint = false} : vector<1000x128xf32>, vector<128x128xf32>, vector<1000x128xf32> -> vector<1000x128xf32>
    %get3A_29 = arith.constant 0 : index
    %get3A_30 = arith.constant 0 : index
    %get3A_31 = vector.load %arg7[%get3A_29, %get3A_30] : memref<1x128xf32, #tpu.memory_space<vmem>>, vector<1x128xf32>
    %add3A_32 = vector.broadcast %get3A_31 : vector<1x128xf32> to vector<1000x128xf32>
    %add3A_33 = arith.addf %dot_general3A_28, %add3A_32 : vector<1000x128xf32>
    %eq3A = arith.constant 0 : i32
    %eq3A_34 = arith.cmpi eq, %arg0, %eq3A : i32
    %convert_element_type3A = arith.extui %eq3A_34 : i1 to i32
    %cond3A = arith.constant 0 : i32
    %cond3A_35 = arith.cmpi ne, %convert_element_type3A, %cond3A : i32
    scf.if %cond3A_35 {
      %broadcast_in_dim3A_69 = arith.constant 0.000000e+00 : f32
      %broadcast_in_dim3A_70 = vector.broadcast %broadcast_in_dim3A_69 : f32 to vector<256x128xf32>
      %swap3A_71 = arith.constant 0 : index
      %swap3A_72 = arith.constant 0 : index
      %swap3A_73 = vector.load %arg18[%swap3A_71, %swap3A_72] : memref<256x128xf32, #tpu.memory_space<vmem>>, vector<256x128xf32>
      tpu.vector_store %arg18[%swap3A_71, %swap3A_72], %broadcast_in_dim3A_70 {strides = array<i32>} : memref<256x128xf32, #tpu.memory_space<vmem>>, vector<256x128xf32>,
      %broadcast_in_dim3A_74 = arith.constant 0.000000e+00 : f32
      %broadcast_in_dim3A_75 = vector.broadcast %broadcast_in_dim3A_74 : f32 to vector<256x128xf32>
      %swap3A_76 = arith.constant 0 : index
      %swap3A_77 = arith.constant 0 : index
      %swap3A_78 = vector.load %arg19[%swap3A_76, %swap3A_77] : memref<256x128xf32, #tpu.memory_space<vmem>>, vector<256x128xf32>
      tpu.vector_store %arg19[%swap3A_76, %swap3A_77], %broadcast_in_dim3A_75 {strides = array<i32>} : memref<256x128xf32, #tpu.memory_space<vmem>>, vector<256x128xf32>,
    } else {
    }
    %get3A_36 = arith.constant 0 : index
    %get3A_37 = arith.constant 0 : index
    %get3A_38 = arith.constant 0 : index
    %get3A_39 = vector.load %arg8[%get3A_36, %get3A_37, %get3A_38] : memref<1x1x1000xi32, #tpu.memory_space<vmem>>, vector<1x1x1000xi32>
    %get3A_40 = vector.shape_cast %get3A_39 : vector<1x1x1000xi32> to vector<1x1000xi32>
    %iota3A = tpu.iota {dimensions = array<i32: 0>} : vector<256x1000xi32>
    %broadcast_in_dim3A = vector.shape_cast %get3A_40 : vector<1x1000xi32> to vector<1x1000xi32>
    %broadcast_in_dim3A_41 = vector.broadcast %broadcast_in_dim3A : vector<1x1000xi32> to vector<256x1000xi32>
    %eq3A_42 = arith.cmpi eq, %iota3A, %broadcast_in_dim3A_41 : vector<256x1000xi32>
    %convert_element_type3A_43 = arith.extui %eq3A_42 : vector<256x1000xi1> to vector<256x1000xi32>
    %convert_element_type3A_44 = arith.sitofp %convert_element_type3A_43 : vector<256x1000xi32> to vector<256x1000xf32>
    %get3A_45 = arith.constant 0 : index
    %get3A_46 = arith.constant 0 : index
    %get3A_47 = vector.load %arg18[%get3A_45, %get3A_46] : memref<256x128xf32, #tpu.memory_space<vmem>>, vector<256x128xf32>
    %dot_general3A_48 = arith.constant dense<0.000000e+00> : vector<256x128xf32>
    %dot_general3A_49 = tpu.matmul %convert_element_type3A_44, %add3A_33, %dot_general3A_48 {dimension_numbers = #tpu.dot_dimension_numbers<[1], [0], [0], [1], [0, 0, 1, 1], [], []>, transpose_lhs_hint = false} : vector<256x1000xf32>, vector<1000x128xf32>, vector<256x128xf32> -> vector<256x128xf32>
    %add3A_50 = arith.addf %get3A_47, %dot_general3A_49 : vector<256x128xf32>
    %swap3A = arith.constant 0 : index
    %swap3A_51 = arith.constant 0 : index
    %swap3A_52 = vector.load %arg18[%swap3A, %swap3A_51] : memref<256x128xf32, #tpu.memory_space<vmem>>, vector<256x128xf32>
    tpu.vector_store %arg18[%swap3A, %swap3A_51], %add3A_50 {strides = array<i32>} : memref<256x128xf32, #tpu.memory_space<vmem>>, vector<256x128xf32>,
    %get3A_53 = arith.constant 0 : index
    %get3A_54 = arith.constant 0 : index
    %get3A_55 = vector.load %arg19[%get3A_53, %get3A_54] : memref<256x128xf32, #tpu.memory_space<vmem>>, vector<256x128xf32>
    %broadcast_in_dim3A_56 = arith.constant 1.000000e+00 : f32
    %broadcast_in_dim3A_57 = vector.broadcast %broadcast_in_dim3A_56 : f32 to vector<1000x128xf32>
    %dot_general3A_58 = arith.constant dense<0.000000e+00> : vector<256x128xf32>
    %dot_general3A_59 = tpu.matmul %convert_element_type3A_44, %broadcast_in_dim3A_57, %dot_general3A_58 {dimension_numbers = #tpu.dot_dimension_numbers<[1], [0], [0], [1], [0, 0, 1, 1], [], []>, transpose_lhs_hint = false} : vector<256x1000xf32>, vector<1000x128xf32>, vector<256x128xf32> -> vector<256x128xf32>
    %add3A_60 = arith.addf %get3A_55, %dot_general3A_59 : vector<256x128xf32>
    %swap3A_61 = arith.constant 0 : index
    %swap3A_62 = arith.constant 0 : index
    %swap3A_63 = vector.load %arg19[%swap3A_61, %swap3A_62] : memref<256x128xf32, #tpu.memory_space<vmem>>, vector<256x128xf32>
    tpu.vector_store %arg19[%swap3A_61, %swap3A_62], %add3A_60 {strides = array<i32>} : memref<256x128xf32, #tpu.memory_space<vmem>>, vector<256x128xf32>,
    %eq3A_64 = arith.constant 9 : i32
    %eq3A_65 = arith.cmpi eq, %arg0, %eq3A_64 : i32
    %convert_element_type3A_66 = arith.extui %eq3A_65 : i1 to i32
    %cond3A_67 = arith.constant 0 : i32
    %cond3A_68 = arith.cmpi ne, %convert_element_type3A_66, %cond3A_67 : i32
    scf.if %cond3A_68 {
      %get3A_69 = arith.constant 0 : index
      %get3A_70 = arith.constant 0 : index
      %get3A_71 = vector.load %arg18[%get3A_69, %get3A_70] : memref<256x128xf32, #tpu.memory_space<vmem>>, vector<256x128xf32>
      %get3A_72 = arith.constant 0 : index
      %get3A_73 = arith.constant 0 : index
      %get3A_74 = vector.load %arg19[%get3A_72, %get3A_73] : memref<256x128xf32, #tpu.memory_space<vmem>>, vector<256x128xf32>
      %max3A_75 = arith.constant 1.000000e+00 : f32
      %max3A_76 = vector.broadcast %max3A_75 : f32 to vector<256x128xf32>
      %max3A_77 = arith.maximumf %get3A_74, %max3A_76 : vector<256x128xf32>
      %div3A = arith.divf %get3A_71, %max3A_77 : vector<256x128xf32>
      %get3A_78 = arith.constant 0 : index
      %get3A_79 = arith.constant 0 : index
      %get3A_80 = vector.load %arg10[%get3A_78, %get3A_79] : memref<128x512xf32, #tpu.memory_space<vmem>>, vector<128x512xf32>
      %dot_general3A_81 = arith.constant dense<0.000000e+00> : vector<256x512xf32>
      %dot_general3A_82 = tpu.matmul %div3A, %get3A_80, %dot_general3A_81 {dimension_numbers = #tpu.dot_dimension_numbers<[1], [0], [0], [1], [0, 0, 1, 1], [], []>, transpose_lhs_hint = false} : vector<256x128xf32>, vector<128x512xf32>, vector<256x512xf32> -> vector<256x512xf32>
      %get3A_83 = arith.constant 0 : index
      %get3A_84 = arith.constant 0 : index
      %get3A_85 = vector.load %arg9[%get3A_83, %get3A_84] : memref<256x200xf32, #tpu.memory_space<vmem>>, vector<256x200xf32>
      %get3A_86 = arith.constant 0 : index
      %get3A_87 = arith.constant 0 : index
      %get3A_88 = vector.load %arg11[%get3A_86, %get3A_87] : memref<200x512xf32, #tpu.memory_space<vmem>>, vector<200x512xf32>
      %dot_general3A_89 = arith.constant dense<0.000000e+00> : vector<256x512xf32>
      %dot_general3A_90 = tpu.matmul %get3A_85, %get3A_88, %dot_general3A_89 {dimension_numbers = #tpu.dot_dimension_numbers<[1], [0], [0], [1], [0, 0, 1, 1], [], []>, transpose_lhs_hint = false} : vector<256x200xf32>, vector<200x512xf32>, vector<256x512xf32> -> vector<256x512xf32>
      %add3A_91 = arith.addf %dot_general3A_82, %dot_general3A_90 : vector<256x512xf32>
      %get3A_92 = arith.constant 0 : index
      %get3A_93 = arith.constant 0 : index
      %get3A_94 = vector.load %arg12[%get3A_92, %get3A_93] : memref<1x512xf32, #tpu.memory_space<vmem>>, vector<1x512xf32>
      %add3A_95 = vector.broadcast %get3A_94 : vector<1x512xf32> to vector<256x512xf32>
      %add3A_96 = arith.addf %add3A_91, %add3A_95 : vector<256x512xf32>
      %max3A_97 = arith.constant 0.000000e+00 : f32
      %max3A_98 = vector.broadcast %max3A_97 : f32 to vector<256x512xf32>
      %max3A_99 = arith.maximumf %add3A_96, %max3A_98 : vector<256x512xf32>
      %get3A_100 = arith.constant 0 : index
      %get3A_101 = arith.constant 0 : index
      %get3A_102 = vector.load %arg13[%get3A_100, %get3A_101] : memref<512x256xf32, #tpu.memory_space<vmem>>, vector<512x256xf32>
      %dot_general3A_103 = arith.constant dense<0.000000e+00> : vector<256x256xf32>
      %dot_general3A_104 = tpu.matmul %max3A_99, %get3A_102, %dot_general3A_103 {dimension_numbers = #tpu.dot_dimension_numbers<[1], [0], [0], [1], [0, 0, 1, 1], [], []>, transpose_lhs_hint = false} : vector<256x512xf32>, vector<512x256xf32>, vector<256x256xf32> -> vector<256x256xf32>
      %get3A_105 = arith.constant 0 : index
      %get3A_106 = arith.constant 0 : index
      %get3A_107 = vector.load %arg14[%get3A_105, %get3A_106] : memref<1x256xf32, #tpu.memory_space<vmem>>, vector<1x256xf32>
      %add3A_108 = vector.broadcast %get3A_107 : vector<1x256xf32> to vector<256x256xf32>
      %add3A_109 = arith.addf %dot_general3A_104, %add3A_108 : vector<256x256xf32>
      %max3A_110 = arith.constant 0.000000e+00 : f32
      %max3A_111 = vector.broadcast %max3A_110 : f32 to vector<256x256xf32>
      %max3A_112 = arith.maximumf %add3A_109, %max3A_111 : vector<256x256xf32>
      %get3A_113 = arith.constant 0 : index
      %get3A_114 = arith.constant 0 : index
      %get3A_115 = vector.load %arg15[%get3A_113, %get3A_114] : memref<256x128xf32, #tpu.memory_space<vmem>>, vector<256x128xf32>
      %dot_general3A_116 = arith.constant dense<0.000000e+00> : vector<256x128xf32>
      %dot_general3A_117 = tpu.matmul %max3A_112, %get3A_115, %dot_general3A_116 {dimension_numbers = #tpu.dot_dimension_numbers<[1], [0], [0], [1], [0, 0, 1, 1], [], []>, transpose_lhs_hint = false} : vector<256x256xf32>, vector<256x128xf32>, vector<256x128xf32> -> vector<256x128xf32>
      %get3A_118 = arith.constant 0 : index
      %get3A_119 = arith.constant 0 : index
      %get3A_120 = vector.load %arg16[%get3A_118, %get3A_119] : memref<1x128xf32, #tpu.memory_space<vmem>>, vector<1x128xf32>
      %add3A_121 = vector.broadcast %get3A_120 : vector<1x128xf32> to vector<256x128xf32>
      %add3A_122 = arith.addf %dot_general3A_117, %add3A_121 : vector<256x128xf32>
      %swap3A_123 = arith.constant 0 : index
      %swap3A_124 = arith.constant 0 : index
      %swap3A_125 = vector.load %arg17[%swap3A_123, %swap3A_124] : memref<256x128xf32, #tpu.memory_space<vmem>>, vector<256x128xf32>
      tpu.vector_store %arg17[%swap3A_123, %swap3A_124], %add3A_122 {strides = array<i32>} : memref<256x128xf32, #tpu.memory_space<vmem>>, vector<256x128xf32>,
    } else {
    }
    return
  }
  func.func @transform_0(%arg0: i32) -> (i32, i32) {
    %c0_i32 = arith.constant 0 : i32
    %c0_i32_0 = arith.constant 0 : i32
    return %arg0, %c0_i32 : i32, i32
  }
  func.func @transform_1(%arg0: i32) -> (i32, i32, i32) {
    %c0_i32 = arith.constant 0 : i32
    %c0_i32_0 = arith.constant 0 : i32
    %c0_i32_1 = arith.constant 0 : i32
    return %c0_i32, %arg0, %c0_i32_0 : i32, i32, i32
  }
  func.func @transform_2(%arg0: i32) -> (i32, i32, i32) {
    %c1_i32 = arith.constant 1 : i32
    %c0_i32 = arith.constant 0 : i32
    %c0_i32_0 = arith.constant 0 : i32
    return %c1_i32, %arg0, %c0_i32 : i32, i32, i32
  }
  func.func @transform_3(%arg0: i32) -> (i32, i32) {
    %c0_i32 = arith.constant 0 : i32
    %c0_i32_0 = arith.constant 0 : i32
    %c0_i32_1 = arith.constant 0 : i32
    return %c0_i32, %c0_i32_0 : i32, i32
  }
  func.func @transform_4(%arg0: i32) -> (i32, i32) {
    %c0_i32 = arith.constant 0 : i32
    %c0_i32_0 = arith.constant 0 : i32
    %c0_i32_1 = arith.constant 0 : i32
    return %c0_i32, %c0_i32_0 : i32, i32
  }
  func.func @transform_5(%arg0: i32) -> (i32, i32) {
    %c0_i32 = arith.constant 0 : i32
    %c0_i32_0 = arith.constant 0 : i32
    %c0_i32_1 = arith.constant 0 : i32
    return %c0_i32, %c0_i32_0 : i32, i32
  }
  func.func @transform_6(%arg0: i32) -> (i32, i32) {
    %c0_i32 = arith.constant 0 : i32
    %c0_i32_0 = arith.constant 0 : i32
    %c0_i32_1 = arith.constant 0 : i32
    return %c0_i32, %c0_i32_0 : i32, i32
  }
  func.func @transform_7(%arg0: i32) -> (i32, i32, i32) {
    %c0_i32 = arith.constant 0 : i32
    %c0_i32_0 = arith.constant 0 : i32
    %c0_i32_1 = arith.constant 0 : i32
    return %arg0, %c0_i32, %c0_i32_0 : i32, i32, i32
  }
  func.func @transform_8(%arg0: i32) -> (i32, i32) {
    %c0_i32 = arith.constant 0 : i32
    %c0_i32_0 = arith.constant 0 : i32
    %c0_i32_1 = arith.constant 0 : i32
    return %c0_i32, %c0_i32_0 : i32, i32
  }
  func.func @transform_9(%arg0: i32) -> (i32, i32) {
    %c0_i32 = arith.constant 0 : i32
    %c0_i32_0 = arith.constant 0 : i32
    %c0_i32_1 = arith.constant 0 : i32
    return %c0_i32, %c0_i32_0 : i32, i32
  }
  func.func @transform_10(%arg0: i32) -> (i32, i32) {
    %c0_i32 = arith.constant 0 : i32
    %c0_i32_0 = arith.constant 0 : i32
    %c0_i32_1 = arith.constant 0 : i32
    return %c0_i32, %c0_i32_0 : i32, i32
  }
  func.func @transform_11(%arg0: i32) -> (i32, i32) {
    %c0_i32 = arith.constant 0 : i32
    %c0_i32_0 = arith.constant 0 : i32
    %c0_i32_1 = arith.constant 0 : i32
    return %c0_i32, %c0_i32_0 : i32, i32
  }
  func.func @transform_12(%arg0: i32) -> (i32, i32) {
    %c0_i32 = arith.constant 0 : i32
    %c0_i32_0 = arith.constant 0 : i32
    %c0_i32_1 = arith.constant 0 : i32
    return %c0_i32, %c0_i32_0 : i32, i32
  }
  func.func @transform_13(%arg0: i32) -> (i32, i32) {
    %c0_i32 = arith.constant 0 : i32
    %c0_i32_0 = arith.constant 0 : i32
    %c0_i32_1 = arith.constant 0 : i32
    return %c0_i32, %c0_i32_0 : i32, i32
  }
  func.func @transform_14(%arg0: i32) -> (i32, i32) {
    %c0_i32 = arith.constant 0 : i32
    %c0_i32_0 = arith.constant 0 : i32
    %c0_i32_1 = arith.constant 0 : i32
    return %c0_i32, %c0_i32_0 : i32, i32
  }
  func.func @transform_15(%arg0: i32) -> (i32, i32) {
    %c0_i32 = arith.constant 0 : i32
    %c0_i32_0 = arith.constant 0 : i32
    %c0_i32_1 = arith.constant 0 : i32
    return %c0_i32, %c0_i32_0 : i32, i32
  }
  func.func @transform_16(%arg0: i32) -> (i32, i32) {
    %c0_i32 = arith.constant 0 : i32
    %c0_i32_0 = arith.constant 0 : i32
    %c0_i32_1 = arith.constant 0 : i32
    return %c0_i32, %c0_i32_0 : i32, i32
  }
}

</mosaic_0001>

<sc_bundles>
// kernel: kernel.10.cloned.1.call-start
scs
__scs_entry_jumppad:
0x0: {  	(pc) =	sbr.rel $0x88, $3  }
0x1: {  	(tag) =	ssettag $0x0;
	lr =	simm.s32 $0x1  }
0x2: {  	[smem:$0x3F8C] =	sst lr;
	_ =	strace $0xD0000000  }
0x3: {  	_ = 	snop  }
0x4: {  	_ = 	snop  }
0x5: {  	_ = 	snop  }
0x6: {  	_ = 	snop  }
0x7: {  	_ = 	snop  }
__scs_overlays_trampoline_lowered:
0x8: {  	[smem:$0x3F9B] =	sst s0  }
0x9: {  	[smem:$0x3F9C] =	sst s1  }
0xa: {  	[smem:$0x3F9D] =	sst s2  }
0xb: {  	[smem:$0x3F9E] =	sst s3  }
0xc: {  	[smem:$0x3F9F] =	sst s4  }
0xd: {  	[smem:$0x3FA0] =	sst s5  }
0xe: {  	[smem:$0x3FA1] =	sst s6  }
0xf: {  	[smem:$0x3FA2] =	sst s7  }
0x10: {  	[smem:$0x3FA3] =	sst s8  }
0x11: {  	[smem:$0x3FA4] =	sst s9;
	s0 =	simm.s32 @!p0 $0x0  }
0x12: {  	s1 =	sld [smem:$0x3F8A];
	s0 =	simm.s32 @p0 $0x1  }
0x13: {  	[smem:$0x3FA5] =	sst s0;
	s0 =	simm.s32 @!p1 $0x0  }
0x14: {  	s2 =	sld [smem:$0x3F89];
	s0 =	simm.s32 @p1 $0x1  }
0x15: {  	[smem:$0x3FA6] =	sst s0;
	s0 =	simm.s32 @!p2 $0x0  }
0x16: {  	s3 =	sld [smem:$0x3FDB];
	s0 =	simm.s32 @p2 $0x1  }
0x17: {  	s4 =	simm.s32 $0x1BF5;
	[smem:$0x3FA8] =	sst s0  }
0x18: {  	s0 =	sld [smem:$0x3F8B];
	_ =	swait.ge [sflag:s4], $0x0  }
0x19: {  	s7 =	sld [smem:$0x3F8C]  }
0x1a: {  	s8 =	sadd.s32 $0xFFFFE003, lr  }
0x1b: {  	s9 =	sadd.s32 $0xFFFFFEF7, lr;
	s5 =	simm.s32 $0xFFFFFFFF;
	p2 =	slt.u32 s8, $0xFFFFF086  }
0x1c: {  	p1 =	slt.u32 s9, $0xF7A;
	s5 =	simm.s32 @!p2 $0x0  }
0x1d: {  	s5 =	simm.s32 @p1 $0x1;
	p0 =	seq.s32 s7, s2  }
0x1e: {  	s7 =	smul.u32 @!p0 $0xF7A, s2;
	p2 =	seq.s32 @!p0 s5, $0x0  }
0x1f: {  	s9 =	smul.u32 $0xF7A, s1;
	s8 =	simm.s32 @!p0 $0x1BF5;
	p2 =	por !p2, p0  }
0x20: {  	[sflag:s8] =	ssyncset.s32 @!p0 $0xFFFFF086;
	s6 =	sadd.s32 @!p0 s3, s7;
	s7 =	simm.s32 @!p0 $0x108  }
0x21: {  	s3 =	sadd.s32 s3, s9;
	s6 =	sadd.s32 @!p0 $0x88, s6;
	s7 =	simm.s32 @p2 $0x1082  }
0x22: {  	[simem:s7], [sflag:s8] =	dma.local @!p0 [hbm:s6], $0xF7A  }
0x23: {  	s9 =	sor.u32 $0xD0000000, s2;
	s6 =	simm.s32 $0x108;
	_ =	swait.ge @!p0 [sflag:s8], $0x0  }
0x24: {  	s3 =	sadd.s32 $0x88, s3;
	s6 =	simm.s32 @!p1 $0x1082;
	[sflag:s4] =	ssyncset.s32 $0xFFFFF086  }
0x25: {  	[simem:s6], [sflag:s4] =	dma.local [hbm:s3], $0xF7A  }
0x26: {  	[smem:$0x3F8C] =	sst s1;
	(tag) =	ssettag s2;
	_ =	strace s9  }
0x27: {  	s1 =	sld [smem:$0x3F9C]  }
0x28: {  	s2 =	sld [smem:$0x3F9D]  }
0x29: {  	s4 =	sld [smem:$0x3F9F]  }
0x2a: {  	p0 =	seq.s32 s5, $0x0;
	s5 =	sld [smem:$0x3FA0]  }
0x2b: {  	s6 =	sld [smem:$0x3FA1]  }
0x2c: {  	s7 =	sld [smem:$0x3FA2]  }
0x2d: {  	s3 =	simm.s32 $0x108;
	s8 =	sld [smem:$0x3FA3]  }
0x2e: {  	s3 =	simm.s32 @!p0 $0x1082;
	s9 =	sld [smem:$0x3FA4]  }
0x2f: {  	lr =	sadd.s32 s0, s3;
	s0 =	sld [smem:$0x3F9B]  }
0x30: {  	s3 =	sld [smem:$0x3F9E]  }
0x31: {  	[smem:$0x3FA7] =	sst s10  }
0x32: {  	s10 =	sld [smem:$0x3FA5];
	_ =	sdelay $0x3  }
0x33: {  	p0 =	seq.s32 s10, $0x1;
	s10 =	sld [smem:$0x3FA7];
	_ =	sdelay $0x3  }
0x34: {  	[smem:$0x3FA7] =	sst s10  }
0x35: {  	s10 =	sld [smem:$0x3FA6];
	_ =	sdelay $0x3  }
0x36: {  	p1 =	seq.s32 s10, $0x1;
	s10 =	sld [smem:$0x3FA7];
	_ =	sdelay $0x3  }
0x37: {  	[smem:$0x3FA7] =	sst s10  }
0x38: {  	s10 =	sld [smem:$0x3FA8]  }
0x39: {  	_ = 	snop;
	(pc) =	sbr.ind lr, $3  }
0x3a: {  	_ = 	snop  }
0x3b: {  	_ = 	snop  }
0x3c: {  	p2 =	seq.s32 s10, $0x1;
	s10 =	sld [smem:$0x3FA7]  }
0x3d: {  	_ =	shalt  }
0x3e: {  	_ =	shalt  }
0x3f: {  	_ =	shalt  }
0x40: {  	_ =	shalt  }
0x41: {  	_ =	shalt  }
0x42: {  	_ =	shalt  }
0x43: {  	_ =	shalt  }
0x44: {  	_ =	shalt  }
0x45: {  	_ =	shalt  }
0x46: {  	_ =	shalt  }
0x47: {  	_ =	shalt  }
0x48: {  	_ =	shalt  }
0x49: {  	_ =	shalt  }
0x4a: {  	_ =	shalt  }
0x4b: {  	_ =	shalt  }
0x4c: {  	_ =	shalt  }
0x4d: {  	_ =	shalt  }
0x4e: {  	_ =	shalt  }
0x4f: {  	_ =	shalt  }
0x50: {  	_ =	shalt  }
0x51: {  	_ =	shalt  }
0x52: {  	_ =	shalt  }
0x53: {  	_ =	shalt  }
0x54: {  	_ =	shalt  }
0x55: {  	_ =	shalt  }
0x56: {  	_ =	shalt  }
0x57: {  	_ =	shalt  }
0x58: {  	_ =	shalt  }
0x59: {  	_ =	shalt  }
0x5a: {  	_ =	shalt  }
0x5b: {  	_ =	shalt  }
0x5c: {  	_ =	shalt  }
0x5d: {  	_ =	shalt  }
0x5e: {  	_ =	shalt  }
0x5f: {  	_ =	shalt  }
0x60: {  	_ =	shalt  }
0x61: {  	_ =	shalt  }
0x62: {  	_ =	shalt  }
0x63: {  	_ =	shalt  }
0x64: {  	_ =	shalt  }
0x65: {  	_ =	shalt  }
0x66: {  	_ =	shalt  }
0x67: {  	_ =	shalt  }
0x68: {  	_ =	shalt  }
0x69: {  	_ =	shalt  }
0x6a: {  	_ =	shalt  }
0x6b: {  	_ =	shalt  }
0x6c: {  	_ =	shalt  }
0x6d: {  	_ =	shalt  }
0x6e: {  	_ =	shalt  }
0x6f: {  	_ =	shalt  }
0x70: {  	_ =	shalt  }
0x71: {  	_ =	shalt  }
0x72: {  	_ =	shalt  }
0x73: {  	_ =	shalt  }
0x74: {  	_ =	shalt  }
0x75: {  	_ =	shalt  }
0x76: {  	_ =	shalt  }
0x77: {  	_ =	shalt  }
0x78: {  	_ =	shalt  }
0x79: {  	_ =	shalt  }
0x7a: {  	_ =	shalt  }
0x7b: {  	_ =	shalt  }
0x7c: {  	_ =	shalt  }
0x7d: {  	_ =	shalt  }
0x7e: {  	_ =	shalt  }
0x7f: {  	_ =	shalt  }
0x80: {  	_ =	shalt  }
0x81: {  	_ =	shalt  }
0x82: {  	_ =	shalt  }
0x83: {  	_ =	shalt  }
0x84: {  	_ =	shalt  }
0x85: {  	_ =	shalt  }
0x86: {  	_ =	shalt  }
0x87: {  	_ =	shalt  }
.Lfunc_end0:
.L_simem_size_0:
called_computation.1_lowered:
.L_overlay_start_0:
0x88: {  	s2 =	sld [smem:$0x3FD9]  }
0x89: {  	s3 =	sld [smem:$0x3FFE];
	_ =	sdelay $0x1  }
0x8a: {  	s1 =	srdreg.scid  }
0x8b: {  	s0 =	sand.u32 $0x1, s1  }
0x8c: {  	s16 =	sshll.u32 s0, $0xA;
	s2 =	sadd.s32 s3, s2  }
0x8d: {  	s2 =	sadd.s32 s2, s16  }
0x8e: {  	[smem:$0x3FB3] =	sst s2  }
0x8f: {  	_ = 	snop  }
0x90: {  	(tm) =	ssettm $0x1  }
0x91: {  	s17 =	sld [smem:$0x3FFB];
	_ =	sdelay $0x3  }
0x92: {  	_ =	strace s17  }
0x93: {  	s2 =	sld [smem:$0x3FFC];
	_ =	sdelay $0x3  }
0x94: {  	_ =	strace s2  }
0x95: {  	s2 =	sld [smem:$0x3FFD];
	_ =	sdelay $0x3  }
0x96: {  	_ =	strace s2  }
0x97: {  	_ =	strace $0x8FFFFFFF  }
0x98: {  	s18 =	sld [smem:$0x3FDB];
	_ =	sdelay $0x1  }
0x99: {  	s19 =	simm.s32 $_scs_section_size  }
0x9a: {  	s4 =	simm.s32 $_size__tile_overlayer_lowered;
	s5 =	simm.s32 $_tile_overlayer_lowered  }
0x9b: {  	s22 =	simm.s32 $0x1BFF;
	s21 =	sshll.u32 s5, $0x1;
	s2 =	sadd.s32 s19, s18  }
0x9c: {  	s6 =	simm.s32 $0x0;
	s20 =	sshll.u32 s4, $0x1;
	s4 =	sadd.s32 s21, s2  }
0x9d: {  	[timem:s6], [sflag:s22] =	dma.local [hbm:s4], s20  }
0x9e: {  	_ =	swait.ge [sflag:s22], s20  }
0x9f: {  	s3 =	ssub.s32 $0x0, s20;
	[sflag:s22] =	ssyncset.done $0x0  }
0xa0: {  	[sflag:s22] =	ssyncadd.s32 s3;
	_ =	sdelay $0x1  }
0xa1: {  	s23 =	simm.s32 $0x1B8B  }
0xa2: {  	_ =	swait.ge [sflag:s23], $0x1  }
0xa3: {  	[sflag:s23] =	ssyncset.done $0x0  }
0xa4: {  	s25 =	simm.s32 $0x1B8E;
	s24 =	sld [smem:$0x3FFE];
	[sflag:s23] =	ssyncadd.s32 $0xFFFFFFFF  }
0xa5: {  	s26 =	simm.s32 $execute0_lowered;
	[smem:$0x3FD2] =	sst s25  }
0xa6: {  	s4 =	sshll.u32 s26, $0x1;
	_ =	strace $0x80000049;
	[dreg:$0x1] =	wrdreg $0xFFFFFFFF  }
0xa7: {  	s28 =	simm.s32 $_size_execute0_lowered;
	s2 =	sadd.s32 s2, s4;
	[dreg:$0x0] =	wrdreg $0x0  }
0xa8: {  	s4 =	sshll.u32 s28, $0x1;
	[dreg:$0x2] =	wrdreg s2  }
0xa9: {  	[dreg:$0x3] =	wrdreg s4  }
0xaa: {  	[dreg:$0x4] =	wrdreg $0xC0  }
0xab: {  	_ =	task [dreg:s6], $0x5FFFF  }
0xac: {  	[dreg:$0x1] =	wrdreg $0xFFFFFFFF  }
0xad: {  	[dreg:$0x0] =	wrdreg $0x60  }
0xae: {  	[dreg:$0x2] =	wrdreg s24  }
0xaf: {  	[dreg:$0x3] =	wrdreg $0xAA000  }
0xb0: {  	[dreg:$0x4] =	wrdreg $0x9  }
0xb1: {  	_ =	task.clear_ibuf [dreg:s6], $0x5FFFF;
	_ =	strace $0x90000049  }
0xb2: {  	s29 =	simm.s32 $0x9;
	_ =	strace $0x8000004B  }
0xb3: {  	_ =	swait.ge [sflag:s29], $0x1  }
0xb4: {  	[sflag:s29] =	ssyncadd.s32 $0xFFFFFFFF  }
0xb5: {  	_ =	strace $0x9000004B  }
0xb6: {  	_ =	sfence  }
0xb7: {  	s30 =	sld [smem:$0x0];
	_ =	sdelay $0x2  }
0xb8: {  	s31 =	sshll.u32 s1, $0xD;
	s1 =	sshrl.u32 s1, $0x2  }
0xb9: {  	s3 =	sand.u32 $0x4000, s31;
	s1 =	sadd.s32 s1, s30  }
0xba: {  	s0 =	sor.u32 s3, s0;
	s1 =	sshll.u32 s1, $0x11  }
0xbb: {  	s0 =	sor.u32 s1, s0  }
0xbc: {  	s0 =	sadd.s32 $0x8F2B, s0  }
0xbd: {  	[sflag:s0] =	ssyncadd.remote.s32 $0x1  }
0xbe: {  	_ =	sfence.sel $0xFFFF  }
0xbf: {  	[dreg:$0x0] =	wrdreg $0xFFFFFFFF;
	(pc) =	sbr.abs _section_cstart, $3  }
0xc0: {  	[dreg:$0x1] =	wrdreg $0xFFFFFFFF  }
0xc1: {  	_ =	task.clear_ibuf [dreg:s6], $0x2FFFF;
	_ =	strace $0x9FFFFFFF  }
0xc2: {  	(tm) =	ssettm $0x7FFFFFFF  }
0xc3: {  	_ =	shalt  }
tec
execute0_lowered:
.L_overlay_start_1:
0x0: {  	(tag) =	ssettag $0x1  }
0x1: {  	s0 =	rddreg [dreg:$0x0]  }
0x2: {  	s1 =	rddreg [dreg:$0x1]  }
0x3: {  	s2 =	simm.s32 $0x0;
	s15 =	srdreg.scid;
	s12 =	stileid.u32  }
0x4: {  	s28 =	simm.s32 $0x3;
	[smem:$0x7FF] =	sst s2;
	s4 =	sadd.s32 $0x21000, s0  }
0x5: {  	s5 =	sadd.s32 $0x48200, s0;
	s6 =	sadd.s32 $0xD400, s0;
	s7 =	sadd.s32 $0x17200, s0  }
0x6: {  	s2 =	sand.u32 $0x1, s15;
	s3 =	sshll.u32 s12, $0x1;
	s26 =	smul.u32 $0x5000, s12  }
0x7: {  	s8 =	sadd.s32 $0x3600, s0;
	s18 =	ssub.s32 $0x109, s12;
	s30 =	smul.u32 $0x280, s12  }
0x8: {  	s15 =	simm.s32 $0x12;
	_ =	strace $0x8000004A;
	s10 =	smul.u32 $0x27100, s2  }
0x9: {  	s11 =	ssub.s32 $0x2, s2;
	s2 =	sor.u32 s2, s3;
	s13 =	sshrl.u32 s18, $0x4  }
0xa: {  	s18 =	simm.s32 $0x9;
	s16 =	sshrl.u32 s11, $0x1;
	s9 =	smul.u32 $0x2710, s2  }
0xb: {  	s31 =	sshrl.u32 s26, $0x2;
	[dreg:$0x3] =	wrdreg s13;
	s26 =	simm.s32 $0x6  }
0xc: {  	s0 =	sadd.s32 s10, s0;
	s17 =	ssub.s32 s11, s16;
	s16 =	simm.s32 $0x11  }
0xd: {  	s19 =	sshrl.u32 s9, $0x3;
	s20 =	sadd.s32 $0x28, s9;
	s2 =	smax.u32 s17, $0x1  }
0xe: {  	s0 =	sadd.s32 s30, s0;
	s21 =	sadd.s32 s6, s19;
	[dreg:$0xc] =	wrdreg s2  }
0xf: {  	s22 =	sadd.s32 s7, s19;
	s10 =	sshrl.u32 s20, $0x3;
	[dreg:$0x4] =	wrdreg s21  }
0x10: {  	s25 =	sadd.s32 $0xA, s19;
	s3 =	sadd.s32 s8, s19;
	[dreg:$0x5] =	wrdreg s22  }
0x11: {  	s19 =	sadd.s32 $0xF0, s9;
	s0 =	sadd.s32 $0x58200, s0;
	[dreg:$0xa] =	wrdreg s3  }
0x12: {  	s20 =	simm.s32 $0xD;
	s23 =	sadd.s32 s6, s10;
	[dreg:$0xd] =	wrdreg s0  }
0x13: {  	s2 =	simm.s32 $0x0;
	s24 =	sadd.s32 s7, s10;
	[dreg:$0x6] =	wrdreg s23  }
0x14: {  	s14 =	sadd.s32 s6, s25;
	s11 =	sadd.s32 s7, s25;
	[dreg:$0x7] =	wrdreg s24  }
0x15: {  	s29 =	sadd.s32 s8, s10;
	s21 =	smul.u32 $0x50000, s13;
	[dreg:$0x8] =	wrdreg s14  }
0x16: {  	s22 =	sadd.s32 s31, s1;
	s25 =	simm.s32 $0x1;
	[dreg:$0x9] =	wrdreg s11  }
0x17: {  	s10 =	simm.s32 $0xA;
	s13 =	simm.s32 $0xE;
	[dreg:$0xb] =	wrdreg s29  }
0x18: {  	v0 =	vimm.f32 $0.0e+00;
	s24 =	simm.s32 $0xA600;
	s11 =	simm.s32 $0x28;
	s23 =	simm.s32 $0x5  }
.LBB2_1:
0x19: {  	[tilespmem:$0xA600] =	vst v0  }
0x1a: {  	[tilespmem:$0xA610] =	vst v0  }
0x1b: {  	[tilespmem:$0xA620] =	vst v0  }
0x1c: {  	[tilespmem:$0xA630] =	vst v0  }
0x1d: {  	[tilespmem:$0xA640] =	vst v0  }
0x1e: {  	[tilespmem:$0xA650] =	vst v0  }
0x1f: {  	[tilespmem:$0xA660] =	vst v0  }
0x20: {  	[tilespmem:$0xA670] =	vst v0  }
0x21: {  	[tilespmem:$0xA680] =	vst v0  }
0x22: {  	[tilespmem:$0xA690] =	vst v0  }
0x23: {  	[tilespmem:$0xA6A0] =	vst v0  }
0x24: {  	[tilespmem:$0xA6B0] =	vst v0  }
0x25: {  	[tilespmem:$0xA6C0] =	vst v0  }
0x26: {  	[tilespmem:$0xA6D0] =	vst v0  }
0x27: {  	[tilespmem:$0xA6E0] =	vst v0  }
0x28: {  	[tilespmem:$0xA6F0] =	vst v0  }
0x29: {  	[tilespmem:$0xA700] =	vst v0  }
0x2a: {  	[tilespmem:$0xA710] =	vst v0  }
0x2b: {  	[tilespmem:$0xA720] =	vst v0  }
0x2c: {  	[tilespmem:$0xA730] =	vst v0  }
0x2d: {  	[tilespmem:$0xA740] =	vst v0  }
0x2e: {  	[tilespmem:$0xA750] =	vst v0  }
0x2f: {  	[tilespmem:$0xA760] =	vst v0  }
0x30: {  	[tilespmem:$0xA770] =	vst v0  }
0x31: {  	[tilespmem:$0xA780] =	vst v0  }
0x32: {  	[tilespmem:$0xA790] =	vst v0  }
0x33: {  	[tilespmem:$0xA7A0] =	vst v0  }
0x34: {  	[tilespmem:$0xA7B0] =	vst v0  }
0x35: {  	[tilespmem:$0xA7C0] =	vst v0  }
0x36: {  	[tilespmem:$0xA7D0] =	vst v0  }
0x37: {  	[tilespmem:$0xA7E0] =	vst v0  }
0x38: {  	[tilespmem:$0xA7F0] =	vst v0  }
0x39: {  	[tilespmem:$0xA800] =	vst v0  }
0x3a: {  	[tilespmem:$0xA810] =	vst v0  }
0x3b: {  	[tilespmem:$0xA820] =	vst v0  }
0x3c: {  	[tilespmem:$0xA830] =	vst v0  }
0x3d: {  	[tilespmem:$0xA840] =	vst v0  }
0x3e: {  	[tilespmem:$0xA850] =	vst v0  }
0x3f: {  	[tilespmem:$0xA860] =	vst v0  }
0x40: {  	[tilespmem:$0xA870] =	vst v0  }
0x41: {  	[tilespmem:$0xA880] =	vst v0  }
0x42: {  	[tilespmem:$0xA890] =	vst v0  }
0x43: {  	[tilespmem:$0xA8A0] =	vst v0  }
0x44: {  	[tilespmem:$0xA8B0] =	vst v0  }
0x45: {  	[tilespmem:$0xA8C0] =	vst v0  }
0x46: {  	[tilespmem:$0xA8D0] =	vst v0  }
0x47: {  	[tilespmem:$0xA8E0] =	vst v0  }
0x48: {  	[tilespmem:$0xA8F0] =	vst v0  }
0x49: {  	[tilespmem:$0xA900] =	vst v0  }
0x4a: {  	[tilespmem:$0xA910] =	vst v0  }
0x4b: {  	[tilespmem:$0xA920] =	vst v0  }
0x4c: {  	[tilespmem:$0xA930] =	vst v0  }
0x4d: {  	[tilespmem:$0xA940] =	vst v0  }
0x4e: {  	[tilespmem:$0xA950] =	vst v0  }
0x4f: {  	[tilespmem:$0xA960] =	vst v0  }
0x50: {  	[tilespmem:$0xA970] =	vst v0  }
0x51: {  	[tilespmem:$0xA980] =	vst v0  }
0x52: {  	[tilespmem:$0xA990] =	vst v0  }
0x53: {  	[tilespmem:$0xA9A0] =	vst v0;
	p1 =	sne.s32 s21, $0x50000  }
.Ltmp0:
0x54: {  	[tilespmem:$0xA9B0] =	vst v0;
	(pc) =	sbr.rel @!p1 .LBB2_4-.Ltmp0, $4  }
0x55: {  	[tilespmem:$0xA9C0] =	vst v0  }
0x56: {  	[tilespmem:$0xA9D0] =	vst v0  }
0x57: {  	[tilespmem:$0xA9E0] =	vst v0  }
0x58: {  	[dreg:$0xe] =	wrdreg s2;
	[tilespmem:$0xA9F0] =	vst v0;
	s2 =	simm.s32 $0x0;
	p0 =	por $0x0, $0x0  }
0x59: {  	s0 =	sadd.s32 $0x0, s22  }
0x5a: {  	[spmem:s0] =	stream.linear.scatter [tilespmem:s24], [sflag:$0x1], $0x400, $0x38;
	[tilespmem:$0x1E280] =	vst v63  }
0x5b: {  	s2 =	sadd.s32 $0x400, s0  }
0x5c: {  	[spmem:s2] =	stream.linear.scatter [tilespmem:s24], [sflag:$0x1], $0x400, $0x38;
	[tilespmem:$0x1E280] =	vst v63  }
0x5d: {  	s30 =	sadd.s32 $0x800, s0  }
0x5e: {  	[spmem:s30] =	stream.linear.scatter [tilespmem:s24], [sflag:$0x1], $0x400, $0x38;
	[tilespmem:$0x1E280] =	vst v63  }
0x5f: {  	s31 =	sadd.s32 $0xC00, s0  }
0x60: {  	[spmem:s31] =	stream.linear.scatter [tilespmem:s24], [sflag:$0x1], $0x400, $0x38;
	[tilespmem:$0x1E280] =	vst v63  }
0x61: {  	s0 =	sadd.s32 $0x1000, s0  }
0x62: {  	[spmem:s0] =	stream.linear.scatter [tilespmem:s24], [sflag:$0x1], $0x400, $0x38;
	[tilespmem:$0x1E280] =	vst v63  }
0x63: {  	_ =	swait.ge [sflag:s25], $0x400  }
0x64: {  	[sflag:s25] =	ssyncset.done $0x0  }
0x65: {  	[sflag:s25] =	ssyncadd.s32 $0xFFFFFC00  }
0x66: {  	_ =	swait.ge [sflag:s25], $0x400  }
0x67: {  	[sflag:s25] =	ssyncset.done $0x0  }
0x68: {  	[sflag:s25] =	ssyncadd.s32 $0xFFFFFC00  }
0x69: {  	_ =	swait.ge [sflag:s25], $0x400  }
0x6a: {  	[sflag:s25] =	ssyncset.done $0x0  }
0x6b: {  	p1 =	sne.s32 s21, $0xA0000;
	[sflag:s25] =	ssyncadd.s32 $0xFFFFFC00  }
.Ltmp1:
0x6c: {  	_ =	swait.ge [sflag:s25], $0x400;
	(pc) =	sbr.rel @!p1 .LBB2_4-.Ltmp1, $4  }
0x6d: {  	[sflag:s25] =	ssyncset.done $0x0  }
0x6e: {  	[sflag:s25] =	ssyncadd.s32 $0xFFFFFC00  }
0x6f: {  	p0 =	por $0x1, $0x1;
	_ =	swait.ge [sflag:s25], $0x400  }
0x70: {  	s2 =	simm.s32 $0x14000;
	s0 =	simm.s32 $0xA0000;
	[sflag:s25] =	ssyncset.done $0x0  }
.LBB2_3:
0x71: {  	s2 =	sadd.s32 s2, s22  }
0x72: {  	[sflag:s25] =	ssyncadd.s32 $0xFFFFFC00;
	s12 =	smov.u32 s0;
	s0 =	sadd.s32 $0x50000, s0  }
0x73: {  	[spmem:s2] =	stream.linear.scatter [tilespmem:s24], [sflag:$0x1], $0x400, $0x38;
	[tilespmem:$0x1E280] =	vst v63  }
0x74: {  	p1 =	sne.s32 s21, s0;
	s14 =	sadd.s32 $0x400, s2  }
0x75: {  	[spmem:s14] =	stream.linear.scatter [tilespmem:s24], [sflag:$0x1], $0x400, $0x38;
	[tilespmem:$0x1E280] =	vst v63  }
0x76: {  	s14 =	sadd.s32 $0x800, s2  }
0x77: {  	[spmem:s14] =	stream.linear.scatter [tilespmem:s24], [sflag:$0x1], $0x400, $0x38;
	[tilespmem:$0x1E280] =	vst v63  }
0x78: {  	s14 =	sadd.s32 $0xC00, s2  }
0x79: {  	[spmem:s14] =	stream.linear.scatter [tilespmem:s24], [sflag:$0x1], $0x400, $0x38;
	[tilespmem:$0x1E280] =	vst v63  }
0x7a: {  	s2 =	sadd.s32 $0x1000, s2  }
0x7b: {  	[spmem:s2] =	stream.linear.scatter [tilespmem:s24], [sflag:$0x1], $0x400, $0x38;
	[tilespmem:$0x1E280] =	vst v63  }
0x7c: {  	_ =	swait.ge [sflag:s25], $0x400  }
0x7d: {  	[sflag:s25] =	ssyncset.done $0x0  }
0x7e: {  	[sflag:s25] =	ssyncadd.s32 $0xFFFFFC00  }
0x7f: {  	_ =	swait.ge [sflag:s25], $0x400  }
0x80: {  	[sflag:s25] =	ssyncset.done $0x0  }
0x81: {  	[sflag:s25] =	ssyncadd.s32 $0xFFFFFC00  }
0x82: {  	_ =	swait.ge [sflag:s25], $0x400  }
0x83: {  	[sflag:s25] =	ssyncset.done $0x0  }
0x84: {  	[sflag:s25] =	ssyncadd.s32 $0xFFFFFC00  }
.Ltmp2:
0x85: {  	_ =	swait.ge [sflag:s25], $0x400;
	(pc) =	sbr.rel @p1 .LBB2_3-.Ltmp2, $4  }
0x86: {  	[sflag:s25] =	ssyncset.done $0x0  }
0x87: {  	[sflag:s25] =	ssyncadd.s32 $0xFFFFFC00  }
0x88: {  	_ =	swait.ge [sflag:s25], $0x400  }
0x89: {  	s2 =	sshra.s32 s12, $0x2;
	[sflag:s25] =	ssyncset.done $0x0  }
.LBB2_4:
0x8a: {  	s0 =	sadd.s32 s2, s22;
	[sflag:s25] =	ssyncadd.s32 @p0 $0xFFFFFC00  }
0x8b: {  	[spmem:s0] =	stream.linear.scatter [tilespmem:s24], [sflag:$0x1], $0x400, $0x38;
	[tilespmem:$0x1E280] =	vst v63  }
0x8c: {  	s2 =	sadd.s32 $0x400, s0  }
0x8d: {  	[spmem:s2] =	stream.linear.scatter [tilespmem:s24], [sflag:$0x1], $0x400, $0x38;
	[tilespmem:$0x1E280] =	vst v63  }
0x8e: {  	s3 =	sadd.s32 $0x800, s0  }
0x8f: {  	[spmem:s3] =	stream.linear.scatter [tilespmem:s24], [sflag:$0x1], $0x400, $0x38;
	[tilespmem:$0x1E280] =	vst v63  }
0x90: {  	s12 =	sadd.s32 $0xC00, s0  }
0x91: {  	[spmem:s12] =	stream.linear.scatter [tilespmem:s24], [sflag:$0x1], $0x400, $0x38;
	[tilespmem:$0x1E280] =	vst v63  }
0x92: {  	s0 =	sadd.s32 $0x1000, s0  }
0x93: {  	[spmem:s0] =	stream.linear.scatter [tilespmem:s24], [sflag:$0x1], $0x400, $0x38;
	[tilespmem:$0x1E280] =	vst v63  }
0x94: {  	_ =	swait.ge [sflag:s25], $0x400  }
0x95: {  	[sflag:s25] =	ssyncset.done $0x0  }
0x96: {  	[sflag:s25] =	ssyncadd.s32 $0xFFFFFC00  }
0x97: {  	_ =	swait.ge [sflag:s25], $0x400  }
0x98: {  	[sflag:s25] =	ssyncset.done $0x0  }
0x99: {  	[sflag:s25] =	ssyncadd.s32 $0xFFFFFC00  }
0x9a: {  	_ =	swait.ge [sflag:s25], $0x400  }
0x9b: {  	[sflag:s25] =	ssyncset.done $0x0  }
0x9c: {  	[sflag:s25] =	ssyncadd.s32 $0xFFFFFC00  }
0x9d: {  	_ =	swait.ge [sflag:s25], $0x400  }
0x9e: {  	[sflag:s25] =	ssyncset.done $0x0  }
0x9f: {  	[sflag:s25] =	ssyncadd.s32 $0xFFFFFC00  }
0xa0: {  	_ =	swait.ge [sflag:s25], $0x400  }
0xa1: {  	[sflag:s25] =	ssyncset.done $0x0  }
0xa2: {  	[sflag:s25] =	ssyncadd.s32 $0xFFFFFC00  }
0xa3: {  	[bflag:$0x0] =	sbarrier.arrive $0xFFFF  }
0xa4: {  	s12 =	simm.s32 $0x0;
	s14 =	rddreg [dreg:$0x4]  }
0xa5: {  	[tilespmem:s12], [sflag:$0x1] =	stream.linear.gather [hbm4b:s14+s12], $0x28, $0x38;
	[tilespmem:$0x1E280] =	vst v63  }
0xa6: {  	s2 =	simm.s32 $0x200;
	s17 =	rddreg [dreg:$0x5]  }
0xa7: {  	[tilespmem:s2], [sflag:$0x1] =	stream.linear.gather [hbm4b:s17+s12], $0x28, $0x38;
	[tilespmem:$0x1E280] =	vst v63  }
0xa8: {  	s3 =	simm.s32 $0x80;
	s29 =	rddreg [dreg:$0x6]  }
0xa9: {  	[tilespmem:s3], [sflag:$0x2] =	stream.linear.gather [hbm4b:s29+s12], $0x28, $0x38;
	[tilespmem:$0x1E280] =	vst v63  }
0xaa: {  	s30 =	rddreg [dreg:$0x7];
	s14 =	simm.s32 $0x280  }
0xab: {  	[tilespmem:s14], [sflag:$0x2] =	stream.linear.gather [hbm4b:s30+s12], $0x28, $0x38;
	[tilespmem:$0x1E280] =	vst v63  }
0xac: {  	s31 =	rddreg [dreg:$0x8];
	s17 =	simm.s32 $0x100  }
0xad: {  	[tilespmem:s17], [sflag:$0x3] =	stream.linear.gather [hbm4b:s31+s12], $0x28, $0x38;
	[tilespmem:$0x1E280] =	vst v63  }
0xae: {  	s29 =	simm.s32 $0x300;
	s17 =	rddreg [dreg:$0x9]  }
0xaf: {  	[tilespmem:s29], [sflag:$0x3] =	stream.linear.gather [hbm4b:s17+s12], $0x28, $0x38;
	[tilespmem:$0x1E280] =	vst v63  }
0xb0: {  	s30 =	rddreg [dreg:$0xa];
	s31 =	simm.s32 $0x400  }
0xb1: {  	[tilespmem:s31], [sflag:$0x5] =	stream.linear.gather [hbm4b:s30+s12], $0x28, $0x38;
	[tilespmem:$0x1E280] =	vst v63  }
0xb2: {  	s29 =	rddreg [dreg:$0xb];
	s30 =	simm.s32 $0x480  }
0xb3: {  	[tilespmem:s30], [sflag:$0x6] =	stream.linear.gather [hbm4b:s29+s12], $0x28, $0x38;
	[tilespmem:$0x1E280] =	vst v63  }
0xb4: {  	_ =	swait.ge [sflag:s25], $0x28  }
0xb5: {  	[sflag:s25] =	ssyncset.done $0x0  }
0xb6: {  	[sflag:s25] =	ssyncadd.s32 $0xFFFFFFD8  }
0xb7: {  	_ =	swait.ge [sflag:s25], $0x28  }
0xb8: {  	[sflag:s25] =	ssyncset.done $0x0  }
0xb9: {  	s31 =	simm.s32 $0x600;
	[sflag:s25] =	ssyncadd.s32 $0xFFFFFFD8  }
0xba: {  	[tilespmem:s31], [sflag:$0x9] =	stream.indirect.gather [hbm4b:s4+s11], $0x80, s12, s11, $0xb8;
	[tilespmem:$0x1E280] =	vst v63  }
0xbb: {  	s17 =	simm.s32 $0x5600;
	s29 =	simm.s32 $0x2  }
0xbc: {  	[tilespmem:s17], [sflag:$0xD] =	stream.indirect.gather [hbm4b:s5+s11], $0x80, s2, s11, $0xb8;
	[tilespmem:$0x1E280] =	vst v63  }
0xbd: {  	_ =	swait.ge [sflag:s29], $0x28  }
0xbe: {  	[sflag:s29] =	ssyncset.done $0x0  }
0xbf: {  	[sflag:s29] =	ssyncadd.s32 $0xFFFFFFD8  }
0xc0: {  	_ =	swait.ge [sflag:s29], $0x28  }
.Ltmp3:
0xc1: {  	[sflag:s29] =	ssyncset.done $0x0;
	(pc) =	sbr.rel .LBB2_5-.Ltmp3, $4  }
0xc2: {  	s30 =	simm.s32 $0x1A00;
	[sflag:s29] =	ssyncadd.s32 $0xFFFFFFD8  }
0xc3: {  	[tilespmem:s30], [sflag:$0xA] =	stream.indirect.gather [hbm4b:s4+s11], $0x80, s3, s11, $0xb8;
	[tilespmem:$0x1E280] =	vst v63  }
0xc4: {  	s31 =	simm.s32 $0x6A00  }
0xc5: {  	[tilespmem:s31], [sflag:$0xE] =	stream.indirect.gather [hbm4b:s5+s11], $0x80, s14, s11, $0xb8;
	[tilespmem:$0x1E280] =	vst v63  }
.LBB2_20:
0xc6: {  	s12 =	sadd.s32 $0x1, s12  }
0xc7: {  	p0 =	sne.s32 s12, $0x3F  }
.Ltmp4:
0xc8: {  	_ = 	snop;
	(pc) =	sbr.rel @!p0 .LBB2_21-.Ltmp4, $1  }
0xc9: {  	_ =	sdelay $0x3  }
.LBB2_5:
0xca: {  	s2 =	sshll.u32 s12, $0x2;
	p1 =	seq.s32 s12, $0x0  }
0xcb: {  	s0 =	sor.u32 @!p1 $0x2, s2  }
0xcc: {  	p0 =	sgt.u32 @!p1 s0, $0xF9  }
0xcd: {  	p0 =	por p1, !p0  }
.Ltmp5:
0xce: {  	_ = 	snop;
	(pc) =	sbr.rel @!p0 .LBB2_6-.Ltmp5, $4  }
0xcf: {  	s14 =	simm.s32 @!p1 $0x13  }
0xd0: {  	_ =	swait.ge @!p1 [sflag:s14], $0x1400  }
0xd1: {  	[sflag:s14] =	ssyncset.done @!p1 $0x0  }
0xd2: {  	[sflag:s14] =	ssyncadd.s32 @!p1 $0xFFFFEC00  }
0xd3: {  	s0 =	simm.s32 @p1 $0x2  }
0xd4: {  	s0 =	smul.u32 $0x28, s0  }
0xd5: {  	s14 =	smul.u32 $0xA0, s12  }
0xd6: {  	s0 =	sadd.s32 s9, s0  }
0xd7: {  	s3 =	simm.s32 $0x0;
	s14 =	sadd.s32 $0x78, s14;
	s0 =	sshrl.u32 s0, $0x3  }
0xd8: {  	s17 =	simm.s32 $0x500;
	s29 =	sadd.s32 s9, s14;
	s0 =	sadd.s32 s8, s0  }
0xd9: {  	[tilespmem:s17], [sflag:$0x7] =	stream.linear.gather [hbm4b:s0+s3], $0x28, $0x38;
	[tilespmem:$0x1E280] =	vst v63  }
0xda: {  	s0 =	sshrl.u32 s29, $0x3  }
0xdb: {  	s29 =	simm.s32 $0x180;
	s30 =	sadd.s32 s6, s0  }
0xdc: {  	[tilespmem:s29], [sflag:$0x4] =	stream.linear.gather [hbm4b:s30+s3], $0x28, $0x38;
	[tilespmem:$0x1E280] =	vst v63  }
0xdd: {  	s31 =	simm.s32 $0x380;
	s0 =	sadd.s32 s7, s0  }
0xde: {  	[tilespmem:s31], [sflag:$0x4] =	stream.linear.gather [hbm4b:s0+s3], $0x28, $0x38;
	[tilespmem:$0x1E280] =	vst v63  }
0xdf: {  	_ =	swait.ge [sflag:s28], $0x28  }
0xe0: {  	[sflag:s28] =	ssyncset.done $0x0  }
0xe1: {  	[sflag:s28] =	ssyncadd.s32 $0xFFFFFFD8  }
0xe2: {  	_ =	swait.ge [sflag:s28], $0x28  }
.Ltmp6:
0xe3: {  	[sflag:s28] =	ssyncset.done $0x0;
	(pc) =	sbr.rel .LBB2_8-.Ltmp6, $4  }
0xe4: {  	s17 =	simm.s32 $0x100;
	s29 =	simm.s32 $0x2E00;
	[sflag:s28] =	ssyncadd.s32 $0xFFFFFFD8  }
0xe5: {  	[tilespmem:s29], [sflag:$0xB] =	stream.indirect.gather [hbm4b:s4+s11], $0x80, s17, s11, $0xb8;
	[tilespmem:$0x1E280] =	vst v63  }
0xe6: {  	p0 =	por $0x1, $0x1;
	s30 =	simm.s32 $0x300;
	s31 =	simm.s32 $0x7E00  }
0xe7: {  	[tilespmem:s31], [sflag:$0xF] =	stream.indirect.gather [hbm4b:s5+s11], $0x80, s30, s11, $0xb8;
	[tilespmem:$0x1E280] =	vst v63  }
.LBB2_6:
0xe8: {  	s14 =	simm.s32 @!p1 $0x2738;
	p0 =	por @!p1 $0x0, $0x0  }
.LBB2_8:
0xe9: {  	_ =	swait.ge [sflag:s18], $0x1400  }
0xea: {  	[sflag:s18] =	ssyncset.done $0x0  }
0xeb: {  	[sflag:s18] =	ssyncadd.s32 $0xFFFFEC00  }
0xec: {  	_ =	swait.ge [sflag:s20], $0x1400  }
0xed: {  	[sflag:s20] =	ssyncset.done $0x0  }
0xee: {  	s17 =	simm.s32 $0x0;
	[sflag:s20] =	ssyncadd.s32 $0xFFFFEC00  }
0xef: {  	v7 =	vld [tilespmem:s17+$0x5600]  }
0xf0: {  	v12 =	vld [tilespmem:s17+$0x5610]  }
0xf1: {  	v6 =	vld [tilespmem:s17+$0x5620]  }
0xf2: {  	v5 =	vld [tilespmem:s17+$0x5630]  }
0xf3: {  	v4 =	vld [tilespmem:s17+$0x5640]  }
0xf4: {  	v3 =	vld [tilespmem:s17+$0x5650]  }
0xf5: {  	v2 =	vld [tilespmem:s17+$0x5660]  }
0xf6: {  	v1 =	vld [tilespmem:s17+$0x5670]  }
0xf7: {  	v13 =	vld [tilespmem:s17+$0x600]  }
0xf8: {  	v14 =	vld [tilespmem:s17+$0x610]  }
0xf9: {  	v11 =	vld [tilespmem:s17+$0x620]  }
0xfa: {  	v10 =	vld [tilespmem:s17+$0x630]  }
0xfb: {  	v9 =	vld [tilespmem:s17+$0x640]  }
0xfc: {  	v8 =	vld [tilespmem:s17+$0x650];
	v13 =	vadd.f32 v7, v13  }
0xfd: {  	s29 =	simm.s32 $0x200;
	v12 =	vadd.f32 v12, v14;
	v7 =	vld [tilespmem:s17+$0x660]  }
.LBB2_9:
0xfe: {  	s0 =	sshra.s32 s29, $0x2;
	p2 =	sne.s32 s29, $0x4E00;
	v13 =	vmax.f32 v13, $0.0e+00;
	v6 =	vadd.f32 v6, v11;
	v11 =	vld [tilespmem:s17+$0x670]  }
0xff: {  	v14 =	vld [tilespmem:s0+$0x5600];
	[tilespmem:s17+$0x600] =	vst v13;
	v12 =	vmax.f32 v12, $0.0e+00;
	v5 =	vadd.f32 v5, v10  }
0x100: {  	v15 =	vld [tilespmem:s0+$0x5610];
	[tilespmem:s17+$0x610] =	vst v12;
	v10 =	vmax.f32 v6, $0.0e+00;
	v4 =	vadd.f32 v4, v9  }
0x101: {  	v6 =	vld [tilespmem:s0+$0x5620];
	[tilespmem:s17+$0x620] =	vst v10;
	v9 =	vmax.f32 v5, $0.0e+00;
	v3 =	vadd.f32 v3, v8  }
0x102: {  	v5 =	vld [tilespmem:s0+$0x5630];
	[tilespmem:s17+$0x630] =	vst v9;
	v8 =	vmax.f32 v4, $0.0e+00;
	v2 =	vadd.f32 v2, v7  }
0x103: {  	v4 =	vld [tilespmem:s0+$0x5640];
	[tilespmem:s17+$0x640] =	vst v8;
	v7 =	vmax.f32 v3, $0.0e+00;
	v1 =	vadd.f32 v1, v11  }
0x104: {  	v3 =	vld [tilespmem:s0+$0x5650];
	[tilespmem:s17+$0x650] =	vst v7;
	v7 =	vmax.f32 v2, $0.0e+00  }
0x105: {  	v2 =	vld [tilespmem:s0+$0x5660];
	[tilespmem:s17+$0x660] =	vst v7;
	v7 =	vmax.f32 v1, $0.0e+00  }
0x106: {  	v1 =	vld [tilespmem:s0+$0x5670];
	[tilespmem:s17+$0x670] =	vst v7;
	s17 =	smov.u32 s0  }
0x107: {  	v7 =	vld [tilespmem:s17+$0x600]  }
0x108: {  	v12 =	vld [tilespmem:s17+$0x610]  }
.Ltmp7:
0x109: {  	v11 =	vld [tilespmem:s17+$0x620];
	(pc) =	sbr.rel @p2 .LBB2_9-.Ltmp7, $4  }
0x10a: {  	v10 =	vld [tilespmem:s17+$0x630]  }
0x10b: {  	v9 =	vld [tilespmem:s17+$0x640]  }
0x10c: {  	v13 =	vadd.f32 v14, v7;
	v8 =	vld [tilespmem:s17+$0x650]  }
0x10d: {  	s29 =	sadd.s32 $0x200, s29;
	v12 =	vadd.f32 v15, v12;
	v7 =	vld [tilespmem:s17+$0x660]  }
0x10e: {  	v13 =	vmax.f32 v13, $0.0e+00;
	v6 =	vadd.f32 v6, v11;
	v11 =	vld [tilespmem:s17+$0x670]  }
0x10f: {  	[tilespmem:s17+$0x600] =	vst v13;
	v12 =	vmax.f32 v12, $0.0e+00;
	v5 =	vadd.f32 v5, v10  }
0x110: {  	[tilespmem:s17+$0x610] =	vst v12;
	v6 =	vmax.f32 v6, $0.0e+00;
	v4 =	vadd.f32 v4, v9  }
0x111: {  	[tilespmem:s17+$0x620] =	vst v6;
	v5 =	vmax.f32 v5, $0.0e+00;
	v3 =	vadd.f32 v3, v8  }
0x112: {  	[tilespmem:s17+$0x630] =	vst v5;
	v4 =	vmax.f32 v4, $0.0e+00;
	v2 =	vadd.f32 v2, v7  }
0x113: {  	[tilespmem:s17+$0x640] =	vst v4;
	v3 =	vmax.f32 v3, $0.0e+00;
	v1 =	vadd.f32 v1, v11  }
0x114: {  	[tilespmem:s17+$0x650] =	vst v3;
	v2 =	vmax.f32 v2, $0.0e+00  }
0x115: {  	[tilespmem:s17+$0x660] =	vst v2;
	v1 =	vmax.f32 v1, $0.0e+00  }
0x116: {  	[tilespmem:s17+$0x670] =	vst v1  }
0x117: {  	_ =	swait.ge [sflag:s23], $0x28  }
0x118: {  	[sflag:s23] =	ssyncset.done $0x0  }
0x119: {  	s0 =	simm.s32 $0x400;
	s3 =	simm.s32 $0x600;
	[sflag:s23] =	ssyncadd.s32 $0xFFFFFFD8  }
0x11a: {  	[spmem:s1] =	stream.indirect.scatter.add.f32 [tilespmem:s3], [sflag:$0x11], $0x80, s0, s11, $0xb8;
	[tilespmem:$0x1E280] =	vst v63  }
0x11b: {  	s0 =	simm.s32 @!p1 $0x14  }
0x11c: {  	s14 =	sadd.s32 @p0 s9, s14;
	_ =	swait.ge @!p1 [sflag:s0], $0x1400  }
0x11d: {  	s2 =	sadd.s32 $0x4, s2;
	s17 =	simm.s32 @p0 $0x580;
	[sflag:s0] =	ssyncset.done @!p1 $0x0  }
0x11e: {  	[sflag:s0] =	ssyncadd.s32 @!p1 $0xFFFFEC00;
	s0 =	sshrl.u32 @p0 s14, $0x3;
	p1 =	seq.s32 s12, $0x3E  }
0x11f: {  	s14 =	simm.s32 @p0 $0x0;
	s0 =	sadd.s32 @p0 s8, s0;
	s2 =	smul.u32 @!p1 $0x28, s2  }
0x120: {  	[tilespmem:s17], [sflag:$0x8] =	stream.linear.gather @p0 [hbm4b:s0+s14], $0x28, $0x38;
	[tilespmem:$0x1E280] =	vst v63  }
0x121: {  	s0 =	sadd.s32 @!p1 s9, s2  }
0x122: {  	s2 =	sshrl.u32 @!p1 s0, $0x3  }
0x123: {  	s14 =	simm.s32 @!p1 $0x0;
	s0 =	sadd.s32 @!p1 s6, s2  }
0x124: {  	[tilespmem:s14], [sflag:$0x1] =	stream.linear.gather @!p1 [hbm4b:s0+s14], $0x28, $0x38;
	[tilespmem:$0x1E280] =	vst v63  }
0x125: {  	s17 =	simm.s32 @!p1 $0x200;
	s0 =	sadd.s32 @!p1 s7, s2  }
0x126: {  	[tilespmem:s17], [sflag:$0x1] =	stream.linear.gather @!p1 [hbm4b:s0+s14], $0x28, $0x38;
	[tilespmem:$0x1E280] =	vst v63  }
0x127: {  	s0 =	simm.s32 @p0 $0x4  }
0x128: {  	_ =	swait.ge @p0 [sflag:s0], $0x28  }
0x129: {  	[sflag:s0] =	ssyncset.done @p0 $0x0  }
0x12a: {  	[sflag:s0] =	ssyncadd.s32 @p0 $0xFFFFFFD8  }
0x12b: {  	_ =	swait.ge @p0 [sflag:s0], $0x28  }
0x12c: {  	s14 =	simm.s32 @p0 $0x180;
	[sflag:s0] =	ssyncset.done @p0 $0x0  }
0x12d: {  	s17 =	simm.s32 @p0 $0x4200;
	[sflag:s0] =	ssyncadd.s32 @p0 $0xFFFFFFD8;
	s0 =	simm.s32 @p0 $0x28  }
0x12e: {  	[tilespmem:s17], [sflag:$0xC] =	stream.indirect.gather @p0 [hbm4b:s4+s0], $0x80, s14, s0, $0xb8;
	[tilespmem:$0x1E280] =	vst v63  }
0x12f: {  	s14 =	simm.s32 @p0 $0x380;
	s17 =	simm.s32 @p0 $0x9200  }
0x130: {  	[tilespmem:s17], [sflag:$0x10] =	stream.indirect.gather @p0 [hbm4b:s5+s0], $0x80, s14, s0, $0xb8;
	[tilespmem:$0x1E280] =	vst v63  }
0x131: {  	_ =	swait.ge [sflag:s10], $0x1400  }
0x132: {  	[sflag:s10] =	ssyncset.done $0x0  }
0x133: {  	[sflag:s10] =	ssyncadd.s32 $0xFFFFEC00  }
0x134: {  	_ =	swait.ge [sflag:s13], $0x1400  }
0x135: {  	[sflag:s13] =	ssyncset.done $0x0  }
0x136: {  	s14 =	simm.s32 $0x0;
	[sflag:s13] =	ssyncadd.s32 $0xFFFFEC00  }
0x137: {  	v7 =	vld [tilespmem:s14+$0x6A00]  }
0x138: {  	v12 =	vld [tilespmem:s14+$0x6A10]  }
0x139: {  	v6 =	vld [tilespmem:s14+$0x6A20]  }
0x13a: {  	v5 =	vld [tilespmem:s14+$0x6A30]  }
0x13b: {  	v4 =	vld [tilespmem:s14+$0x6A40]  }
0x13c: {  	v3 =	vld [tilespmem:s14+$0x6A50]  }
0x13d: {  	v2 =	vld [tilespmem:s14+$0x6A60]  }
0x13e: {  	v1 =	vld [tilespmem:s14+$0x6A70]  }
0x13f: {  	v13 =	vld [tilespmem:s14+$0x1A00]  }
0x140: {  	v14 =	vld [tilespmem:s14+$0x1A10]  }
0x141: {  	v11 =	vld [tilespmem:s14+$0x1A20]  }
0x142: {  	v10 =	vld [tilespmem:s14+$0x1A30]  }
0x143: {  	v9 =	vld [tilespmem:s14+$0x1A40]  }
0x144: {  	v8 =	vld [tilespmem:s14+$0x1A50];
	v13 =	vadd.f32 v7, v13  }
0x145: {  	s17 =	simm.s32 $0x200;
	v12 =	vadd.f32 v12, v14;
	v7 =	vld [tilespmem:s14+$0x1A60]  }
.LBB2_11:
0x146: {  	s0 =	sshra.s32 s17, $0x2;
	p2 =	sne.s32 s17, $0x4E00;
	v13 =	vmax.f32 v13, $0.0e+00;
	v6 =	vadd.f32 v6, v11;
	v11 =	vld [tilespmem:s14+$0x1A70]  }
0x147: {  	v14 =	vld [tilespmem:s0+$0x6A00];
	[tilespmem:s14+$0x1A00] =	vst v13;
	v12 =	vmax.f32 v12, $0.0e+00;
	v5 =	vadd.f32 v5, v10  }
0x148: {  	v15 =	vld [tilespmem:s0+$0x6A10];
	[tilespmem:s14+$0x1A10] =	vst v12;
	v10 =	vmax.f32 v6, $0.0e+00;
	v4 =	vadd.f32 v4, v9  }
0x149: {  	v6 =	vld [tilespmem:s0+$0x6A20];
	[tilespmem:s14+$0x1A20] =	vst v10;
	v9 =	vmax.f32 v5, $0.0e+00;
	v3 =	vadd.f32 v3, v8  }
0x14a: {  	v5 =	vld [tilespmem:s0+$0x6A30];
	[tilespmem:s14+$0x1A30] =	vst v9;
	v8 =	vmax.f32 v4, $0.0e+00;
	v2 =	vadd.f32 v2, v7  }
0x14b: {  	v4 =	vld [tilespmem:s0+$0x6A40];
	[tilespmem:s14+$0x1A40] =	vst v8;
	v7 =	vmax.f32 v3, $0.0e+00;
	v1 =	vadd.f32 v1, v11  }
0x14c: {  	v3 =	vld [tilespmem:s0+$0x6A50];
	[tilespmem:s14+$0x1A50] =	vst v7;
	v7 =	vmax.f32 v2, $0.0e+00  }
0x14d: {  	v2 =	vld [tilespmem:s0+$0x6A60];
	[tilespmem:s14+$0x1A60] =	vst v7;
	v7 =	vmax.f32 v1, $0.0e+00  }
0x14e: {  	v1 =	vld [tilespmem:s0+$0x6A70];
	[tilespmem:s14+$0x1A70] =	vst v7;
	s14 =	smov.u32 s0  }
0x14f: {  	v7 =	vld [tilespmem:s14+$0x1A00]  }
0x150: {  	v12 =	vld [tilespmem:s14+$0x1A10]  }
.Ltmp8:
0x151: {  	v11 =	vld [tilespmem:s14+$0x1A20];
	(pc) =	sbr.rel @p2 .LBB2_11-.Ltmp8, $4  }
0x152: {  	v10 =	vld [tilespmem:s14+$0x1A30]  }
0x153: {  	v9 =	vld [tilespmem:s14+$0x1A40]  }
0x154: {  	v13 =	vadd.f32 v14, v7;
	v8 =	vld [tilespmem:s14+$0x1A50]  }
0x155: {  	s17 =	sadd.s32 $0x200, s17;
	v12 =	vadd.f32 v15, v12;
	v7 =	vld [tilespmem:s14+$0x1A60]  }
0x156: {  	v13 =	vmax.f32 v13, $0.0e+00;
	v6 =	vadd.f32 v6, v11;
	v63 =	vld [tilespmem:s14+$0x1A70]  }
0x157: {  	[tilespmem:s14+$0x1A00] =	vst v13;
	v12 =	vmax.f32 v12, $0.0e+00;
	v5 =	vadd.f32 v5, v10  }
0x158: {  	[tilespmem:s14+$0x1A10] =	vst v12;
	v6 =	vmax.f32 v6, $0.0e+00;
	v4 =	vadd.f32 v4, v9  }
0x159: {  	[tilespmem:s14+$0x1A20] =	vst v6;
	v5 =	vmax.f32 v5, $0.0e+00;
	v3 =	vadd.f32 v3, v8  }
0x15a: {  	[tilespmem:s14+$0x1A30] =	vst v5;
	v4 =	vmax.f32 v4, $0.0e+00;
	v2 =	vadd.f32 v2, v7  }
0x15b: {  	[tilespmem:s14+$0x1A40] =	vst v4;
	v3 =	vmax.f32 v3, $0.0e+00;
	v1 =	vadd.f32 v1, v63  }
0x15c: {  	[tilespmem:s14+$0x1A50] =	vst v3;
	v2 =	vmax.f32 v2, $0.0e+00  }
0x15d: {  	[tilespmem:s14+$0x1A60] =	vst v2;
	v1 =	vmax.f32 v1, $0.0e+00  }
0x15e: {  	[tilespmem:s14+$0x1A70] =	vst v1  }
0x15f: {  	_ =	swait.ge [sflag:s26], $0x28  }
0x160: {  	s0 =	simm.s32 $0x480;
	[sflag:s26] =	ssyncset.done $0x0  }
0x161: {  	s3 =	simm.s32 $0x1A00;
	s14 =	smul.u32 @!p1 $0xA0, s12;
	[sflag:s26] =	ssyncadd.s32 $0xFFFFFFD8  }
0x162: {  	[spmem:s1] =	stream.indirect.scatter.add.f32 [tilespmem:s3], [sflag:$0x12], $0x80, s0, s11, $0xb8;
	[tilespmem:$0x1E280] =	vst v63  }
0x163: {  	_ =	swait.ge [sflag:s16], $0x1400  }
0x164: {  	s17 =	simm.s32 @!p1 $0x0;
	s31 =	sadd.s32 @!p1 $0xC8, s14;
	[sflag:s16] =	ssyncset.done $0x0  }
0x165: {  	s0 =	sadd.s32 @!p1 s8, s2;
	s2 =	simm.s32 @!p1 $0x400;
	[sflag:s16] =	ssyncadd.s32 $0xFFFFEC00  }
0x166: {  	[tilespmem:s2], [sflag:$0x5] =	stream.linear.gather @!p1 [hbm4b:s0+s17], $0x28, $0x38;
	[tilespmem:$0x1E280] =	vst v63  }
0x167: {  	s0 =	sadd.s32 @!p1 s9, s31  }
0x168: {  	s0 =	sshrl.u32 @!p1 s0, $0x3  }
0x169: {  	s14 =	simm.s32 @!p1 $0x80;
	s2 =	sadd.s32 @!p1 s6, s0  }
0x16a: {  	[tilespmem:s14], [sflag:$0x2] =	stream.linear.gather @!p1 [hbm4b:s2+s17], $0x28, $0x38;
	[tilespmem:$0x1E280] =	vst v63  }
0x16b: {  	s0 =	sadd.s32 @!p1 s7, s0;
	s2 =	simm.s32 @!p1 $0x280  }
0x16c: {  	[tilespmem:s2], [sflag:$0x2] =	stream.linear.gather @!p1 [hbm4b:s0+s17], $0x28, $0x38;
	[tilespmem:$0x1E280] =	vst v63  }
0x16d: {  	s0 =	simm.s32 @!p1 $0x1  }
0x16e: {  	_ =	swait.ge @!p1 [sflag:s0], $0x28  }
0x16f: {  	[sflag:s0] =	ssyncset.done @!p1 $0x0  }
0x170: {  	[sflag:s0] =	ssyncadd.s32 @!p1 $0xFFFFFFD8  }
0x171: {  	_ =	swait.ge @!p1 [sflag:s0], $0x28  }
.Ltmp9:
0x172: {  	[sflag:s0] =	ssyncset.done @!p1 $0x0;
	(pc) =	sbr.rel @!p0 .LBB2_16-.Ltmp9, $4  }
0x173: {  	s30 =	simm.s32 @!p1 $0x28;
	[sflag:s0] =	ssyncadd.s32 @!p1 $0xFFFFFFD8;
	s0 =	simm.s32 @!p1 $0x600  }
0x174: {  	[tilespmem:s0], [sflag:$0x9] =	stream.indirect.gather @!p1 [hbm4b:s4+s30], $0x80, s17, s30, $0xb8;
	[tilespmem:$0x1E280] =	vst v63  }
0x175: {  	s29 =	simm.s32 @!p1 $0x5600;
	s0 =	simm.s32 @!p1 $0x200  }
0x176: {  	[tilespmem:s29], [sflag:$0xD] =	stream.indirect.gather @!p1 [hbm4b:s5+s30], $0x80, s0, s30, $0xb8;
	[tilespmem:$0x1E280] =	vst v63  }
0x177: {  	s0 =	simm.s32 $0xB  }
0x178: {  	_ =	swait.ge [sflag:s0], $0x1400  }
0x179: {  	[sflag:s0] =	ssyncset.done $0x0  }
0x17a: {  	s3 =	simm.s32 $0xF;
	[sflag:s0] =	ssyncadd.s32 $0xFFFFEC00  }
0x17b: {  	_ =	swait.ge [sflag:s3], $0x1400  }
0x17c: {  	[sflag:s3] =	ssyncset.done $0x0  }
0x17d: {  	s29 =	simm.s32 $0x0;
	[sflag:s3] =	ssyncadd.s32 $0xFFFFEC00  }
0x17e: {  	v7 =	vld [tilespmem:s29+$0x7E00]  }
0x17f: {  	v12 =	vld [tilespmem:s29+$0x7E10]  }
0x180: {  	v6 =	vld [tilespmem:s29+$0x7E20]  }
0x181: {  	v5 =	vld [tilespmem:s29+$0x7E30]  }
0x182: {  	v4 =	vld [tilespmem:s29+$0x7E40]  }
0x183: {  	v3 =	vld [tilespmem:s29+$0x7E50]  }
0x184: {  	v2 =	vld [tilespmem:s29+$0x7E60]  }
0x185: {  	v1 =	vld [tilespmem:s29+$0x7E70]  }
0x186: {  	v13 =	vld [tilespmem:s29+$0x2E00]  }
0x187: {  	v14 =	vld [tilespmem:s29+$0x2E10]  }
0x188: {  	v11 =	vld [tilespmem:s29+$0x2E20]  }
0x189: {  	v10 =	vld [tilespmem:s29+$0x2E30]  }
0x18a: {  	v9 =	vld [tilespmem:s29+$0x2E40]  }
0x18b: {  	v8 =	vld [tilespmem:s29+$0x2E50];
	v13 =	vadd.f32 v7, v13  }
0x18c: {  	s0 =	simm.s32 $0x200;
	v12 =	vadd.f32 v12, v14;
	v7 =	vld [tilespmem:s29+$0x2E60]  }
.LBB2_14:
0x18d: {  	s3 =	sshra.s32 s0, $0x2;
	p2 =	sne.s32 s0, $0x4E00;
	v13 =	vmax.f32 v13, $0.0e+00;
	v6 =	vadd.f32 v6, v11;
	v11 =	vld [tilespmem:s29+$0x2E70]  }
0x18e: {  	v14 =	vld [tilespmem:s3+$0x7E00];
	[tilespmem:s29+$0x2E00] =	vst v13;
	v12 =	vmax.f32 v12, $0.0e+00;
	v5 =	vadd.f32 v5, v10  }
0x18f: {  	v15 =	vld [tilespmem:s3+$0x7E10];
	[tilespmem:s29+$0x2E10] =	vst v12;
	v10 =	vmax.f32 v6, $0.0e+00;
	v4 =	vadd.f32 v4, v9  }
0x190: {  	v6 =	vld [tilespmem:s3+$0x7E20];
	[tilespmem:s29+$0x2E20] =	vst v10;
	v9 =	vmax.f32 v5, $0.0e+00;
	v3 =	vadd.f32 v3, v8  }
0x191: {  	v5 =	vld [tilespmem:s3+$0x7E30];
	[tilespmem:s29+$0x2E30] =	vst v9;
	v8 =	vmax.f32 v4, $0.0e+00;
	v2 =	vadd.f32 v2, v7  }
0x192: {  	v4 =	vld [tilespmem:s3+$0x7E40];
	[tilespmem:s29+$0x2E40] =	vst v8;
	v7 =	vmax.f32 v3, $0.0e+00;
	v1 =	vadd.f32 v1, v11  }
0x193: {  	v3 =	vld [tilespmem:s3+$0x7E50];
	[tilespmem:s29+$0x2E50] =	vst v7;
	v7 =	vmax.f32 v2, $0.0e+00  }
0x194: {  	v2 =	vld [tilespmem:s3+$0x7E60];
	[tilespmem:s29+$0x2E60] =	vst v7;
	v7 =	vmax.f32 v1, $0.0e+00  }
0x195: {  	v1 =	vld [tilespmem:s3+$0x7E70];
	[tilespmem:s29+$0x2E70] =	vst v7;
	s29 =	smov.u32 s3  }
0x196: {  	v7 =	vld [tilespmem:s29+$0x2E00]  }
0x197: {  	v12 =	vld [tilespmem:s29+$0x2E10]  }
.Ltmp10:
0x198: {  	v11 =	vld [tilespmem:s29+$0x2E20];
	(pc) =	sbr.rel @p2 .LBB2_14-.Ltmp10, $4  }
0x199: {  	v10 =	vld [tilespmem:s29+$0x2E30]  }
0x19a: {  	v9 =	vld [tilespmem:s29+$0x2E40]  }
0x19b: {  	v13 =	vadd.f32 v14, v7;
	v8 =	vld [tilespmem:s29+$0x2E50]  }
0x19c: {  	s0 =	sadd.s32 $0x200, s0;
	v12 =	vadd.f32 v15, v12;
	v7 =	vld [tilespmem:s29+$0x2E60]  }
0x19d: {  	v13 =	vmax.f32 v13, $0.0e+00;
	v6 =	vadd.f32 v6, v11;
	v63 =	vld [tilespmem:s29+$0x2E70]  }
0x19e: {  	[tilespmem:s29+$0x2E00] =	vst v13;
	v12 =	vmax.f32 v12, $0.0e+00;
	v5 =	vadd.f32 v5, v10  }
0x19f: {  	[tilespmem:s29+$0x2E10] =	vst v12;
	v6 =	vmax.f32 v6, $0.0e+00;
	v4 =	vadd.f32 v4, v9  }
0x1a0: {  	[tilespmem:s29+$0x2E20] =	vst v6;
	v5 =	vmax.f32 v5, $0.0e+00;
	v3 =	vadd.f32 v3, v8  }
0x1a1: {  	[tilespmem:s29+$0x2E30] =	vst v5;
	v4 =	vmax.f32 v4, $0.0e+00;
	v2 =	vadd.f32 v2, v7  }
0x1a2: {  	[tilespmem:s29+$0x2E40] =	vst v4;
	v3 =	vmax.f32 v3, $0.0e+00;
	v1 =	vadd.f32 v1, v63  }
0x1a3: {  	[tilespmem:s29+$0x2E50] =	vst v3;
	v2 =	vmax.f32 v2, $0.0e+00  }
0x1a4: {  	[tilespmem:s29+$0x2E60] =	vst v2;
	v1 =	vmax.f32 v1, $0.0e+00  }
0x1a5: {  	s0 =	simm.s32 $0x7;
	[tilespmem:s29+$0x2E70] =	vst v1  }
0x1a6: {  	_ =	swait.ge [sflag:s0], $0x28  }
0x1a7: {  	[sflag:s0] =	ssyncset.done $0x0  }
0x1a8: {  	s3 =	simm.s32 $0x2E00;
	s29 =	simm.s32 $0x500;
	[sflag:s0] =	ssyncadd.s32 $0xFFFFFFD8  }
0x1a9: {  	[spmem:s1] =	stream.indirect.scatter.add.f32 [tilespmem:s3], [sflag:$0x13], $0x80, s29, s11, $0xb8;
	[tilespmem:$0x1E280] =	vst v63  }
.LBB2_16:
0x1aa: {  	s31 =	simm.s32 @p1 $0x2788;
	_ =	swait.ge [sflag:s15], $0x1400  }
0x1ab: {  	p2 =	sgt.u32 @!p1 s12, $0x3C;
	s3 =	simm.s32 @!p1 $0x480;
	s0 =	sadd.s32 @!p1 s9, s31  }
0x1ac: {  	[sflag:s15] =	ssyncset.done $0x0;
	p2 =	por p2, p1;
	s0 =	sshrl.u32 @!p1 s0, $0x3  }
0x1ad: {  	[sflag:s15] =	ssyncadd.s32 $0xFFFFEC00;
	s29 =	smul.u32 @!p2 $0xA0, s12;
	s0 =	sadd.s32 @!p1 s8, s0  }
0x1ae: {  	[tilespmem:s3], [sflag:$0x6] =	stream.linear.gather @!p1 [hbm4b:s0+s17], $0x28, $0x38;
	[tilespmem:$0x1E280] =	vst v63  }
0x1af: {  	s0 =	sadd.s32 @!p2 s29, s19  }
0x1b0: {  	s0 =	sshrl.u32 @!p2 s0, $0x3  }
0x1b1: {  	s17 =	simm.s32 @!p2 $0x0;
	s29 =	simm.s32 @!p2 $0x100;
	s3 =	sadd.s32 @!p2 s6, s0  }
0x1b2: {  	[tilespmem:s29], [sflag:$0x3] =	stream.linear.gather @!p2 [hbm4b:s3+s17], $0x28, $0x38;
	[tilespmem:$0x1E280] =	vst v63  }
0x1b3: {  	s0 =	sadd.s32 @!p2 s7, s0;
	s3 =	simm.s32 @!p2 $0x300  }
0x1b4: {  	[tilespmem:s3], [sflag:$0x3] =	stream.linear.gather @!p2 [hbm4b:s0+s17], $0x28, $0x38;
	[tilespmem:$0x1E280] =	vst v63  }
0x1b5: {  	s0 =	simm.s32 @!p1 $0x2  }
0x1b6: {  	_ =	swait.ge @!p1 [sflag:s0], $0x28  }
0x1b7: {  	[sflag:s0] =	ssyncset.done @!p1 $0x0  }
0x1b8: {  	[sflag:s0] =	ssyncadd.s32 @!p1 $0xFFFFFFD8  }
0x1b9: {  	_ =	swait.ge @!p1 [sflag:s0], $0x28  }
.Ltmp11:
0x1ba: {  	[sflag:s0] =	ssyncset.done @!p1 $0x0;
	(pc) =	sbr.rel @!p0 .LBB2_20-.Ltmp11, $4  }
0x1bb: {  	[sflag:s0] =	ssyncadd.s32 @!p1 $0xFFFFFFD8;
	s0 =	simm.s32 @!p1 $0x1A00  }
0x1bc: {  	[tilespmem:s0], [sflag:$0xA] =	stream.indirect.gather @!p1 [hbm4b:s4+s30], $0x80, s14, s30, $0xb8;
	[tilespmem:$0x1E280] =	vst v63  }
0x1bd: {  	s0 =	simm.s32 @!p1 $0x6A00  }
0x1be: {  	[tilespmem:s0], [sflag:$0xE] =	stream.indirect.gather @!p1 [hbm4b:s5+s30], $0x80, s2, s30, $0xb8;
	[tilespmem:$0x1E280] =	vst v63  }
0x1bf: {  	s0 =	simm.s32 $0xC  }
0x1c0: {  	_ =	swait.ge [sflag:s0], $0x1400  }
0x1c1: {  	[sflag:s0] =	ssyncset.done $0x0  }
0x1c2: {  	s31 =	simm.s32 $0x10;
	[sflag:s0] =	ssyncadd.s32 $0xFFFFEC00  }
0x1c3: {  	_ =	swait.ge [sflag:s31], $0x1400  }
0x1c4: {  	[sflag:s31] =	ssyncset.done $0x0  }
0x1c5: {  	s2 =	simm.s32 $0x0;
	[sflag:s31] =	ssyncadd.s32 $0xFFFFEC00  }
0x1c6: {  	v7 =	vld [tilespmem:s2+$0x9200]  }
0x1c7: {  	v12 =	vld [tilespmem:s2+$0x9210]  }
0x1c8: {  	v6 =	vld [tilespmem:s2+$0x9220]  }
0x1c9: {  	v5 =	vld [tilespmem:s2+$0x9230]  }
0x1ca: {  	v4 =	vld [tilespmem:s2+$0x9240]  }
0x1cb: {  	v3 =	vld [tilespmem:s2+$0x9250]  }
0x1cc: {  	v2 =	vld [tilespmem:s2+$0x9260]  }
0x1cd: {  	v1 =	vld [tilespmem:s2+$0x9270]  }
0x1ce: {  	v13 =	vld [tilespmem:s2+$0x4200]  }
0x1cf: {  	v14 =	vld [tilespmem:s2+$0x4210]  }
0x1d0: {  	v11 =	vld [tilespmem:s2+$0x4220]  }
0x1d1: {  	v10 =	vld [tilespmem:s2+$0x4230]  }
0x1d2: {  	v9 =	vld [tilespmem:s2+$0x4240]  }
0x1d3: {  	v8 =	vld [tilespmem:s2+$0x4250];
	v13 =	vadd.f32 v7, v13  }
0x1d4: {  	s0 =	simm.s32 $0x200;
	v12 =	vadd.f32 v12, v14;
	v7 =	vld [tilespmem:s2+$0x4260]  }
.LBB2_18:
0x1d5: {  	s3 =	sshra.s32 s0, $0x2;
	p0 =	sne.s32 s0, $0x4E00;
	v13 =	vmax.f32 v13, $0.0e+00;
	v6 =	vadd.f32 v6, v11;
	v11 =	vld [tilespmem:s2+$0x4270]  }
0x1d6: {  	v14 =	vld [tilespmem:s3+$0x9200];
	[tilespmem:s2+$0x4200] =	vst v13;
	v12 =	vmax.f32 v12, $0.0e+00;
	v5 =	vadd.f32 v5, v10  }
0x1d7: {  	v15 =	vld [tilespmem:s3+$0x9210];
	[tilespmem:s2+$0x4210] =	vst v12;
	v10 =	vmax.f32 v6, $0.0e+00;
	v4 =	vadd.f32 v4, v9  }
0x1d8: {  	v6 =	vld [tilespmem:s3+$0x9220];
	[tilespmem:s2+$0x4220] =	vst v10;
	v9 =	vmax.f32 v5, $0.0e+00;
	v3 =	vadd.f32 v3, v8  }
0x1d9: {  	v5 =	vld [tilespmem:s3+$0x9230];
	[tilespmem:s2+$0x4230] =	vst v9;
	v8 =	vmax.f32 v4, $0.0e+00;
	v2 =	vadd.f32 v2, v7  }
0x1da: {  	v4 =	vld [tilespmem:s3+$0x9240];
	[tilespmem:s2+$0x4240] =	vst v8;
	v7 =	vmax.f32 v3, $0.0e+00;
	v1 =	vadd.f32 v1, v11  }
0x1db: {  	v3 =	vld [tilespmem:s3+$0x9250];
	[tilespmem:s2+$0x4250] =	vst v7;
	v7 =	vmax.f32 v2, $0.0e+00  }
0x1dc: {  	v2 =	vld [tilespmem:s3+$0x9260];
	[tilespmem:s2+$0x4260] =	vst v7;
	v7 =	vmax.f32 v1, $0.0e+00  }
0x1dd: {  	v1 =	vld [tilespmem:s3+$0x9270];
	[tilespmem:s2+$0x4270] =	vst v7;
	s2 =	smov.u32 s3  }
0x1de: {  	v7 =	vld [tilespmem:s2+$0x4200]  }
0x1df: {  	v12 =	vld [tilespmem:s2+$0x4210]  }
.Ltmp12:
0x1e0: {  	v11 =	vld [tilespmem:s2+$0x4220];
	(pc) =	sbr.rel @p0 .LBB2_18-.Ltmp12, $4  }
0x1e1: {  	v10 =	vld [tilespmem:s2+$0x4230]  }
0x1e2: {  	v9 =	vld [tilespmem:s2+$0x4240]  }
0x1e3: {  	v13 =	vadd.f32 v14, v7;
	v8 =	vld [tilespmem:s2+$0x4250]  }
0x1e4: {  	s0 =	sadd.s32 $0x200, s0;
	v12 =	vadd.f32 v15, v12;
	v7 =	vld [tilespmem:s2+$0x4260]  }
0x1e5: {  	v13 =	vmax.f32 v13, $0.0e+00;
	v6 =	vadd.f32 v6, v11;
	v63 =	vld [tilespmem:s2+$0x4270]  }
0x1e6: {  	[tilespmem:s2+$0x4200] =	vst v13;
	v12 =	vmax.f32 v12, $0.0e+00;
	v5 =	vadd.f32 v5, v10  }
0x1e7: {  	[tilespmem:s2+$0x4210] =	vst v12;
	v6 =	vmax.f32 v6, $0.0e+00;
	v4 =	vadd.f32 v4, v9  }
0x1e8: {  	[tilespmem:s2+$0x4220] =	vst v6;
	v5 =	vmax.f32 v5, $0.0e+00;
	v3 =	vadd.f32 v3, v8  }
0x1e9: {  	[tilespmem:s2+$0x4230] =	vst v5;
	v4 =	vmax.f32 v4, $0.0e+00;
	v2 =	vadd.f32 v2, v7  }
0x1ea: {  	[tilespmem:s2+$0x4240] =	vst v4;
	v3 =	vmax.f32 v3, $0.0e+00;
	v1 =	vadd.f32 v1, v63  }
0x1eb: {  	[tilespmem:s2+$0x4250] =	vst v3;
	v2 =	vmax.f32 v2, $0.0e+00  }
0x1ec: {  	[tilespmem:s2+$0x4260] =	vst v2;
	v1 =	vmax.f32 v1, $0.0e+00  }
.Ltmp13:
0x1ed: {  	s0 =	simm.s32 $0x8;
	[tilespmem:s2+$0x4270] =	vst v1;
	(pc) =	sbr.rel .LBB2_20-.Ltmp13, $4  }
0x1ee: {  	_ =	swait.ge [sflag:s0], $0x28  }
0x1ef: {  	[sflag:s0] =	ssyncset.done $0x0  }
0x1f0: {  	s30 =	simm.s32 $0x580;
	s31 =	simm.s32 $0x4200;
	[sflag:s0] =	ssyncadd.s32 $0xFFFFFFD8  }
0x1f1: {  	[spmem:s1] =	stream.indirect.scatter.add.f32 [tilespmem:s31], [sflag:$0x14], $0x80, s30, s11, $0xb8;
	[tilespmem:$0x1E280] =	vst v63  }
.LBB2_21:
0x1f2: {  	s0 =	stileid.u32  }
0x1f3: {  	[bflag:$0x0] =	sbarrier.arrive $0xFFFF;
	s0 =	sshll.u32 s0, $0x6  }
0x1f4: {  	s2 =	sshrl.u32 s22, $0x3;
	s14 =	rddreg [dreg:$0xd];
	s0 =	sor.u32 $0x1C05, s0  }
0x1f5: {  	[hbm:s14], [sflag:s0] =	dma.local [spmem:s2], $0x280  }
0x1f6: {  	s2 =	rddreg [dreg:$0x3]  }
0x1f7: {  	p0 =	sne.s32 s2, $0x1  }
.Ltmp14:
0x1f8: {  	_ = 	snop;
	(pc) =	sbr.rel @!p0 .LBB2_23-.Ltmp14, $2  }
0x1f9: {  	_ =	sdelay $0x2  }
0x1fa: {  	s12 =	sadd.s32 $0x14000, s22;
	s2 =	sadd.s32 $0xFFFFFFFF, s2  }
.LBB2_22:
0x1fb: {  	p1 =	sne.s32 s2, $0x1;
	s2 =	sadd.s32 $0xFFFFFFFF, s2  }
.Ltmp15:
0x1fc: {  	s3 =	sshrl.u32 s12, $0x3;
	s14 =	sadd.s32 $0x2800, s14;
	(pc) =	sbr.rel @p1 .LBB2_22-.Ltmp15, $3  }
0x1fd: {  	[hbm:s14], [sflag:s0] =	dma.local [spmem:s3], $0x280  }
0x1fe: {  	_ =	sdelay $0x1  }
0x1ff: {  	s12 =	sadd.s32 $0x14000, s12  }
.LBB2_23:
.Ltmp16:
0x200: {  	(pc) =	sbr.rel @!p0 .LBB2_25-.Ltmp16, $4  }
0x201: {  	_ = 	snop  }
0x202: {  	_ =	swait.ge [sflag:s23], $0x280  }
0x203: {  	s0 =	rddreg [dreg:$0x3]  }
0x204: {  	[sflag:s23] =	ssyncset.done $0x0;
	s0 =	sadd.s32 $0xFFFFFFFF, s0  }
.LBB2_24:
0x205: {  	p0 =	sne.s32 s0, $0x1;
	s0 =	sadd.s32 $0xFFFFFFFF, s0;
	[sflag:s23] =	ssyncadd.s32 $0xFFFFFD80  }
.Ltmp17:
0x206: {  	(pc) =	sbr.rel @p0 .LBB2_24-.Ltmp17, $3  }
0x207: {  	_ =	sdelay $0x1  }
0x208: {  	_ =	swait.ge [sflag:s23], $0x280  }
0x209: {  	[sflag:s23] =	ssyncset.done $0x0  }
.LBB2_25:
0x20a: {  	s2 =	rddreg [dreg:$0xe]  }
0x20b: {  	s0 =	rddreg [dreg:$0xc];
	s2 =	sadd.s32 $0x1, s2  }
0x20c: {  	p0 =	sne.s32 s2, s0  }
.Ltmp18:
0x20d: {  	_ = 	snop;
	(pc) =	sbr.rel @p0 .LBB2_1-.Ltmp18, $2  }
0x20e: {  	_ =	sdelay $0x2  }
0x20f: {  	[sflag:s23] =	ssyncadd.s32 $0xFFFFFD80  }
0x210: {  	_ =	sfence.sel $0x180000  }
0x211: {  	[bflag:$0x0] =	sbarrier.arrive $0xFFFF  }
0x212: {  	_ =	strace $0x9000004A  }
0x213: {  	s0 =	stileid.u32;
	[bflag:$0x2] =	sbarrier.arrive $0xFFFF  }
0x214: {  	p0 =	sne.s32 s0, $0x0;
	s0 =	rddreg [dreg:$0x2]  }
0x215: {  	s0 =	sadd.s32 @!p0 $0x100000, s0  }
0x216: {  	[sflag:s0] =	ssyncadd.tile.s32 @!p0 $0x1;
	_ =	shalt  }
.Lfunc_end2:
_tile_overlayer_lowered:
.L_overlay_start_2:
0x217: {  	(tag) =	ssettag $0x2  }
0x218: {  	s0 =	rddreg [dreg:$0x0];
	s2 =	stileid.u32  }
0x219: {  	s1 =	rddreg [dreg:$0x1];
	p0 =	sne.s32 s2, $0x0  }
0x21a: {  	s3 =	rddreg [dreg:$0x2];
	[bflag:$0x3] =	sbarrier.arrive $0xFFFF;
	s2 =	simm.s32 @!p0 $0x1C15  }
0x21b: {  	[timem:s3], [sflag:s2] =	dma.local @!p0 [hbm:s0], s1  }
0x21c: {  	s0 =	simm.s32 @!p0 $0x15  }
0x21d: {  	_ =	swait.ge @!p0 [sflag:s0], s1  }
0x21e: {  	s1 =	ssub.s32 @!p0 $0x0, s1;
	[sflag:s0] =	ssyncset.done @!p0 $0x0  }
0x21f: {  	[sflag:s0] =	ssyncadd.s32 @!p0 s1  }
0x220: {  	[bflag:$0x3] =	sbarrier.arrive $0xFFFF  }
0x221: {  	_ =	shalt  }

// kernel: kernel.7.cloned.1.call-start
scs
__scs_entry_jumppad:
0x0: {  	(pc) =	sbr.rel $0x88, $3  }
0x1: {  	(tag) =	ssettag $0x0;
	lr =	simm.s32 $0x1  }
0x2: {  	[smem:$0x3F8C] =	sst lr;
	_ =	strace $0xD0000000  }
0x3: {  	_ = 	snop  }
0x4: {  	_ = 	snop  }
0x5: {  	_ = 	snop  }
0x6: {  	_ = 	snop  }
0x7: {  	_ = 	snop  }
__scs_overlays_trampoline_lowered:
0x8: {  	[smem:$0x3F9B] =	sst s0  }
0x9: {  	[smem:$0x3F9C] =	sst s1  }
0xa: {  	[smem:$0x3F9D] =	sst s2  }
0xb: {  	[smem:$0x3F9E] =	sst s3  }
0xc: {  	[smem:$0x3F9F] =	sst s4  }
0xd: {  	[smem:$0x3FA0] =	sst s5  }
0xe: {  	[smem:$0x3FA1] =	sst s6  }
0xf: {  	[smem:$0x3FA2] =	sst s7  }
0x10: {  	[smem:$0x3FA3] =	sst s8  }
0x11: {  	[smem:$0x3FA4] =	sst s9;
	s0 =	simm.s32 @!p0 $0x0  }
0x12: {  	s1 =	sld [smem:$0x3F8A];
	s0 =	simm.s32 @p0 $0x1  }
0x13: {  	[smem:$0x3FA5] =	sst s0;
	s0 =	simm.s32 @!p1 $0x0  }
0x14: {  	s2 =	sld [smem:$0x3F89];
	s0 =	simm.s32 @p1 $0x1  }
0x15: {  	[smem:$0x3FA6] =	sst s0;
	s0 =	simm.s32 @!p2 $0x0  }
0x16: {  	s3 =	sld [smem:$0x3FDB];
	s0 =	simm.s32 @p2 $0x1  }
0x17: {  	s4 =	simm.s32 $0x1BF5;
	[smem:$0x3FA8] =	sst s0  }
0x18: {  	s0 =	sld [smem:$0x3F8B];
	_ =	swait.ge [sflag:s4], $0x0  }
0x19: {  	s7 =	sld [smem:$0x3F8C]  }
0x1a: {  	s8 =	sadd.s32 $0xFFFFE003, lr  }
0x1b: {  	s9 =	sadd.s32 $0xFFFFFEF7, lr;
	s5 =	simm.s32 $0xFFFFFFFF;
	p2 =	slt.u32 s8, $0xFFFFF086  }
0x1c: {  	p1 =	slt.u32 s9, $0xF7A;
	s5 =	simm.s32 @!p2 $0x0  }
0x1d: {  	s5 =	simm.s32 @p1 $0x1;
	p0 =	seq.s32 s7, s2  }
0x1e: {  	s7 =	smul.u32 @!p0 $0xF7A, s2;
	p2 =	seq.s32 @!p0 s5, $0x0  }
0x1f: {  	s9 =	smul.u32 $0xF7A, s1;
	s8 =	simm.s32 @!p0 $0x1BF5;
	p2 =	por !p2, p0  }
0x20: {  	[sflag:s8] =	ssyncset.s32 @!p0 $0xFFFFF086;
	s6 =	sadd.s32 @!p0 s3, s7;
	s7 =	simm.s32 @!p0 $0x108  }
0x21: {  	s3 =	sadd.s32 s3, s9;
	s6 =	sadd.s32 @!p0 $0x88, s6;
	s7 =	simm.s32 @p2 $0x1082  }
0x22: {  	[simem:s7], [sflag:s8] =	dma.local @!p0 [hbm:s6], $0xF7A  }
0x23: {  	s9 =	sor.u32 $0xD0000000, s2;
	s6 =	simm.s32 $0x108;
	_ =	swait.ge @!p0 [sflag:s8], $0x0  }
0x24: {  	s3 =	sadd.s32 $0x88, s3;
	s6 =	simm.s32 @!p1 $0x1082;
	[sflag:s4] =	ssyncset.s32 $0xFFFFF086  }
0x25: {  	[simem:s6], [sflag:s4] =	dma.local [hbm:s3], $0xF7A  }
0x26: {  	[smem:$0x3F8C] =	sst s1;
	(tag) =	ssettag s2;
	_ =	strace s9  }
0x27: {  	s1 =	sld [smem:$0x3F9C]  }
0x28: {  	s2 =	sld [smem:$0x3F9D]  }
0x29: {  	s4 =	sld [smem:$0x3F9F]  }
0x2a: {  	p0 =	seq.s32 s5, $0x0;
	s5 =	sld [smem:$0x3FA0]  }
0x2b: {  	s6 =	sld [smem:$0x3FA1]  }
0x2c: {  	s7 =	sld [smem:$0x3FA2]  }
0x2d: {  	s3 =	simm.s32 $0x108;
	s8 =	sld [smem:$0x3FA3]  }
0x2e: {  	s3 =	simm.s32 @!p0 $0x1082;
	s9 =	sld [smem:$0x3FA4]  }
0x2f: {  	lr =	sadd.s32 s0, s3;
	s0 =	sld [smem:$0x3F9B]  }
0x30: {  	s3 =	sld [smem:$0x3F9E]  }
0x31: {  	[smem:$0x3FA7] =	sst s10  }
0x32: {  	s10 =	sld [smem:$0x3FA5];
	_ =	sdelay $0x3  }
0x33: {  	p0 =	seq.s32 s10, $0x1;
	s10 =	sld [smem:$0x3FA7];
	_ =	sdelay $0x3  }
0x34: {  	[smem:$0x3FA7] =	sst s10  }
0x35: {  	s10 =	sld [smem:$0x3FA6];
	_ =	sdelay $0x3  }
0x36: {  	p1 =	seq.s32 s10, $0x1;
	s10 =	sld [smem:$0x3FA7];
	_ =	sdelay $0x3  }
0x37: {  	[smem:$0x3FA7] =	sst s10  }
0x38: {  	s10 =	sld [smem:$0x3FA8]  }
0x39: {  	_ = 	snop;
	(pc) =	sbr.ind lr, $3  }
0x3a: {  	_ = 	snop  }
0x3b: {  	_ = 	snop  }
0x3c: {  	p2 =	seq.s32 s10, $0x1;
	s10 =	sld [smem:$0x3FA7]  }
0x3d: {  	_ =	shalt  }
0x3e: {  	_ =	shalt  }
0x3f: {  	_ =	shalt  }
0x40: {  	_ =	shalt  }
0x41: {  	_ =	shalt  }
0x42: {  	_ =	shalt  }
0x43: {  	_ =	shalt  }
0x44: {  	_ =	shalt  }
0x45: {  	_ =	shalt  }
0x46: {  	_ =	shalt  }
0x47: {  	_ =	shalt  }
0x48: {  	_ =	shalt  }
0x49: {  	_ =	shalt  }
0x4a: {  	_ =	shalt  }
0x4b: {  	_ =	shalt  }
0x4c: {  	_ =	shalt  }
0x4d: {  	_ =	shalt  }
0x4e: {  	_ =	shalt  }
0x4f: {  	_ =	shalt  }
0x50: {  	_ =	shalt  }
0x51: {  	_ =	shalt  }
0x52: {  	_ =	shalt  }
0x53: {  	_ =	shalt  }
0x54: {  	_ =	shalt  }
0x55: {  	_ =	shalt  }
0x56: {  	_ =	shalt  }
0x57: {  	_ =	shalt  }
0x58: {  	_ =	shalt  }
0x59: {  	_ =	shalt  }
0x5a: {  	_ =	shalt  }
0x5b: {  	_ =	shalt  }
0x5c: {  	_ =	shalt  }
0x5d: {  	_ =	shalt  }
0x5e: {  	_ =	shalt  }
0x5f: {  	_ =	shalt  }
0x60: {  	_ =	shalt  }
0x61: {  	_ =	shalt  }
0x62: {  	_ =	shalt  }
0x63: {  	_ =	shalt  }
0x64: {  	_ =	shalt  }
0x65: {  	_ =	shalt  }
0x66: {  	_ =	shalt  }
0x67: {  	_ =	shalt  }
0x68: {  	_ =	shalt  }
0x69: {  	_ =	shalt  }
0x6a: {  	_ =	shalt  }
0x6b: {  	_ =	shalt  }
0x6c: {  	_ =	shalt  }
0x6d: {  	_ =	shalt  }
0x6e: {  	_ =	shalt  }
0x6f: {  	_ =	shalt  }
0x70: {  	_ =	shalt  }
0x71: {  	_ =	shalt  }
0x72: {  	_ =	shalt  }
0x73: {  	_ =	shalt  }
0x74: {  	_ =	shalt  }
0x75: {  	_ =	shalt  }
0x76: {  	_ =	shalt  }
0x77: {  	_ =	shalt  }
0x78: {  	_ =	shalt  }
0x79: {  	_ =	shalt  }
0x7a: {  	_ =	shalt  }
0x7b: {  	_ =	shalt  }
0x7c: {  	_ =	shalt  }
0x7d: {  	_ =	shalt  }
0x7e: {  	_ =	shalt  }
0x7f: {  	_ =	shalt  }
0x80: {  	_ =	shalt  }
0x81: {  	_ =	shalt  }
0x82: {  	_ =	shalt  }
0x83: {  	_ =	shalt  }
0x84: {  	_ =	shalt  }
0x85: {  	_ =	shalt  }
0x86: {  	_ =	shalt  }
0x87: {  	_ =	shalt  }
.Lfunc_end0:
.L_simem_size_0:
called_computation_lowered:
.L_overlay_start_0:
0x88: {  	s2 =	sld [smem:$0x3FD9]  }
0x89: {  	s3 =	sld [smem:$0x3FFE];
	_ =	sdelay $0x1  }
0x8a: {  	s1 =	srdreg.scid  }
0x8b: {  	s0 =	sand.u32 $0x1, s1  }
0x8c: {  	s16 =	sshll.u32 s0, $0xA;
	s2 =	sadd.s32 s3, s2  }
0x8d: {  	s2 =	sadd.s32 s2, s16  }
0x8e: {  	[smem:$0x3FB3] =	sst s2  }
0x8f: {  	_ = 	snop  }
0x90: {  	(tm) =	ssettm $0x1  }
0x91: {  	s17 =	sld [smem:$0x3FFB];
	_ =	sdelay $0x3  }
0x92: {  	_ =	strace s17  }
0x93: {  	s2 =	sld [smem:$0x3FFC];
	_ =	sdelay $0x3  }
0x94: {  	_ =	strace s2  }
0x95: {  	s2 =	sld [smem:$0x3FFD];
	_ =	sdelay $0x3  }
0x96: {  	_ =	strace s2  }
0x97: {  	_ =	strace $0x8FFFFFFF  }
0x98: {  	s18 =	sld [smem:$0x3FDB];
	_ =	sdelay $0x1  }
0x99: {  	s19 =	simm.s32 $_scs_section_size  }
0x9a: {  	s4 =	simm.s32 $_size__tile_overlayer_lowered;
	s5 =	simm.s32 $_tile_overlayer_lowered  }
0x9b: {  	s22 =	simm.s32 $0x1BFF;
	s21 =	sshll.u32 s5, $0x1;
	s2 =	sadd.s32 s19, s18  }
0x9c: {  	s6 =	simm.s32 $0x0;
	s20 =	sshll.u32 s4, $0x1;
	s4 =	sadd.s32 s21, s2  }
0x9d: {  	[timem:s6], [sflag:s22] =	dma.local [hbm:s4], s20  }
0x9e: {  	_ =	swait.ge [sflag:s22], s20  }
0x9f: {  	s3 =	ssub.s32 $0x0, s20;
	[sflag:s22] =	ssyncset.done $0x0  }
0xa0: {  	[sflag:s22] =	ssyncadd.s32 s3;
	_ =	sdelay $0x1  }
0xa1: {  	s23 =	simm.s32 $0x1B8B  }
0xa2: {  	_ =	swait.ge [sflag:s23], $0x1  }
0xa3: {  	[sflag:s23] =	ssyncset.done $0x0  }
0xa4: {  	s25 =	simm.s32 $0x1B8E;
	s24 =	sld [smem:$0x3FFE];
	[sflag:s23] =	ssyncadd.s32 $0xFFFFFFFF  }
0xa5: {  	s26 =	simm.s32 $execute0_lowered;
	[smem:$0x3FD2] =	sst s25  }
0xa6: {  	s4 =	sshll.u32 s26, $0x1;
	_ =	strace $0x80000046;
	[dreg:$0x1] =	wrdreg $0xFFFFFFFF  }
0xa7: {  	s28 =	simm.s32 $_size_execute0_lowered;
	s2 =	sadd.s32 s2, s4;
	[dreg:$0x0] =	wrdreg $0x0  }
0xa8: {  	s4 =	sshll.u32 s28, $0x1;
	[dreg:$0x2] =	wrdreg s2  }
0xa9: {  	[dreg:$0x3] =	wrdreg s4  }
0xaa: {  	[dreg:$0x4] =	wrdreg $0xC0  }
0xab: {  	_ =	task [dreg:s6], $0x5FFFF  }
0xac: {  	[dreg:$0x1] =	wrdreg $0xFFFFFFFF  }
0xad: {  	[dreg:$0x0] =	wrdreg $0x60  }
0xae: {  	[dreg:$0x2] =	wrdreg s24  }
0xaf: {  	[dreg:$0x3] =	wrdreg $0xAA000  }
0xb0: {  	[dreg:$0x4] =	wrdreg $0x9  }
0xb1: {  	_ =	task.clear_ibuf [dreg:s6], $0x5FFFF;
	_ =	strace $0x90000046  }
0xb2: {  	s29 =	simm.s32 $0x9;
	_ =	strace $0x80000048  }
0xb3: {  	_ =	swait.ge [sflag:s29], $0x1  }
0xb4: {  	[sflag:s29] =	ssyncadd.s32 $0xFFFFFFFF  }
0xb5: {  	_ =	strace $0x90000048  }
0xb6: {  	_ =	sfence  }
0xb7: {  	s30 =	sld [smem:$0x0];
	_ =	sdelay $0x2  }
0xb8: {  	s31 =	sshll.u32 s1, $0xD;
	s1 =	sshrl.u32 s1, $0x2  }
0xb9: {  	s3 =	sand.u32 $0x4000, s31;
	s1 =	sadd.s32 s1, s30  }
0xba: {  	s0 =	sor.u32 s3, s0;
	s1 =	sshll.u32 s1, $0x11  }
0xbb: {  	s0 =	sor.u32 s1, s0  }
0xbc: {  	s0 =	sadd.s32 $0x8F2B, s0  }
0xbd: {  	[sflag:s0] =	ssyncadd.remote.s32 $0x1  }
0xbe: {  	_ =	sfence.sel $0xFFFF  }
0xbf: {  	[dreg:$0x0] =	wrdreg $0xFFFFFFFF;
	(pc) =	sbr.abs _section_cstart, $3  }
0xc0: {  	[dreg:$0x1] =	wrdreg $0xFFFFFFFF  }
0xc1: {  	_ =	task.clear_ibuf [dreg:s6], $0x2FFFF;
	_ =	strace $0x9FFFFFFF  }
0xc2: {  	(tm) =	ssettm $0x7FFFFFFF  }
0xc3: {  	_ =	shalt  }
tec
execute0_lowered:
.L_overlay_start_1:
0x0: {  	(tag) =	ssettag $0x1  }
0x1: {  	s0 =	rddreg [dreg:$0x0]  }
0x2: {  	s1 =	rddreg [dreg:$0x1]  }
0x3: {  	s2 =	simm.s32 $0x0;
	s15 =	srdreg.scid;
	s12 =	stileid.u32  }
0x4: {  	s28 =	simm.s32 $0x3;
	[smem:$0x7FF] =	sst s2;
	s4 =	sadd.s32 $0x21000, s0  }
0x5: {  	s5 =	sadd.s32 $0x48200, s0;
	s6 =	sadd.s32 $0xD400, s0;
	s7 =	sadd.s32 $0x17200, s0  }
0x6: {  	s2 =	sand.u32 $0x1, s15;
	s3 =	sshll.u32 s12, $0x1;
	s26 =	smul.u32 $0x5000, s12  }
0x7: {  	s8 =	sadd.s32 $0x3600, s0;
	s18 =	ssub.s32 $0x109, s12;
	s30 =	smul.u32 $0x280, s12  }
0x8: {  	s15 =	simm.s32 $0x12;
	_ =	strace $0x80000047;
	s10 =	smul.u32 $0x27100, s2  }
0x9: {  	s11 =	ssub.s32 $0x2, s2;
	s2 =	sor.u32 s2, s3;
	s13 =	sshrl.u32 s18, $0x4  }
0xa: {  	s18 =	simm.s32 $0x9;
	s16 =	sshrl.u32 s11, $0x1;
	s9 =	smul.u32 $0x2710, s2  }
0xb: {  	s31 =	sshrl.u32 s26, $0x2;
	[dreg:$0x3] =	wrdreg s13;
	s26 =	simm.s32 $0x6  }
0xc: {  	s0 =	sadd.s32 s10, s0;
	s17 =	ssub.s32 s11, s16;
	s16 =	simm.s32 $0x11  }
0xd: {  	s19 =	sshrl.u32 s9, $0x3;
	s20 =	sadd.s32 $0x28, s9;
	s2 =	smax.u32 s17, $0x1  }
0xe: {  	s0 =	sadd.s32 s30, s0;
	s21 =	sadd.s32 s6, s19;
	[dreg:$0xc] =	wrdreg s2  }
0xf: {  	s22 =	sadd.s32 s7, s19;
	s10 =	sshrl.u32 s20, $0x3;
	[dreg:$0x4] =	wrdreg s21  }
0x10: {  	s25 =	sadd.s32 $0xA, s19;
	s3 =	sadd.s32 s8, s19;
	[dreg:$0x5] =	wrdreg s22  }
0x11: {  	s19 =	sadd.s32 $0xF0, s9;
	s0 =	sadd.s32 $0x58200, s0;
	[dreg:$0xa] =	wrdreg s3  }
0x12: {  	s20 =	simm.s32 $0xD;
	s23 =	sadd.s32 s6, s10;
	[dreg:$0xd] =	wrdreg s0  }
0x13: {  	s2 =	simm.s32 $0x0;
	s24 =	sadd.s32 s7, s10;
	[dreg:$0x6] =	wrdreg s23  }
0x14: {  	s14 =	sadd.s32 s6, s25;
	s11 =	sadd.s32 s7, s25;
	[dreg:$0x7] =	wrdreg s24  }
0x15: {  	s29 =	sadd.s32 s8, s10;
	s21 =	smul.u32 $0x50000, s13;
	[dreg:$0x8] =	wrdreg s14  }
0x16: {  	s22 =	sadd.s32 s31, s1;
	s25 =	simm.s32 $0x1;
	[dreg:$0x9] =	wrdreg s11  }
0x17: {  	s10 =	simm.s32 $0xA;
	s13 =	simm.s32 $0xE;
	[dreg:$0xb] =	wrdreg s29  }
0x18: {  	v0 =	vimm.f32 $0.0e+00;
	s24 =	simm.s32 $0xA600;
	s11 =	simm.s32 $0x28;
	s23 =	simm.s32 $0x5  }
.LBB2_1:
0x19: {  	[tilespmem:$0xA600] =	vst v0  }
0x1a: {  	[tilespmem:$0xA610] =	vst v0  }
0x1b: {  	[tilespmem:$0xA620] =	vst v0  }
0x1c: {  	[tilespmem:$0xA630] =	vst v0  }
0x1d: {  	[tilespmem:$0xA640] =	vst v0  }
0x1e: {  	[tilespmem:$0xA650] =	vst v0  }
0x1f: {  	[tilespmem:$0xA660] =	vst v0  }
0x20: {  	[tilespmem:$0xA670] =	vst v0  }
0x21: {  	[tilespmem:$0xA680] =	vst v0  }
0x22: {  	[tilespmem:$0xA690] =	vst v0  }
0x23: {  	[tilespmem:$0xA6A0] =	vst v0  }
0x24: {  	[tilespmem:$0xA6B0] =	vst v0  }
0x25: {  	[tilespmem:$0xA6C0] =	vst v0  }
0x26: {  	[tilespmem:$0xA6D0] =	vst v0  }
0x27: {  	[tilespmem:$0xA6E0] =	vst v0  }
0x28: {  	[tilespmem:$0xA6F0] =	vst v0  }
0x29: {  	[tilespmem:$0xA700] =	vst v0  }
0x2a: {  	[tilespmem:$0xA710] =	vst v0  }
0x2b: {  	[tilespmem:$0xA720] =	vst v0  }
0x2c: {  	[tilespmem:$0xA730] =	vst v0  }
0x2d: {  	[tilespmem:$0xA740] =	vst v0  }
0x2e: {  	[tilespmem:$0xA750] =	vst v0  }
0x2f: {  	[tilespmem:$0xA760] =	vst v0  }
0x30: {  	[tilespmem:$0xA770] =	vst v0  }
0x31: {  	[tilespmem:$0xA780] =	vst v0  }
0x32: {  	[tilespmem:$0xA790] =	vst v0  }
0x33: {  	[tilespmem:$0xA7A0] =	vst v0  }
0x34: {  	[tilespmem:$0xA7B0] =	vst v0  }
0x35: {  	[tilespmem:$0xA7C0] =	vst v0  }
0x36: {  	[tilespmem:$0xA7D0] =	vst v0  }
0x37: {  	[tilespmem:$0xA7E0] =	vst v0  }
0x38: {  	[tilespmem:$0xA7F0] =	vst v0  }
0x39: {  	[tilespmem:$0xA800] =	vst v0  }
0x3a: {  	[tilespmem:$0xA810] =	vst v0  }
0x3b: {  	[tilespmem:$0xA820] =	vst v0  }
0x3c: {  	[tilespmem:$0xA830] =	vst v0  }
0x3d: {  	[tilespmem:$0xA840] =	vst v0  }
0x3e: {  	[tilespmem:$0xA850] =	vst v0  }
0x3f: {  	[tilespmem:$0xA860] =	vst v0  }
0x40: {  	[tilespmem:$0xA870] =	vst v0  }
0x41: {  	[tilespmem:$0xA880] =	vst v0  }
0x42: {  	[tilespmem:$0xA890] =	vst v0  }
0x43: {  	[tilespmem:$0xA8A0] =	vst v0  }
0x44: {  	[tilespmem:$0xA8B0] =	vst v0  }
0x45: {  	[tilespmem:$0xA8C0] =	vst v0  }
0x46: {  	[tilespmem:$0xA8D0] =	vst v0  }
0x47: {  	[tilespmem:$0xA8E0] =	vst v0  }
0x48: {  	[tilespmem:$0xA8F0] =	vst v0  }
0x49: {  	[tilespmem:$0xA900] =	vst v0  }
0x4a: {  	[tilespmem:$0xA910] =	vst v0  }
0x4b: {  	[tilespmem:$0xA920] =	vst v0  }
0x4c: {  	[tilespmem:$0xA930] =	vst v0  }
0x4d: {  	[tilespmem:$0xA940] =	vst v0  }
0x4e: {  	[tilespmem:$0xA950] =	vst v0  }
0x4f: {  	[tilespmem:$0xA960] =	vst v0  }
0x50: {  	[tilespmem:$0xA970] =	vst v0  }
0x51: {  	[tilespmem:$0xA980] =	vst v0  }
0x52: {  	[tilespmem:$0xA990] =	vst v0  }
0x53: {  	[tilespmem:$0xA9A0] =	vst v0;
	p1 =	sne.s32 s21, $0x50000  }
.Ltmp0:
0x54: {  	[tilespmem:$0xA9B0] =	vst v0;
	(pc) =	sbr.rel @!p1 .LBB2_4-.Ltmp0, $4  }
0x55: {  	[tilespmem:$0xA9C0] =	vst v0  }
0x56: {  	[tilespmem:$0xA9D0] =	vst v0  }
0x57: {  	[tilespmem:$0xA9E0] =	vst v0  }
0x58: {  	[dreg:$0xe] =	wrdreg s2;
	[tilespmem:$0xA9F0] =	vst v0;
	s2 =	simm.s32 $0x0;
	p0 =	por $0x0, $0x0  }
0x59: {  	s0 =	sadd.s32 $0x0, s22  }
0x5a: {  	[spmem:s0] =	stream.linear.scatter [tilespmem:s24], [sflag:$0x1], $0x400, $0x38;
	[tilespmem:$0x1E280] =	vst v63  }
0x5b: {  	s2 =	sadd.s32 $0x400, s0  }
0x5c: {  	[spmem:s2] =	stream.linear.scatter [tilespmem:s24], [sflag:$0x1], $0x400, $0x38;
	[tilespmem:$0x1E280] =	vst v63  }
0x5d: {  	s30 =	sadd.s32 $0x800, s0  }
0x5e: {  	[spmem:s30] =	stream.linear.scatter [tilespmem:s24], [sflag:$0x1], $0x400, $0x38;
	[tilespmem:$0x1E280] =	vst v63  }
0x5f: {  	s31 =	sadd.s32 $0xC00, s0  }
0x60: {  	[spmem:s31] =	stream.linear.scatter [tilespmem:s24], [sflag:$0x1], $0x400, $0x38;
	[tilespmem:$0x1E280] =	vst v63  }
0x61: {  	s0 =	sadd.s32 $0x1000, s0  }
0x62: {  	[spmem:s0] =	stream.linear.scatter [tilespmem:s24], [sflag:$0x1], $0x400, $0x38;
	[tilespmem:$0x1E280] =	vst v63  }
0x63: {  	_ =	swait.ge [sflag:s25], $0x400  }
0x64: {  	[sflag:s25] =	ssyncset.done $0x0  }
0x65: {  	[sflag:s25] =	ssyncadd.s32 $0xFFFFFC00  }
0x66: {  	_ =	swait.ge [sflag:s25], $0x400  }
0x67: {  	[sflag:s25] =	ssyncset.done $0x0  }
0x68: {  	[sflag:s25] =	ssyncadd.s32 $0xFFFFFC00  }
0x69: {  	_ =	swait.ge [sflag:s25], $0x400  }
0x6a: {  	[sflag:s25] =	ssyncset.done $0x0  }
0x6b: {  	p1 =	sne.s32 s21, $0xA0000;
	[sflag:s25] =	ssyncadd.s32 $0xFFFFFC00  }
.Ltmp1:
0x6c: {  	_ =	swait.ge [sflag:s25], $0x400;
	(pc) =	sbr.rel @!p1 .LBB2_4-.Ltmp1, $4  }
0x6d: {  	[sflag:s25] =	ssyncset.done $0x0  }
0x6e: {  	[sflag:s25] =	ssyncadd.s32 $0xFFFFFC00  }
0x6f: {  	p0 =	por $0x1, $0x1;
	_ =	swait.ge [sflag:s25], $0x400  }
0x70: {  	s2 =	simm.s32 $0x14000;
	s0 =	simm.s32 $0xA0000;
	[sflag:s25] =	ssyncset.done $0x0  }
.LBB2_3:
0x71: {  	s2 =	sadd.s32 s2, s22  }
0x72: {  	[sflag:s25] =	ssyncadd.s32 $0xFFFFFC00;
	s12 =	smov.u32 s0;
	s0 =	sadd.s32 $0x50000, s0  }
0x73: {  	[spmem:s2] =	stream.linear.scatter [tilespmem:s24], [sflag:$0x1], $0x400, $0x38;
	[tilespmem:$0x1E280] =	vst v63  }
0x74: {  	p1 =	sne.s32 s21, s0;
	s14 =	sadd.s32 $0x400, s2  }
0x75: {  	[spmem:s14] =	stream.linear.scatter [tilespmem:s24], [sflag:$0x1], $0x400, $0x38;
	[tilespmem:$0x1E280] =	vst v63  }
0x76: {  	s14 =	sadd.s32 $0x800, s2  }
0x77: {  	[spmem:s14] =	stream.linear.scatter [tilespmem:s24], [sflag:$0x1], $0x400, $0x38;
	[tilespmem:$0x1E280] =	vst v63  }
0x78: {  	s14 =	sadd.s32 $0xC00, s2  }
0x79: {  	[spmem:s14] =	stream.linear.scatter [tilespmem:s24], [sflag:$0x1], $0x400, $0x38;
	[tilespmem:$0x1E280] =	vst v63  }
0x7a: {  	s2 =	sadd.s32 $0x1000, s2  }
0x7b: {  	[spmem:s2] =	stream.linear.scatter [tilespmem:s24], [sflag:$0x1], $0x400, $0x38;
	[tilespmem:$0x1E280] =	vst v63  }
0x7c: {  	_ =	swait.ge [sflag:s25], $0x400  }
0x7d: {  	[sflag:s25] =	ssyncset.done $0x0  }
0x7e: {  	[sflag:s25] =	ssyncadd.s32 $0xFFFFFC00  }
0x7f: {  	_ =	swait.ge [sflag:s25], $0x400  }
0x80: {  	[sflag:s25] =	ssyncset.done $0x0  }
0x81: {  	[sflag:s25] =	ssyncadd.s32 $0xFFFFFC00  }
0x82: {  	_ =	swait.ge [sflag:s25], $0x400  }
0x83: {  	[sflag:s25] =	ssyncset.done $0x0  }
0x84: {  	[sflag:s25] =	ssyncadd.s32 $0xFFFFFC00  }
.Ltmp2:
0x85: {  	_ =	swait.ge [sflag:s25], $0x400;
	(pc) =	sbr.rel @p1 .LBB2_3-.Ltmp2, $4  }
0x86: {  	[sflag:s25] =	ssyncset.done $0x0  }
0x87: {  	[sflag:s25] =	ssyncadd.s32 $0xFFFFFC00  }
0x88: {  	_ =	swait.ge [sflag:s25], $0x400  }
0x89: {  	s2 =	sshra.s32 s12, $0x2;
	[sflag:s25] =	ssyncset.done $0x0  }
.LBB2_4:
0x8a: {  	s0 =	sadd.s32 s2, s22;
	[sflag:s25] =	ssyncadd.s32 @p0 $0xFFFFFC00  }
0x8b: {  	[spmem:s0] =	stream.linear.scatter [tilespmem:s24], [sflag:$0x1], $0x400, $0x38;
	[tilespmem:$0x1E280] =	vst v63  }
0x8c: {  	s2 =	sadd.s32 $0x400, s0  }
0x8d: {  	[spmem:s2] =	stream.linear.scatter [tilespmem:s24], [sflag:$0x1], $0x400, $0x38;
	[tilespmem:$0x1E280] =	vst v63  }
0x8e: {  	s3 =	sadd.s32 $0x800, s0  }
0x8f: {  	[spmem:s3] =	stream.linear.scatter [tilespmem:s24], [sflag:$0x1], $0x400, $0x38;
	[tilespmem:$0x1E280] =	vst v63  }
0x90: {  	s12 =	sadd.s32 $0xC00, s0  }
0x91: {  	[spmem:s12] =	stream.linear.scatter [tilespmem:s24], [sflag:$0x1], $0x400, $0x38;
	[tilespmem:$0x1E280] =	vst v63  }
0x92: {  	s0 =	sadd.s32 $0x1000, s0  }
0x93: {  	[spmem:s0] =	stream.linear.scatter [tilespmem:s24], [sflag:$0x1], $0x400, $0x38;
	[tilespmem:$0x1E280] =	vst v63  }
0x94: {  	_ =	swait.ge [sflag:s25], $0x400  }
0x95: {  	[sflag:s25] =	ssyncset.done $0x0  }
0x96: {  	[sflag:s25] =	ssyncadd.s32 $0xFFFFFC00  }
0x97: {  	_ =	swait.ge [sflag:s25], $0x400  }
0x98: {  	[sflag:s25] =	ssyncset.done $0x0  }
0x99: {  	[sflag:s25] =	ssyncadd.s32 $0xFFFFFC00  }
0x9a: {  	_ =	swait.ge [sflag:s25], $0x400  }
0x9b: {  	[sflag:s25] =	ssyncset.done $0x0  }
0x9c: {  	[sflag:s25] =	ssyncadd.s32 $0xFFFFFC00  }
0x9d: {  	_ =	swait.ge [sflag:s25], $0x400  }
0x9e: {  	[sflag:s25] =	ssyncset.done $0x0  }
0x9f: {  	[sflag:s25] =	ssyncadd.s32 $0xFFFFFC00  }
0xa0: {  	_ =	swait.ge [sflag:s25], $0x400  }
0xa1: {  	[sflag:s25] =	ssyncset.done $0x0  }
0xa2: {  	[sflag:s25] =	ssyncadd.s32 $0xFFFFFC00  }
0xa3: {  	[bflag:$0x0] =	sbarrier.arrive $0xFFFF  }
0xa4: {  	s12 =	simm.s32 $0x0;
	s14 =	rddreg [dreg:$0x4]  }
0xa5: {  	[tilespmem:s12], [sflag:$0x1] =	stream.linear.gather [hbm4b:s14+s12], $0x28, $0x38;
	[tilespmem:$0x1E280] =	vst v63  }
0xa6: {  	s2 =	simm.s32 $0x200;
	s17 =	rddreg [dreg:$0x5]  }
0xa7: {  	[tilespmem:s2], [sflag:$0x1] =	stream.linear.gather [hbm4b:s17+s12], $0x28, $0x38;
	[tilespmem:$0x1E280] =	vst v63  }
0xa8: {  	s3 =	simm.s32 $0x80;
	s29 =	rddreg [dreg:$0x6]  }
0xa9: {  	[tilespmem:s3], [sflag:$0x2] =	stream.linear.gather [hbm4b:s29+s12], $0x28, $0x38;
	[tilespmem:$0x1E280] =	vst v63  }
0xaa: {  	s30 =	rddreg [dreg:$0x7];
	s14 =	simm.s32 $0x280  }
0xab: {  	[tilespmem:s14], [sflag:$0x2] =	stream.linear.gather [hbm4b:s30+s12], $0x28, $0x38;
	[tilespmem:$0x1E280] =	vst v63  }
0xac: {  	s31 =	rddreg [dreg:$0x8];
	s17 =	simm.s32 $0x100  }
0xad: {  	[tilespmem:s17], [sflag:$0x3] =	stream.linear.gather [hbm4b:s31+s12], $0x28, $0x38;
	[tilespmem:$0x1E280] =	vst v63  }
0xae: {  	s29 =	simm.s32 $0x300;
	s17 =	rddreg [dreg:$0x9]  }
0xaf: {  	[tilespmem:s29], [sflag:$0x3] =	stream.linear.gather [hbm4b:s17+s12], $0x28, $0x38;
	[tilespmem:$0x1E280] =	vst v63  }
0xb0: {  	s30 =	rddreg [dreg:$0xa];
	s31 =	simm.s32 $0x400  }
0xb1: {  	[tilespmem:s31], [sflag:$0x5] =	stream.linear.gather [hbm4b:s30+s12], $0x28, $0x38;
	[tilespmem:$0x1E280] =	vst v63  }
0xb2: {  	s29 =	rddreg [dreg:$0xb];
	s30 =	simm.s32 $0x480  }
0xb3: {  	[tilespmem:s30], [sflag:$0x6] =	stream.linear.gather [hbm4b:s29+s12], $0x28, $0x38;
	[tilespmem:$0x1E280] =	vst v63  }
0xb4: {  	_ =	swait.ge [sflag:s25], $0x28  }
0xb5: {  	[sflag:s25] =	ssyncset.done $0x0  }
0xb6: {  	[sflag:s25] =	ssyncadd.s32 $0xFFFFFFD8  }
0xb7: {  	_ =	swait.ge [sflag:s25], $0x28  }
0xb8: {  	[sflag:s25] =	ssyncset.done $0x0  }
0xb9: {  	s31 =	simm.s32 $0x600;
	[sflag:s25] =	ssyncadd.s32 $0xFFFFFFD8  }
0xba: {  	[tilespmem:s31], [sflag:$0x9] =	stream.indirect.gather [hbm4b:s4+s11], $0x80, s12, s11, $0xb8;
	[tilespmem:$0x1E280] =	vst v63  }
0xbb: {  	s17 =	simm.s32 $0x5600;
	s29 =	simm.s32 $0x2  }
0xbc: {  	[tilespmem:s17], [sflag:$0xD] =	stream.indirect.gather [hbm4b:s5+s11], $0x80, s2, s11, $0xb8;
	[tilespmem:$0x1E280] =	vst v63  }
0xbd: {  	_ =	swait.ge [sflag:s29], $0x28  }
0xbe: {  	[sflag:s29] =	ssyncset.done $0x0  }
0xbf: {  	[sflag:s29] =	ssyncadd.s32 $0xFFFFFFD8  }
0xc0: {  	_ =	swait.ge [sflag:s29], $0x28  }
.Ltmp3:
0xc1: {  	[sflag:s29] =	ssyncset.done $0x0;
	(pc) =	sbr.rel .LBB2_5-.Ltmp3, $4  }
0xc2: {  	s30 =	simm.s32 $0x1A00;
	[sflag:s29] =	ssyncadd.s32 $0xFFFFFFD8  }
0xc3: {  	[tilespmem:s30], [sflag:$0xA] =	stream.indirect.gather [hbm4b:s4+s11], $0x80, s3, s11, $0xb8;
	[tilespmem:$0x1E280] =	vst v63  }
0xc4: {  	s31 =	simm.s32 $0x6A00  }
0xc5: {  	[tilespmem:s31], [sflag:$0xE] =	stream.indirect.gather [hbm4b:s5+s11], $0x80, s14, s11, $0xb8;
	[tilespmem:$0x1E280] =	vst v63  }
.LBB2_20:
0xc6: {  	s12 =	sadd.s32 $0x1, s12  }
0xc7: {  	p0 =	sne.s32 s12, $0x3F  }
.Ltmp4:
0xc8: {  	_ = 	snop;
	(pc) =	sbr.rel @!p0 .LBB2_21-.Ltmp4, $1  }
0xc9: {  	_ =	sdelay $0x3  }
.LBB2_5:
0xca: {  	s2 =	sshll.u32 s12, $0x2;
	p1 =	seq.s32 s12, $0x0  }
0xcb: {  	s0 =	sor.u32 @!p1 $0x2, s2  }
0xcc: {  	p0 =	sgt.u32 @!p1 s0, $0xF9  }
0xcd: {  	p0 =	por p1, !p0  }
.Ltmp5:
0xce: {  	_ = 	snop;
	(pc) =	sbr.rel @!p0 .LBB2_6-.Ltmp5, $4  }
0xcf: {  	s14 =	simm.s32 @!p1 $0x13  }
0xd0: {  	_ =	swait.ge @!p1 [sflag:s14], $0x1400  }
0xd1: {  	[sflag:s14] =	ssyncset.done @!p1 $0x0  }
0xd2: {  	[sflag:s14] =	ssyncadd.s32 @!p1 $0xFFFFEC00  }
0xd3: {  	s0 =	simm.s32 @p1 $0x2  }
0xd4: {  	s0 =	smul.u32 $0x28, s0  }
0xd5: {  	s14 =	smul.u32 $0xA0, s12  }
0xd6: {  	s0 =	sadd.s32 s9, s0  }
0xd7: {  	s3 =	simm.s32 $0x0;
	s14 =	sadd.s32 $0x78, s14;
	s0 =	sshrl.u32 s0, $0x3  }
0xd8: {  	s17 =	simm.s32 $0x500;
	s29 =	sadd.s32 s9, s14;
	s0 =	sadd.s32 s8, s0  }
0xd9: {  	[tilespmem:s17], [sflag:$0x7] =	stream.linear.gather [hbm4b:s0+s3], $0x28, $0x38;
	[tilespmem:$0x1E280] =	vst v63  }
0xda: {  	s0 =	sshrl.u32 s29, $0x3  }
0xdb: {  	s29 =	simm.s32 $0x180;
	s30 =	sadd.s32 s6, s0  }
0xdc: {  	[tilespmem:s29], [sflag:$0x4] =	stream.linear.gather [hbm4b:s30+s3], $0x28, $0x38;
	[tilespmem:$0x1E280] =	vst v63  }
0xdd: {  	s31 =	simm.s32 $0x380;
	s0 =	sadd.s32 s7, s0  }
0xde: {  	[tilespmem:s31], [sflag:$0x4] =	stream.linear.gather [hbm4b:s0+s3], $0x28, $0x38;
	[tilespmem:$0x1E280] =	vst v63  }
0xdf: {  	_ =	swait.ge [sflag:s28], $0x28  }
0xe0: {  	[sflag:s28] =	ssyncset.done $0x0  }
0xe1: {  	[sflag:s28] =	ssyncadd.s32 $0xFFFFFFD8  }
0xe2: {  	_ =	swait.ge [sflag:s28], $0x28  }
.Ltmp6:
0xe3: {  	[sflag:s28] =	ssyncset.done $0x0;
	(pc) =	sbr.rel .LBB2_8-.Ltmp6, $4  }
0xe4: {  	s17 =	simm.s32 $0x100;
	s29 =	simm.s32 $0x2E00;
	[sflag:s28] =	ssyncadd.s32 $0xFFFFFFD8  }
0xe5: {  	[tilespmem:s29], [sflag:$0xB] =	stream.indirect.gather [hbm4b:s4+s11], $0x80, s17, s11, $0xb8;
	[tilespmem:$0x1E280] =	vst v63  }
0xe6: {  	p0 =	por $0x1, $0x1;
	s30 =	simm.s32 $0x300;
	s31 =	simm.s32 $0x7E00  }
0xe7: {  	[tilespmem:s31], [sflag:$0xF] =	stream.indirect.gather [hbm4b:s5+s11], $0x80, s30, s11, $0xb8;
	[tilespmem:$0x1E280] =	vst v63  }
.LBB2_6:
0xe8: {  	s14 =	simm.s32 @!p1 $0x2738;
	p0 =	por @!p1 $0x0, $0x0  }
.LBB2_8:
0xe9: {  	_ =	swait.ge [sflag:s18], $0x1400  }
0xea: {  	[sflag:s18] =	ssyncset.done $0x0  }
0xeb: {  	[sflag:s18] =	ssyncadd.s32 $0xFFFFEC00  }
0xec: {  	_ =	swait.ge [sflag:s20], $0x1400  }
0xed: {  	[sflag:s20] =	ssyncset.done $0x0  }
0xee: {  	s17 =	simm.s32 $0x0;
	[sflag:s20] =	ssyncadd.s32 $0xFFFFEC00  }
0xef: {  	v7 =	vld [tilespmem:s17+$0x5600]  }
0xf0: {  	v12 =	vld [tilespmem:s17+$0x5610]  }
0xf1: {  	v6 =	vld [tilespmem:s17+$0x5620]  }
0xf2: {  	v5 =	vld [tilespmem:s17+$0x5630]  }
0xf3: {  	v4 =	vld [tilespmem:s17+$0x5640]  }
0xf4: {  	v3 =	vld [tilespmem:s17+$0x5650]  }
0xf5: {  	v2 =	vld [tilespmem:s17+$0x5660]  }
0xf6: {  	v1 =	vld [tilespmem:s17+$0x5670]  }
0xf7: {  	v13 =	vld [tilespmem:s17+$0x600]  }
0xf8: {  	v14 =	vld [tilespmem:s17+$0x610]  }
0xf9: {  	v11 =	vld [tilespmem:s17+$0x620]  }
0xfa: {  	v10 =	vld [tilespmem:s17+$0x630]  }
0xfb: {  	v9 =	vld [tilespmem:s17+$0x640]  }
0xfc: {  	v8 =	vld [tilespmem:s17+$0x650];
	v13 =	vadd.f32 v7, v13  }
0xfd: {  	s29 =	simm.s32 $0x200;
	v12 =	vadd.f32 v12, v14;
	v7 =	vld [tilespmem:s17+$0x660]  }
.LBB2_9:
0xfe: {  	s0 =	sshra.s32 s29, $0x2;
	p2 =	sne.s32 s29, $0x4E00;
	v13 =	vmax.f32 v13, $0.0e+00;
	v6 =	vadd.f32 v6, v11;
	v11 =	vld [tilespmem:s17+$0x670]  }
0xff: {  	v14 =	vld [tilespmem:s0+$0x5600];
	[tilespmem:s17+$0x600] =	vst v13;
	v12 =	vmax.f32 v12, $0.0e+00;
	v5 =	vadd.f32 v5, v10  }
0x100: {  	v15 =	vld [tilespmem:s0+$0x5610];
	[tilespmem:s17+$0x610] =	vst v12;
	v10 =	vmax.f32 v6, $0.0e+00;
	v4 =	vadd.f32 v4, v9  }
0x101: {  	v6 =	vld [tilespmem:s0+$0x5620];
	[tilespmem:s17+$0x620] =	vst v10;
	v9 =	vmax.f32 v5, $0.0e+00;
	v3 =	vadd.f32 v3, v8  }
0x102: {  	v5 =	vld [tilespmem:s0+$0x5630];
	[tilespmem:s17+$0x630] =	vst v9;
	v8 =	vmax.f32 v4, $0.0e+00;
	v2 =	vadd.f32 v2, v7  }
0x103: {  	v4 =	vld [tilespmem:s0+$0x5640];
	[tilespmem:s17+$0x640] =	vst v8;
	v7 =	vmax.f32 v3, $0.0e+00;
	v1 =	vadd.f32 v1, v11  }
0x104: {  	v3 =	vld [tilespmem:s0+$0x5650];
	[tilespmem:s17+$0x650] =	vst v7;
	v7 =	vmax.f32 v2, $0.0e+00  }
0x105: {  	v2 =	vld [tilespmem:s0+$0x5660];
	[tilespmem:s17+$0x660] =	vst v7;
	v7 =	vmax.f32 v1, $0.0e+00  }
0x106: {  	v1 =	vld [tilespmem:s0+$0x5670];
	[tilespmem:s17+$0x670] =	vst v7;
	s17 =	smov.u32 s0  }
0x107: {  	v7 =	vld [tilespmem:s17+$0x600]  }
0x108: {  	v12 =	vld [tilespmem:s17+$0x610]  }
.Ltmp7:
0x109: {  	v11 =	vld [tilespmem:s17+$0x620];
	(pc) =	sbr.rel @p2 .LBB2_9-.Ltmp7, $4  }
0x10a: {  	v10 =	vld [tilespmem:s17+$0x630]  }
0x10b: {  	v9 =	vld [tilespmem:s17+$0x640]  }
0x10c: {  	v13 =	vadd.f32 v14, v7;
	v8 =	vld [tilespmem:s17+$0x650]  }
0x10d: {  	s29 =	sadd.s32 $0x200, s29;
	v12 =	vadd.f32 v15, v12;
	v7 =	vld [tilespmem:s17+$0x660]  }
0x10e: {  	v13 =	vmax.f32 v13, $0.0e+00;
	v6 =	vadd.f32 v6, v11;
	v11 =	vld [tilespmem:s17+$0x670]  }
0x10f: {  	[tilespmem:s17+$0x600] =	vst v13;
	v12 =	vmax.f32 v12, $0.0e+00;
	v5 =	vadd.f32 v5, v10  }
0x110: {  	[tilespmem:s17+$0x610] =	vst v12;
	v6 =	vmax.f32 v6, $0.0e+00;
	v4 =	vadd.f32 v4, v9  }
0x111: {  	[tilespmem:s17+$0x620] =	vst v6;
	v5 =	vmax.f32 v5, $0.0e+00;
	v3 =	vadd.f32 v3, v8  }
0x112: {  	[tilespmem:s17+$0x630] =	vst v5;
	v4 =	vmax.f32 v4, $0.0e+00;
	v2 =	vadd.f32 v2, v7  }
0x113: {  	[tilespmem:s17+$0x640] =	vst v4;
	v3 =	vmax.f32 v3, $0.0e+00;
	v1 =	vadd.f32 v1, v11  }
0x114: {  	[tilespmem:s17+$0x650] =	vst v3;
	v2 =	vmax.f32 v2, $0.0e+00  }
0x115: {  	[tilespmem:s17+$0x660] =	vst v2;
	v1 =	vmax.f32 v1, $0.0e+00  }
0x116: {  	[tilespmem:s17+$0x670] =	vst v1  }
0x117: {  	_ =	swait.ge [sflag:s23], $0x28  }
0x118: {  	[sflag:s23] =	ssyncset.done $0x0  }
0x119: {  	s0 =	simm.s32 $0x400;
	s3 =	simm.s32 $0x600;
	[sflag:s23] =	ssyncadd.s32 $0xFFFFFFD8  }
0x11a: {  	[spmem:s1] =	stream.indirect.scatter.add.f32 [tilespmem:s3], [sflag:$0x11], $0x80, s0, s11, $0xb8;
	[tilespmem:$0x1E280] =	vst v63  }
0x11b: {  	s0 =	simm.s32 @!p1 $0x14  }
0x11c: {  	s14 =	sadd.s32 @p0 s9, s14;
	_ =	swait.ge @!p1 [sflag:s0], $0x1400  }
0x11d: {  	s2 =	sadd.s32 $0x4, s2;
	s17 =	simm.s32 @p0 $0x580;
	[sflag:s0] =	ssyncset.done @!p1 $0x0  }
0x11e: {  	[sflag:s0] =	ssyncadd.s32 @!p1 $0xFFFFEC00;
	s0 =	sshrl.u32 @p0 s14, $0x3;
	p1 =	seq.s32 s12, $0x3E  }
0x11f: {  	s14 =	simm.s32 @p0 $0x0;
	s0 =	sadd.s32 @p0 s8, s0;
	s2 =	smul.u32 @!p1 $0x28, s2  }
0x120: {  	[tilespmem:s17], [sflag:$0x8] =	stream.linear.gather @p0 [hbm4b:s0+s14], $0x28, $0x38;
	[tilespmem:$0x1E280] =	vst v63  }
0x121: {  	s0 =	sadd.s32 @!p1 s9, s2  }
0x122: {  	s2 =	sshrl.u32 @!p1 s0, $0x3  }
0x123: {  	s14 =	simm.s32 @!p1 $0x0;
	s0 =	sadd.s32 @!p1 s6, s2  }
0x124: {  	[tilespmem:s14], [sflag:$0x1] =	stream.linear.gather @!p1 [hbm4b:s0+s14], $0x28, $0x38;
	[tilespmem:$0x1E280] =	vst v63  }
0x125: {  	s17 =	simm.s32 @!p1 $0x200;
	s0 =	sadd.s32 @!p1 s7, s2  }
0x126: {  	[tilespmem:s17], [sflag:$0x1] =	stream.linear.gather @!p1 [hbm4b:s0+s14], $0x28, $0x38;
	[tilespmem:$0x1E280] =	vst v63  }
0x127: {  	s0 =	simm.s32 @p0 $0x4  }
0x128: {  	_ =	swait.ge @p0 [sflag:s0], $0x28  }
0x129: {  	[sflag:s0] =	ssyncset.done @p0 $0x0  }
0x12a: {  	[sflag:s0] =	ssyncadd.s32 @p0 $0xFFFFFFD8  }
0x12b: {  	_ =	swait.ge @p0 [sflag:s0], $0x28  }
0x12c: {  	s14 =	simm.s32 @p0 $0x180;
	[sflag:s0] =	ssyncset.done @p0 $0x0  }
0x12d: {  	s17 =	simm.s32 @p0 $0x4200;
	[sflag:s0] =	ssyncadd.s32 @p0 $0xFFFFFFD8;
	s0 =	simm.s32 @p0 $0x28  }
0x12e: {  	[tilespmem:s17], [sflag:$0xC] =	stream.indirect.gather @p0 [hbm4b:s4+s0], $0x80, s14, s0, $0xb8;
	[tilespmem:$0x1E280] =	vst v63  }
0x12f: {  	s14 =	simm.s32 @p0 $0x380;
	s17 =	simm.s32 @p0 $0x9200  }
0x130: {  	[tilespmem:s17], [sflag:$0x10] =	stream.indirect.gather @p0 [hbm4b:s5+s0], $0x80, s14, s0, $0xb8;
	[tilespmem:$0x1E280] =	vst v63  }
0x131: {  	_ =	swait.ge [sflag:s10], $0x1400  }
0x132: {  	[sflag:s10] =	ssyncset.done $0x0  }
0x133: {  	[sflag:s10] =	ssyncadd.s32 $0xFFFFEC00  }
0x134: {  	_ =	swait.ge [sflag:s13], $0x1400  }
0x135: {  	[sflag:s13] =	ssyncset.done $0x0  }
0x136: {  	s14 =	simm.s32 $0x0;
	[sflag:s13] =	ssyncadd.s32 $0xFFFFEC00  }
0x137: {  	v7 =	vld [tilespmem:s14+$0x6A00]  }
0x138: {  	v12 =	vld [tilespmem:s14+$0x6A10]  }
0x139: {  	v6 =	vld [tilespmem:s14+$0x6A20]  }
0x13a: {  	v5 =	vld [tilespmem:s14+$0x6A30]  }
0x13b: {  	v4 =	vld [tilespmem:s14+$0x6A40]  }
0x13c: {  	v3 =	vld [tilespmem:s14+$0x6A50]  }
0x13d: {  	v2 =	vld [tilespmem:s14+$0x6A60]  }
0x13e: {  	v1 =	vld [tilespmem:s14+$0x6A70]  }
0x13f: {  	v13 =	vld [tilespmem:s14+$0x1A00]  }
0x140: {  	v14 =	vld [tilespmem:s14+$0x1A10]  }
0x141: {  	v11 =	vld [tilespmem:s14+$0x1A20]  }
0x142: {  	v10 =	vld [tilespmem:s14+$0x1A30]  }
0x143: {  	v9 =	vld [tilespmem:s14+$0x1A40]  }
0x144: {  	v8 =	vld [tilespmem:s14+$0x1A50];
	v13 =	vadd.f32 v7, v13  }
0x145: {  	s17 =	simm.s32 $0x200;
	v12 =	vadd.f32 v12, v14;
	v7 =	vld [tilespmem:s14+$0x1A60]  }
.LBB2_11:
0x146: {  	s0 =	sshra.s32 s17, $0x2;
	p2 =	sne.s32 s17, $0x4E00;
	v13 =	vmax.f32 v13, $0.0e+00;
	v6 =	vadd.f32 v6, v11;
	v11 =	vld [tilespmem:s14+$0x1A70]  }
0x147: {  	v14 =	vld [tilespmem:s0+$0x6A00];
	[tilespmem:s14+$0x1A00] =	vst v13;
	v12 =	vmax.f32 v12, $0.0e+00;
	v5 =	vadd.f32 v5, v10  }
0x148: {  	v15 =	vld [tilespmem:s0+$0x6A10];
	[tilespmem:s14+$0x1A10] =	vst v12;
	v10 =	vmax.f32 v6, $0.0e+00;
	v4 =	vadd.f32 v4, v9  }
0x149: {  	v6 =	vld [tilespmem:s0+$0x6A20];
	[tilespmem:s14+$0x1A20] =	vst v10;
	v9 =	vmax.f32 v5, $0.0e+00;
	v3 =	vadd.f32 v3, v8  }
0x14a: {  	v5 =	vld [tilespmem:s0+$0x6A30];
	[tilespmem:s14+$0x1A30] =	vst v9;
	v8 =	vmax.f32 v4, $0.0e+00;
	v2 =	vadd.f32 v2, v7  }
0x14b: {  	v4 =	vld [tilespmem:s0+$0x6A40];
	[tilespmem:s14+$0x1A40] =	vst v8;
	v7 =	vmax.f32 v3, $0.0e+00;
	v1 =	vadd.f32 v1, v11  }
0x14c: {  	v3 =	vld [tilespmem:s0+$0x6A50];
	[tilespmem:s14+$0x1A50] =	vst v7;
	v7 =	vmax.f32 v2, $0.0e+00  }
0x14d: {  	v2 =	vld [tilespmem:s0+$0x6A60];
	[tilespmem:s14+$0x1A60] =	vst v7;
	v7 =	vmax.f32 v1, $0.0e+00  }
0x14e: {  	v1 =	vld [tilespmem:s0+$0x6A70];
	[tilespmem:s14+$0x1A70] =	vst v7;
	s14 =	smov.u32 s0  }
0x14f: {  	v7 =	vld [tilespmem:s14+$0x1A00]  }
0x150: {  	v12 =	vld [tilespmem:s14+$0x1A10]  }
.Ltmp8:
0x151: {  	v11 =	vld [tilespmem:s14+$0x1A20];
	(pc) =	sbr.rel @p2 .LBB2_11-.Ltmp8, $4  }
0x152: {  	v10 =	vld [tilespmem:s14+$0x1A30]  }
0x153: {  	v9 =	vld [tilespmem:s14+$0x1A40]  }
0x154: {  	v13 =	vadd.f32 v14, v7;
	v8 =	vld [tilespmem:s14+$0x1A50]  }
0x155: {  	s17 =	sadd.s32 $0x200, s17;
	v12 =	vadd.f32 v15, v12;
	v7 =	vld [tilespmem:s14+$0x1A60]  }
0x156: {  	v13 =	vmax.f32 v13, $0.0e+00;
	v6 =	vadd.f32 v6, v11;
	v63 =	vld [tilespmem:s14+$0x1A70]  }
0x157: {  	[tilespmem:s14+$0x1A00] =	vst v13;
	v12 =	vmax.f32 v12, $0.0e+00;
	v5 =	vadd.f32 v5, v10  }
0x158: {  	[tilespmem:s14+$0x1A10] =	vst v12;
	v6 =	vmax.f32 v6, $0.0e+00;
	v4 =	vadd.f32 v4, v9  }
0x159: {  	[tilespmem:s14+$0x1A20] =	vst v6;
	v5 =	vmax.f32 v5, $0.0e+00;
	v3 =	vadd.f32 v3, v8  }
0x15a: {  	[tilespmem:s14+$0x1A30] =	vst v5;
	v4 =	vmax.f32 v4, $0.0e+00;
	v2 =	vadd.f32 v2, v7  }
0x15b: {  	[tilespmem:s14+$0x1A40] =	vst v4;
	v3 =	vmax.f32 v3, $0.0e+00;
	v1 =	vadd.f32 v1, v63  }
0x15c: {  	[tilespmem:s14+$0x1A50] =	vst v3;
	v2 =	vmax.f32 v2, $0.0e+00  }
0x15d: {  	[tilespmem:s14+$0x1A60] =	vst v2;
	v1 =	vmax.f32 v1, $0.0e+00  }
0x15e: {  	[tilespmem:s14+$0x1A70] =	vst v1  }
0x15f: {  	_ =	swait.ge [sflag:s26], $0x28  }
0x160: {  	s0 =	simm.s32 $0x480;
	[sflag:s26] =	ssyncset.done $0x0  }
0x161: {  	s3 =	simm.s32 $0x1A00;
	s14 =	smul.u32 @!p1 $0xA0, s12;
	[sflag:s26] =	ssyncadd.s32 $0xFFFFFFD8  }
0x162: {  	[spmem:s1] =	stream.indirect.scatter.add.f32 [tilespmem:s3], [sflag:$0x12], $0x80, s0, s11, $0xb8;
	[tilespmem:$0x1E280] =	vst v63  }
0x163: {  	_ =	swait.ge [sflag:s16], $0x1400  }
0x164: {  	s17 =	simm.s32 @!p1 $0x0;
	s31 =	sadd.s32 @!p1 $0xC8, s14;
	[sflag:s16] =	ssyncset.done $0x0  }
0x165: {  	s0 =	sadd.s32 @!p1 s8, s2;
	s2 =	simm.s32 @!p1 $0x400;
	[sflag:s16] =	ssyncadd.s32 $0xFFFFEC00  }
0x166: {  	[tilespmem:s2], [sflag:$0x5] =	stream.linear.gather @!p1 [hbm4b:s0+s17], $0x28, $0x38;
	[tilespmem:$0x1E280] =	vst v63  }
0x167: {  	s0 =	sadd.s32 @!p1 s9, s31  }
0x168: {  	s0 =	sshrl.u32 @!p1 s0, $0x3  }
0x169: {  	s14 =	simm.s32 @!p1 $0x80;
	s2 =	sadd.s32 @!p1 s6, s0  }
0x16a: {  	[tilespmem:s14], [sflag:$0x2] =	stream.linear.gather @!p1 [hbm4b:s2+s17], $0x28, $0x38;
	[tilespmem:$0x1E280] =	vst v63  }
0x16b: {  	s0 =	sadd.s32 @!p1 s7, s0;
	s2 =	simm.s32 @!p1 $0x280  }
0x16c: {  	[tilespmem:s2], [sflag:$0x2] =	stream.linear.gather @!p1 [hbm4b:s0+s17], $0x28, $0x38;
	[tilespmem:$0x1E280] =	vst v63  }
0x16d: {  	s0 =	simm.s32 @!p1 $0x1  }
0x16e: {  	_ =	swait.ge @!p1 [sflag:s0], $0x28  }
0x16f: {  	[sflag:s0] =	ssyncset.done @!p1 $0x0  }
0x170: {  	[sflag:s0] =	ssyncadd.s32 @!p1 $0xFFFFFFD8  }
0x171: {  	_ =	swait.ge @!p1 [sflag:s0], $0x28  }
.Ltmp9:
0x172: {  	[sflag:s0] =	ssyncset.done @!p1 $0x0;
	(pc) =	sbr.rel @!p0 .LBB2_16-.Ltmp9, $4  }
0x173: {  	s30 =	simm.s32 @!p1 $0x28;
	[sflag:s0] =	ssyncadd.s32 @!p1 $0xFFFFFFD8;
	s0 =	simm.s32 @!p1 $0x600  }
0x174: {  	[tilespmem:s0], [sflag:$0x9] =	stream.indirect.gather @!p1 [hbm4b:s4+s30], $0x80, s17, s30, $0xb8;
	[tilespmem:$0x1E280] =	vst v63  }
0x175: {  	s29 =	simm.s32 @!p1 $0x5600;
	s0 =	simm.s32 @!p1 $0x200  }
0x176: {  	[tilespmem:s29], [sflag:$0xD] =	stream.indirect.gather @!p1 [hbm4b:s5+s30], $0x80, s0, s30, $0xb8;
	[tilespmem:$0x1E280] =	vst v63  }
0x177: {  	s0 =	simm.s32 $0xB  }
0x178: {  	_ =	swait.ge [sflag:s0], $0x1400  }
0x179: {  	[sflag:s0] =	ssyncset.done $0x0  }
0x17a: {  	s3 =	simm.s32 $0xF;
	[sflag:s0] =	ssyncadd.s32 $0xFFFFEC00  }
0x17b: {  	_ =	swait.ge [sflag:s3], $0x1400  }
0x17c: {  	[sflag:s3] =	ssyncset.done $0x0  }
0x17d: {  	s29 =	simm.s32 $0x0;
	[sflag:s3] =	ssyncadd.s32 $0xFFFFEC00  }
0x17e: {  	v7 =	vld [tilespmem:s29+$0x7E00]  }
0x17f: {  	v12 =	vld [tilespmem:s29+$0x7E10]  }
0x180: {  	v6 =	vld [tilespmem:s29+$0x7E20]  }
0x181: {  	v5 =	vld [tilespmem:s29+$0x7E30]  }
0x182: {  	v4 =	vld [tilespmem:s29+$0x7E40]  }
0x183: {  	v3 =	vld [tilespmem:s29+$0x7E50]  }
0x184: {  	v2 =	vld [tilespmem:s29+$0x7E60]  }
0x185: {  	v1 =	vld [tilespmem:s29+$0x7E70]  }
0x186: {  	v13 =	vld [tilespmem:s29+$0x2E00]  }
0x187: {  	v14 =	vld [tilespmem:s29+$0x2E10]  }
0x188: {  	v11 =	vld [tilespmem:s29+$0x2E20]  }
0x189: {  	v10 =	vld [tilespmem:s29+$0x2E30]  }
0x18a: {  	v9 =	vld [tilespmem:s29+$0x2E40]  }
0x18b: {  	v8 =	vld [tilespmem:s29+$0x2E50];
	v13 =	vadd.f32 v7, v13  }
0x18c: {  	s0 =	simm.s32 $0x200;
	v12 =	vadd.f32 v12, v14;
	v7 =	vld [tilespmem:s29+$0x2E60]  }
.LBB2_14:
0x18d: {  	s3 =	sshra.s32 s0, $0x2;
	p2 =	sne.s32 s0, $0x4E00;
	v13 =	vmax.f32 v13, $0.0e+00;
	v6 =	vadd.f32 v6, v11;
	v11 =	vld [tilespmem:s29+$0x2E70]  }
0x18e: {  	v14 =	vld [tilespmem:s3+$0x7E00];
	[tilespmem:s29+$0x2E00] =	vst v13;
	v12 =	vmax.f32 v12, $0.0e+00;
	v5 =	vadd.f32 v5, v10  }
0x18f: {  	v15 =	vld [tilespmem:s3+$0x7E10];
	[tilespmem:s29+$0x2E10] =	vst v12;
	v10 =	vmax.f32 v6, $0.0e+00;
	v4 =	vadd.f32 v4, v9  }
0x190: {  	v6 =	vld [tilespmem:s3+$0x7E20];
	[tilespmem:s29+$0x2E20] =	vst v10;
	v9 =	vmax.f32 v5, $0.0e+00;
	v3 =	vadd.f32 v3, v8  }
0x191: {  	v5 =	vld [tilespmem:s3+$0x7E30];
	[tilespmem:s29+$0x2E30] =	vst v9;
	v8 =	vmax.f32 v4, $0.0e+00;
	v2 =	vadd.f32 v2, v7  }
0x192: {  	v4 =	vld [tilespmem:s3+$0x7E40];
	[tilespmem:s29+$0x2E40] =	vst v8;
	v7 =	vmax.f32 v3, $0.0e+00;
	v1 =	vadd.f32 v1, v11  }
0x193: {  	v3 =	vld [tilespmem:s3+$0x7E50];
	[tilespmem:s29+$0x2E50] =	vst v7;
	v7 =	vmax.f32 v2, $0.0e+00  }
0x194: {  	v2 =	vld [tilespmem:s3+$0x7E60];
	[tilespmem:s29+$0x2E60] =	vst v7;
	v7 =	vmax.f32 v1, $0.0e+00  }
0x195: {  	v1 =	vld [tilespmem:s3+$0x7E70];
	[tilespmem:s29+$0x2E70] =	vst v7;
	s29 =	smov.u32 s3  }
0x196: {  	v7 =	vld [tilespmem:s29+$0x2E00]  }
0x197: {  	v12 =	vld [tilespmem:s29+$0x2E10]  }
.Ltmp10:
0x198: {  	v11 =	vld [tilespmem:s29+$0x2E20];
	(pc) =	sbr.rel @p2 .LBB2_14-.Ltmp10, $4  }
0x199: {  	v10 =	vld [tilespmem:s29+$0x2E30]  }
0x19a: {  	v9 =	vld [tilespmem:s29+$0x2E40]  }
0x19b: {  	v13 =	vadd.f32 v14, v7;
	v8 =	vld [tilespmem:s29+$0x2E50]  }
0x19c: {  	s0 =	sadd.s32 $0x200, s0;
	v12 =	vadd.f32 v15, v12;
	v7 =	vld [tilespmem:s29+$0x2E60]  }
0x19d: {  	v13 =	vmax.f32 v13, $0.0e+00;
	v6 =	vadd.f32 v6, v11;
	v63 =	vld [tilespmem:s29+$0x2E70]  }
0x19e: {  	[tilespmem:s29+$0x2E00] =	vst v13;
	v12 =	vmax.f32 v12, $0.0e+00;
	v5 =	vadd.f32 v5, v10  }
0x19f: {  	[tilespmem:s29+$0x2E10] =	vst v12;
	v6 =	vmax.f32 v6, $0.0e+00;
	v4 =	vadd.f32 v4, v9  }
0x1a0: {  	[tilespmem:s29+$0x2E20] =	vst v6;
	v5 =	vmax.f32 v5, $0.0e+00;
	v3 =	vadd.f32 v3, v8  }
0x1a1: {  	[tilespmem:s29+$0x2E30] =	vst v5;
	v4 =	vmax.f32 v4, $0.0e+00;
	v2 =	vadd.f32 v2, v7  }
0x1a2: {  	[tilespmem:s29+$0x2E40] =	vst v4;
	v3 =	vmax.f32 v3, $0.0e+00;
	v1 =	vadd.f32 v1, v63  }
0x1a3: {  	[tilespmem:s29+$0x2E50] =	vst v3;
	v2 =	vmax.f32 v2, $0.0e+00  }
0x1a4: {  	[tilespmem:s29+$0x2E60] =	vst v2;
	v1 =	vmax.f32 v1, $0.0e+00  }
0x1a5: {  	s0 =	simm.s32 $0x7;
	[tilespmem:s29+$0x2E70] =	vst v1  }
0x1a6: {  	_ =	swait.ge [sflag:s0], $0x28  }
0x1a7: {  	[sflag:s0] =	ssyncset.done $0x0  }
0x1a8: {  	s3 =	simm.s32 $0x2E00;
	s29 =	simm.s32 $0x500;
	[sflag:s0] =	ssyncadd.s32 $0xFFFFFFD8  }
0x1a9: {  	[spmem:s1] =	stream.indirect.scatter.add.f32 [tilespmem:s3], [sflag:$0x13], $0x80, s29, s11, $0xb8;
	[tilespmem:$0x1E280] =	vst v63  }
.LBB2_16:
0x1aa: {  	s31 =	simm.s32 @p1 $0x2788;
	_ =	swait.ge [sflag:s15], $0x1400  }
0x1ab: {  	p2 =	sgt.u32 @!p1 s12, $0x3C;
	s3 =	simm.s32 @!p1 $0x480;
	s0 =	sadd.s32 @!p1 s9, s31  }
0x1ac: {  	[sflag:s15] =	ssyncset.done $0x0;
	p2 =	por p2, p1;
	s0 =	sshrl.u32 @!p1 s0, $0x3  }
0x1ad: {  	[sflag:s15] =	ssyncadd.s32 $0xFFFFEC00;
	s29 =	smul.u32 @!p2 $0xA0, s12;
	s0 =	sadd.s32 @!p1 s8, s0  }
0x1ae: {  	[tilespmem:s3], [sflag:$0x6] =	stream.linear.gather @!p1 [hbm4b:s0+s17], $0x28, $0x38;
	[tilespmem:$0x1E280] =	vst v63  }
0x1af: {  	s0 =	sadd.s32 @!p2 s29, s19  }
0x1b0: {  	s0 =	sshrl.u32 @!p2 s0, $0x3  }
0x1b1: {  	s17 =	simm.s32 @!p2 $0x0;
	s29 =	simm.s32 @!p2 $0x100;
	s3 =	sadd.s32 @!p2 s6, s0  }
0x1b2: {  	[tilespmem:s29], [sflag:$0x3] =	stream.linear.gather @!p2 [hbm4b:s3+s17], $0x28, $0x38;
	[tilespmem:$0x1E280] =	vst v63  }
0x1b3: {  	s0 =	sadd.s32 @!p2 s7, s0;
	s3 =	simm.s32 @!p2 $0x300  }
0x1b4: {  	[tilespmem:s3], [sflag:$0x3] =	stream.linear.gather @!p2 [hbm4b:s0+s17], $0x28, $0x38;
	[tilespmem:$0x1E280] =	vst v63  }
0x1b5: {  	s0 =	simm.s32 @!p1 $0x2  }
0x1b6: {  	_ =	swait.ge @!p1 [sflag:s0], $0x28  }
0x1b7: {  	[sflag:s0] =	ssyncset.done @!p1 $0x0  }
0x1b8: {  	[sflag:s0] =	ssyncadd.s32 @!p1 $0xFFFFFFD8  }
0x1b9: {  	_ =	swait.ge @!p1 [sflag:s0], $0x28  }
.Ltmp11:
0x1ba: {  	[sflag:s0] =	ssyncset.done @!p1 $0x0;
	(pc) =	sbr.rel @!p0 .LBB2_20-.Ltmp11, $4  }
0x1bb: {  	[sflag:s0] =	ssyncadd.s32 @!p1 $0xFFFFFFD8;
	s0 =	simm.s32 @!p1 $0x1A00  }
0x1bc: {  	[tilespmem:s0], [sflag:$0xA] =	stream.indirect.gather @!p1 [hbm4b:s4+s30], $0x80, s14, s30, $0xb8;
	[tilespmem:$0x1E280] =	vst v63  }
0x1bd: {  	s0 =	simm.s32 @!p1 $0x6A00  }
0x1be: {  	[tilespmem:s0], [sflag:$0xE] =	stream.indirect.gather @!p1 [hbm4b:s5+s30], $0x80, s2, s30, $0xb8;
	[tilespmem:$0x1E280] =	vst v63  }
0x1bf: {  	s0 =	simm.s32 $0xC  }
0x1c0: {  	_ =	swait.ge [sflag:s0], $0x1400  }
0x1c1: {  	[sflag:s0] =	ssyncset.done $0x0  }
0x1c2: {  	s31 =	simm.s32 $0x10;
	[sflag:s0] =	ssyncadd.s32 $0xFFFFEC00  }
0x1c3: {  	_ =	swait.ge [sflag:s31], $0x1400  }
0x1c4: {  	[sflag:s31] =	ssyncset.done $0x0  }
0x1c5: {  	s2 =	simm.s32 $0x0;
	[sflag:s31] =	ssyncadd.s32 $0xFFFFEC00  }
0x1c6: {  	v7 =	vld [tilespmem:s2+$0x9200]  }
0x1c7: {  	v12 =	vld [tilespmem:s2+$0x9210]  }
0x1c8: {  	v6 =	vld [tilespmem:s2+$0x9220]  }
0x1c9: {  	v5 =	vld [tilespmem:s2+$0x9230]  }
0x1ca: {  	v4 =	vld [tilespmem:s2+$0x9240]  }
0x1cb: {  	v3 =	vld [tilespmem:s2+$0x9250]  }
0x1cc: {  	v2 =	vld [tilespmem:s2+$0x9260]  }
0x1cd: {  	v1 =	vld [tilespmem:s2+$0x9270]  }
0x1ce: {  	v13 =	vld [tilespmem:s2+$0x4200]  }
0x1cf: {  	v14 =	vld [tilespmem:s2+$0x4210]  }
0x1d0: {  	v11 =	vld [tilespmem:s2+$0x4220]  }
0x1d1: {  	v10 =	vld [tilespmem:s2+$0x4230]  }
0x1d2: {  	v9 =	vld [tilespmem:s2+$0x4240]  }
0x1d3: {  	v8 =	vld [tilespmem:s2+$0x4250];
	v13 =	vadd.f32 v7, v13  }
0x1d4: {  	s0 =	simm.s32 $0x200;
	v12 =	vadd.f32 v12, v14;
	v7 =	vld [tilespmem:s2+$0x4260]  }
.LBB2_18:
0x1d5: {  	s3 =	sshra.s32 s0, $0x2;
	p0 =	sne.s32 s0, $0x4E00;
	v13 =	vmax.f32 v13, $0.0e+00;
	v6 =	vadd.f32 v6, v11;
	v11 =	vld [tilespmem:s2+$0x4270]  }
0x1d6: {  	v14 =	vld [tilespmem:s3+$0x9200];
	[tilespmem:s2+$0x4200] =	vst v13;
	v12 =	vmax.f32 v12, $0.0e+00;
	v5 =	vadd.f32 v5, v10  }
0x1d7: {  	v15 =	vld [tilespmem:s3+$0x9210];
	[tilespmem:s2+$0x4210] =	vst v12;
	v10 =	vmax.f32 v6, $0.0e+00;
	v4 =	vadd.f32 v4, v9  }
0x1d8: {  	v6 =	vld [tilespmem:s3+$0x9220];
	[tilespmem:s2+$0x4220] =	vst v10;
	v9 =	vmax.f32 v5, $0.0e+00;
	v3 =	vadd.f32 v3, v8  }
0x1d9: {  	v5 =	vld [tilespmem:s3+$0x9230];
	[tilespmem:s2+$0x4230] =	vst v9;
	v8 =	vmax.f32 v4, $0.0e+00;
	v2 =	vadd.f32 v2, v7  }
0x1da: {  	v4 =	vld [tilespmem:s3+$0x9240];
	[tilespmem:s2+$0x4240] =	vst v8;
	v7 =	vmax.f32 v3, $0.0e+00;
	v1 =	vadd.f32 v1, v11  }
0x1db: {  	v3 =	vld [tilespmem:s3+$0x9250];
	[tilespmem:s2+$0x4250] =	vst v7;
	v7 =	vmax.f32 v2, $0.0e+00  }
0x1dc: {  	v2 =	vld [tilespmem:s3+$0x9260];
	[tilespmem:s2+$0x4260] =	vst v7;
	v7 =	vmax.f32 v1, $0.0e+00  }
0x1dd: {  	v1 =	vld [tilespmem:s3+$0x9270];
	[tilespmem:s2+$0x4270] =	vst v7;
	s2 =	smov.u32 s3  }
0x1de: {  	v7 =	vld [tilespmem:s2+$0x4200]  }
0x1df: {  	v12 =	vld [tilespmem:s2+$0x4210]  }
.Ltmp12:
0x1e0: {  	v11 =	vld [tilespmem:s2+$0x4220];
	(pc) =	sbr.rel @p0 .LBB2_18-.Ltmp12, $4  }
0x1e1: {  	v10 =	vld [tilespmem:s2+$0x4230]  }
0x1e2: {  	v9 =	vld [tilespmem:s2+$0x4240]  }
0x1e3: {  	v13 =	vadd.f32 v14, v7;
	v8 =	vld [tilespmem:s2+$0x4250]  }
0x1e4: {  	s0 =	sadd.s32 $0x200, s0;
	v12 =	vadd.f32 v15, v12;
	v7 =	vld [tilespmem:s2+$0x4260]  }
0x1e5: {  	v13 =	vmax.f32 v13, $0.0e+00;
	v6 =	vadd.f32 v6, v11;
	v63 =	vld [tilespmem:s2+$0x4270]  }
0x1e6: {  	[tilespmem:s2+$0x4200] =	vst v13;
	v12 =	vmax.f32 v12, $0.0e+00;
	v5 =	vadd.f32 v5, v10  }
0x1e7: {  	[tilespmem:s2+$0x4210] =	vst v12;
	v6 =	vmax.f32 v6, $0.0e+00;
	v4 =	vadd.f32 v4, v9  }
0x1e8: {  	[tilespmem:s2+$0x4220] =	vst v6;
	v5 =	vmax.f32 v5, $0.0e+00;
	v3 =	vadd.f32 v3, v8  }
0x1e9: {  	[tilespmem:s2+$0x4230] =	vst v5;
	v4 =	vmax.f32 v4, $0.0e+00;
	v2 =	vadd.f32 v2, v7  }
0x1ea: {  	[tilespmem:s2+$0x4240] =	vst v4;
	v3 =	vmax.f32 v3, $0.0e+00;
	v1 =	vadd.f32 v1, v63  }
0x1eb: {  	[tilespmem:s2+$0x4250] =	vst v3;
	v2 =	vmax.f32 v2, $0.0e+00  }
0x1ec: {  	[tilespmem:s2+$0x4260] =	vst v2;
	v1 =	vmax.f32 v1, $0.0e+00  }
.Ltmp13:
0x1ed: {  	s0 =	simm.s32 $0x8;
	[tilespmem:s2+$0x4270] =	vst v1;
	(pc) =	sbr.rel .LBB2_20-.Ltmp13, $4  }
0x1ee: {  	_ =	swait.ge [sflag:s0], $0x28  }
0x1ef: {  	[sflag:s0] =	ssyncset.done $0x0  }
0x1f0: {  	s30 =	simm.s32 $0x580;
	s31 =	simm.s32 $0x4200;
	[sflag:s0] =	ssyncadd.s32 $0xFFFFFFD8  }
0x1f1: {  	[spmem:s1] =	stream.indirect.scatter.add.f32 [tilespmem:s31], [sflag:$0x14], $0x80, s30, s11, $0xb8;
	[tilespmem:$0x1E280] =	vst v63  }
.LBB2_21:
0x1f2: {  	s0 =	stileid.u32  }
0x1f3: {  	[bflag:$0x0] =	sbarrier.arrive $0xFFFF;
	s0 =	sshll.u32 s0, $0x6  }
0x1f4: {  	s2 =	sshrl.u32 s22, $0x3;
	s14 =	rddreg [dreg:$0xd];
	s0 =	sor.u32 $0x1C05, s0  }
0x1f5: {  	[hbm:s14], [sflag:s0] =	dma.local [spmem:s2], $0x280  }
0x1f6: {  	s2 =	rddreg [dreg:$0x3]  }
0x1f7: {  	p0 =	sne.s32 s2, $0x1  }
.Ltmp14:
0x1f8: {  	_ = 	snop;
	(pc) =	sbr.rel @!p0 .LBB2_23-.Ltmp14, $2  }
0x1f9: {  	_ =	sdelay $0x2  }
0x1fa: {  	s12 =	sadd.s32 $0x14000, s22;
	s2 =	sadd.s32 $0xFFFFFFFF, s2  }
.LBB2_22:
0x1fb: {  	p1 =	sne.s32 s2, $0x1;
	s2 =	sadd.s32 $0xFFFFFFFF, s2  }
.Ltmp15:
0x1fc: {  	s3 =	sshrl.u32 s12, $0x3;
	s14 =	sadd.s32 $0x2800, s14;
	(pc) =	sbr.rel @p1 .LBB2_22-.Ltmp15, $3  }
0x1fd: {  	[hbm:s14], [sflag:s0] =	dma.local [spmem:s3], $0x280  }
0x1fe: {  	_ =	sdelay $0x1  }
0x1ff: {  	s12 =	sadd.s32 $0x14000, s12  }
.LBB2_23:
.Ltmp16:
0x200: {  	(pc) =	sbr.rel @!p0 .LBB2_25-.Ltmp16, $4  }
0x201: {  	_ = 	snop  }
0x202: {  	_ =	swait.ge [sflag:s23], $0x280  }
0x203: {  	s0 =	rddreg [dreg:$0x3]  }
0x204: {  	[sflag:s23] =	ssyncset.done $0x0;
	s0 =	sadd.s32 $0xFFFFFFFF, s0  }
.LBB2_24:
0x205: {  	p0 =	sne.s32 s0, $0x1;
	s0 =	sadd.s32 $0xFFFFFFFF, s0;
	[sflag:s23] =	ssyncadd.s32 $0xFFFFFD80  }
.Ltmp17:
0x206: {  	(pc) =	sbr.rel @p0 .LBB2_24-.Ltmp17, $3  }
0x207: {  	_ =	sdelay $0x1  }
0x208: {  	_ =	swait.ge [sflag:s23], $0x280  }
0x209: {  	[sflag:s23] =	ssyncset.done $0x0  }
.LBB2_25:
0x20a: {  	s2 =	rddreg [dreg:$0xe]  }
0x20b: {  	s0 =	rddreg [dreg:$0xc];
	s2 =	sadd.s32 $0x1, s2  }
0x20c: {  	p0 =	sne.s32 s2, s0  }
.Ltmp18:
0x20d: {  	_ = 	snop;
	(pc) =	sbr.rel @p0 .LBB2_1-.Ltmp18, $2  }
0x20e: {  	_ =	sdelay $0x2  }
0x20f: {  	[sflag:s23] =	ssyncadd.s32 $0xFFFFFD80  }
0x210: {  	_ =	sfence.sel $0x180000  }
0x211: {  	[bflag:$0x0] =	sbarrier.arrive $0xFFFF  }
0x212: {  	_ =	strace $0x90000047  }
0x213: {  	s0 =	stileid.u32;
	[bflag:$0x2] =	sbarrier.arrive $0xFFFF  }
0x214: {  	p0 =	sne.s32 s0, $0x0;
	s0 =	rddreg [dreg:$0x2]  }
0x215: {  	s0 =	sadd.s32 @!p0 $0x100000, s0  }
0x216: {  	[sflag:s0] =	ssyncadd.tile.s32 @!p0 $0x1;
	_ =	shalt  }
.Lfunc_end2:
_tile_overlayer_lowered:
.L_overlay_start_2:
0x217: {  	(tag) =	ssettag $0x2  }
0x218: {  	s0 =	rddreg [dreg:$0x0];
	s2 =	stileid.u32  }
0x219: {  	s1 =	rddreg [dreg:$0x1];
	p0 =	sne.s32 s2, $0x0  }
0x21a: {  	s3 =	rddreg [dreg:$0x2];
	[bflag:$0x3] =	sbarrier.arrive $0xFFFF;
	s2 =	simm.s32 @!p0 $0x1C15  }
0x21b: {  	[timem:s3], [sflag:s2] =	dma.local @!p0 [hbm:s0], s1  }
0x21c: {  	s0 =	simm.s32 @!p0 $0x15  }
0x21d: {  	_ =	swait.ge @!p0 [sflag:s0], s1  }
0x21e: {  	s1 =	ssub.s32 @!p0 $0x0, s1;
	[sflag:s0] =	ssyncset.done @!p0 $0x0  }
0x21f: {  	[sflag:s0] =	ssyncadd.s32 @!p0 s1  }
0x220: {  	[bflag:$0x3] =	sbarrier.arrive $0xFFFF  }
0x221: {  	_ =	shalt  }

</sc_bundles>
